<compile_context>
chip_gen: v7x
topology: tpu7x:2x2x1
jax: 0.10.2.dev20260603
libtpu: 0.0.44.dev20260713+nightly
codegen_flags: <defaults>
</compile_context>

<pallas_src>
import functools

import jax
import jax.numpy as jnp
from jax import lax
from jax.experimental import pallas as pl
from jax.experimental.pallas import tpu as pltpu
from jax.experimental.pallas import tpu_sc as plsc

_NC = 2
_NS = 16
_NCH = 14
_L = 16
_NPV = 9


def _sc_body(co_x, co_y, x_hbm, y_hbm, params_h, ox_hbm, oy_hbm,
             xbuf, ybuf, oxbuf, oybuf, pbuf, sem):
    B, C, NCH, CHW = x_hbm.shape
    wid = lax.axis_index("s") * _NC + lax.axis_index("c")
    per = B // (_NC * _NS)

    pltpu.sync_copy(params_h, pbuf)
    pv = [pbuf[pl.ds(i * _L, _L)] for i in range(_NPV)]

    def scal(k):
        return pv[k // _L][k % _L]

    o_wr1, o_br1, o_wr2, o_br2 = 0, 8, 10, 14
    o_we1 = 16
    o_be1 = o_we1 + co_x * C
    o_we2 = o_be1 + co_x
    o_be2 = o_we2 + co_y * C
    o_we3 = o_be2 + co_y
    o_be3 = o_we3 + co_x * C
    o_we4 = o_be3 + co_x
    o_be4 = o_we4 + co_y * C

    inv = jnp.float32(1.0 / (NCH * CHW))
    nvec = CHW // _L
    zvec = jnp.zeros(_L, jnp.float32)

    for bi in range(per):
        b = wid * per + bi

        def accumulate(src, buf):
            def redk(k, accs):
                pltpu.async_copy(src.at[b, :, k, :], buf, sem).wait()

                def redc(c):
                    def redj(j, a):
                        return a + buf[c, pl.ds(j * _L, _L)]
                    return lax.fori_loop(0, nvec, redj, accs[c])

                return tuple(redc(c) for c in range(C))

            accs = lax.fori_loop(0, NCH, redk, (zvec,) * C)

            def lanesum(a):
                s = a[0]
                for i in range(1, _L):
                    s = s + a[i]
                return s

            return [lanesum(a) * inv for a in accs]

        mxs = accumulate(x_hbm, xbuf)
        mys = accumulate(y_hbm, ybuf)

        def gates(m):
            h0 = scal(o_wr1 + 0) * m[0] + scal(o_wr1 + 1) * m[1] \
                + scal(o_wr1 + 2) * m[2] + scal(o_wr1 + 3) * m[3] \
                + scal(o_br1 + 0)
            h1 = scal(o_wr1 + 4) * m[0] + scal(o_wr1 + 5) * m[1] \
                + scal(o_wr1 + 6) * m[2] + scal(o_wr1 + 7) * m[3] \
                + scal(o_br1 + 1)
            g0 = scal(o_wr2 + 0) * h0 + scal(o_wr2 + 1) * h1 + scal(o_br2 + 0)
            g1 = scal(o_wr2 + 2) * h0 + scal(o_wr2 + 3) * h1 + scal(o_br2 + 1)
            return g0, g1

        gx0, gx1 = gates(mxs)
        gy0, gy1 = gates(mys)
        one = jnp.float32(1.0)
        zero = jnp.float32(0.0)
        mx0 = jnp.where(gx0 > 0, one, zero)
        mx1 = jnp.where(gx1 > 0, one, zero)
        my0 = jnp.where(gy0 > 0, one, zero)
        my1 = jnp.where(gy1 > 0, one, zero)

        cx0 = [[mx0 * scal(o_we1 + o * C + c) for c in range(C)]
               for o in range(co_x)]
        cy0 = [[my0 * scal(o_we3 + o * C + c) for c in range(C)]
               for o in range(co_x)]
        bb0 = [mx0 * scal(o_be1 + o) + my0 * scal(o_be3 + o)
               for o in range(co_x)]
        cx1 = [[mx1 * scal(o_we2 + o * C + c) for c in range(C)]
               for o in range(co_y)]
        cy1 = [[my1 * scal(o_we4 + o * C + c) for c in range(C)]
               for o in range(co_y)]
        bb1 = [mx1 * scal(o_be2 + o) + my1 * scal(o_be4 + o)
               for o in range(co_y)]

        def chunk(k, _):
            pltpu.async_copy(x_hbm.at[b, :, k, :], xbuf, sem).wait()
            pltpu.async_copy(y_hbm.at[b, :, k, :], ybuf, sem).wait()

            def mix(i, _2):
                sl = pl.ds(i * _L, _L)
                xs = [xbuf[c, sl] for c in range(C)]
                ys = [ybuf[c, sl] for c in range(C)]
                for o in range(co_x):
                    acc = cx0[o][0] * xs[0]
                    for c in range(1, C):
                        acc = acc + cx0[o][c] * xs[c]
                    for c in range(C):
                        acc = acc + cy0[o][c] * ys[c]
                    oxbuf[o, sl] = acc + bb0[o]
                for o in range(co_y):
                    acc = cx1[o][0] * xs[0]
                    for c in range(1, C):
                        acc = acc + cx1[o][c] * xs[c]
                    for c in range(C):
                        acc = acc + cy1[o][c] * ys[c]
                    oybuf[o, sl] = acc + bb1[o]
                return 0

            lax.fori_loop(0, nvec, mix, 0)

            pltpu.sync_copy(oxbuf, ox_hbm.at[b, :, k, :])
            pltpu.sync_copy(oybuf, oy_hbm.at[b, :, k, :])
            return 0

        lax.fori_loop(0, NCH, chunk, 0)


def kernel(x, y, W_r1, b_r1, W_r2, b_r2, W_e1, b_e1, W_e2, b_e2,
           W_e3, b_e3, W_e4, b_e4):
    B, C, H, W = x.shape
    P = H * W
    chw = P // _NCH
    co_x = W_e1.shape[0]
    co_y = W_e2.shape[0]

    x2 = x.reshape(B, C, _NCH, chw)
    y2 = y.reshape(B, C, _NCH, chw)

    params = jnp.concatenate([
        W_r1.reshape(-1), b_r1, W_r2.reshape(-1), b_r2,
        W_e1.reshape(-1), b_e1, W_e2.reshape(-1), b_e2,
        W_e3.reshape(-1), b_e3, W_e4.reshape(-1), b_e4,
        jnp.zeros(_NPV * _L - 16 - 2 * (co_x * C + co_x + co_y * C + co_y),
                  jnp.float32),
    ])

    mesh = plsc.VectorSubcoreMesh(core_axis_name="c", subcore_axis_name="s")
    fn = pl.kernel(
        functools.partial(_sc_body, co_x, co_y),
        mesh=mesh,
        out_type=[
            jax.ShapeDtypeStruct((B, co_x, _NCH, chw), jnp.float32),
            jax.ShapeDtypeStruct((B, co_y, _NCH, chw), jnp.float32),
        ],
        scratch_types=[
            pltpu.VMEM((C, chw), jnp.float32),
            pltpu.VMEM((C, chw), jnp.float32),
            pltpu.VMEM((co_x, chw), jnp.float32),
            pltpu.VMEM((co_y, chw), jnp.float32),
            pltpu.VMEM((_NPV * _L,), jnp.float32),
            pltpu.SemaphoreType.DMA,
        ],
    )
    out_x, out_y = fn(x2, y2, params)
    return out_x.reshape(B, co_x, H, W), out_y.reshape(B, co_y, H, W)

# --- scband reference (transcript-rebuilt; emitter-appended) ---
"""Pipeline reference for scband-dynamic-routing-38938173505610 (READ-ONLY COPY).

The authoritative reference and input builder live on the scoring server;
editing this copy changes nothing except your own understanding.
"""

import jax, jax.numpy as jnp
import numpy as np


def _conv1x1(x, W, b):
    # x: [B, Cin, H, W], W: [Cout, Cin], b: [Cout]
    return jnp.einsum('bchw,oc->bohw', x, W) + b[None, :, None, None]


def _route(x, W_r1, b_r1, W_r2, b_r2):
    # nn.Sequential(Conv2d(4,2,1), AdaptiveAvgPool2d((1,1)), Conv2d(2,2,1)) -> view(-1, 2)
    g = _conv1x1(x, W_r1, b_r1)
    g = jnp.mean(g, axis=(2, 3), keepdims=True)
    g = _conv1x1(g, W_r2, b_r2)
    return g.reshape(-1, 2)


def setup_inputs(seed: int = 0) -> dict:
    key = jax.random.key(seed)
    ks = jax.random.split(key, 16)
    B, C, H, Wd = 64, 4, 224, 224
    s = 0.5
    inp = {}
    inp['x'] = jax.random.normal(ks[0], (B, C, H, Wd), dtype=jnp.float32)
    inp['y'] = jax.random.normal(ks[1], (B, C, H, Wd), dtype=jnp.float32)
    # route_func params (shared between x and y, as in the torch module)
    inp['W_r1'] = jax.random.normal(ks[2], (2, 4), dtype=jnp.float32) * s
    inp['b_r1'] = jax.random.normal(ks[3], (2,), dtype=jnp.float32) * s
    inp['W_r2'] = jax.random.normal(ks[4], (2, 2), dtype=jnp.float32) * s
    inp['b_r2'] = jax.random.normal(ks[5], (2,), dtype=jnp.float32) * s
    # expert params: expert1 Conv2d(4,4,1), expert2 Conv2d(4,8,1), expert3 Conv2d(4,4,1), expert4 Conv2d(4,8,1)
    inp['W_e1'] = jax.random.normal(ks[6], (4, 4), dtype=jnp.float32) * s
    inp['b_e1'] = jax.random.normal(ks[7], (4,), dtype=jnp.float32) * s
    inp['W_e2'] = jax.random.normal(ks[8], (8, 4), dtype=jnp.float32) * s
    inp['b_e2'] = jax.random.normal(ks[9], (8,), dtype=jnp.float32) * s
    inp['W_e3'] = jax.random.normal(ks[10], (4, 4), dtype=jnp.float32) * s
    inp['b_e3'] = jax.random.normal(ks[11], (4,), dtype=jnp.float32) * s
    inp['W_e4'] = jax.random.normal(ks[12], (8, 4), dtype=jnp.float32) * s
    inp['b_e4'] = jax.random.normal(ks[13], (8,), dtype=jnp.float32) * s
    return inp


def reference(x, y, W_r1, b_r1, W_r2, b_r2, W_e1, b_e1, W_e2, b_e2, W_e3, b_e3, W_e4, b_e4):
    # Dense (mask-based) equivalent of BRT ScatterRouter(protocol='threshold',
    # fabric='dispatch') + per-branch experts + GatherRouter(fabric='combine').
    # Threshold protocol (default threshold=0): sample i is dispatched to branch j
    # iff gates[i, j] > 0. Combine sums routed results back at original batch slots;
    # samples not routed to a branch contribute zeros there.
    gx = _route(x, W_r1, b_r1, W_r2, b_r2)
    gy = _route(y, W_r1, b_r1, W_r2, b_r2)
    mx0 = (gx[:, 0] > 0).astype(x.dtype)[:, None, None, None]
    mx1 = (gx[:, 1] > 0).astype(x.dtype)[:, None, None, None]
    my0 = (gy[:, 0] > 0).astype(y.dtype)[:, None, None, None]
    my1 = (gy[:, 1] > 0).astype(y.dtype)[:, None, None, None]
    x_0 = mx0 * _conv1x1(x, W_e1, b_e1)  # expert1 on x-branch-0
    x_1 = mx1 * _conv1x1(x, W_e2, b_e2)  # expert2 on x-branch-1
    y_0 = my0 * _conv1x1(y, W_e3, b_e3)  # expert3 on y-branch-0
    y_1 = my1 * _conv1x1(y, W_e4, b_e4)  # expert4 on y-branch-1
    out_x = x_0 + y_0  # gather_router_0 combine -> [B, 4, H, W]
    out_y = x_1 + y_1  # gather_router_1 combine -> [B, 8, H, W]
    return (out_x, out_y)

if __name__ == "__main__":
    import jax
    _d = setup_inputs()
    print(jax.jit(kernel)(*tuple(_d.values())))

</pallas_src>

<mosaic_0001>
#map = affine_map<(d0, d1) -> (0, 0, 0, 0)>
#map1 = affine_map<(d0, d1) -> (0)>
module attributes {stable_mosaic.version = 14 : i64} {
  func.func @_sc_body(%arg0: i32, %arg1: i32, %arg2: memref<64x4x14x3584xf32, #tpu.memory_space<hbm>>, %arg3: memref<64x4x14x3584xf32, #tpu.memory_space<hbm>>, %arg4: memref<144xf32, #tpu.memory_space<hbm>>, %arg5: memref<64x4x14x3584xf32, #tpu.memory_space<hbm>>, %arg6: memref<64x8x14x3584xf32, #tpu.memory_space<hbm>>, %arg7: memref<4x3584xf32, #tpu.memory_space<vmem>>, %arg8: memref<4x3584xf32, #tpu.memory_space<vmem>>, %arg9: memref<4x3584xf32, #tpu.memory_space<vmem>>, %arg10: memref<8x3584xf32, #tpu.memory_space<vmem>>, %arg11: memref<144xf32, #tpu.memory_space<vmem>>, %arg12: memref<!tpu.dma_semaphore, #tpu.memory_space<semaphore_mem>>) attributes {dimension_semantics = [#tpu.dimension_semantics<core_parallel>, #tpu.dimension_semantics<subcore_parallel>], iteration_bounds = array<i64: 2, 16>, scalar_prefetch = 0 : i64, scratch_operands = 6 : i64, tpu.core_type = #tpu.core_type<sc_vector_subcore>, window_params = [{transform_indices = #map}, {transform_indices = #map}, {transform_indices = #map1}, {transform_indices = #map}, {transform_indices = #map}]} {
    %mul3A = arith.constant 2 : i32
    %mul3A_0 = arith.muli %arg1, %mul3A : i32
    %add3A = arith.addi %mul3A_0, %arg0 : i32
    "tpu.region"() ({
      %run_scoped3A = tpu.sem_alloc : memref<!tpu.dma_semaphore, #tpu.memory_space<semaphore_mem>>
      tpu.enqueue_dma source(%arg4 : memref<144xf32, #tpu.memory_space<hbm>>) target(%arg11 : memref<144xf32, #tpu.memory_space<vmem>>) target_semaphore(%run_scoped3A : memref<!tpu.dma_semaphore, #tpu.memory_space<semaphore_mem>>)
      tpu.wait_dma2 semaphore(%run_scoped3A : memref<!tpu.dma_semaphore, #tpu.memory_space<semaphore_mem>>) src(%arg4 : memref<144xf32, #tpu.memory_space<hbm>>) dst(%arg11 : memref<144xf32, #tpu.memory_space<vmem>>)
      tpu.yield
    }) : () -> ()
    %get3A = arith.constant 0 : index
    %get3A_1 = tpu.vector_load %arg11[%get3A] {strides = array<i32>} : memref<144xf32, #tpu.memory_space<vmem>>, vector<16xf32>,
    %get3A_2 = vector.shape_cast %get3A_1 : vector<16xf32> to vector<16xf32>
    %get3A_3 = arith.constant 16 : index
    %get3A_4 = tpu.vector_load %arg11[%get3A_3] {strides = array<i32>} : memref<144xf32, #tpu.memory_space<vmem>>, vector<16xf32>,
    %get3A_5 = vector.shape_cast %get3A_4 : vector<16xf32> to vector<16xf32>
    %get3A_6 = arith.constant 32 : index
    %get3A_7 = tpu.vector_load %arg11[%get3A_6] {strides = array<i32>} : memref<144xf32, #tpu.memory_space<vmem>>, vector<16xf32>,
    %get3A_8 = vector.shape_cast %get3A_7 : vector<16xf32> to vector<16xf32>
    %get3A_9 = arith.constant 48 : index
    %get3A_10 = tpu.vector_load %arg11[%get3A_9] {strides = array<i32>} : memref<144xf32, #tpu.memory_space<vmem>>, vector<16xf32>,
    %get3A_11 = vector.shape_cast %get3A_10 : vector<16xf32> to vector<16xf32>
    %get3A_12 = arith.constant 64 : index
    %get3A_13 = tpu.vector_load %arg11[%get3A_12] {strides = array<i32>} : memref<144xf32, #tpu.memory_space<vmem>>, vector<16xf32>,
    %get3A_14 = vector.shape_cast %get3A_13 : vector<16xf32> to vector<16xf32>
    %get3A_15 = arith.constant 80 : index
    %get3A_16 = tpu.vector_load %arg11[%get3A_15] {strides = array<i32>} : memref<144xf32, #tpu.memory_space<vmem>>, vector<16xf32>,
    %get3A_17 = vector.shape_cast %get3A_16 : vector<16xf32> to vector<16xf32>
    %get3A_18 = arith.constant 96 : index
    %get3A_19 = tpu.vector_load %arg11[%get3A_18] {strides = array<i32>} : memref<144xf32, #tpu.memory_space<vmem>>, vector<16xf32>,
    %get3A_20 = vector.shape_cast %get3A_19 : vector<16xf32> to vector<16xf32>
    %get3A_21 = arith.constant 112 : index
    %get3A_22 = tpu.vector_load %arg11[%get3A_21] {strides = array<i32>} : memref<144xf32, #tpu.memory_space<vmem>>, vector<16xf32>,
    %get3A_23 = vector.shape_cast %get3A_22 : vector<16xf32> to vector<16xf32>
    %get3A_24 = arith.constant 128 : index
    %get3A_25 = tpu.vector_load %arg11[%get3A_24] {strides = array<i32>} : memref<144xf32, #tpu.memory_space<vmem>>, vector<16xf32>,
    %get3A_26 = vector.shape_cast %get3A_25 : vector<16xf32> to vector<16xf32>
    %broadcast_in_dim3A = arith.constant 0.000000e+00 : f32
    %broadcast_in_dim3A_27 = vector.broadcast %broadcast_in_dim3A : f32 to vector<16xf32>
    %mul3A_28 = arith.constant 2 : i32
    %mul3A_29 = arith.muli %add3A, %mul3A_28 : i32
    %add3A_30 = arith.constant 0 : i32
    %add3A_31 = arith.addi %mul3A_29, %add3A_30 : i32
    %scan3A = arith.constant 0 : i32
    %scan3A_32 = arith.constant 14 : i32
    %scan3A_33 = arith.addi %scan3A, %scan3A_32 : i32
    %scan3A_34 = arith.constant 1 : i32
    %scan3A_35:4 = scf.for %scan3A_1860 = %scan3A to %scan3A_33 step %scan3A_34 iter_args(%scan3A_1861 = %broadcast_in_dim3A_27, %scan3A_1862 = %broadcast_in_dim3A_27, %scan3A_1863 = %broadcast_in_dim3A_27, %scan3A_1864 = %broadcast_in_dim3A_27) -> (vector<16xf32>, vector<16xf32>, vector<16xf32>, vector<16xf32>)  : i32 {
      %dma_start3A = arith.constant 0 : i32
      %dma_start3A_1865 = arith.constant 0 : i32
      %dma_start3A_1866 = tpu.memref_slice %arg2[%add3A_31, %dma_start3A, %scan3A_1860, %dma_start3A_1865] : memref<64x4x14x3584xf32, #tpu.memory_space<hbm>> -> memref<1x4x1x3584xf32, #tpu.memory_space<hbm>>
      %dma_start3A_1867 = tpu.memref_squeeze %dma_start3A_1866 : memref<1x4x1x3584xf32, #tpu.memory_space<hbm>> -> memref<4x3584xf32, #tpu.memory_space<hbm>>
      %dma_start3A_1868 = arith.constant 0 : i32
      %dma_start3A_1869 = arith.constant 0 : i32
      %dma_start3A_1870 = tpu.memref_slice %arg2[%add3A_31, %dma_start3A_1868, %scan3A_1860, %dma_start3A_1869] : memref<64x4x14x3584xf32, #tpu.memory_space<hbm>> -> memref<1x4x1x3584xf32, #tpu.memory_space<hbm>>
      %dma_start3A_1871 = tpu.memref_squeeze %dma_start3A_1870 : memref<1x4x1x3584xf32, #tpu.memory_space<hbm>> -> memref<4x3584xf32, #tpu.memory_space<hbm>>
      tpu.enqueue_dma source(%dma_start3A_1871 : memref<4x3584xf32, #tpu.memory_space<hbm>>) target(%arg7 : memref<4x3584xf32, #tpu.memory_space<vmem>>) target_semaphore(%arg12 : memref<!tpu.dma_semaphore, #tpu.memory_space<semaphore_mem>>)
      %dma_wait3A = arith.constant 0 : i32
      %dma_wait3A_1872 = arith.constant 0 : i32
      %dma_wait3A_1873 = tpu.memref_slice %arg2[%add3A_31, %dma_wait3A, %scan3A_1860, %dma_wait3A_1872] : memref<64x4x14x3584xf32, #tpu.memory_space<hbm>> -> memref<1x4x1x3584xf32, #tpu.memory_space<hbm>>
      %dma_wait3A_1874 = tpu.memref_squeeze %dma_wait3A_1873 : memref<1x4x1x3584xf32, #tpu.memory_space<hbm>> -> memref<4x3584xf32, #tpu.memory_space<hbm>>
      %dma_wait3A_1875 = arith.constant 0 : i32
      %dma_wait3A_1876 = arith.constant 0 : i32
      %dma_wait3A_1877 = tpu.memref_slice %arg2[%add3A_31, %dma_wait3A_1875, %scan3A_1860, %dma_wait3A_1876] : memref<64x4x14x3584xf32, #tpu.memory_space<hbm>> -> memref<1x4x1x3584xf32, #tpu.memory_space<hbm>>
      %dma_wait3A_1878 = tpu.memref_squeeze %dma_wait3A_1877 : memref<1x4x1x3584xf32, #tpu.memory_space<hbm>> -> memref<4x3584xf32, #tpu.memory_space<hbm>>
      tpu.wait_dma2 semaphore(%arg12 : memref<!tpu.dma_semaphore, #tpu.memory_space<semaphore_mem>>) src(%dma_wait3A_1878 : memref<4x3584xf32, #tpu.memory_space<hbm>>) dst(%arg7 : memref<4x3584xf32, #tpu.memory_space<vmem>>)
      %scan3A_1879 = arith.constant 0 : i32
      %scan3A_1880 = arith.constant 224 : i32
      %scan3A_1881 = arith.addi %scan3A_1879, %scan3A_1880 : i32
      %scan3A_1882 = arith.constant 1 : i32
      %scan3A_1883 = scf.for %scan3A_1903 = %scan3A_1879 to %scan3A_1881 step %scan3A_1882 iter_args(%scan3A_1904 = %scan3A_1861) -> (vector<16xf32>)  : i32 {
        %mul3A_1905 = arith.constant 16 : i32
        %mul3A_1906 = arith.muli %scan3A_1903, %mul3A_1905 : i32
        %get3A_1907 = arith.constant 0 : i32
        %get3A_1908 = arith.index_cast %get3A_1907 : i32 to index
        %get3A_1909 = arith.index_cast %mul3A_1906 : i32 to index
        %get3A_1910 = tpu.vector_load %arg7[%get3A_1908, %get3A_1909] {strides = array<i32>} : memref<4x3584xf32, #tpu.memory_space<vmem>>, vector<1x16xf32>,
        %get3A_1911 = vector.shape_cast %get3A_1910 : vector<1x16xf32> to vector<16xf32>
        %add3A_1912 = arith.addf %scan3A_1904, %get3A_1911 : vector<16xf32>
        scf.yield %add3A_1912 : vector<16xf32>
      }
      %scan3A_1884 = arith.constant 224 : i32
      %scan3A_1885 = arith.constant 0 : i32
      %scan3A_1886 = arith.constant 224 : i32
      %scan3A_1887 = arith.addi %scan3A_1885, %scan3A_1886 : i32
      %scan3A_1888 = arith.constant 1 : i32
      %scan3A_1889 = scf.for %scan3A_1903 = %scan3A_1885 to %scan3A_1887 step %scan3A_1888 iter_args(%scan3A_1904 = %scan3A_1862) -> (vector<16xf32>)  : i32 {
        %mul3A_1905 = arith.constant 16 : i32
        %mul3A_1906 = arith.muli %scan3A_1903, %mul3A_1905 : i32
        %get3A_1907 = arith.constant 1 : i32
        %get3A_1908 = arith.index_cast %get3A_1907 : i32 to index
        %get3A_1909 = arith.index_cast %mul3A_1906 : i32 to index
        %get3A_1910 = tpu.vector_load %arg7[%get3A_1908, %get3A_1909] {strides = array<i32>} : memref<4x3584xf32, #tpu.memory_space<vmem>>, vector<1x16xf32>,
        %get3A_1911 = vector.shape_cast %get3A_1910 : vector<1x16xf32> to vector<16xf32>
        %add3A_1912 = arith.addf %scan3A_1904, %get3A_1911 : vector<16xf32>
        scf.yield %add3A_1912 : vector<16xf32>
      }
      %scan3A_1890 = arith.constant 224 : i32
      %scan3A_1891 = arith.constant 0 : i32
      %scan3A_1892 = arith.constant 224 : i32
      %scan3A_1893 = arith.addi %scan3A_1891, %scan3A_1892 : i32
      %scan3A_1894 = arith.constant 1 : i32
      %scan3A_1895 = scf.for %scan3A_1903 = %scan3A_1891 to %scan3A_1893 step %scan3A_1894 iter_args(%scan3A_1904 = %scan3A_1863) -> (vector<16xf32>)  : i32 {
        %mul3A_1905 = arith.constant 16 : i32
        %mul3A_1906 = arith.muli %scan3A_1903, %mul3A_1905 : i32
        %get3A_1907 = arith.constant 2 : i32
        %get3A_1908 = arith.index_cast %get3A_1907 : i32 to index
        %get3A_1909 = arith.index_cast %mul3A_1906 : i32 to index
        %get3A_1910 = tpu.vector_load %arg7[%get3A_1908, %get3A_1909] {strides = array<i32>} : memref<4x3584xf32, #tpu.memory_space<vmem>>, vector<1x16xf32>,
        %get3A_1911 = vector.shape_cast %get3A_1910 : vector<1x16xf32> to vector<16xf32>
        %add3A_1912 = arith.addf %scan3A_1904, %get3A_1911 : vector<16xf32>
        scf.yield %add3A_1912 : vector<16xf32>
      }
      %scan3A_1896 = arith.constant 224 : i32
      %scan3A_1897 = arith.constant 0 : i32
      %scan3A_1898 = arith.constant 224 : i32
      %scan3A_1899 = arith.addi %scan3A_1897, %scan3A_1898 : i32
      %scan3A_1900 = arith.constant 1 : i32
      %scan3A_1901 = scf.for %scan3A_1903 = %scan3A_1897 to %scan3A_1899 step %scan3A_1900 iter_args(%scan3A_1904 = %scan3A_1864) -> (vector<16xf32>)  : i32 {
        %mul3A_1905 = arith.constant 16 : i32
        %mul3A_1906 = arith.muli %scan3A_1903, %mul3A_1905 : i32
        %get3A_1907 = arith.constant 3 : i32
        %get3A_1908 = arith.index_cast %get3A_1907 : i32 to index
        %get3A_1909 = arith.index_cast %mul3A_1906 : i32 to index
        %get3A_1910 = tpu.vector_load %arg7[%get3A_1908, %get3A_1909] {strides = array<i32>} : memref<4x3584xf32, #tpu.memory_space<vmem>>, vector<1x16xf32>,
        %get3A_1911 = vector.shape_cast %get3A_1910 : vector<1x16xf32> to vector<16xf32>
        %add3A_1912 = arith.addf %scan3A_1904, %get3A_1911 : vector<16xf32>
        scf.yield %add3A_1912 : vector<16xf32>
      }
      %scan3A_1902 = arith.constant 224 : i32
      scf.yield %scan3A_1883, %scan3A_1889, %scan3A_1895, %scan3A_1901 : vector<16xf32>, vector<16xf32>, vector<16xf32>, vector<16xf32>
    }
    %scan3A_36 = arith.constant 14 : i32
    %slice3A = vector.extract_strided_slice %scan3A_35#0 {offsets = [0], sizes = [1], strides = [1]} : vector<16xf32> to vector<1xf32>
    %squeeze3A = vector.extract %slice3A[0] : f32 from vector<1xf32>
    %slice3A_37 = vector.extract_strided_slice %scan3A_35#0 {offsets = [1], sizes = [1], strides = [1]} : vector<16xf32> to vector<1xf32>
    %squeeze3A_38 = vector.extract %slice3A_37[0] : f32 from vector<1xf32>
    %add3A_39 = arith.addf %squeeze3A, %squeeze3A_38 : f32
    %slice3A_40 = vector.extract_strided_slice %scan3A_35#0 {offsets = [2], sizes = [1], strides = [1]} : vector<16xf32> to vector<1xf32>
    %squeeze3A_41 = vector.extract %slice3A_40[0] : f32 from vector<1xf32>
    %add3A_42 = arith.addf %add3A_39, %squeeze3A_41 : f32
    %slice3A_43 = vector.extract_strided_slice %scan3A_35#0 {offsets = [3], sizes = [1], strides = [1]} : vector<16xf32> to vector<1xf32>
    %squeeze3A_44 = vector.extract %slice3A_43[0] : f32 from vector<1xf32>
    %add3A_45 = arith.addf %add3A_42, %squeeze3A_44 : f32
    %slice3A_46 = vector.extract_strided_slice %scan3A_35#0 {offsets = [4], sizes = [1], strides = [1]} : vector<16xf32> to vector<1xf32>
    %squeeze3A_47 = vector.extract %slice3A_46[0] : f32 from vector<1xf32>
    %add3A_48 = arith.addf %add3A_45, %squeeze3A_47 : f32
    %slice3A_49 = vector.extract_strided_slice %scan3A_35#0 {offsets = [5], sizes = [1], strides = [1]} : vector<16xf32> to vector<1xf32>
    %squeeze3A_50 = vector.extract %slice3A_49[0] : f32 from vector<1xf32>
    %add3A_51 = arith.addf %add3A_48, %squeeze3A_50 : f32
    %slice3A_52 = vector.extract_strided_slice %scan3A_35#0 {offsets = [6], sizes = [1], strides = [1]} : vector<16xf32> to vector<1xf32>
    %squeeze3A_53 = vector.extract %slice3A_52[0] : f32 from vector<1xf32>
    %add3A_54 = arith.addf %add3A_51, %squeeze3A_53 : f32
    %slice3A_55 = vector.extract_strided_slice %scan3A_35#0 {offsets = [7], sizes = [1], strides = [1]} : vector<16xf32> to vector<1xf32>
    %squeeze3A_56 = vector.extract %slice3A_55[0] : f32 from vector<1xf32>
    %add3A_57 = arith.addf %add3A_54, %squeeze3A_56 : f32
    %slice3A_58 = vector.extract_strided_slice %scan3A_35#0 {offsets = [8], sizes = [1], strides = [1]} : vector<16xf32> to vector<1xf32>
    %squeeze3A_59 = vector.extract %slice3A_58[0] : f32 from vector<1xf32>
    %add3A_60 = arith.addf %add3A_57, %squeeze3A_59 : f32
    %slice3A_61 = vector.extract_strided_slice %scan3A_35#0 {offsets = [9], sizes = [1], strides = [1]} : vector<16xf32> to vector<1xf32>
    %squeeze3A_62 = vector.extract %slice3A_61[0] : f32 from vector<1xf32>
    %add3A_63 = arith.addf %add3A_60, %squeeze3A_62 : f32
    %slice3A_64 = vector.extract_strided_slice %scan3A_35#0 {offsets = [10], sizes = [1], strides = [1]} : vector<16xf32> to vector<1xf32>
    %squeeze3A_65 = vector.extract %slice3A_64[0] : f32 from vector<1xf32>
    %add3A_66 = arith.addf %add3A_63, %squeeze3A_65 : f32
    %slice3A_67 = vector.extract_strided_slice %scan3A_35#0 {offsets = [11], sizes = [1], strides = [1]} : vector<16xf32> to vector<1xf32>
    %squeeze3A_68 = vector.extract %slice3A_67[0] : f32 from vector<1xf32>
    %add3A_69 = arith.addf %add3A_66, %squeeze3A_68 : f32
    %slice3A_70 = vector.extract_strided_slice %scan3A_35#0 {offsets = [12], sizes = [1], strides = [1]} : vector<16xf32> to vector<1xf32>
    %squeeze3A_71 = vector.extract %slice3A_70[0] : f32 from vector<1xf32>
    %add3A_72 = arith.addf %add3A_69, %squeeze3A_71 : f32
    %slice3A_73 = vector.extract_strided_slice %scan3A_35#0 {offsets = [13], sizes = [1], strides = [1]} : vector<16xf32> to vector<1xf32>
    %squeeze3A_74 = vector.extract %slice3A_73[0] : f32 from vector<1xf32>
    %add3A_75 = arith.addf %add3A_72, %squeeze3A_74 : f32
    %slice3A_76 = vector.extract_strided_slice %scan3A_35#0 {offsets = [14], sizes = [1], strides = [1]} : vector<16xf32> to vector<1xf32>
    %squeeze3A_77 = vector.extract %slice3A_76[0] : f32 from vector<1xf32>
    %add3A_78 = arith.addf %add3A_75, %squeeze3A_77 : f32
    %slice3A_79 = vector.extract_strided_slice %scan3A_35#0 {offsets = [15], sizes = [1], strides = [1]} : vector<16xf32> to vector<1xf32>
    %squeeze3A_80 = vector.extract %slice3A_79[0] : f32 from vector<1xf32>
    %add3A_81 = arith.addf %add3A_78, %squeeze3A_80 : f32
    %mul3A_82 = arith.constant 1.99298465E-5 : f32
    %mul3A_83 = arith.mulf %add3A_81, %mul3A_82 : f32
    %slice3A_84 = vector.extract_strided_slice %scan3A_35#1 {offsets = [0], sizes = [1], strides = [1]} : vector<16xf32> to vector<1xf32>
    %squeeze3A_85 = vector.extract %slice3A_84[0] : f32 from vector<1xf32>
    %slice3A_86 = vector.extract_strided_slice %scan3A_35#1 {offsets = [1], sizes = [1], strides = [1]} : vector<16xf32> to vector<1xf32>
    %squeeze3A_87 = vector.extract %slice3A_86[0] : f32 from vector<1xf32>
    %add3A_88 = arith.addf %squeeze3A_85, %squeeze3A_87 : f32
    %slice3A_89 = vector.extract_strided_slice %scan3A_35#1 {offsets = [2], sizes = [1], strides = [1]} : vector<16xf32> to vector<1xf32>
    %squeeze3A_90 = vector.extract %slice3A_89[0] : f32 from vector<1xf32>
    %add3A_91 = arith.addf %add3A_88, %squeeze3A_90 : f32
    %slice3A_92 = vector.extract_strided_slice %scan3A_35#1 {offsets = [3], sizes = [1], strides = [1]} : vector<16xf32> to vector<1xf32>
    %squeeze3A_93 = vector.extract %slice3A_92[0] : f32 from vector<1xf32>
    %add3A_94 = arith.addf %add3A_91, %squeeze3A_93 : f32
    %slice3A_95 = vector.extract_strided_slice %scan3A_35#1 {offsets = [4], sizes = [1], strides = [1]} : vector<16xf32> to vector<1xf32>
    %squeeze3A_96 = vector.extract %slice3A_95[0] : f32 from vector<1xf32>
    %add3A_97 = arith.addf %add3A_94, %squeeze3A_96 : f32
    %slice3A_98 = vector.extract_strided_slice %scan3A_35#1 {offsets = [5], sizes = [1], strides = [1]} : vector<16xf32> to vector<1xf32>
    %squeeze3A_99 = vector.extract %slice3A_98[0] : f32 from vector<1xf32>
    %add3A_100 = arith.addf %add3A_97, %squeeze3A_99 : f32
    %slice3A_101 = vector.extract_strided_slice %scan3A_35#1 {offsets = [6], sizes = [1], strides = [1]} : vector<16xf32> to vector<1xf32>
    %squeeze3A_102 = vector.extract %slice3A_101[0] : f32 from vector<1xf32>
    %add3A_103 = arith.addf %add3A_100, %squeeze3A_102 : f32
    %slice3A_104 = vector.extract_strided_slice %scan3A_35#1 {offsets = [7], sizes = [1], strides = [1]} : vector<16xf32> to vector<1xf32>
    %squeeze3A_105 = vector.extract %slice3A_104[0] : f32 from vector<1xf32>
    %add3A_106 = arith.addf %add3A_103, %squeeze3A_105 : f32
    %slice3A_107 = vector.extract_strided_slice %scan3A_35#1 {offsets = [8], sizes = [1], strides = [1]} : vector<16xf32> to vector<1xf32>
    %squeeze3A_108 = vector.extract %slice3A_107[0] : f32 from vector<1xf32>
    %add3A_109 = arith.addf %add3A_106, %squeeze3A_108 : f32
    %slice3A_110 = vector.extract_strided_slice %scan3A_35#1 {offsets = [9], sizes = [1], strides = [1]} : vector<16xf32> to vector<1xf32>
    %squeeze3A_111 = vector.extract %slice3A_110[0] : f32 from vector<1xf32>
    %add3A_112 = arith.addf %add3A_109, %squeeze3A_111 : f32
    %slice3A_113 = vector.extract_strided_slice %scan3A_35#1 {offsets = [10], sizes = [1], strides = [1]} : vector<16xf32> to vector<1xf32>
    %squeeze3A_114 = vector.extract %slice3A_113[0] : f32 from vector<1xf32>
    %add3A_115 = arith.addf %add3A_112, %squeeze3A_114 : f32
    %slice3A_116 = vector.extract_strided_slice %scan3A_35#1 {offsets = [11], sizes = [1], strides = [1]} : vector<16xf32> to vector<1xf32>
    %squeeze3A_117 = vector.extract %slice3A_116[0] : f32 from vector<1xf32>
    %add3A_118 = arith.addf %add3A_115, %squeeze3A_117 : f32
    %slice3A_119 = vector.extract_strided_slice %scan3A_35#1 {offsets = [12], sizes = [1], strides = [1]} : vector<16xf32> to vector<1xf32>
    %squeeze3A_120 = vector.extract %slice3A_119[0] : f32 from vector<1xf32>
    %add3A_121 = arith.addf %add3A_118, %squeeze3A_120 : f32
    %slice3A_122 = vector.extract_strided_slice %scan3A_35#1 {offsets = [13], sizes = [1], strides = [1]} : vector<16xf32> to vector<1xf32>
    %squeeze3A_123 = vector.extract %slice3A_122[0] : f32 from vector<1xf32>
    %add3A_124 = arith.addf %add3A_121, %squeeze3A_123 : f32
    %slice3A_125 = vector.extract_strided_slice %scan3A_35#1 {offsets = [14], sizes = [1], strides = [1]} : vector<16xf32> to vector<1xf32>
    %squeeze3A_126 = vector.extract %slice3A_125[0] : f32 from vector<1xf32>
    %add3A_127 = arith.addf %add3A_124, %squeeze3A_126 : f32
    %slice3A_128 = vector.extract_strided_slice %scan3A_35#1 {offsets = [15], sizes = [1], strides = [1]} : vector<16xf32> to vector<1xf32>
    %squeeze3A_129 = vector.extract %slice3A_128[0] : f32 from vector<1xf32>
    %add3A_130 = arith.addf %add3A_127, %squeeze3A_129 : f32
    %mul3A_131 = arith.constant 1.99298465E-5 : f32
    %mul3A_132 = arith.mulf %add3A_130, %mul3A_131 : f32
    %slice3A_133 = vector.extract_strided_slice %scan3A_35#2 {offsets = [0], sizes = [1], strides = [1]} : vector<16xf32> to vector<1xf32>
    %squeeze3A_134 = vector.extract %slice3A_133[0] : f32 from vector<1xf32>
    %slice3A_135 = vector.extract_strided_slice %scan3A_35#2 {offsets = [1], sizes = [1], strides = [1]} : vector<16xf32> to vector<1xf32>
    %squeeze3A_136 = vector.extract %slice3A_135[0] : f32 from vector<1xf32>
    %add3A_137 = arith.addf %squeeze3A_134, %squeeze3A_136 : f32
    %slice3A_138 = vector.extract_strided_slice %scan3A_35#2 {offsets = [2], sizes = [1], strides = [1]} : vector<16xf32> to vector<1xf32>
    %squeeze3A_139 = vector.extract %slice3A_138[0] : f32 from vector<1xf32>
    %add3A_140 = arith.addf %add3A_137, %squeeze3A_139 : f32
    %slice3A_141 = vector.extract_strided_slice %scan3A_35#2 {offsets = [3], sizes = [1], strides = [1]} : vector<16xf32> to vector<1xf32>
    %squeeze3A_142 = vector.extract %slice3A_141[0] : f32 from vector<1xf32>
    %add3A_143 = arith.addf %add3A_140, %squeeze3A_142 : f32
    %slice3A_144 = vector.extract_strided_slice %scan3A_35#2 {offsets = [4], sizes = [1], strides = [1]} : vector<16xf32> to vector<1xf32>
    %squeeze3A_145 = vector.extract %slice3A_144[0] : f32 from vector<1xf32>
    %add3A_146 = arith.addf %add3A_143, %squeeze3A_145 : f32
    %slice3A_147 = vector.extract_strided_slice %scan3A_35#2 {offsets = [5], sizes = [1], strides = [1]} : vector<16xf32> to vector<1xf32>
    %squeeze3A_148 = vector.extract %slice3A_147[0] : f32 from vector<1xf32>
    %add3A_149 = arith.addf %add3A_146, %squeeze3A_148 : f32
    %slice3A_150 = vector.extract_strided_slice %scan3A_35#2 {offsets = [6], sizes = [1], strides = [1]} : vector<16xf32> to vector<1xf32>
    %squeeze3A_151 = vector.extract %slice3A_150[0] : f32 from vector<1xf32>
    %add3A_152 = arith.addf %add3A_149, %squeeze3A_151 : f32
    %slice3A_153 = vector.extract_strided_slice %scan3A_35#2 {offsets = [7], sizes = [1], strides = [1]} : vector<16xf32> to vector<1xf32>
    %squeeze3A_154 = vector.extract %slice3A_153[0] : f32 from vector<1xf32>
    %add3A_155 = arith.addf %add3A_152, %squeeze3A_154 : f32
    %slice3A_156 = vector.extract_strided_slice %scan3A_35#2 {offsets = [8], sizes = [1], strides = [1]} : vector<16xf32> to vector<1xf32>
    %squeeze3A_157 = vector.extract %slice3A_156[0] : f32 from vector<1xf32>
    %add3A_158 = arith.addf %add3A_155, %squeeze3A_157 : f32
    %slice3A_159 = vector.extract_strided_slice %scan3A_35#2 {offsets = [9], sizes = [1], strides = [1]} : vector<16xf32> to vector<1xf32>
    %squeeze3A_160 = vector.extract %slice3A_159[0] : f32 from vector<1xf32>
    %add3A_161 = arith.addf %add3A_158, %squeeze3A_160 : f32
    %slice3A_162 = vector.extract_strided_slice %scan3A_35#2 {offsets = [10], sizes = [1], strides = [1]} : vector<16xf32> to vector<1xf32>
    %squeeze3A_163 = vector.extract %slice3A_162[0] : f32 from vector<1xf32>
    %add3A_164 = arith.addf %add3A_161, %squeeze3A_163 : f32
    %slice3A_165 = vector.extract_strided_slice %scan3A_35#2 {offsets = [11], sizes = [1], strides = [1]} : vector<16xf32> to vector<1xf32>
    %squeeze3A_166 = vector.extract %slice3A_165[0] : f32 from vector<1xf32>
    %add3A_167 = arith.addf %add3A_164, %squeeze3A_166 : f32
    %slice3A_168 = vector.extract_strided_slice %scan3A_35#2 {offsets = [12], sizes = [1], strides = [1]} : vector<16xf32> to vector<1xf32>
    %squeeze3A_169 = vector.extract %slice3A_168[0] : f32 from vector<1xf32>
    %add3A_170 = arith.addf %add3A_167, %squeeze3A_169 : f32
    %slice3A_171 = vector.extract_strided_slice %scan3A_35#2 {offsets = [13], sizes = [1], strides = [1]} : vector<16xf32> to vector<1xf32>
    %squeeze3A_172 = vector.extract %slice3A_171[0] : f32 from vector<1xf32>
    %add3A_173 = arith.addf %add3A_170, %squeeze3A_172 : f32
    %slice3A_174 = vector.extract_strided_slice %scan3A_35#2 {offsets = [14], sizes = [1], strides = [1]} : vector<16xf32> to vector<1xf32>
    %squeeze3A_175 = vector.extract %slice3A_174[0] : f32 from vector<1xf32>
    %add3A_176 = arith.addf %add3A_173, %squeeze3A_175 : f32
    %slice3A_177 = vector.extract_strided_slice %scan3A_35#2 {offsets = [15], sizes = [1], strides = [1]} : vector<16xf32> to vector<1xf32>
    %squeeze3A_178 = vector.extract %slice3A_177[0] : f32 from vector<1xf32>
    %add3A_179 = arith.addf %add3A_176, %squeeze3A_178 : f32
    %mul3A_180 = arith.constant 1.99298465E-5 : f32
    %mul3A_181 = arith.mulf %add3A_179, %mul3A_180 : f32
    %slice3A_182 = vector.extract_strided_slice %scan3A_35#3 {offsets = [0], sizes = [1], strides = [1]} : vector<16xf32> to vector<1xf32>
    %squeeze3A_183 = vector.extract %slice3A_182[0] : f32 from vector<1xf32>
    %slice3A_184 = vector.extract_strided_slice %scan3A_35#3 {offsets = [1], sizes = [1], strides = [1]} : vector<16xf32> to vector<1xf32>
    %squeeze3A_185 = vector.extract %slice3A_184[0] : f32 from vector<1xf32>
    %add3A_186 = arith.addf %squeeze3A_183, %squeeze3A_185 : f32
    %slice3A_187 = vector.extract_strided_slice %scan3A_35#3 {offsets = [2], sizes = [1], strides = [1]} : vector<16xf32> to vector<1xf32>
    %squeeze3A_188 = vector.extract %slice3A_187[0] : f32 from vector<1xf32>
    %add3A_189 = arith.addf %add3A_186, %squeeze3A_188 : f32
    %slice3A_190 = vector.extract_strided_slice %scan3A_35#3 {offsets = [3], sizes = [1], strides = [1]} : vector<16xf32> to vector<1xf32>
    %squeeze3A_191 = vector.extract %slice3A_190[0] : f32 from vector<1xf32>
    %add3A_192 = arith.addf %add3A_189, %squeeze3A_191 : f32
    %slice3A_193 = vector.extract_strided_slice %scan3A_35#3 {offsets = [4], sizes = [1], strides = [1]} : vector<16xf32> to vector<1xf32>
    %squeeze3A_194 = vector.extract %slice3A_193[0] : f32 from vector<1xf32>
    %add3A_195 = arith.addf %add3A_192, %squeeze3A_194 : f32
    %slice3A_196 = vector.extract_strided_slice %scan3A_35#3 {offsets = [5], sizes = [1], strides = [1]} : vector<16xf32> to vector<1xf32>
    %squeeze3A_197 = vector.extract %slice3A_196[0] : f32 from vector<1xf32>
    %add3A_198 = arith.addf %add3A_195, %squeeze3A_197 : f32
    %slice3A_199 = vector.extract_strided_slice %scan3A_35#3 {offsets = [6], sizes = [1], strides = [1]} : vector<16xf32> to vector<1xf32>
    %squeeze3A_200 = vector.extract %slice3A_199[0] : f32 from vector<1xf32>
    %add3A_201 = arith.addf %add3A_198, %squeeze3A_200 : f32
    %slice3A_202 = vector.extract_strided_slice %scan3A_35#3 {offsets = [7], sizes = [1], strides = [1]} : vector<16xf32> to vector<1xf32>
    %squeeze3A_203 = vector.extract %slice3A_202[0] : f32 from vector<1xf32>
    %add3A_204 = arith.addf %add3A_201, %squeeze3A_203 : f32
    %slice3A_205 = vector.extract_strided_slice %scan3A_35#3 {offsets = [8], sizes = [1], strides = [1]} : vector<16xf32> to vector<1xf32>
    %squeeze3A_206 = vector.extract %slice3A_205[0] : f32 from vector<1xf32>
    %add3A_207 = arith.addf %add3A_204, %squeeze3A_206 : f32
    %slice3A_208 = vector.extract_strided_slice %scan3A_35#3 {offsets = [9], sizes = [1], strides = [1]} : vector<16xf32> to vector<1xf32>
    %squeeze3A_209 = vector.extract %slice3A_208[0] : f32 from vector<1xf32>
    %add3A_210 = arith.addf %add3A_207, %squeeze3A_209 : f32
    %slice3A_211 = vector.extract_strided_slice %scan3A_35#3 {offsets = [10], sizes = [1], strides = [1]} : vector<16xf32> to vector<1xf32>
    %squeeze3A_212 = vector.extract %slice3A_211[0] : f32 from vector<1xf32>
    %add3A_213 = arith.addf %add3A_210, %squeeze3A_212 : f32
    %slice3A_214 = vector.extract_strided_slice %scan3A_35#3 {offsets = [11], sizes = [1], strides = [1]} : vector<16xf32> to vector<1xf32>
    %squeeze3A_215 = vector.extract %slice3A_214[0] : f32 from vector<1xf32>
    %add3A_216 = arith.addf %add3A_213, %squeeze3A_215 : f32
    %slice3A_217 = vector.extract_strided_slice %scan3A_35#3 {offsets = [12], sizes = [1], strides = [1]} : vector<16xf32> to vector<1xf32>
    %squeeze3A_218 = vector.extract %slice3A_217[0] : f32 from vector<1xf32>
    %add3A_219 = arith.addf %add3A_216, %squeeze3A_218 : f32
    %slice3A_220 = vector.extract_strided_slice %scan3A_35#3 {offsets = [13], sizes = [1], strides = [1]} : vector<16xf32> to vector<1xf32>
    %squeeze3A_221 = vector.extract %slice3A_220[0] : f32 from vector<1xf32>
    %add3A_222 = arith.addf %add3A_219, %squeeze3A_221 : f32
    %slice3A_223 = vector.extract_strided_slice %scan3A_35#3 {offsets = [14], sizes = [1], strides = [1]} : vector<16xf32> to vector<1xf32>
    %squeeze3A_224 = vector.extract %slice3A_223[0] : f32 from vector<1xf32>
    %add3A_225 = arith.addf %add3A_222, %squeeze3A_224 : f32
    %slice3A_226 = vector.extract_strided_slice %scan3A_35#3 {offsets = [15], sizes = [1], strides = [1]} : vector<16xf32> to vector<1xf32>
    %squeeze3A_227 = vector.extract %slice3A_226[0] : f32 from vector<1xf32>
    %add3A_228 = arith.addf %add3A_225, %squeeze3A_227 : f32
    %mul3A_229 = arith.constant 1.99298465E-5 : f32
    %mul3A_230 = arith.mulf %add3A_228, %mul3A_229 : f32
    %scan3A_231 = arith.constant 0 : i32
    %scan3A_232 = arith.constant 14 : i32
    %scan3A_233 = arith.addi %scan3A_231, %scan3A_232 : i32
    %scan3A_234 = arith.constant 1 : i32
    %scan3A_235:4 = scf.for %scan3A_1860 = %scan3A_231 to %scan3A_233 step %scan3A_234 iter_args(%scan3A_1861 = %broadcast_in_dim3A_27, %scan3A_1862 = %broadcast_in_dim3A_27, %scan3A_1863 = %broadcast_in_dim3A_27, %scan3A_1864 = %broadcast_in_dim3A_27) -> (vector<16xf32>, vector<16xf32>, vector<16xf32>, vector<16xf32>)  : i32 {
      %dma_start3A = arith.constant 0 : i32
      %dma_start3A_1865 = arith.constant 0 : i32
      %dma_start3A_1866 = tpu.memref_slice %arg3[%add3A_31, %dma_start3A, %scan3A_1860, %dma_start3A_1865] : memref<64x4x14x3584xf32, #tpu.memory_space<hbm>> -> memref<1x4x1x3584xf32, #tpu.memory_space<hbm>>
      %dma_start3A_1867 = tpu.memref_squeeze %dma_start3A_1866 : memref<1x4x1x3584xf32, #tpu.memory_space<hbm>> -> memref<4x3584xf32, #tpu.memory_space<hbm>>
      %dma_start3A_1868 = arith.constant 0 : i32
      %dma_start3A_1869 = arith.constant 0 : i32
      %dma_start3A_1870 = tpu.memref_slice %arg3[%add3A_31, %dma_start3A_1868, %scan3A_1860, %dma_start3A_1869] : memref<64x4x14x3584xf32, #tpu.memory_space<hbm>> -> memref<1x4x1x3584xf32, #tpu.memory_space<hbm>>
      %dma_start3A_1871 = tpu.memref_squeeze %dma_start3A_1870 : memref<1x4x1x3584xf32, #tpu.memory_space<hbm>> -> memref<4x3584xf32, #tpu.memory_space<hbm>>
      tpu.enqueue_dma source(%dma_start3A_1871 : memref<4x3584xf32, #tpu.memory_space<hbm>>) target(%arg8 : memref<4x3584xf32, #tpu.memory_space<vmem>>) target_semaphore(%arg12 : memref<!tpu.dma_semaphore, #tpu.memory_space<semaphore_mem>>)
      %dma_wait3A = arith.constant 0 : i32
      %dma_wait3A_1872 = arith.constant 0 : i32
      %dma_wait3A_1873 = tpu.memref_slice %arg3[%add3A_31, %dma_wait3A, %scan3A_1860, %dma_wait3A_1872] : memref<64x4x14x3584xf32, #tpu.memory_space<hbm>> -> memref<1x4x1x3584xf32, #tpu.memory_space<hbm>>
      %dma_wait3A_1874 = tpu.memref_squeeze %dma_wait3A_1873 : memref<1x4x1x3584xf32, #tpu.memory_space<hbm>> -> memref<4x3584xf32, #tpu.memory_space<hbm>>
      %dma_wait3A_1875 = arith.constant 0 : i32
      %dma_wait3A_1876 = arith.constant 0 : i32
      %dma_wait3A_1877 = tpu.memref_slice %arg3[%add3A_31, %dma_wait3A_1875, %scan3A_1860, %dma_wait3A_1876] : memref<64x4x14x3584xf32, #tpu.memory_space<hbm>> -> memref<1x4x1x3584xf32, #tpu.memory_space<hbm>>
      %dma_wait3A_1878 = tpu.memref_squeeze %dma_wait3A_1877 : memref<1x4x1x3584xf32, #tpu.memory_space<hbm>> -> memref<4x3584xf32, #tpu.memory_space<hbm>>
      tpu.wait_dma2 semaphore(%arg12 : memref<!tpu.dma_semaphore, #tpu.memory_space<semaphore_mem>>) src(%dma_wait3A_1878 : memref<4x3584xf32, #tpu.memory_space<hbm>>) dst(%arg8 : memref<4x3584xf32, #tpu.memory_space<vmem>>)
      %scan3A_1879 = arith.constant 0 : i32
      %scan3A_1880 = arith.constant 224 : i32
      %scan3A_1881 = arith.addi %scan3A_1879, %scan3A_1880 : i32
      %scan3A_1882 = arith.constant 1 : i32
      %scan3A_1883 = scf.for %scan3A_1903 = %scan3A_1879 to %scan3A_1881 step %scan3A_1882 iter_args(%scan3A_1904 = %scan3A_1861) -> (vector<16xf32>)  : i32 {
        %mul3A_1905 = arith.constant 16 : i32
        %mul3A_1906 = arith.muli %scan3A_1903, %mul3A_1905 : i32
        %get3A_1907 = arith.constant 0 : i32
        %get3A_1908 = arith.index_cast %get3A_1907 : i32 to index
        %get3A_1909 = arith.index_cast %mul3A_1906 : i32 to index
        %get3A_1910 = tpu.vector_load %arg8[%get3A_1908, %get3A_1909] {strides = array<i32>} : memref<4x3584xf32, #tpu.memory_space<vmem>>, vector<1x16xf32>,
        %get3A_1911 = vector.shape_cast %get3A_1910 : vector<1x16xf32> to vector<16xf32>
        %add3A_1912 = arith.addf %scan3A_1904, %get3A_1911 : vector<16xf32>
        scf.yield %add3A_1912 : vector<16xf32>
      }
      %scan3A_1884 = arith.constant 224 : i32
      %scan3A_1885 = arith.constant 0 : i32
      %scan3A_1886 = arith.constant 224 : i32
      %scan3A_1887 = arith.addi %scan3A_1885, %scan3A_1886 : i32
      %scan3A_1888 = arith.constant 1 : i32
      %scan3A_1889 = scf.for %scan3A_1903 = %scan3A_1885 to %scan3A_1887 step %scan3A_1888 iter_args(%scan3A_1904 = %scan3A_1862) -> (vector<16xf32>)  : i32 {
        %mul3A_1905 = arith.constant 16 : i32
        %mul3A_1906 = arith.muli %scan3A_1903, %mul3A_1905 : i32
        %get3A_1907 = arith.constant 1 : i32
        %get3A_1908 = arith.index_cast %get3A_1907 : i32 to index
        %get3A_1909 = arith.index_cast %mul3A_1906 : i32 to index
        %get3A_1910 = tpu.vector_load %arg8[%get3A_1908, %get3A_1909] {strides = array<i32>} : memref<4x3584xf32, #tpu.memory_space<vmem>>, vector<1x16xf32>,
        %get3A_1911 = vector.shape_cast %get3A_1910 : vector<1x16xf32> to vector<16xf32>
        %add3A_1912 = arith.addf %scan3A_1904, %get3A_1911 : vector<16xf32>
        scf.yield %add3A_1912 : vector<16xf32>
      }
      %scan3A_1890 = arith.constant 224 : i32
      %scan3A_1891 = arith.constant 0 : i32
      %scan3A_1892 = arith.constant 224 : i32
      %scan3A_1893 = arith.addi %scan3A_1891, %scan3A_1892 : i32
      %scan3A_1894 = arith.constant 1 : i32
      %scan3A_1895 = scf.for %scan3A_1903 = %scan3A_1891 to %scan3A_1893 step %scan3A_1894 iter_args(%scan3A_1904 = %scan3A_1863) -> (vector<16xf32>)  : i32 {
        %mul3A_1905 = arith.constant 16 : i32
        %mul3A_1906 = arith.muli %scan3A_1903, %mul3A_1905 : i32
        %get3A_1907 = arith.constant 2 : i32
        %get3A_1908 = arith.index_cast %get3A_1907 : i32 to index
        %get3A_1909 = arith.index_cast %mul3A_1906 : i32 to index
        %get3A_1910 = tpu.vector_load %arg8[%get3A_1908, %get3A_1909] {strides = array<i32>} : memref<4x3584xf32, #tpu.memory_space<vmem>>, vector<1x16xf32>,
        %get3A_1911 = vector.shape_cast %get3A_1910 : vector<1x16xf32> to vector<16xf32>
        %add3A_1912 = arith.addf %scan3A_1904, %get3A_1911 : vector<16xf32>
        scf.yield %add3A_1912 : vector<16xf32>
      }
      %scan3A_1896 = arith.constant 224 : i32
      %scan3A_1897 = arith.constant 0 : i32
      %scan3A_1898 = arith.constant 224 : i32
      %scan3A_1899 = arith.addi %scan3A_1897, %scan3A_1898 : i32
      %scan3A_1900 = arith.constant 1 : i32
      %scan3A_1901 = scf.for %scan3A_1903 = %scan3A_1897 to %scan3A_1899 step %scan3A_1900 iter_args(%scan3A_1904 = %scan3A_1864) -> (vector<16xf32>)  : i32 {
        %mul3A_1905 = arith.constant 16 : i32
        %mul3A_1906 = arith.muli %scan3A_1903, %mul3A_1905 : i32
        %get3A_1907 = arith.constant 3 : i32
        %get3A_1908 = arith.index_cast %get3A_1907 : i32 to index
        %get3A_1909 = arith.index_cast %mul3A_1906 : i32 to index
        %get3A_1910 = tpu.vector_load %arg8[%get3A_1908, %get3A_1909] {strides = array<i32>} : memref<4x3584xf32, #tpu.memory_space<vmem>>, vector<1x16xf32>,
        %get3A_1911 = vector.shape_cast %get3A_1910 : vector<1x16xf32> to vector<16xf32>
        %add3A_1912 = arith.addf %scan3A_1904, %get3A_1911 : vector<16xf32>
        scf.yield %add3A_1912 : vector<16xf32>
      }
      %scan3A_1902 = arith.constant 224 : i32
      scf.yield %scan3A_1883, %scan3A_1889, %scan3A_1895, %scan3A_1901 : vector<16xf32>, vector<16xf32>, vector<16xf32>, vector<16xf32>
    }
    %scan3A_236 = arith.constant 14 : i32
    %slice3A_237 = vector.extract_strided_slice %scan3A_235#0 {offsets = [0], sizes = [1], strides = [1]} : vector<16xf32> to vector<1xf32>
    %squeeze3A_238 = vector.extract %slice3A_237[0] : f32 from vector<1xf32>
    %slice3A_239 = vector.extract_strided_slice %scan3A_235#0 {offsets = [1], sizes = [1], strides = [1]} : vector<16xf32> to vector<1xf32>
    %squeeze3A_240 = vector.extract %slice3A_239[0] : f32 from vector<1xf32>
    %add3A_241 = arith.addf %squeeze3A_238, %squeeze3A_240 : f32
    %slice3A_242 = vector.extract_strided_slice %scan3A_235#0 {offsets = [2], sizes = [1], strides = [1]} : vector<16xf32> to vector<1xf32>
    %squeeze3A_243 = vector.extract %slice3A_242[0] : f32 from vector<1xf32>
    %add3A_244 = arith.addf %add3A_241, %squeeze3A_243 : f32
    %slice3A_245 = vector.extract_strided_slice %scan3A_235#0 {offsets = [3], sizes = [1], strides = [1]} : vector<16xf32> to vector<1xf32>
    %squeeze3A_246 = vector.extract %slice3A_245[0] : f32 from vector<1xf32>
    %add3A_247 = arith.addf %add3A_244, %squeeze3A_246 : f32
    %slice3A_248 = vector.extract_strided_slice %scan3A_235#0 {offsets = [4], sizes = [1], strides = [1]} : vector<16xf32> to vector<1xf32>
    %squeeze3A_249 = vector.extract %slice3A_248[0] : f32 from vector<1xf32>
    %add3A_250 = arith.addf %add3A_247, %squeeze3A_249 : f32
    %slice3A_251 = vector.extract_strided_slice %scan3A_235#0 {offsets = [5], sizes = [1], strides = [1]} : vector<16xf32> to vector<1xf32>
    %squeeze3A_252 = vector.extract %slice3A_251[0] : f32 from vector<1xf32>
    %add3A_253 = arith.addf %add3A_250, %squeeze3A_252 : f32
    %slice3A_254 = vector.extract_strided_slice %scan3A_235#0 {offsets = [6], sizes = [1], strides = [1]} : vector<16xf32> to vector<1xf32>
    %squeeze3A_255 = vector.extract %slice3A_254[0] : f32 from vector<1xf32>
    %add3A_256 = arith.addf %add3A_253, %squeeze3A_255 : f32
    %slice3A_257 = vector.extract_strided_slice %scan3A_235#0 {offsets = [7], sizes = [1], strides = [1]} : vector<16xf32> to vector<1xf32>
    %squeeze3A_258 = vector.extract %slice3A_257[0] : f32 from vector<1xf32>
    %add3A_259 = arith.addf %add3A_256, %squeeze3A_258 : f32
    %slice3A_260 = vector.extract_strided_slice %scan3A_235#0 {offsets = [8], sizes = [1], strides = [1]} : vector<16xf32> to vector<1xf32>
    %squeeze3A_261 = vector.extract %slice3A_260[0] : f32 from vector<1xf32>
    %add3A_262 = arith.addf %add3A_259, %squeeze3A_261 : f32
    %slice3A_263 = vector.extract_strided_slice %scan3A_235#0 {offsets = [9], sizes = [1], strides = [1]} : vector<16xf32> to vector<1xf32>
    %squeeze3A_264 = vector.extract %slice3A_263[0] : f32 from vector<1xf32>
    %add3A_265 = arith.addf %add3A_262, %squeeze3A_264 : f32
    %slice3A_266 = vector.extract_strided_slice %scan3A_235#0 {offsets = [10], sizes = [1], strides = [1]} : vector<16xf32> to vector<1xf32>
    %squeeze3A_267 = vector.extract %slice3A_266[0] : f32 from vector<1xf32>
    %add3A_268 = arith.addf %add3A_265, %squeeze3A_267 : f32
    %slice3A_269 = vector.extract_strided_slice %scan3A_235#0 {offsets = [11], sizes = [1], strides = [1]} : vector<16xf32> to vector<1xf32>
    %squeeze3A_270 = vector.extract %slice3A_269[0] : f32 from vector<1xf32>
    %add3A_271 = arith.addf %add3A_268, %squeeze3A_270 : f32
    %slice3A_272 = vector.extract_strided_slice %scan3A_235#0 {offsets = [12], sizes = [1], strides = [1]} : vector<16xf32> to vector<1xf32>
    %squeeze3A_273 = vector.extract %slice3A_272[0] : f32 from vector<1xf32>
    %add3A_274 = arith.addf %add3A_271, %squeeze3A_273 : f32
    %slice3A_275 = vector.extract_strided_slice %scan3A_235#0 {offsets = [13], sizes = [1], strides = [1]} : vector<16xf32> to vector<1xf32>
    %squeeze3A_276 = vector.extract %slice3A_275[0] : f32 from vector<1xf32>
    %add3A_277 = arith.addf %add3A_274, %squeeze3A_276 : f32
    %slice3A_278 = vector.extract_strided_slice %scan3A_235#0 {offsets = [14], sizes = [1], strides = [1]} : vector<16xf32> to vector<1xf32>
    %squeeze3A_279 = vector.extract %slice3A_278[0] : f32 from vector<1xf32>
    %add3A_280 = arith.addf %add3A_277, %squeeze3A_279 : f32
    %slice3A_281 = vector.extract_strided_slice %scan3A_235#0 {offsets = [15], sizes = [1], strides = [1]} : vector<16xf32> to vector<1xf32>
    %squeeze3A_282 = vector.extract %slice3A_281[0] : f32 from vector<1xf32>
    %add3A_283 = arith.addf %add3A_280, %squeeze3A_282 : f32
    %mul3A_284 = arith.constant 1.99298465E-5 : f32
    %mul3A_285 = arith.mulf %add3A_283, %mul3A_284 : f32
    %slice3A_286 = vector.extract_strided_slice %scan3A_235#1 {offsets = [0], sizes = [1], strides = [1]} : vector<16xf32> to vector<1xf32>
    %squeeze3A_287 = vector.extract %slice3A_286[0] : f32 from vector<1xf32>
    %slice3A_288 = vector.extract_strided_slice %scan3A_235#1 {offsets = [1], sizes = [1], strides = [1]} : vector<16xf32> to vector<1xf32>
    %squeeze3A_289 = vector.extract %slice3A_288[0] : f32 from vector<1xf32>
    %add3A_290 = arith.addf %squeeze3A_287, %squeeze3A_289 : f32
    %slice3A_291 = vector.extract_strided_slice %scan3A_235#1 {offsets = [2], sizes = [1], strides = [1]} : vector<16xf32> to vector<1xf32>
    %squeeze3A_292 = vector.extract %slice3A_291[0] : f32 from vector<1xf32>
    %add3A_293 = arith.addf %add3A_290, %squeeze3A_292 : f32
    %slice3A_294 = vector.extract_strided_slice %scan3A_235#1 {offsets = [3], sizes = [1], strides = [1]} : vector<16xf32> to vector<1xf32>
    %squeeze3A_295 = vector.extract %slice3A_294[0] : f32 from vector<1xf32>
    %add3A_296 = arith.addf %add3A_293, %squeeze3A_295 : f32
    %slice3A_297 = vector.extract_strided_slice %scan3A_235#1 {offsets = [4], sizes = [1], strides = [1]} : vector<16xf32> to vector<1xf32>
    %squeeze3A_298 = vector.extract %slice3A_297[0] : f32 from vector<1xf32>
    %add3A_299 = arith.addf %add3A_296, %squeeze3A_298 : f32
    %slice3A_300 = vector.extract_strided_slice %scan3A_235#1 {offsets = [5], sizes = [1], strides = [1]} : vector<16xf32> to vector<1xf32>
    %squeeze3A_301 = vector.extract %slice3A_300[0] : f32 from vector<1xf32>
    %add3A_302 = arith.addf %add3A_299, %squeeze3A_301 : f32
    %slice3A_303 = vector.extract_strided_slice %scan3A_235#1 {offsets = [6], sizes = [1], strides = [1]} : vector<16xf32> to vector<1xf32>
    %squeeze3A_304 = vector.extract %slice3A_303[0] : f32 from vector<1xf32>
    %add3A_305 = arith.addf %add3A_302, %squeeze3A_304 : f32
    %slice3A_306 = vector.extract_strided_slice %scan3A_235#1 {offsets = [7], sizes = [1], strides = [1]} : vector<16xf32> to vector<1xf32>
    %squeeze3A_307 = vector.extract %slice3A_306[0] : f32 from vector<1xf32>
    %add3A_308 = arith.addf %add3A_305, %squeeze3A_307 : f32
    %slice3A_309 = vector.extract_strided_slice %scan3A_235#1 {offsets = [8], sizes = [1], strides = [1]} : vector<16xf32> to vector<1xf32>
    %squeeze3A_310 = vector.extract %slice3A_309[0] : f32 from vector<1xf32>
    %add3A_311 = arith.addf %add3A_308, %squeeze3A_310 : f32
    %slice3A_312 = vector.extract_strided_slice %scan3A_235#1 {offsets = [9], sizes = [1], strides = [1]} : vector<16xf32> to vector<1xf32>
    %squeeze3A_313 = vector.extract %slice3A_312[0] : f32 from vector<1xf32>
    %add3A_314 = arith.addf %add3A_311, %squeeze3A_313 : f32
    %slice3A_315 = vector.extract_strided_slice %scan3A_235#1 {offsets = [10], sizes = [1], strides = [1]} : vector<16xf32> to vector<1xf32>
    %squeeze3A_316 = vector.extract %slice3A_315[0] : f32 from vector<1xf32>
    %add3A_317 = arith.addf %add3A_314, %squeeze3A_316 : f32
    %slice3A_318 = vector.extract_strided_slice %scan3A_235#1 {offsets = [11], sizes = [1], strides = [1]} : vector<16xf32> to vector<1xf32>
    %squeeze3A_319 = vector.extract %slice3A_318[0] : f32 from vector<1xf32>
    %add3A_320 = arith.addf %add3A_317, %squeeze3A_319 : f32
    %slice3A_321 = vector.extract_strided_slice %scan3A_235#1 {offsets = [12], sizes = [1], strides = [1]} : vector<16xf32> to vector<1xf32>
    %squeeze3A_322 = vector.extract %slice3A_321[0] : f32 from vector<1xf32>
    %add3A_323 = arith.addf %add3A_320, %squeeze3A_322 : f32
    %slice3A_324 = vector.extract_strided_slice %scan3A_235#1 {offsets = [13], sizes = [1], strides = [1]} : vector<16xf32> to vector<1xf32>
    %squeeze3A_325 = vector.extract %slice3A_324[0] : f32 from vector<1xf32>
    %add3A_326 = arith.addf %add3A_323, %squeeze3A_325 : f32
    %slice3A_327 = vector.extract_strided_slice %scan3A_235#1 {offsets = [14], sizes = [1], strides = [1]} : vector<16xf32> to vector<1xf32>
    %squeeze3A_328 = vector.extract %slice3A_327[0] : f32 from vector<1xf32>
    %add3A_329 = arith.addf %add3A_326, %squeeze3A_328 : f32
    %slice3A_330 = vector.extract_strided_slice %scan3A_235#1 {offsets = [15], sizes = [1], strides = [1]} : vector<16xf32> to vector<1xf32>
    %squeeze3A_331 = vector.extract %slice3A_330[0] : f32 from vector<1xf32>
    %add3A_332 = arith.addf %add3A_329, %squeeze3A_331 : f32
    %mul3A_333 = arith.constant 1.99298465E-5 : f32
    %mul3A_334 = arith.mulf %add3A_332, %mul3A_333 : f32
    %slice3A_335 = vector.extract_strided_slice %scan3A_235#2 {offsets = [0], sizes = [1], strides = [1]} : vector<16xf32> to vector<1xf32>
    %squeeze3A_336 = vector.extract %slice3A_335[0] : f32 from vector<1xf32>
    %slice3A_337 = vector.extract_strided_slice %scan3A_235#2 {offsets = [1], sizes = [1], strides = [1]} : vector<16xf32> to vector<1xf32>
    %squeeze3A_338 = vector.extract %slice3A_337[0] : f32 from vector<1xf32>
    %add3A_339 = arith.addf %squeeze3A_336, %squeeze3A_338 : f32
    %slice3A_340 = vector.extract_strided_slice %scan3A_235#2 {offsets = [2], sizes = [1], strides = [1]} : vector<16xf32> to vector<1xf32>
    %squeeze3A_341 = vector.extract %slice3A_340[0] : f32 from vector<1xf32>
    %add3A_342 = arith.addf %add3A_339, %squeeze3A_341 : f32
    %slice3A_343 = vector.extract_strided_slice %scan3A_235#2 {offsets = [3], sizes = [1], strides = [1]} : vector<16xf32> to vector<1xf32>
    %squeeze3A_344 = vector.extract %slice3A_343[0] : f32 from vector<1xf32>
    %add3A_345 = arith.addf %add3A_342, %squeeze3A_344 : f32
    %slice3A_346 = vector.extract_strided_slice %scan3A_235#2 {offsets = [4], sizes = [1], strides = [1]} : vector<16xf32> to vector<1xf32>
    %squeeze3A_347 = vector.extract %slice3A_346[0] : f32 from vector<1xf32>
    %add3A_348 = arith.addf %add3A_345, %squeeze3A_347 : f32
    %slice3A_349 = vector.extract_strided_slice %scan3A_235#2 {offsets = [5], sizes = [1], strides = [1]} : vector<16xf32> to vector<1xf32>
    %squeeze3A_350 = vector.extract %slice3A_349[0] : f32 from vector<1xf32>
    %add3A_351 = arith.addf %add3A_348, %squeeze3A_350 : f32
    %slice3A_352 = vector.extract_strided_slice %scan3A_235#2 {offsets = [6], sizes = [1], strides = [1]} : vector<16xf32> to vector<1xf32>
    %squeeze3A_353 = vector.extract %slice3A_352[0] : f32 from vector<1xf32>
    %add3A_354 = arith.addf %add3A_351, %squeeze3A_353 : f32
    %slice3A_355 = vector.extract_strided_slice %scan3A_235#2 {offsets = [7], sizes = [1], strides = [1]} : vector<16xf32> to vector<1xf32>
    %squeeze3A_356 = vector.extract %slice3A_355[0] : f32 from vector<1xf32>
    %add3A_357 = arith.addf %add3A_354, %squeeze3A_356 : f32
    %slice3A_358 = vector.extract_strided_slice %scan3A_235#2 {offsets = [8], sizes = [1], strides = [1]} : vector<16xf32> to vector<1xf32>
    %squeeze3A_359 = vector.extract %slice3A_358[0] : f32 from vector<1xf32>
    %add3A_360 = arith.addf %add3A_357, %squeeze3A_359 : f32
    %slice3A_361 = vector.extract_strided_slice %scan3A_235#2 {offsets = [9], sizes = [1], strides = [1]} : vector<16xf32> to vector<1xf32>
    %squeeze3A_362 = vector.extract %slice3A_361[0] : f32 from vector<1xf32>
    %add3A_363 = arith.addf %add3A_360, %squeeze3A_362 : f32
    %slice3A_364 = vector.extract_strided_slice %scan3A_235#2 {offsets = [10], sizes = [1], strides = [1]} : vector<16xf32> to vector<1xf32>
    %squeeze3A_365 = vector.extract %slice3A_364[0] : f32 from vector<1xf32>
    %add3A_366 = arith.addf %add3A_363, %squeeze3A_365 : f32
    %slice3A_367 = vector.extract_strided_slice %scan3A_235#2 {offsets = [11], sizes = [1], strides = [1]} : vector<16xf32> to vector<1xf32>
    %squeeze3A_368 = vector.extract %slice3A_367[0] : f32 from vector<1xf32>
    %add3A_369 = arith.addf %add3A_366, %squeeze3A_368 : f32
    %slice3A_370 = vector.extract_strided_slice %scan3A_235#2 {offsets = [12], sizes = [1], strides = [1]} : vector<16xf32> to vector<1xf32>
    %squeeze3A_371 = vector.extract %slice3A_370[0] : f32 from vector<1xf32>
    %add3A_372 = arith.addf %add3A_369, %squeeze3A_371 : f32
    %slice3A_373 = vector.extract_strided_slice %scan3A_235#2 {offsets = [13], sizes = [1], strides = [1]} : vector<16xf32> to vector<1xf32>
    %squeeze3A_374 = vector.extract %slice3A_373[0] : f32 from vector<1xf32>
    %add3A_375 = arith.addf %add3A_372, %squeeze3A_374 : f32
    %slice3A_376 = vector.extract_strided_slice %scan3A_235#2 {offsets = [14], sizes = [1], strides = [1]} : vector<16xf32> to vector<1xf32>
    %squeeze3A_377 = vector.extract %slice3A_376[0] : f32 from vector<1xf32>
    %add3A_378 = arith.addf %add3A_375, %squeeze3A_377 : f32
    %slice3A_379 = vector.extract_strided_slice %scan3A_235#2 {offsets = [15], sizes = [1], strides = [1]} : vector<16xf32> to vector<1xf32>
    %squeeze3A_380 = vector.extract %slice3A_379[0] : f32 from vector<1xf32>
    %add3A_381 = arith.addf %add3A_378, %squeeze3A_380 : f32
    %mul3A_382 = arith.constant 1.99298465E-5 : f32
    %mul3A_383 = arith.mulf %add3A_381, %mul3A_382 : f32
    %slice3A_384 = vector.extract_strided_slice %scan3A_235#3 {offsets = [0], sizes = [1], strides = [1]} : vector<16xf32> to vector<1xf32>
    %squeeze3A_385 = vector.extract %slice3A_384[0] : f32 from vector<1xf32>
    %slice3A_386 = vector.extract_strided_slice %scan3A_235#3 {offsets = [1], sizes = [1], strides = [1]} : vector<16xf32> to vector<1xf32>
    %squeeze3A_387 = vector.extract %slice3A_386[0] : f32 from vector<1xf32>
    %add3A_388 = arith.addf %squeeze3A_385, %squeeze3A_387 : f32
    %slice3A_389 = vector.extract_strided_slice %scan3A_235#3 {offsets = [2], sizes = [1], strides = [1]} : vector<16xf32> to vector<1xf32>
    %squeeze3A_390 = vector.extract %slice3A_389[0] : f32 from vector<1xf32>
    %add3A_391 = arith.addf %add3A_388, %squeeze3A_390 : f32
    %slice3A_392 = vector.extract_strided_slice %scan3A_235#3 {offsets = [3], sizes = [1], strides = [1]} : vector<16xf32> to vector<1xf32>
    %squeeze3A_393 = vector.extract %slice3A_392[0] : f32 from vector<1xf32>
    %add3A_394 = arith.addf %add3A_391, %squeeze3A_393 : f32
    %slice3A_395 = vector.extract_strided_slice %scan3A_235#3 {offsets = [4], sizes = [1], strides = [1]} : vector<16xf32> to vector<1xf32>
    %squeeze3A_396 = vector.extract %slice3A_395[0] : f32 from vector<1xf32>
    %add3A_397 = arith.addf %add3A_394, %squeeze3A_396 : f32
    %slice3A_398 = vector.extract_strided_slice %scan3A_235#3 {offsets = [5], sizes = [1], strides = [1]} : vector<16xf32> to vector<1xf32>
    %squeeze3A_399 = vector.extract %slice3A_398[0] : f32 from vector<1xf32>
    %add3A_400 = arith.addf %add3A_397, %squeeze3A_399 : f32
    %slice3A_401 = vector.extract_strided_slice %scan3A_235#3 {offsets = [6], sizes = [1], strides = [1]} : vector<16xf32> to vector<1xf32>
    %squeeze3A_402 = vector.extract %slice3A_401[0] : f32 from vector<1xf32>
    %add3A_403 = arith.addf %add3A_400, %squeeze3A_402 : f32
    %slice3A_404 = vector.extract_strided_slice %scan3A_235#3 {offsets = [7], sizes = [1], strides = [1]} : vector<16xf32> to vector<1xf32>
    %squeeze3A_405 = vector.extract %slice3A_404[0] : f32 from vector<1xf32>
    %add3A_406 = arith.addf %add3A_403, %squeeze3A_405 : f32
    %slice3A_407 = vector.extract_strided_slice %scan3A_235#3 {offsets = [8], sizes = [1], strides = [1]} : vector<16xf32> to vector<1xf32>
    %squeeze3A_408 = vector.extract %slice3A_407[0] : f32 from vector<1xf32>
    %add3A_409 = arith.addf %add3A_406, %squeeze3A_408 : f32
    %slice3A_410 = vector.extract_strided_slice %scan3A_235#3 {offsets = [9], sizes = [1], strides = [1]} : vector<16xf32> to vector<1xf32>
    %squeeze3A_411 = vector.extract %slice3A_410[0] : f32 from vector<1xf32>
    %add3A_412 = arith.addf %add3A_409, %squeeze3A_411 : f32
    %slice3A_413 = vector.extract_strided_slice %scan3A_235#3 {offsets = [10], sizes = [1], strides = [1]} : vector<16xf32> to vector<1xf32>
    %squeeze3A_414 = vector.extract %slice3A_413[0] : f32 from vector<1xf32>
    %add3A_415 = arith.addf %add3A_412, %squeeze3A_414 : f32
    %slice3A_416 = vector.extract_strided_slice %scan3A_235#3 {offsets = [11], sizes = [1], strides = [1]} : vector<16xf32> to vector<1xf32>
    %squeeze3A_417 = vector.extract %slice3A_416[0] : f32 from vector<1xf32>
    %add3A_418 = arith.addf %add3A_415, %squeeze3A_417 : f32
    %slice3A_419 = vector.extract_strided_slice %scan3A_235#3 {offsets = [12], sizes = [1], strides = [1]} : vector<16xf32> to vector<1xf32>
    %squeeze3A_420 = vector.extract %slice3A_419[0] : f32 from vector<1xf32>
    %add3A_421 = arith.addf %add3A_418, %squeeze3A_420 : f32
    %slice3A_422 = vector.extract_strided_slice %scan3A_235#3 {offsets = [13], sizes = [1], strides = [1]} : vector<16xf32> to vector<1xf32>
    %squeeze3A_423 = vector.extract %slice3A_422[0] : f32 from vector<1xf32>
    %add3A_424 = arith.addf %add3A_421, %squeeze3A_423 : f32
    %slice3A_425 = vector.extract_strided_slice %scan3A_235#3 {offsets = [14], sizes = [1], strides = [1]} : vector<16xf32> to vector<1xf32>
    %squeeze3A_426 = vector.extract %slice3A_425[0] : f32 from vector<1xf32>
    %add3A_427 = arith.addf %add3A_424, %squeeze3A_426 : f32
    %slice3A_428 = vector.extract_strided_slice %scan3A_235#3 {offsets = [15], sizes = [1], strides = [1]} : vector<16xf32> to vector<1xf32>
    %squeeze3A_429 = vector.extract %slice3A_428[0] : f32 from vector<1xf32>
    %add3A_430 = arith.addf %add3A_427, %squeeze3A_429 : f32
    %mul3A_431 = arith.constant 1.99298465E-5 : f32
    %mul3A_432 = arith.mulf %add3A_430, %mul3A_431 : f32
    %slice3A_433 = vector.extract_strided_slice %get3A_2 {offsets = [0], sizes = [1], strides = [1]} : vector<16xf32> to vector<1xf32>
    %squeeze3A_434 = vector.extract %slice3A_433[0] : f32 from vector<1xf32>
    %mul3A_435 = arith.mulf %squeeze3A_434, %mul3A_83 : f32
    %slice3A_436 = vector.extract_strided_slice %get3A_2 {offsets = [1], sizes = [1], strides = [1]} : vector<16xf32> to vector<1xf32>
    %squeeze3A_437 = vector.extract %slice3A_436[0] : f32 from vector<1xf32>
    %mul3A_438 = arith.mulf %squeeze3A_437, %mul3A_132 : f32
    %add3A_439 = arith.addf %mul3A_435, %mul3A_438 : f32
    %slice3A_440 = vector.extract_strided_slice %get3A_2 {offsets = [2], sizes = [1], strides = [1]} : vector<16xf32> to vector<1xf32>
    %squeeze3A_441 = vector.extract %slice3A_440[0] : f32 from vector<1xf32>
    %mul3A_442 = arith.mulf %squeeze3A_441, %mul3A_181 : f32
    %add3A_443 = arith.addf %add3A_439, %mul3A_442 : f32
    %slice3A_444 = vector.extract_strided_slice %get3A_2 {offsets = [3], sizes = [1], strides = [1]} : vector<16xf32> to vector<1xf32>
    %squeeze3A_445 = vector.extract %slice3A_444[0] : f32 from vector<1xf32>
    %mul3A_446 = arith.mulf %squeeze3A_445, %mul3A_230 : f32
    %add3A_447 = arith.addf %add3A_443, %mul3A_446 : f32
    %slice3A_448 = vector.extract_strided_slice %get3A_2 {offsets = [8], sizes = [1], strides = [1]} : vector<16xf32> to vector<1xf32>
    %squeeze3A_449 = vector.extract %slice3A_448[0] : f32 from vector<1xf32>
    %add3A_450 = arith.addf %add3A_447, %squeeze3A_449 : f32
    %slice3A_451 = vector.extract_strided_slice %get3A_2 {offsets = [4], sizes = [1], strides = [1]} : vector<16xf32> to vector<1xf32>
    %squeeze3A_452 = vector.extract %slice3A_451[0] : f32 from vector<1xf32>
    %mul3A_453 = arith.mulf %squeeze3A_452, %mul3A_83 : f32
    %slice3A_454 = vector.extract_strided_slice %get3A_2 {offsets = [5], sizes = [1], strides = [1]} : vector<16xf32> to vector<1xf32>
    %squeeze3A_455 = vector.extract %slice3A_454[0] : f32 from vector<1xf32>
    %mul3A_456 = arith.mulf %squeeze3A_455, %mul3A_132 : f32
    %add3A_457 = arith.addf %mul3A_453, %mul3A_456 : f32
    %slice3A_458 = vector.extract_strided_slice %get3A_2 {offsets = [6], sizes = [1], strides = [1]} : vector<16xf32> to vector<1xf32>
    %squeeze3A_459 = vector.extract %slice3A_458[0] : f32 from vector<1xf32>
    %mul3A_460 = arith.mulf %squeeze3A_459, %mul3A_181 : f32
    %add3A_461 = arith.addf %add3A_457, %mul3A_460 : f32
    %slice3A_462 = vector.extract_strided_slice %get3A_2 {offsets = [7], sizes = [1], strides = [1]} : vector<16xf32> to vector<1xf32>
    %squeeze3A_463 = vector.extract %slice3A_462[0] : f32 from vector<1xf32>
    %mul3A_464 = arith.mulf %squeeze3A_463, %mul3A_230 : f32
    %add3A_465 = arith.addf %add3A_461, %mul3A_464 : f32
    %slice3A_466 = vector.extract_strided_slice %get3A_2 {offsets = [9], sizes = [1], strides = [1]} : vector<16xf32> to vector<1xf32>
    %squeeze3A_467 = vector.extract %slice3A_466[0] : f32 from vector<1xf32>
    %add3A_468 = arith.addf %add3A_465, %squeeze3A_467 : f32
    %slice3A_469 = vector.extract_strided_slice %get3A_2 {offsets = [10], sizes = [1], strides = [1]} : vector<16xf32> to vector<1xf32>
    %squeeze3A_470 = vector.extract %slice3A_469[0] : f32 from vector<1xf32>
    %mul3A_471 = arith.mulf %squeeze3A_470, %add3A_450 : f32
    %slice3A_472 = vector.extract_strided_slice %get3A_2 {offsets = [11], sizes = [1], strides = [1]} : vector<16xf32> to vector<1xf32>
    %squeeze3A_473 = vector.extract %slice3A_472[0] : f32 from vector<1xf32>
    %mul3A_474 = arith.mulf %squeeze3A_473, %add3A_468 : f32
    %add3A_475 = arith.addf %mul3A_471, %mul3A_474 : f32
    %slice3A_476 = vector.extract_strided_slice %get3A_2 {offsets = [14], sizes = [1], strides = [1]} : vector<16xf32> to vector<1xf32>
    %squeeze3A_477 = vector.extract %slice3A_476[0] : f32 from vector<1xf32>
    %add3A_478 = arith.addf %add3A_475, %squeeze3A_477 : f32
    %slice3A_479 = vector.extract_strided_slice %get3A_2 {offsets = [12], sizes = [1], strides = [1]} : vector<16xf32> to vector<1xf32>
    %squeeze3A_480 = vector.extract %slice3A_479[0] : f32 from vector<1xf32>
    %mul3A_481 = arith.mulf %squeeze3A_480, %add3A_450 : f32
    %slice3A_482 = vector.extract_strided_slice %get3A_2 {offsets = [13], sizes = [1], strides = [1]} : vector<16xf32> to vector<1xf32>
    %squeeze3A_483 = vector.extract %slice3A_482[0] : f32 from vector<1xf32>
    %mul3A_484 = arith.mulf %squeeze3A_483, %add3A_468 : f32
    %add3A_485 = arith.addf %mul3A_481, %mul3A_484 : f32
    %slice3A_486 = vector.extract_strided_slice %get3A_2 {offsets = [15], sizes = [1], strides = [1]} : vector<16xf32> to vector<1xf32>
    %squeeze3A_487 = vector.extract %slice3A_486[0] : f32 from vector<1xf32>
    %add3A_488 = arith.addf %add3A_485, %squeeze3A_487 : f32
    %slice3A_489 = vector.extract_strided_slice %get3A_2 {offsets = [0], sizes = [1], strides = [1]} : vector<16xf32> to vector<1xf32>
    %squeeze3A_490 = vector.extract %slice3A_489[0] : f32 from vector<1xf32>
    %mul3A_491 = arith.mulf %squeeze3A_490, %mul3A_285 : f32
    %slice3A_492 = vector.extract_strided_slice %get3A_2 {offsets = [1], sizes = [1], strides = [1]} : vector<16xf32> to vector<1xf32>
    %squeeze3A_493 = vector.extract %slice3A_492[0] : f32 from vector<1xf32>
    %mul3A_494 = arith.mulf %squeeze3A_493, %mul3A_334 : f32
    %add3A_495 = arith.addf %mul3A_491, %mul3A_494 : f32
    %slice3A_496 = vector.extract_strided_slice %get3A_2 {offsets = [2], sizes = [1], strides = [1]} : vector<16xf32> to vector<1xf32>
    %squeeze3A_497 = vector.extract %slice3A_496[0] : f32 from vector<1xf32>
    %mul3A_498 = arith.mulf %squeeze3A_497, %mul3A_383 : f32
    %add3A_499 = arith.addf %add3A_495, %mul3A_498 : f32
    %slice3A_500 = vector.extract_strided_slice %get3A_2 {offsets = [3], sizes = [1], strides = [1]} : vector<16xf32> to vector<1xf32>
    %squeeze3A_501 = vector.extract %slice3A_500[0] : f32 from vector<1xf32>
    %mul3A_502 = arith.mulf %squeeze3A_501, %mul3A_432 : f32
    %add3A_503 = arith.addf %add3A_499, %mul3A_502 : f32
    %slice3A_504 = vector.extract_strided_slice %get3A_2 {offsets = [8], sizes = [1], strides = [1]} : vector<16xf32> to vector<1xf32>
    %squeeze3A_505 = vector.extract %slice3A_504[0] : f32 from vector<1xf32>
    %add3A_506 = arith.addf %add3A_503, %squeeze3A_505 : f32
    %slice3A_507 = vector.extract_strided_slice %get3A_2 {offsets = [4], sizes = [1], strides = [1]} : vector<16xf32> to vector<1xf32>
    %squeeze3A_508 = vector.extract %slice3A_507[0] : f32 from vector<1xf32>
    %mul3A_509 = arith.mulf %squeeze3A_508, %mul3A_285 : f32
    %slice3A_510 = vector.extract_strided_slice %get3A_2 {offsets = [5], sizes = [1], strides = [1]} : vector<16xf32> to vector<1xf32>
    %squeeze3A_511 = vector.extract %slice3A_510[0] : f32 from vector<1xf32>
    %mul3A_512 = arith.mulf %squeeze3A_511, %mul3A_334 : f32
    %add3A_513 = arith.addf %mul3A_509, %mul3A_512 : f32
    %slice3A_514 = vector.extract_strided_slice %get3A_2 {offsets = [6], sizes = [1], strides = [1]} : vector<16xf32> to vector<1xf32>
    %squeeze3A_515 = vector.extract %slice3A_514[0] : f32 from vector<1xf32>
    %mul3A_516 = arith.mulf %squeeze3A_515, %mul3A_383 : f32
    %add3A_517 = arith.addf %add3A_513, %mul3A_516 : f32
    %slice3A_518 = vector.extract_strided_slice %get3A_2 {offsets = [7], sizes = [1], strides = [1]} : vector<16xf32> to vector<1xf32>
    %squeeze3A_519 = vector.extract %slice3A_518[0] : f32 from vector<1xf32>
    %mul3A_520 = arith.mulf %squeeze3A_519, %mul3A_432 : f32
    %add3A_521 = arith.addf %add3A_517, %mul3A_520 : f32
    %slice3A_522 = vector.extract_strided_slice %get3A_2 {offsets = [9], sizes = [1], strides = [1]} : vector<16xf32> to vector<1xf32>
    %squeeze3A_523 = vector.extract %slice3A_522[0] : f32 from vector<1xf32>
    %add3A_524 = arith.addf %add3A_521, %squeeze3A_523 : f32
    %slice3A_525 = vector.extract_strided_slice %get3A_2 {offsets = [10], sizes = [1], strides = [1]} : vector<16xf32> to vector<1xf32>
    %squeeze3A_526 = vector.extract %slice3A_525[0] : f32 from vector<1xf32>
    %mul3A_527 = arith.mulf %squeeze3A_526, %add3A_506 : f32
    %slice3A_528 = vector.extract_strided_slice %get3A_2 {offsets = [11], sizes = [1], strides = [1]} : vector<16xf32> to vector<1xf32>
    %squeeze3A_529 = vector.extract %slice3A_528[0] : f32 from vector<1xf32>
    %mul3A_530 = arith.mulf %squeeze3A_529, %add3A_524 : f32
    %add3A_531 = arith.addf %mul3A_527, %mul3A_530 : f32
    %slice3A_532 = vector.extract_strided_slice %get3A_2 {offsets = [14], sizes = [1], strides = [1]} : vector<16xf32> to vector<1xf32>
    %squeeze3A_533 = vector.extract %slice3A_532[0] : f32 from vector<1xf32>
    %add3A_534 = arith.addf %add3A_531, %squeeze3A_533 : f32
    %slice3A_535 = vector.extract_strided_slice %get3A_2 {offsets = [12], sizes = [1], strides = [1]} : vector<16xf32> to vector<1xf32>
    %squeeze3A_536 = vector.extract %slice3A_535[0] : f32 from vector<1xf32>
    %mul3A_537 = arith.mulf %squeeze3A_536, %add3A_506 : f32
    %slice3A_538 = vector.extract_strided_slice %get3A_2 {offsets = [13], sizes = [1], strides = [1]} : vector<16xf32> to vector<1xf32>
    %squeeze3A_539 = vector.extract %slice3A_538[0] : f32 from vector<1xf32>
    %mul3A_540 = arith.mulf %squeeze3A_539, %add3A_524 : f32
    %add3A_541 = arith.addf %mul3A_537, %mul3A_540 : f32
    %slice3A_542 = vector.extract_strided_slice %get3A_2 {offsets = [15], sizes = [1], strides = [1]} : vector<16xf32> to vector<1xf32>
    %squeeze3A_543 = vector.extract %slice3A_542[0] : f32 from vector<1xf32>
    %add3A_544 = arith.addf %add3A_541, %squeeze3A_543 : f32
    %gt3A = arith.constant 0.000000e+00 : f32
    %gt3A_545 = arith.cmpf ogt, %add3A_478, %gt3A : f32
    %jit3A = arith.constant 1.000000e+00 : f32
    %jit3A_546 = arith.constant 0.000000e+00 : f32
    %select_n3A = arith.select %gt3A_545, %jit3A, %jit3A_546 : f32
    %gt3A_547 = arith.constant 0.000000e+00 : f32
    %gt3A_548 = arith.cmpf ogt, %add3A_488, %gt3A_547 : f32
    %jit3A_549 = arith.constant 1.000000e+00 : f32
    %jit3A_550 = arith.constant 0.000000e+00 : f32
    %select_n3A_551 = arith.select %gt3A_548, %jit3A_549, %jit3A_550 : f32
    %gt3A_552 = arith.constant 0.000000e+00 : f32
    %gt3A_553 = arith.cmpf ogt, %add3A_534, %gt3A_552 : f32
    %jit3A_554 = arith.constant 1.000000e+00 : f32
    %jit3A_555 = arith.constant 0.000000e+00 : f32
    %select_n3A_556 = arith.select %gt3A_553, %jit3A_554, %jit3A_555 : f32
    %gt3A_557 = arith.constant 0.000000e+00 : f32
    %gt3A_558 = arith.cmpf ogt, %add3A_544, %gt3A_557 : f32
    %jit3A_559 = arith.constant 1.000000e+00 : f32
    %jit3A_560 = arith.constant 0.000000e+00 : f32
    %select_n3A_561 = arith.select %gt3A_558, %jit3A_559, %jit3A_560 : f32
    %slice3A_562 = vector.extract_strided_slice %get3A_5 {offsets = [0], sizes = [1], strides = [1]} : vector<16xf32> to vector<1xf32>
    %squeeze3A_563 = vector.extract %slice3A_562[0] : f32 from vector<1xf32>
    %mul3A_564 = arith.mulf %select_n3A, %squeeze3A_563 : f32
    %slice3A_565 = vector.extract_strided_slice %get3A_5 {offsets = [1], sizes = [1], strides = [1]} : vector<16xf32> to vector<1xf32>
    %squeeze3A_566 = vector.extract %slice3A_565[0] : f32 from vector<1xf32>
    %mul3A_567 = arith.mulf %select_n3A, %squeeze3A_566 : f32
    %slice3A_568 = vector.extract_strided_slice %get3A_5 {offsets = [2], sizes = [1], strides = [1]} : vector<16xf32> to vector<1xf32>
    %squeeze3A_569 = vector.extract %slice3A_568[0] : f32 from vector<1xf32>
    %mul3A_570 = arith.mulf %select_n3A, %squeeze3A_569 : f32
    %slice3A_571 = vector.extract_strided_slice %get3A_5 {offsets = [3], sizes = [1], strides = [1]} : vector<16xf32> to vector<1xf32>
    %squeeze3A_572 = vector.extract %slice3A_571[0] : f32 from vector<1xf32>
    %mul3A_573 = arith.mulf %select_n3A, %squeeze3A_572 : f32
    %slice3A_574 = vector.extract_strided_slice %get3A_5 {offsets = [4], sizes = [1], strides = [1]} : vector<16xf32> to vector<1xf32>
    %squeeze3A_575 = vector.extract %slice3A_574[0] : f32 from vector<1xf32>
    %mul3A_576 = arith.mulf %select_n3A, %squeeze3A_575 : f32
    %slice3A_577 = vector.extract_strided_slice %get3A_5 {offsets = [5], sizes = [1], strides = [1]} : vector<16xf32> to vector<1xf32>
    %squeeze3A_578 = vector.extract %slice3A_577[0] : f32 from vector<1xf32>
    %mul3A_579 = arith.mulf %select_n3A, %squeeze3A_578 : f32
    %slice3A_580 = vector.extract_strided_slice %get3A_5 {offsets = [6], sizes = [1], strides = [1]} : vector<16xf32> to vector<1xf32>
    %squeeze3A_581 = vector.extract %slice3A_580[0] : f32 from vector<1xf32>
    %mul3A_582 = arith.mulf %select_n3A, %squeeze3A_581 : f32
    %slice3A_583 = vector.extract_strided_slice %get3A_5 {offsets = [7], sizes = [1], strides = [1]} : vector<16xf32> to vector<1xf32>
    %squeeze3A_584 = vector.extract %slice3A_583[0] : f32 from vector<1xf32>
    %mul3A_585 = arith.mulf %select_n3A, %squeeze3A_584 : f32
    %slice3A_586 = vector.extract_strided_slice %get3A_5 {offsets = [8], sizes = [1], strides = [1]} : vector<16xf32> to vector<1xf32>
    %squeeze3A_587 = vector.extract %slice3A_586[0] : f32 from vector<1xf32>
    %mul3A_588 = arith.mulf %select_n3A, %squeeze3A_587 : f32
    %slice3A_589 = vector.extract_strided_slice %get3A_5 {offsets = [9], sizes = [1], strides = [1]} : vector<16xf32> to vector<1xf32>
    %squeeze3A_590 = vector.extract %slice3A_589[0] : f32 from vector<1xf32>
    %mul3A_591 = arith.mulf %select_n3A, %squeeze3A_590 : f32
    %slice3A_592 = vector.extract_strided_slice %get3A_5 {offsets = [10], sizes = [1], strides = [1]} : vector<16xf32> to vector<1xf32>
    %squeeze3A_593 = vector.extract %slice3A_592[0] : f32 from vector<1xf32>
    %mul3A_594 = arith.mulf %select_n3A, %squeeze3A_593 : f32
    %slice3A_595 = vector.extract_strided_slice %get3A_5 {offsets = [11], sizes = [1], strides = [1]} : vector<16xf32> to vector<1xf32>
    %squeeze3A_596 = vector.extract %slice3A_595[0] : f32 from vector<1xf32>
    %mul3A_597 = arith.mulf %select_n3A, %squeeze3A_596 : f32
    %slice3A_598 = vector.extract_strided_slice %get3A_5 {offsets = [12], sizes = [1], strides = [1]} : vector<16xf32> to vector<1xf32>
    %squeeze3A_599 = vector.extract %slice3A_598[0] : f32 from vector<1xf32>
    %mul3A_600 = arith.mulf %select_n3A, %squeeze3A_599 : f32
    %slice3A_601 = vector.extract_strided_slice %get3A_5 {offsets = [13], sizes = [1], strides = [1]} : vector<16xf32> to vector<1xf32>
    %squeeze3A_602 = vector.extract %slice3A_601[0] : f32 from vector<1xf32>
    %mul3A_603 = arith.mulf %select_n3A, %squeeze3A_602 : f32
    %slice3A_604 = vector.extract_strided_slice %get3A_5 {offsets = [14], sizes = [1], strides = [1]} : vector<16xf32> to vector<1xf32>
    %squeeze3A_605 = vector.extract %slice3A_604[0] : f32 from vector<1xf32>
    %mul3A_606 = arith.mulf %select_n3A, %squeeze3A_605 : f32
    %slice3A_607 = vector.extract_strided_slice %get3A_5 {offsets = [15], sizes = [1], strides = [1]} : vector<16xf32> to vector<1xf32>
    %squeeze3A_608 = vector.extract %slice3A_607[0] : f32 from vector<1xf32>
    %mul3A_609 = arith.mulf %select_n3A, %squeeze3A_608 : f32
    %slice3A_610 = vector.extract_strided_slice %get3A_14 {offsets = [12], sizes = [1], strides = [1]} : vector<16xf32> to vector<1xf32>
    %squeeze3A_611 = vector.extract %slice3A_610[0] : f32 from vector<1xf32>
    %mul3A_612 = arith.mulf %select_n3A_556, %squeeze3A_611 : f32
    %slice3A_613 = vector.extract_strided_slice %get3A_14 {offsets = [13], sizes = [1], strides = [1]} : vector<16xf32> to vector<1xf32>
    %squeeze3A_614 = vector.extract %slice3A_613[0] : f32 from vector<1xf32>
    %mul3A_615 = arith.mulf %select_n3A_556, %squeeze3A_614 : f32
    %slice3A_616 = vector.extract_strided_slice %get3A_14 {offsets = [14], sizes = [1], strides = [1]} : vector<16xf32> to vector<1xf32>
    %squeeze3A_617 = vector.extract %slice3A_616[0] : f32 from vector<1xf32>
    %mul3A_618 = arith.mulf %select_n3A_556, %squeeze3A_617 : f32
    %slice3A_619 = vector.extract_strided_slice %get3A_14 {offsets = [15], sizes = [1], strides = [1]} : vector<16xf32> to vector<1xf32>
    %squeeze3A_620 = vector.extract %slice3A_619[0] : f32 from vector<1xf32>
    %mul3A_621 = arith.mulf %select_n3A_556, %squeeze3A_620 : f32
    %slice3A_622 = vector.extract_strided_slice %get3A_17 {offsets = [0], sizes = [1], strides = [1]} : vector<16xf32> to vector<1xf32>
    %squeeze3A_623 = vector.extract %slice3A_622[0] : f32 from vector<1xf32>
    %mul3A_624 = arith.mulf %select_n3A_556, %squeeze3A_623 : f32
    %slice3A_625 = vector.extract_strided_slice %get3A_17 {offsets = [1], sizes = [1], strides = [1]} : vector<16xf32> to vector<1xf32>
    %squeeze3A_626 = vector.extract %slice3A_625[0] : f32 from vector<1xf32>
    %mul3A_627 = arith.mulf %select_n3A_556, %squeeze3A_626 : f32
    %slice3A_628 = vector.extract_strided_slice %get3A_17 {offsets = [2], sizes = [1], strides = [1]} : vector<16xf32> to vector<1xf32>
    %squeeze3A_629 = vector.extract %slice3A_628[0] : f32 from vector<1xf32>
    %mul3A_630 = arith.mulf %select_n3A_556, %squeeze3A_629 : f32
    %slice3A_631 = vector.extract_strided_slice %get3A_17 {offsets = [3], sizes = [1], strides = [1]} : vector<16xf32> to vector<1xf32>
    %squeeze3A_632 = vector.extract %slice3A_631[0] : f32 from vector<1xf32>
    %mul3A_633 = arith.mulf %select_n3A_556, %squeeze3A_632 : f32
    %slice3A_634 = vector.extract_strided_slice %get3A_17 {offsets = [4], sizes = [1], strides = [1]} : vector<16xf32> to vector<1xf32>
    %squeeze3A_635 = vector.extract %slice3A_634[0] : f32 from vector<1xf32>
    %mul3A_636 = arith.mulf %select_n3A_556, %squeeze3A_635 : f32
    %slice3A_637 = vector.extract_strided_slice %get3A_17 {offsets = [5], sizes = [1], strides = [1]} : vector<16xf32> to vector<1xf32>
    %squeeze3A_638 = vector.extract %slice3A_637[0] : f32 from vector<1xf32>
    %mul3A_639 = arith.mulf %select_n3A_556, %squeeze3A_638 : f32
    %slice3A_640 = vector.extract_strided_slice %get3A_17 {offsets = [6], sizes = [1], strides = [1]} : vector<16xf32> to vector<1xf32>
    %squeeze3A_641 = vector.extract %slice3A_640[0] : f32 from vector<1xf32>
    %mul3A_642 = arith.mulf %select_n3A_556, %squeeze3A_641 : f32
    %slice3A_643 = vector.extract_strided_slice %get3A_17 {offsets = [7], sizes = [1], strides = [1]} : vector<16xf32> to vector<1xf32>
    %squeeze3A_644 = vector.extract %slice3A_643[0] : f32 from vector<1xf32>
    %mul3A_645 = arith.mulf %select_n3A_556, %squeeze3A_644 : f32
    %slice3A_646 = vector.extract_strided_slice %get3A_17 {offsets = [8], sizes = [1], strides = [1]} : vector<16xf32> to vector<1xf32>
    %squeeze3A_647 = vector.extract %slice3A_646[0] : f32 from vector<1xf32>
    %mul3A_648 = arith.mulf %select_n3A_556, %squeeze3A_647 : f32
    %slice3A_649 = vector.extract_strided_slice %get3A_17 {offsets = [9], sizes = [1], strides = [1]} : vector<16xf32> to vector<1xf32>
    %squeeze3A_650 = vector.extract %slice3A_649[0] : f32 from vector<1xf32>
    %mul3A_651 = arith.mulf %select_n3A_556, %squeeze3A_650 : f32
    %slice3A_652 = vector.extract_strided_slice %get3A_17 {offsets = [10], sizes = [1], strides = [1]} : vector<16xf32> to vector<1xf32>
    %squeeze3A_653 = vector.extract %slice3A_652[0] : f32 from vector<1xf32>
    %mul3A_654 = arith.mulf %select_n3A_556, %squeeze3A_653 : f32
    %slice3A_655 = vector.extract_strided_slice %get3A_17 {offsets = [11], sizes = [1], strides = [1]} : vector<16xf32> to vector<1xf32>
    %squeeze3A_656 = vector.extract %slice3A_655[0] : f32 from vector<1xf32>
    %mul3A_657 = arith.mulf %select_n3A_556, %squeeze3A_656 : f32
    %slice3A_658 = vector.extract_strided_slice %get3A_8 {offsets = [0], sizes = [1], strides = [1]} : vector<16xf32> to vector<1xf32>
    %squeeze3A_659 = vector.extract %slice3A_658[0] : f32 from vector<1xf32>
    %mul3A_660 = arith.mulf %select_n3A, %squeeze3A_659 : f32
    %slice3A_661 = vector.extract_strided_slice %get3A_17 {offsets = [12], sizes = [1], strides = [1]} : vector<16xf32> to vector<1xf32>
    %squeeze3A_662 = vector.extract %slice3A_661[0] : f32 from vector<1xf32>
    %mul3A_663 = arith.mulf %select_n3A_556, %squeeze3A_662 : f32
    %add3A_664 = arith.addf %mul3A_660, %mul3A_663 : f32
    %slice3A_665 = vector.extract_strided_slice %get3A_8 {offsets = [1], sizes = [1], strides = [1]} : vector<16xf32> to vector<1xf32>
    %squeeze3A_666 = vector.extract %slice3A_665[0] : f32 from vector<1xf32>
    %mul3A_667 = arith.mulf %select_n3A, %squeeze3A_666 : f32
    %slice3A_668 = vector.extract_strided_slice %get3A_17 {offsets = [13], sizes = [1], strides = [1]} : vector<16xf32> to vector<1xf32>
    %squeeze3A_669 = vector.extract %slice3A_668[0] : f32 from vector<1xf32>
    %mul3A_670 = arith.mulf %select_n3A_556, %squeeze3A_669 : f32
    %add3A_671 = arith.addf %mul3A_667, %mul3A_670 : f32
    %slice3A_672 = vector.extract_strided_slice %get3A_8 {offsets = [2], sizes = [1], strides = [1]} : vector<16xf32> to vector<1xf32>
    %squeeze3A_673 = vector.extract %slice3A_672[0] : f32 from vector<1xf32>
    %mul3A_674 = arith.mulf %select_n3A, %squeeze3A_673 : f32
    %slice3A_675 = vector.extract_strided_slice %get3A_17 {offsets = [14], sizes = [1], strides = [1]} : vector<16xf32> to vector<1xf32>
    %squeeze3A_676 = vector.extract %slice3A_675[0] : f32 from vector<1xf32>
    %mul3A_677 = arith.mulf %select_n3A_556, %squeeze3A_676 : f32
    %add3A_678 = arith.addf %mul3A_674, %mul3A_677 : f32
    %slice3A_679 = vector.extract_strided_slice %get3A_8 {offsets = [3], sizes = [1], strides = [1]} : vector<16xf32> to vector<1xf32>
    %squeeze3A_680 = vector.extract %slice3A_679[0] : f32 from vector<1xf32>
    %mul3A_681 = arith.mulf %select_n3A, %squeeze3A_680 : f32
    %slice3A_682 = vector.extract_strided_slice %get3A_17 {offsets = [15], sizes = [1], strides = [1]} : vector<16xf32> to vector<1xf32>
    %squeeze3A_683 = vector.extract %slice3A_682[0] : f32 from vector<1xf32>
    %mul3A_684 = arith.mulf %select_n3A_556, %squeeze3A_683 : f32
    %add3A_685 = arith.addf %mul3A_681, %mul3A_684 : f32
    %slice3A_686 = vector.extract_strided_slice %get3A_8 {offsets = [4], sizes = [1], strides = [1]} : vector<16xf32> to vector<1xf32>
    %squeeze3A_687 = vector.extract %slice3A_686[0] : f32 from vector<1xf32>
    %mul3A_688 = arith.mulf %select_n3A_551, %squeeze3A_687 : f32
    %slice3A_689 = vector.extract_strided_slice %get3A_8 {offsets = [5], sizes = [1], strides = [1]} : vector<16xf32> to vector<1xf32>
    %squeeze3A_690 = vector.extract %slice3A_689[0] : f32 from vector<1xf32>
    %mul3A_691 = arith.mulf %select_n3A_551, %squeeze3A_690 : f32
    %slice3A_692 = vector.extract_strided_slice %get3A_8 {offsets = [6], sizes = [1], strides = [1]} : vector<16xf32> to vector<1xf32>
    %squeeze3A_693 = vector.extract %slice3A_692[0] : f32 from vector<1xf32>
    %mul3A_694 = arith.mulf %select_n3A_551, %squeeze3A_693 : f32
    %slice3A_695 = vector.extract_strided_slice %get3A_8 {offsets = [7], sizes = [1], strides = [1]} : vector<16xf32> to vector<1xf32>
    %squeeze3A_696 = vector.extract %slice3A_695[0] : f32 from vector<1xf32>
    %mul3A_697 = arith.mulf %select_n3A_551, %squeeze3A_696 : f32
    %slice3A_698 = vector.extract_strided_slice %get3A_8 {offsets = [8], sizes = [1], strides = [1]} : vector<16xf32> to vector<1xf32>
    %squeeze3A_699 = vector.extract %slice3A_698[0] : f32 from vector<1xf32>
    %mul3A_700 = arith.mulf %select_n3A_551, %squeeze3A_699 : f32
    %slice3A_701 = vector.extract_strided_slice %get3A_8 {offsets = [9], sizes = [1], strides = [1]} : vector<16xf32> to vector<1xf32>
    %squeeze3A_702 = vector.extract %slice3A_701[0] : f32 from vector<1xf32>
    %mul3A_703 = arith.mulf %select_n3A_551, %squeeze3A_702 : f32
    %slice3A_704 = vector.extract_strided_slice %get3A_8 {offsets = [10], sizes = [1], strides = [1]} : vector<16xf32> to vector<1xf32>
    %squeeze3A_705 = vector.extract %slice3A_704[0] : f32 from vector<1xf32>
    %mul3A_706 = arith.mulf %select_n3A_551, %squeeze3A_705 : f32
    %slice3A_707 = vector.extract_strided_slice %get3A_8 {offsets = [11], sizes = [1], strides = [1]} : vector<16xf32> to vector<1xf32>
    %squeeze3A_708 = vector.extract %slice3A_707[0] : f32 from vector<1xf32>
    %mul3A_709 = arith.mulf %select_n3A_551, %squeeze3A_708 : f32
    %slice3A_710 = vector.extract_strided_slice %get3A_8 {offsets = [12], sizes = [1], strides = [1]} : vector<16xf32> to vector<1xf32>
    %squeeze3A_711 = vector.extract %slice3A_710[0] : f32 from vector<1xf32>
    %mul3A_712 = arith.mulf %select_n3A_551, %squeeze3A_711 : f32
    %slice3A_713 = vector.extract_strided_slice %get3A_8 {offsets = [13], sizes = [1], strides = [1]} : vector<16xf32> to vector<1xf32>
    %squeeze3A_714 = vector.extract %slice3A_713[0] : f32 from vector<1xf32>
    %mul3A_715 = arith.mulf %select_n3A_551, %squeeze3A_714 : f32
    %slice3A_716 = vector.extract_strided_slice %get3A_8 {offsets = [14], sizes = [1], strides = [1]} : vector<16xf32> to vector<1xf32>
    %squeeze3A_717 = vector.extract %slice3A_716[0] : f32 from vector<1xf32>
    %mul3A_718 = arith.mulf %select_n3A_551, %squeeze3A_717 : f32
    %slice3A_719 = vector.extract_strided_slice %get3A_8 {offsets = [15], sizes = [1], strides = [1]} : vector<16xf32> to vector<1xf32>
    %squeeze3A_720 = vector.extract %slice3A_719[0] : f32 from vector<1xf32>
    %mul3A_721 = arith.mulf %select_n3A_551, %squeeze3A_720 : f32
    %slice3A_722 = vector.extract_strided_slice %get3A_11 {offsets = [0], sizes = [1], strides = [1]} : vector<16xf32> to vector<1xf32>
    %squeeze3A_723 = vector.extract %slice3A_722[0] : f32 from vector<1xf32>
    %mul3A_724 = arith.mulf %select_n3A_551, %squeeze3A_723 : f32
    %slice3A_725 = vector.extract_strided_slice %get3A_11 {offsets = [1], sizes = [1], strides = [1]} : vector<16xf32> to vector<1xf32>
    %squeeze3A_726 = vector.extract %slice3A_725[0] : f32 from vector<1xf32>
    %mul3A_727 = arith.mulf %select_n3A_551, %squeeze3A_726 : f32
    %slice3A_728 = vector.extract_strided_slice %get3A_11 {offsets = [2], sizes = [1], strides = [1]} : vector<16xf32> to vector<1xf32>
    %squeeze3A_729 = vector.extract %slice3A_728[0] : f32 from vector<1xf32>
    %mul3A_730 = arith.mulf %select_n3A_551, %squeeze3A_729 : f32
    %slice3A_731 = vector.extract_strided_slice %get3A_11 {offsets = [3], sizes = [1], strides = [1]} : vector<16xf32> to vector<1xf32>
    %squeeze3A_732 = vector.extract %slice3A_731[0] : f32 from vector<1xf32>
    %mul3A_733 = arith.mulf %select_n3A_551, %squeeze3A_732 : f32
    %slice3A_734 = vector.extract_strided_slice %get3A_11 {offsets = [4], sizes = [1], strides = [1]} : vector<16xf32> to vector<1xf32>
    %squeeze3A_735 = vector.extract %slice3A_734[0] : f32 from vector<1xf32>
    %mul3A_736 = arith.mulf %select_n3A_551, %squeeze3A_735 : f32
    %slice3A_737 = vector.extract_strided_slice %get3A_11 {offsets = [5], sizes = [1], strides = [1]} : vector<16xf32> to vector<1xf32>
    %squeeze3A_738 = vector.extract %slice3A_737[0] : f32 from vector<1xf32>
    %mul3A_739 = arith.mulf %select_n3A_551, %squeeze3A_738 : f32
    %slice3A_740 = vector.extract_strided_slice %get3A_11 {offsets = [6], sizes = [1], strides = [1]} : vector<16xf32> to vector<1xf32>
    %squeeze3A_741 = vector.extract %slice3A_740[0] : f32 from vector<1xf32>
    %mul3A_742 = arith.mulf %select_n3A_551, %squeeze3A_741 : f32
    %slice3A_743 = vector.extract_strided_slice %get3A_11 {offsets = [7], sizes = [1], strides = [1]} : vector<16xf32> to vector<1xf32>
    %squeeze3A_744 = vector.extract %slice3A_743[0] : f32 from vector<1xf32>
    %mul3A_745 = arith.mulf %select_n3A_551, %squeeze3A_744 : f32
    %slice3A_746 = vector.extract_strided_slice %get3A_11 {offsets = [8], sizes = [1], strides = [1]} : vector<16xf32> to vector<1xf32>
    %squeeze3A_747 = vector.extract %slice3A_746[0] : f32 from vector<1xf32>
    %mul3A_748 = arith.mulf %select_n3A_551, %squeeze3A_747 : f32
    %slice3A_749 = vector.extract_strided_slice %get3A_11 {offsets = [9], sizes = [1], strides = [1]} : vector<16xf32> to vector<1xf32>
    %squeeze3A_750 = vector.extract %slice3A_749[0] : f32 from vector<1xf32>
    %mul3A_751 = arith.mulf %select_n3A_551, %squeeze3A_750 : f32
    %slice3A_752 = vector.extract_strided_slice %get3A_11 {offsets = [10], sizes = [1], strides = [1]} : vector<16xf32> to vector<1xf32>
    %squeeze3A_753 = vector.extract %slice3A_752[0] : f32 from vector<1xf32>
    %mul3A_754 = arith.mulf %select_n3A_551, %squeeze3A_753 : f32
    %slice3A_755 = vector.extract_strided_slice %get3A_11 {offsets = [11], sizes = [1], strides = [1]} : vector<16xf32> to vector<1xf32>
    %squeeze3A_756 = vector.extract %slice3A_755[0] : f32 from vector<1xf32>
    %mul3A_757 = arith.mulf %select_n3A_551, %squeeze3A_756 : f32
    %slice3A_758 = vector.extract_strided_slice %get3A_11 {offsets = [12], sizes = [1], strides = [1]} : vector<16xf32> to vector<1xf32>
    %squeeze3A_759 = vector.extract %slice3A_758[0] : f32 from vector<1xf32>
    %mul3A_760 = arith.mulf %select_n3A_551, %squeeze3A_759 : f32
    %slice3A_761 = vector.extract_strided_slice %get3A_11 {offsets = [13], sizes = [1], strides = [1]} : vector<16xf32> to vector<1xf32>
    %squeeze3A_762 = vector.extract %slice3A_761[0] : f32 from vector<1xf32>
    %mul3A_763 = arith.mulf %select_n3A_551, %squeeze3A_762 : f32
    %slice3A_764 = vector.extract_strided_slice %get3A_11 {offsets = [14], sizes = [1], strides = [1]} : vector<16xf32> to vector<1xf32>
    %squeeze3A_765 = vector.extract %slice3A_764[0] : f32 from vector<1xf32>
    %mul3A_766 = arith.mulf %select_n3A_551, %squeeze3A_765 : f32
    %slice3A_767 = vector.extract_strided_slice %get3A_11 {offsets = [15], sizes = [1], strides = [1]} : vector<16xf32> to vector<1xf32>
    %squeeze3A_768 = vector.extract %slice3A_767[0] : f32 from vector<1xf32>
    %mul3A_769 = arith.mulf %select_n3A_551, %squeeze3A_768 : f32
    %slice3A_770 = vector.extract_strided_slice %get3A_14 {offsets = [0], sizes = [1], strides = [1]} : vector<16xf32> to vector<1xf32>
    %squeeze3A_771 = vector.extract %slice3A_770[0] : f32 from vector<1xf32>
    %mul3A_772 = arith.mulf %select_n3A_551, %squeeze3A_771 : f32
    %slice3A_773 = vector.extract_strided_slice %get3A_14 {offsets = [1], sizes = [1], strides = [1]} : vector<16xf32> to vector<1xf32>
    %squeeze3A_774 = vector.extract %slice3A_773[0] : f32 from vector<1xf32>
    %mul3A_775 = arith.mulf %select_n3A_551, %squeeze3A_774 : f32
    %slice3A_776 = vector.extract_strided_slice %get3A_14 {offsets = [2], sizes = [1], strides = [1]} : vector<16xf32> to vector<1xf32>
    %squeeze3A_777 = vector.extract %slice3A_776[0] : f32 from vector<1xf32>
    %mul3A_778 = arith.mulf %select_n3A_551, %squeeze3A_777 : f32
    %slice3A_779 = vector.extract_strided_slice %get3A_14 {offsets = [3], sizes = [1], strides = [1]} : vector<16xf32> to vector<1xf32>
    %squeeze3A_780 = vector.extract %slice3A_779[0] : f32 from vector<1xf32>
    %mul3A_781 = arith.mulf %select_n3A_551, %squeeze3A_780 : f32
    %slice3A_782 = vector.extract_strided_slice %get3A_20 {offsets = [0], sizes = [1], strides = [1]} : vector<16xf32> to vector<1xf32>
    %squeeze3A_783 = vector.extract %slice3A_782[0] : f32 from vector<1xf32>
    %mul3A_784 = arith.mulf %select_n3A_561, %squeeze3A_783 : f32
    %slice3A_785 = vector.extract_strided_slice %get3A_20 {offsets = [1], sizes = [1], strides = [1]} : vector<16xf32> to vector<1xf32>
    %squeeze3A_786 = vector.extract %slice3A_785[0] : f32 from vector<1xf32>
    %mul3A_787 = arith.mulf %select_n3A_561, %squeeze3A_786 : f32
    %slice3A_788 = vector.extract_strided_slice %get3A_20 {offsets = [2], sizes = [1], strides = [1]} : vector<16xf32> to vector<1xf32>
    %squeeze3A_789 = vector.extract %slice3A_788[0] : f32 from vector<1xf32>
    %mul3A_790 = arith.mulf %select_n3A_561, %squeeze3A_789 : f32
    %slice3A_791 = vector.extract_strided_slice %get3A_20 {offsets = [3], sizes = [1], strides = [1]} : vector<16xf32> to vector<1xf32>
    %squeeze3A_792 = vector.extract %slice3A_791[0] : f32 from vector<1xf32>
    %mul3A_793 = arith.mulf %select_n3A_561, %squeeze3A_792 : f32
    %slice3A_794 = vector.extract_strided_slice %get3A_20 {offsets = [4], sizes = [1], strides = [1]} : vector<16xf32> to vector<1xf32>
    %squeeze3A_795 = vector.extract %slice3A_794[0] : f32 from vector<1xf32>
    %mul3A_796 = arith.mulf %select_n3A_561, %squeeze3A_795 : f32
    %slice3A_797 = vector.extract_strided_slice %get3A_20 {offsets = [5], sizes = [1], strides = [1]} : vector<16xf32> to vector<1xf32>
    %squeeze3A_798 = vector.extract %slice3A_797[0] : f32 from vector<1xf32>
    %mul3A_799 = arith.mulf %select_n3A_561, %squeeze3A_798 : f32
    %slice3A_800 = vector.extract_strided_slice %get3A_20 {offsets = [6], sizes = [1], strides = [1]} : vector<16xf32> to vector<1xf32>
    %squeeze3A_801 = vector.extract %slice3A_800[0] : f32 from vector<1xf32>
    %mul3A_802 = arith.mulf %select_n3A_561, %squeeze3A_801 : f32
    %slice3A_803 = vector.extract_strided_slice %get3A_20 {offsets = [7], sizes = [1], strides = [1]} : vector<16xf32> to vector<1xf32>
    %squeeze3A_804 = vector.extract %slice3A_803[0] : f32 from vector<1xf32>
    %mul3A_805 = arith.mulf %select_n3A_561, %squeeze3A_804 : f32
    %slice3A_806 = vector.extract_strided_slice %get3A_20 {offsets = [8], sizes = [1], strides = [1]} : vector<16xf32> to vector<1xf32>
    %squeeze3A_807 = vector.extract %slice3A_806[0] : f32 from vector<1xf32>
    %mul3A_808 = arith.mulf %select_n3A_561, %squeeze3A_807 : f32
    %slice3A_809 = vector.extract_strided_slice %get3A_20 {offsets = [9], sizes = [1], strides = [1]} : vector<16xf32> to vector<1xf32>
    %squeeze3A_810 = vector.extract %slice3A_809[0] : f32 from vector<1xf32>
    %mul3A_811 = arith.mulf %select_n3A_561, %squeeze3A_810 : f32
    %slice3A_812 = vector.extract_strided_slice %get3A_20 {offsets = [10], sizes = [1], strides = [1]} : vector<16xf32> to vector<1xf32>
    %squeeze3A_813 = vector.extract %slice3A_812[0] : f32 from vector<1xf32>
    %mul3A_814 = arith.mulf %select_n3A_561, %squeeze3A_813 : f32
    %slice3A_815 = vector.extract_strided_slice %get3A_20 {offsets = [11], sizes = [1], strides = [1]} : vector<16xf32> to vector<1xf32>
    %squeeze3A_816 = vector.extract %slice3A_815[0] : f32 from vector<1xf32>
    %mul3A_817 = arith.mulf %select_n3A_561, %squeeze3A_816 : f32
    %slice3A_818 = vector.extract_strided_slice %get3A_20 {offsets = [12], sizes = [1], strides = [1]} : vector<16xf32> to vector<1xf32>
    %squeeze3A_819 = vector.extract %slice3A_818[0] : f32 from vector<1xf32>
    %mul3A_820 = arith.mulf %select_n3A_561, %squeeze3A_819 : f32
    %slice3A_821 = vector.extract_strided_slice %get3A_20 {offsets = [13], sizes = [1], strides = [1]} : vector<16xf32> to vector<1xf32>
    %squeeze3A_822 = vector.extract %slice3A_821[0] : f32 from vector<1xf32>
    %mul3A_823 = arith.mulf %select_n3A_561, %squeeze3A_822 : f32
    %slice3A_824 = vector.extract_strided_slice %get3A_20 {offsets = [14], sizes = [1], strides = [1]} : vector<16xf32> to vector<1xf32>
    %squeeze3A_825 = vector.extract %slice3A_824[0] : f32 from vector<1xf32>
    %mul3A_826 = arith.mulf %select_n3A_561, %squeeze3A_825 : f32
    %slice3A_827 = vector.extract_strided_slice %get3A_20 {offsets = [15], sizes = [1], strides = [1]} : vector<16xf32> to vector<1xf32>
    %squeeze3A_828 = vector.extract %slice3A_827[0] : f32 from vector<1xf32>
    %mul3A_829 = arith.mulf %select_n3A_561, %squeeze3A_828 : f32
    %slice3A_830 = vector.extract_strided_slice %get3A_23 {offsets = [0], sizes = [1], strides = [1]} : vector<16xf32> to vector<1xf32>
    %squeeze3A_831 = vector.extract %slice3A_830[0] : f32 from vector<1xf32>
    %mul3A_832 = arith.mulf %select_n3A_561, %squeeze3A_831 : f32
    %slice3A_833 = vector.extract_strided_slice %get3A_23 {offsets = [1], sizes = [1], strides = [1]} : vector<16xf32> to vector<1xf32>
    %squeeze3A_834 = vector.extract %slice3A_833[0] : f32 from vector<1xf32>
    %mul3A_835 = arith.mulf %select_n3A_561, %squeeze3A_834 : f32
    %slice3A_836 = vector.extract_strided_slice %get3A_23 {offsets = [2], sizes = [1], strides = [1]} : vector<16xf32> to vector<1xf32>
    %squeeze3A_837 = vector.extract %slice3A_836[0] : f32 from vector<1xf32>
    %mul3A_838 = arith.mulf %select_n3A_561, %squeeze3A_837 : f32
    %slice3A_839 = vector.extract_strided_slice %get3A_23 {offsets = [3], sizes = [1], strides = [1]} : vector<16xf32> to vector<1xf32>
    %squeeze3A_840 = vector.extract %slice3A_839[0] : f32 from vector<1xf32>
    %mul3A_841 = arith.mulf %select_n3A_561, %squeeze3A_840 : f32
    %slice3A_842 = vector.extract_strided_slice %get3A_23 {offsets = [4], sizes = [1], strides = [1]} : vector<16xf32> to vector<1xf32>
    %squeeze3A_843 = vector.extract %slice3A_842[0] : f32 from vector<1xf32>
    %mul3A_844 = arith.mulf %select_n3A_561, %squeeze3A_843 : f32
    %slice3A_845 = vector.extract_strided_slice %get3A_23 {offsets = [5], sizes = [1], strides = [1]} : vector<16xf32> to vector<1xf32>
    %squeeze3A_846 = vector.extract %slice3A_845[0] : f32 from vector<1xf32>
    %mul3A_847 = arith.mulf %select_n3A_561, %squeeze3A_846 : f32
    %slice3A_848 = vector.extract_strided_slice %get3A_23 {offsets = [6], sizes = [1], strides = [1]} : vector<16xf32> to vector<1xf32>
    %squeeze3A_849 = vector.extract %slice3A_848[0] : f32 from vector<1xf32>
    %mul3A_850 = arith.mulf %select_n3A_561, %squeeze3A_849 : f32
    %slice3A_851 = vector.extract_strided_slice %get3A_23 {offsets = [7], sizes = [1], strides = [1]} : vector<16xf32> to vector<1xf32>
    %squeeze3A_852 = vector.extract %slice3A_851[0] : f32 from vector<1xf32>
    %mul3A_853 = arith.mulf %select_n3A_561, %squeeze3A_852 : f32
    %slice3A_854 = vector.extract_strided_slice %get3A_23 {offsets = [8], sizes = [1], strides = [1]} : vector<16xf32> to vector<1xf32>
    %squeeze3A_855 = vector.extract %slice3A_854[0] : f32 from vector<1xf32>
    %mul3A_856 = arith.mulf %select_n3A_561, %squeeze3A_855 : f32
    %slice3A_857 = vector.extract_strided_slice %get3A_23 {offsets = [9], sizes = [1], strides = [1]} : vector<16xf32> to vector<1xf32>
    %squeeze3A_858 = vector.extract %slice3A_857[0] : f32 from vector<1xf32>
    %mul3A_859 = arith.mulf %select_n3A_561, %squeeze3A_858 : f32
    %slice3A_860 = vector.extract_strided_slice %get3A_23 {offsets = [10], sizes = [1], strides = [1]} : vector<16xf32> to vector<1xf32>
    %squeeze3A_861 = vector.extract %slice3A_860[0] : f32 from vector<1xf32>
    %mul3A_862 = arith.mulf %select_n3A_561, %squeeze3A_861 : f32
    %slice3A_863 = vector.extract_strided_slice %get3A_23 {offsets = [11], sizes = [1], strides = [1]} : vector<16xf32> to vector<1xf32>
    %squeeze3A_864 = vector.extract %slice3A_863[0] : f32 from vector<1xf32>
    %mul3A_865 = arith.mulf %select_n3A_561, %squeeze3A_864 : f32
    %slice3A_866 = vector.extract_strided_slice %get3A_23 {offsets = [12], sizes = [1], strides = [1]} : vector<16xf32> to vector<1xf32>
    %squeeze3A_867 = vector.extract %slice3A_866[0] : f32 from vector<1xf32>
    %mul3A_868 = arith.mulf %select_n3A_561, %squeeze3A_867 : f32
    %slice3A_869 = vector.extract_strided_slice %get3A_23 {offsets = [13], sizes = [1], strides = [1]} : vector<16xf32> to vector<1xf32>
    %squeeze3A_870 = vector.extract %slice3A_869[0] : f32 from vector<1xf32>
    %mul3A_871 = arith.mulf %select_n3A_561, %squeeze3A_870 : f32
    %slice3A_872 = vector.extract_strided_slice %get3A_23 {offsets = [14], sizes = [1], strides = [1]} : vector<16xf32> to vector<1xf32>
    %squeeze3A_873 = vector.extract %slice3A_872[0] : f32 from vector<1xf32>
    %mul3A_874 = arith.mulf %select_n3A_561, %squeeze3A_873 : f32
    %slice3A_875 = vector.extract_strided_slice %get3A_23 {offsets = [15], sizes = [1], strides = [1]} : vector<16xf32> to vector<1xf32>
    %squeeze3A_876 = vector.extract %slice3A_875[0] : f32 from vector<1xf32>
    %mul3A_877 = arith.mulf %select_n3A_561, %squeeze3A_876 : f32
    %slice3A_878 = vector.extract_strided_slice %get3A_14 {offsets = [4], sizes = [1], strides = [1]} : vector<16xf32> to vector<1xf32>
    %squeeze3A_879 = vector.extract %slice3A_878[0] : f32 from vector<1xf32>
    %mul3A_880 = arith.mulf %select_n3A_551, %squeeze3A_879 : f32
    %slice3A_881 = vector.extract_strided_slice %get3A_26 {offsets = [0], sizes = [1], strides = [1]} : vector<16xf32> to vector<1xf32>
    %squeeze3A_882 = vector.extract %slice3A_881[0] : f32 from vector<1xf32>
    %mul3A_883 = arith.mulf %select_n3A_561, %squeeze3A_882 : f32
    %add3A_884 = arith.addf %mul3A_880, %mul3A_883 : f32
    %slice3A_885 = vector.extract_strided_slice %get3A_14 {offsets = [5], sizes = [1], strides = [1]} : vector<16xf32> to vector<1xf32>
    %squeeze3A_886 = vector.extract %slice3A_885[0] : f32 from vector<1xf32>
    %mul3A_887 = arith.mulf %select_n3A_551, %squeeze3A_886 : f32
    %slice3A_888 = vector.extract_strided_slice %get3A_26 {offsets = [1], sizes = [1], strides = [1]} : vector<16xf32> to vector<1xf32>
    %squeeze3A_889 = vector.extract %slice3A_888[0] : f32 from vector<1xf32>
    %mul3A_890 = arith.mulf %select_n3A_561, %squeeze3A_889 : f32
    %add3A_891 = arith.addf %mul3A_887, %mul3A_890 : f32
    %slice3A_892 = vector.extract_strided_slice %get3A_14 {offsets = [6], sizes = [1], strides = [1]} : vector<16xf32> to vector<1xf32>
    %squeeze3A_893 = vector.extract %slice3A_892[0] : f32 from vector<1xf32>
    %mul3A_894 = arith.mulf %select_n3A_551, %squeeze3A_893 : f32
    %slice3A_895 = vector.extract_strided_slice %get3A_26 {offsets = [2], sizes = [1], strides = [1]} : vector<16xf32> to vector<1xf32>
    %squeeze3A_896 = vector.extract %slice3A_895[0] : f32 from vector<1xf32>
    %mul3A_897 = arith.mulf %select_n3A_561, %squeeze3A_896 : f32
    %add3A_898 = arith.addf %mul3A_894, %mul3A_897 : f32
    %slice3A_899 = vector.extract_strided_slice %get3A_14 {offsets = [7], sizes = [1], strides = [1]} : vector<16xf32> to vector<1xf32>
    %squeeze3A_900 = vector.extract %slice3A_899[0] : f32 from vector<1xf32>
    %mul3A_901 = arith.mulf %select_n3A_551, %squeeze3A_900 : f32
    %slice3A_902 = vector.extract_strided_slice %get3A_26 {offsets = [3], sizes = [1], strides = [1]} : vector<16xf32> to vector<1xf32>
    %squeeze3A_903 = vector.extract %slice3A_902[0] : f32 from vector<1xf32>
    %mul3A_904 = arith.mulf %select_n3A_561, %squeeze3A_903 : f32
    %add3A_905 = arith.addf %mul3A_901, %mul3A_904 : f32
    %slice3A_906 = vector.extract_strided_slice %get3A_14 {offsets = [8], sizes = [1], strides = [1]} : vector<16xf32> to vector<1xf32>
    %squeeze3A_907 = vector.extract %slice3A_906[0] : f32 from vector<1xf32>
    %mul3A_908 = arith.mulf %select_n3A_551, %squeeze3A_907 : f32
    %slice3A_909 = vector.extract_strided_slice %get3A_26 {offsets = [4], sizes = [1], strides = [1]} : vector<16xf32> to vector<1xf32>
    %squeeze3A_910 = vector.extract %slice3A_909[0] : f32 from vector<1xf32>
    %mul3A_911 = arith.mulf %select_n3A_561, %squeeze3A_910 : f32
    %add3A_912 = arith.addf %mul3A_908, %mul3A_911 : f32
    %slice3A_913 = vector.extract_strided_slice %get3A_14 {offsets = [9], sizes = [1], strides = [1]} : vector<16xf32> to vector<1xf32>
    %squeeze3A_914 = vector.extract %slice3A_913[0] : f32 from vector<1xf32>
    %mul3A_915 = arith.mulf %select_n3A_551, %squeeze3A_914 : f32
    %slice3A_916 = vector.extract_strided_slice %get3A_26 {offsets = [5], sizes = [1], strides = [1]} : vector<16xf32> to vector<1xf32>
    %squeeze3A_917 = vector.extract %slice3A_916[0] : f32 from vector<1xf32>
    %mul3A_918 = arith.mulf %select_n3A_561, %squeeze3A_917 : f32
    %add3A_919 = arith.addf %mul3A_915, %mul3A_918 : f32
    %slice3A_920 = vector.extract_strided_slice %get3A_14 {offsets = [10], sizes = [1], strides = [1]} : vector<16xf32> to vector<1xf32>
    %squeeze3A_921 = vector.extract %slice3A_920[0] : f32 from vector<1xf32>
    %mul3A_922 = arith.mulf %select_n3A_551, %squeeze3A_921 : f32
    %slice3A_923 = vector.extract_strided_slice %get3A_26 {offsets = [6], sizes = [1], strides = [1]} : vector<16xf32> to vector<1xf32>
    %squeeze3A_924 = vector.extract %slice3A_923[0] : f32 from vector<1xf32>
    %mul3A_925 = arith.mulf %select_n3A_561, %squeeze3A_924 : f32
    %add3A_926 = arith.addf %mul3A_922, %mul3A_925 : f32
    %slice3A_927 = vector.extract_strided_slice %get3A_14 {offsets = [11], sizes = [1], strides = [1]} : vector<16xf32> to vector<1xf32>
    %squeeze3A_928 = vector.extract %slice3A_927[0] : f32 from vector<1xf32>
    %mul3A_929 = arith.mulf %select_n3A_551, %squeeze3A_928 : f32
    %slice3A_930 = vector.extract_strided_slice %get3A_26 {offsets = [7], sizes = [1], strides = [1]} : vector<16xf32> to vector<1xf32>
    %squeeze3A_931 = vector.extract %slice3A_930[0] : f32 from vector<1xf32>
    %mul3A_932 = arith.mulf %select_n3A_561, %squeeze3A_931 : f32
    %add3A_933 = arith.addf %mul3A_929, %mul3A_932 : f32
    %scan3A_934 = arith.constant 0 : i32
    %scan3A_935 = arith.constant 0 : i32
    %scan3A_936 = arith.constant 14 : i32
    %scan3A_937 = arith.addi %scan3A_935, %scan3A_936 : i32
    %scan3A_938 = arith.constant 1 : i32
    %scan3A_939 = scf.for %scan3A_1860 = %scan3A_935 to %scan3A_937 step %scan3A_938 iter_args(%scan3A_1861 = %scan3A_934) -> (i32)  : i32 {
      %dma_start3A = arith.constant 0 : i32
      %dma_start3A_1862 = arith.constant 0 : i32
      %dma_start3A_1863 = tpu.memref_slice %arg2[%add3A_31, %dma_start3A, %scan3A_1860, %dma_start3A_1862] : memref<64x4x14x3584xf32, #tpu.memory_space<hbm>> -> memref<1x4x1x3584xf32, #tpu.memory_space<hbm>>
      %dma_start3A_1864 = tpu.memref_squeeze %dma_start3A_1863 : memref<1x4x1x3584xf32, #tpu.memory_space<hbm>> -> memref<4x3584xf32, #tpu.memory_space<hbm>>
      %dma_start3A_1865 = arith.constant 0 : i32
      %dma_start3A_1866 = arith.constant 0 : i32
      %dma_start3A_1867 = tpu.memref_slice %arg2[%add3A_31, %dma_start3A_1865, %scan3A_1860, %dma_start3A_1866] : memref<64x4x14x3584xf32, #tpu.memory_space<hbm>> -> memref<1x4x1x3584xf32, #tpu.memory_space<hbm>>
      %dma_start3A_1868 = tpu.memref_squeeze %dma_start3A_1867 : memref<1x4x1x3584xf32, #tpu.memory_space<hbm>> -> memref<4x3584xf32, #tpu.memory_space<hbm>>
      tpu.enqueue_dma source(%dma_start3A_1868 : memref<4x3584xf32, #tpu.memory_space<hbm>>) target(%arg7 : memref<4x3584xf32, #tpu.memory_space<vmem>>) target_semaphore(%arg12 : memref<!tpu.dma_semaphore, #tpu.memory_space<semaphore_mem>>)
      %dma_wait3A = arith.constant 0 : i32
      %dma_wait3A_1869 = arith.constant 0 : i32
      %dma_wait3A_1870 = tpu.memref_slice %arg2[%add3A_31, %dma_wait3A, %scan3A_1860, %dma_wait3A_1869] : memref<64x4x14x3584xf32, #tpu.memory_space<hbm>> -> memref<1x4x1x3584xf32, #tpu.memory_space<hbm>>
      %dma_wait3A_1871 = tpu.memref_squeeze %dma_wait3A_1870 : memref<1x4x1x3584xf32, #tpu.memory_space<hbm>> -> memref<4x3584xf32, #tpu.memory_space<hbm>>
      %dma_wait3A_1872 = arith.constant 0 : i32
      %dma_wait3A_1873 = arith.constant 0 : i32
      %dma_wait3A_1874 = tpu.memref_slice %arg2[%add3A_31, %dma_wait3A_1872, %scan3A_1860, %dma_wait3A_1873] : memref<64x4x14x3584xf32, #tpu.memory_space<hbm>> -> memref<1x4x1x3584xf32, #tpu.memory_space<hbm>>
      %dma_wait3A_1875 = tpu.memref_squeeze %dma_wait3A_1874 : memref<1x4x1x3584xf32, #tpu.memory_space<hbm>> -> memref<4x3584xf32, #tpu.memory_space<hbm>>
      tpu.wait_dma2 semaphore(%arg12 : memref<!tpu.dma_semaphore, #tpu.memory_space<semaphore_mem>>) src(%dma_wait3A_1875 : memref<4x3584xf32, #tpu.memory_space<hbm>>) dst(%arg7 : memref<4x3584xf32, #tpu.memory_space<vmem>>)
      %dma_start3A_1876 = arith.constant 0 : i32
      %dma_start3A_1877 = arith.constant 0 : i32
      %dma_start3A_1878 = tpu.memref_slice %arg3[%add3A_31, %dma_start3A_1876, %scan3A_1860, %dma_start3A_1877] : memref<64x4x14x3584xf32, #tpu.memory_space<hbm>> -> memref<1x4x1x3584xf32, #tpu.memory_space<hbm>>
      %dma_start3A_1879 = tpu.memref_squeeze %dma_start3A_1878 : memref<1x4x1x3584xf32, #tpu.memory_space<hbm>> -> memref<4x3584xf32, #tpu.memory_space<hbm>>
      %dma_start3A_1880 = arith.constant 0 : i32
      %dma_start3A_1881 = arith.constant 0 : i32
      %dma_start3A_1882 = tpu.memref_slice %arg3[%add3A_31, %dma_start3A_1880, %scan3A_1860, %dma_start3A_1881] : memref<64x4x14x3584xf32, #tpu.memory_space<hbm>> -> memref<1x4x1x3584xf32, #tpu.memory_space<hbm>>
      %dma_start3A_1883 = tpu.memref_squeeze %dma_start3A_1882 : memref<1x4x1x3584xf32, #tpu.memory_space<hbm>> -> memref<4x3584xf32, #tpu.memory_space<hbm>>
      tpu.enqueue_dma source(%dma_start3A_1883 : memref<4x3584xf32, #tpu.memory_space<hbm>>) target(%arg8 : memref<4x3584xf32, #tpu.memory_space<vmem>>) target_semaphore(%arg12 : memref<!tpu.dma_semaphore, #tpu.memory_space<semaphore_mem>>)
      %dma_wait3A_1884 = arith.constant 0 : i32
      %dma_wait3A_1885 = arith.constant 0 : i32
      %dma_wait3A_1886 = tpu.memref_slice %arg3[%add3A_31, %dma_wait3A_1884, %scan3A_1860, %dma_wait3A_1885] : memref<64x4x14x3584xf32, #tpu.memory_space<hbm>> -> memref<1x4x1x3584xf32, #tpu.memory_space<hbm>>
      %dma_wait3A_1887 = tpu.memref_squeeze %dma_wait3A_1886 : memref<1x4x1x3584xf32, #tpu.memory_space<hbm>> -> memref<4x3584xf32, #tpu.memory_space<hbm>>
      %dma_wait3A_1888 = arith.constant 0 : i32
      %dma_wait3A_1889 = arith.constant 0 : i32
      %dma_wait3A_1890 = tpu.memref_slice %arg3[%add3A_31, %dma_wait3A_1888, %scan3A_1860, %dma_wait3A_1889] : memref<64x4x14x3584xf32, #tpu.memory_space<hbm>> -> memref<1x4x1x3584xf32, #tpu.memory_space<hbm>>
      %dma_wait3A_1891 = tpu.memref_squeeze %dma_wait3A_1890 : memref<1x4x1x3584xf32, #tpu.memory_space<hbm>> -> memref<4x3584xf32, #tpu.memory_space<hbm>>
      tpu.wait_dma2 semaphore(%arg12 : memref<!tpu.dma_semaphore, #tpu.memory_space<semaphore_mem>>) src(%dma_wait3A_1891 : memref<4x3584xf32, #tpu.memory_space<hbm>>) dst(%arg8 : memref<4x3584xf32, #tpu.memory_space<vmem>>)
      %scan3A_1892 = arith.constant 0 : i32
      %scan3A_1893 = arith.constant 0 : i32
      %scan3A_1894 = arith.constant 224 : i32
      %scan3A_1895 = arith.addi %scan3A_1893, %scan3A_1894 : i32
      %scan3A_1896 = arith.constant 1 : i32
      %scan3A_1897 = scf.for %scan3A_1900 = %scan3A_1893 to %scan3A_1895 step %scan3A_1896 iter_args(%scan3A_1901 = %scan3A_1892) -> (i32)  : i32 {
        %mul3A_1902 = arith.constant 16 : i32
        %mul3A_1903 = arith.muli %scan3A_1900, %mul3A_1902 : i32
        %get3A_1904 = arith.constant 0 : i32
        %get3A_1905 = arith.index_cast %get3A_1904 : i32 to index
        %get3A_1906 = arith.index_cast %mul3A_1903 : i32 to index
        %get3A_1907 = tpu.vector_load %arg7[%get3A_1905, %get3A_1906] {strides = array<i32>} : memref<4x3584xf32, #tpu.memory_space<vmem>>, vector<1x16xf32>,
        %get3A_1908 = vector.shape_cast %get3A_1907 : vector<1x16xf32> to vector<16xf32>
        %get3A_1909 = arith.constant 1 : i32
        %get3A_1910 = arith.index_cast %get3A_1909 : i32 to index
        %get3A_1911 = arith.index_cast %mul3A_1903 : i32 to index
        %get3A_1912 = tpu.vector_load %arg7[%get3A_1910, %get3A_1911] {strides = array<i32>} : memref<4x3584xf32, #tpu.memory_space<vmem>>, vector<1x16xf32>,
        %get3A_1913 = vector.shape_cast %get3A_1912 : vector<1x16xf32> to vector<16xf32>
        %get3A_1914 = arith.constant 2 : i32
        %get3A_1915 = arith.index_cast %get3A_1914 : i32 to index
        %get3A_1916 = arith.index_cast %mul3A_1903 : i32 to index
        %get3A_1917 = tpu.vector_load %arg7[%get3A_1915, %get3A_1916] {strides = array<i32>} : memref<4x3584xf32, #tpu.memory_space<vmem>>, vector<1x16xf32>,
        %get3A_1918 = vector.shape_cast %get3A_1917 : vector<1x16xf32> to vector<16xf32>
        %get3A_1919 = arith.constant 3 : i32
        %get3A_1920 = arith.index_cast %get3A_1919 : i32 to index
        %get3A_1921 = arith.index_cast %mul3A_1903 : i32 to index
        %get3A_1922 = tpu.vector_load %arg7[%get3A_1920, %get3A_1921] {strides = array<i32>} : memref<4x3584xf32, #tpu.memory_space<vmem>>, vector<1x16xf32>,
        %get3A_1923 = vector.shape_cast %get3A_1922 : vector<1x16xf32> to vector<16xf32>
        %get3A_1924 = arith.constant 0 : i32
        %get3A_1925 = arith.index_cast %get3A_1924 : i32 to index
        %get3A_1926 = arith.index_cast %mul3A_1903 : i32 to index
        %get3A_1927 = tpu.vector_load %arg8[%get3A_1925, %get3A_1926] {strides = array<i32>} : memref<4x3584xf32, #tpu.memory_space<vmem>>, vector<1x16xf32>,
        %get3A_1928 = vector.shape_cast %get3A_1927 : vector<1x16xf32> to vector<16xf32>
        %get3A_1929 = arith.constant 1 : i32
        %get3A_1930 = arith.index_cast %get3A_1929 : i32 to index
        %get3A_1931 = arith.index_cast %mul3A_1903 : i32 to index
        %get3A_1932 = tpu.vector_load %arg8[%get3A_1930, %get3A_1931] {strides = array<i32>} : memref<4x3584xf32, #tpu.memory_space<vmem>>, vector<1x16xf32>,
        %get3A_1933 = vector.shape_cast %get3A_1932 : vector<1x16xf32> to vector<16xf32>
        %get3A_1934 = arith.constant 2 : i32
        %get3A_1935 = arith.index_cast %get3A_1934 : i32 to index
        %get3A_1936 = arith.index_cast %mul3A_1903 : i32 to index
        %get3A_1937 = tpu.vector_load %arg8[%get3A_1935, %get3A_1936] {strides = array<i32>} : memref<4x3584xf32, #tpu.memory_space<vmem>>, vector<1x16xf32>,
        %get3A_1938 = vector.shape_cast %get3A_1937 : vector<1x16xf32> to vector<16xf32>
        %get3A_1939 = arith.constant 3 : i32
        %get3A_1940 = arith.index_cast %get3A_1939 : i32 to index
        %get3A_1941 = arith.index_cast %mul3A_1903 : i32 to index
        %get3A_1942 = tpu.vector_load %arg8[%get3A_1940, %get3A_1941] {strides = array<i32>} : memref<4x3584xf32, #tpu.memory_space<vmem>>, vector<1x16xf32>,
        %get3A_1943 = vector.shape_cast %get3A_1942 : vector<1x16xf32> to vector<16xf32>
        %mul3A_1944 = vector.broadcast %mul3A_564 : f32 to vector<16xf32>
        %mul3A_1945 = arith.mulf %mul3A_1944, %get3A_1908 : vector<16xf32>
        %mul3A_1946 = vector.broadcast %mul3A_567 : f32 to vector<16xf32>
        %mul3A_1947 = arith.mulf %mul3A_1946, %get3A_1913 : vector<16xf32>
        %add3A_1948 = arith.addf %mul3A_1945, %mul3A_1947 : vector<16xf32>
        %mul3A_1949 = vector.broadcast %mul3A_570 : f32 to vector<16xf32>
        %mul3A_1950 = arith.mulf %mul3A_1949, %get3A_1918 : vector<16xf32>
        %add3A_1951 = arith.addf %add3A_1948, %mul3A_1950 : vector<16xf32>
        %mul3A_1952 = vector.broadcast %mul3A_573 : f32 to vector<16xf32>
        %mul3A_1953 = arith.mulf %mul3A_1952, %get3A_1923 : vector<16xf32>
        %add3A_1954 = arith.addf %add3A_1951, %mul3A_1953 : vector<16xf32>
        %mul3A_1955 = vector.broadcast %mul3A_612 : f32 to vector<16xf32>
        %mul3A_1956 = arith.mulf %mul3A_1955, %get3A_1928 : vector<16xf32>
        %add3A_1957 = arith.addf %add3A_1954, %mul3A_1956 : vector<16xf32>
        %mul3A_1958 = vector.broadcast %mul3A_615 : f32 to vector<16xf32>
        %mul3A_1959 = arith.mulf %mul3A_1958, %get3A_1933 : vector<16xf32>
        %add3A_1960 = arith.addf %add3A_1957, %mul3A_1959 : vector<16xf32>
        %mul3A_1961 = vector.broadcast %mul3A_618 : f32 to vector<16xf32>
        %mul3A_1962 = arith.mulf %mul3A_1961, %get3A_1938 : vector<16xf32>
        %add3A_1963 = arith.addf %add3A_1960, %mul3A_1962 : vector<16xf32>
        %mul3A_1964 = vector.broadcast %mul3A_621 : f32 to vector<16xf32>
        %mul3A_1965 = arith.mulf %mul3A_1964, %get3A_1943 : vector<16xf32>
        %add3A_1966 = arith.addf %add3A_1963, %mul3A_1965 : vector<16xf32>
        %add3A_1967 = vector.broadcast %add3A_664 : f32 to vector<16xf32>
        %add3A_1968 = arith.addf %add3A_1966, %add3A_1967 : vector<16xf32>
        %swap3A = arith.constant 0 : i32
        %swap3A_1969 = arith.index_cast %swap3A : i32 to index
        %swap3A_1970 = arith.index_cast %mul3A_1903 : i32 to index
        %swap3A_1971 = tpu.vector_load %arg9[%swap3A_1969, %swap3A_1970] {strides = array<i32>} : memref<4x3584xf32, #tpu.memory_space<vmem>>, vector<1x16xf32>,
        %swap3A_1972 = vector.shape_cast %swap3A_1971 : vector<1x16xf32> to vector<16xf32>
        %swap3A_1973 = vector.shape_cast %add3A_1968 : vector<16xf32> to vector<1x16xf32>
        tpu.vector_store %arg9[%swap3A_1969, %swap3A_1970], %swap3A_1973 {strides = array<i32>} : memref<4x3584xf32, #tpu.memory_space<vmem>>, vector<1x16xf32>,
        %mul3A_1974 = vector.broadcast %mul3A_576 : f32 to vector<16xf32>
        %mul3A_1975 = arith.mulf %mul3A_1974, %get3A_1908 : vector<16xf32>
        %mul3A_1976 = vector.broadcast %mul3A_579 : f32 to vector<16xf32>
        %mul3A_1977 = arith.mulf %mul3A_1976, %get3A_1913 : vector<16xf32>
        %add3A_1978 = arith.addf %mul3A_1975, %mul3A_1977 : vector<16xf32>
        %mul3A_1979 = vector.broadcast %mul3A_582 : f32 to vector<16xf32>
        %mul3A_1980 = arith.mulf %mul3A_1979, %get3A_1918 : vector<16xf32>
        %add3A_1981 = arith.addf %add3A_1978, %mul3A_1980 : vector<16xf32>
        %mul3A_1982 = vector.broadcast %mul3A_585 : f32 to vector<16xf32>
        %mul3A_1983 = arith.mulf %mul3A_1982, %get3A_1923 : vector<16xf32>
        %add3A_1984 = arith.addf %add3A_1981, %mul3A_1983 : vector<16xf32>
        %mul3A_1985 = vector.broadcast %mul3A_624 : f32 to vector<16xf32>
        %mul3A_1986 = arith.mulf %mul3A_1985, %get3A_1928 : vector<16xf32>
        %add3A_1987 = arith.addf %add3A_1984, %mul3A_1986 : vector<16xf32>
        %mul3A_1988 = vector.broadcast %mul3A_627 : f32 to vector<16xf32>
        %mul3A_1989 = arith.mulf %mul3A_1988, %get3A_1933 : vector<16xf32>
        %add3A_1990 = arith.addf %add3A_1987, %mul3A_1989 : vector<16xf32>
        %mul3A_1991 = vector.broadcast %mul3A_630 : f32 to vector<16xf32>
        %mul3A_1992 = arith.mulf %mul3A_1991, %get3A_1938 : vector<16xf32>
        %add3A_1993 = arith.addf %add3A_1990, %mul3A_1992 : vector<16xf32>
        %mul3A_1994 = vector.broadcast %mul3A_633 : f32 to vector<16xf32>
        %mul3A_1995 = arith.mulf %mul3A_1994, %get3A_1943 : vector<16xf32>
        %add3A_1996 = arith.addf %add3A_1993, %mul3A_1995 : vector<16xf32>
        %add3A_1997 = vector.broadcast %add3A_671 : f32 to vector<16xf32>
        %add3A_1998 = arith.addf %add3A_1996, %add3A_1997 : vector<16xf32>
        %swap3A_1999 = arith.constant 1 : i32
        %swap3A_2000 = arith.index_cast %swap3A_1999 : i32 to index
        %swap3A_2001 = arith.index_cast %mul3A_1903 : i32 to index
        %swap3A_2002 = tpu.vector_load %arg9[%swap3A_2000, %swap3A_2001] {strides = array<i32>} : memref<4x3584xf32, #tpu.memory_space<vmem>>, vector<1x16xf32>,
        %swap3A_2003 = vector.shape_cast %swap3A_2002 : vector<1x16xf32> to vector<16xf32>
        %swap3A_2004 = vector.shape_cast %add3A_1998 : vector<16xf32> to vector<1x16xf32>
        tpu.vector_store %arg9[%swap3A_2000, %swap3A_2001], %swap3A_2004 {strides = array<i32>} : memref<4x3584xf32, #tpu.memory_space<vmem>>, vector<1x16xf32>,
        %mul3A_2005 = vector.broadcast %mul3A_588 : f32 to vector<16xf32>
        %mul3A_2006 = arith.mulf %mul3A_2005, %get3A_1908 : vector<16xf32>
        %mul3A_2007 = vector.broadcast %mul3A_591 : f32 to vector<16xf32>
        %mul3A_2008 = arith.mulf %mul3A_2007, %get3A_1913 : vector<16xf32>
        %add3A_2009 = arith.addf %mul3A_2006, %mul3A_2008 : vector<16xf32>
        %mul3A_2010 = vector.broadcast %mul3A_594 : f32 to vector<16xf32>
        %mul3A_2011 = arith.mulf %mul3A_2010, %get3A_1918 : vector<16xf32>
        %add3A_2012 = arith.addf %add3A_2009, %mul3A_2011 : vector<16xf32>
        %mul3A_2013 = vector.broadcast %mul3A_597 : f32 to vector<16xf32>
        %mul3A_2014 = arith.mulf %mul3A_2013, %get3A_1923 : vector<16xf32>
        %add3A_2015 = arith.addf %add3A_2012, %mul3A_2014 : vector<16xf32>
        %mul3A_2016 = vector.broadcast %mul3A_636 : f32 to vector<16xf32>
        %mul3A_2017 = arith.mulf %mul3A_2016, %get3A_1928 : vector<16xf32>
        %add3A_2018 = arith.addf %add3A_2015, %mul3A_2017 : vector<16xf32>
        %mul3A_2019 = vector.broadcast %mul3A_639 : f32 to vector<16xf32>
        %mul3A_2020 = arith.mulf %mul3A_2019, %get3A_1933 : vector<16xf32>
        %add3A_2021 = arith.addf %add3A_2018, %mul3A_2020 : vector<16xf32>
        %mul3A_2022 = vector.broadcast %mul3A_642 : f32 to vector<16xf32>
        %mul3A_2023 = arith.mulf %mul3A_2022, %get3A_1938 : vector<16xf32>
        %add3A_2024 = arith.addf %add3A_2021, %mul3A_2023 : vector<16xf32>
        %mul3A_2025 = vector.broadcast %mul3A_645 : f32 to vector<16xf32>
        %mul3A_2026 = arith.mulf %mul3A_2025, %get3A_1943 : vector<16xf32>
        %add3A_2027 = arith.addf %add3A_2024, %mul3A_2026 : vector<16xf32>
        %add3A_2028 = vector.broadcast %add3A_678 : f32 to vector<16xf32>
        %add3A_2029 = arith.addf %add3A_2027, %add3A_2028 : vector<16xf32>
        %swap3A_2030 = arith.constant 2 : i32
        %swap3A_2031 = arith.index_cast %swap3A_2030 : i32 to index
        %swap3A_2032 = arith.index_cast %mul3A_1903 : i32 to index
        %swap3A_2033 = tpu.vector_load %arg9[%swap3A_2031, %swap3A_2032] {strides = array<i32>} : memref<4x3584xf32, #tpu.memory_space<vmem>>, vector<1x16xf32>,
        %swap3A_2034 = vector.shape_cast %swap3A_2033 : vector<1x16xf32> to vector<16xf32>
        %swap3A_2035 = vector.shape_cast %add3A_2029 : vector<16xf32> to vector<1x16xf32>
        tpu.vector_store %arg9[%swap3A_2031, %swap3A_2032], %swap3A_2035 {strides = array<i32>} : memref<4x3584xf32, #tpu.memory_space<vmem>>, vector<1x16xf32>,
        %mul3A_2036 = vector.broadcast %mul3A_600 : f32 to vector<16xf32>
        %mul3A_2037 = arith.mulf %mul3A_2036, %get3A_1908 : vector<16xf32>
        %mul3A_2038 = vector.broadcast %mul3A_603 : f32 to vector<16xf32>
        %mul3A_2039 = arith.mulf %mul3A_2038, %get3A_1913 : vector<16xf32>
        %add3A_2040 = arith.addf %mul3A_2037, %mul3A_2039 : vector<16xf32>
        %mul3A_2041 = vector.broadcast %mul3A_606 : f32 to vector<16xf32>
        %mul3A_2042 = arith.mulf %mul3A_2041, %get3A_1918 : vector<16xf32>
        %add3A_2043 = arith.addf %add3A_2040, %mul3A_2042 : vector<16xf32>
        %mul3A_2044 = vector.broadcast %mul3A_609 : f32 to vector<16xf32>
        %mul3A_2045 = arith.mulf %mul3A_2044, %get3A_1923 : vector<16xf32>
        %add3A_2046 = arith.addf %add3A_2043, %mul3A_2045 : vector<16xf32>
        %mul3A_2047 = vector.broadcast %mul3A_648 : f32 to vector<16xf32>
        %mul3A_2048 = arith.mulf %mul3A_2047, %get3A_1928 : vector<16xf32>
        %add3A_2049 = arith.addf %add3A_2046, %mul3A_2048 : vector<16xf32>
        %mul3A_2050 = vector.broadcast %mul3A_651 : f32 to vector<16xf32>
        %mul3A_2051 = arith.mulf %mul3A_2050, %get3A_1933 : vector<16xf32>
        %add3A_2052 = arith.addf %add3A_2049, %mul3A_2051 : vector<16xf32>
        %mul3A_2053 = vector.broadcast %mul3A_654 : f32 to vector<16xf32>
        %mul3A_2054 = arith.mulf %mul3A_2053, %get3A_1938 : vector<16xf32>
        %add3A_2055 = arith.addf %add3A_2052, %mul3A_2054 : vector<16xf32>
        %mul3A_2056 = vector.broadcast %mul3A_657 : f32 to vector<16xf32>
        %mul3A_2057 = arith.mulf %mul3A_2056, %get3A_1943 : vector<16xf32>
        %add3A_2058 = arith.addf %add3A_2055, %mul3A_2057 : vector<16xf32>
        %add3A_2059 = vector.broadcast %add3A_685 : f32 to vector<16xf32>
        %add3A_2060 = arith.addf %add3A_2058, %add3A_2059 : vector<16xf32>
        %swap3A_2061 = arith.constant 3 : i32
        %swap3A_2062 = arith.index_cast %swap3A_2061 : i32 to index
        %swap3A_2063 = arith.index_cast %mul3A_1903 : i32 to index
        %swap3A_2064 = tpu.vector_load %arg9[%swap3A_2062, %swap3A_2063] {strides = array<i32>} : memref<4x3584xf32, #tpu.memory_space<vmem>>, vector<1x16xf32>,
        %swap3A_2065 = vector.shape_cast %swap3A_2064 : vector<1x16xf32> to vector<16xf32>
        %swap3A_2066 = vector.shape_cast %add3A_2060 : vector<16xf32> to vector<1x16xf32>
        tpu.vector_store %arg9[%swap3A_2062, %swap3A_2063], %swap3A_2066 {strides = array<i32>} : memref<4x3584xf32, #tpu.memory_space<vmem>>, vector<1x16xf32>,
        %mul3A_2067 = vector.broadcast %mul3A_688 : f32 to vector<16xf32>
        %mul3A_2068 = arith.mulf %mul3A_2067, %get3A_1908 : vector<16xf32>
        %mul3A_2069 = vector.broadcast %mul3A_691 : f32 to vector<16xf32>
        %mul3A_2070 = arith.mulf %mul3A_2069, %get3A_1913 : vector<16xf32>
        %add3A_2071 = arith.addf %mul3A_2068, %mul3A_2070 : vector<16xf32>
        %mul3A_2072 = vector.broadcast %mul3A_694 : f32 to vector<16xf32>
        %mul3A_2073 = arith.mulf %mul3A_2072, %get3A_1918 : vector<16xf32>
        %add3A_2074 = arith.addf %add3A_2071, %mul3A_2073 : vector<16xf32>
        %mul3A_2075 = vector.broadcast %mul3A_697 : f32 to vector<16xf32>
        %mul3A_2076 = arith.mulf %mul3A_2075, %get3A_1923 : vector<16xf32>
        %add3A_2077 = arith.addf %add3A_2074, %mul3A_2076 : vector<16xf32>
        %mul3A_2078 = vector.broadcast %mul3A_784 : f32 to vector<16xf32>
        %mul3A_2079 = arith.mulf %mul3A_2078, %get3A_1928 : vector<16xf32>
        %add3A_2080 = arith.addf %add3A_2077, %mul3A_2079 : vector<16xf32>
        %mul3A_2081 = vector.broadcast %mul3A_787 : f32 to vector<16xf32>
        %mul3A_2082 = arith.mulf %mul3A_2081, %get3A_1933 : vector<16xf32>
        %add3A_2083 = arith.addf %add3A_2080, %mul3A_2082 : vector<16xf32>
        %mul3A_2084 = vector.broadcast %mul3A_790 : f32 to vector<16xf32>
        %mul3A_2085 = arith.mulf %mul3A_2084, %get3A_1938 : vector<16xf32>
        %add3A_2086 = arith.addf %add3A_2083, %mul3A_2085 : vector<16xf32>
        %mul3A_2087 = vector.broadcast %mul3A_793 : f32 to vector<16xf32>
        %mul3A_2088 = arith.mulf %mul3A_2087, %get3A_1943 : vector<16xf32>
        %add3A_2089 = arith.addf %add3A_2086, %mul3A_2088 : vector<16xf32>
        %add3A_2090 = vector.broadcast %add3A_884 : f32 to vector<16xf32>
        %add3A_2091 = arith.addf %add3A_2089, %add3A_2090 : vector<16xf32>
        %swap3A_2092 = arith.constant 0 : i32
        %swap3A_2093 = arith.index_cast %swap3A_2092 : i32 to index
        %swap3A_2094 = arith.index_cast %mul3A_1903 : i32 to index
        %swap3A_2095 = tpu.vector_load %arg10[%swap3A_2093, %swap3A_2094] {strides = array<i32>} : memref<8x3584xf32, #tpu.memory_space<vmem>>, vector<1x16xf32>,
        %swap3A_2096 = vector.shape_cast %swap3A_2095 : vector<1x16xf32> to vector<16xf32>
        %swap3A_2097 = vector.shape_cast %add3A_2091 : vector<16xf32> to vector<1x16xf32>
        tpu.vector_store %arg10[%swap3A_2093, %swap3A_2094], %swap3A_2097 {strides = array<i32>} : memref<8x3584xf32, #tpu.memory_space<vmem>>, vector<1x16xf32>,
        %mul3A_2098 = vector.broadcast %mul3A_700 : f32 to vector<16xf32>
        %mul3A_2099 = arith.mulf %mul3A_2098, %get3A_1908 : vector<16xf32>
        %mul3A_2100 = vector.broadcast %mul3A_703 : f32 to vector<16xf32>
        %mul3A_2101 = arith.mulf %mul3A_2100, %get3A_1913 : vector<16xf32>
        %add3A_2102 = arith.addf %mul3A_2099, %mul3A_2101 : vector<16xf32>
        %mul3A_2103 = vector.broadcast %mul3A_706 : f32 to vector<16xf32>
        %mul3A_2104 = arith.mulf %mul3A_2103, %get3A_1918 : vector<16xf32>
        %add3A_2105 = arith.addf %add3A_2102, %mul3A_2104 : vector<16xf32>
        %mul3A_2106 = vector.broadcast %mul3A_709 : f32 to vector<16xf32>
        %mul3A_2107 = arith.mulf %mul3A_2106, %get3A_1923 : vector<16xf32>
        %add3A_2108 = arith.addf %add3A_2105, %mul3A_2107 : vector<16xf32>
        %mul3A_2109 = vector.broadcast %mul3A_796 : f32 to vector<16xf32>
        %mul3A_2110 = arith.mulf %mul3A_2109, %get3A_1928 : vector<16xf32>
        %add3A_2111 = arith.addf %add3A_2108, %mul3A_2110 : vector<16xf32>
        %mul3A_2112 = vector.broadcast %mul3A_799 : f32 to vector<16xf32>
        %mul3A_2113 = arith.mulf %mul3A_2112, %get3A_1933 : vector<16xf32>
        %add3A_2114 = arith.addf %add3A_2111, %mul3A_2113 : vector<16xf32>
        %mul3A_2115 = vector.broadcast %mul3A_802 : f32 to vector<16xf32>
        %mul3A_2116 = arith.mulf %mul3A_2115, %get3A_1938 : vector<16xf32>
        %add3A_2117 = arith.addf %add3A_2114, %mul3A_2116 : vector<16xf32>
        %mul3A_2118 = vector.broadcast %mul3A_805 : f32 to vector<16xf32>
        %mul3A_2119 = arith.mulf %mul3A_2118, %get3A_1943 : vector<16xf32>
        %add3A_2120 = arith.addf %add3A_2117, %mul3A_2119 : vector<16xf32>
        %add3A_2121 = vector.broadcast %add3A_891 : f32 to vector<16xf32>
        %add3A_2122 = arith.addf %add3A_2120, %add3A_2121 : vector<16xf32>
        %swap3A_2123 = arith.constant 1 : i32
        %swap3A_2124 = arith.index_cast %swap3A_2123 : i32 to index
        %swap3A_2125 = arith.index_cast %mul3A_1903 : i32 to index
        %swap3A_2126 = tpu.vector_load %arg10[%swap3A_2124, %swap3A_2125] {strides = array<i32>} : memref<8x3584xf32, #tpu.memory_space<vmem>>, vector<1x16xf32>,
        %swap3A_2127 = vector.shape_cast %swap3A_2126 : vector<1x16xf32> to vector<16xf32>
        %swap3A_2128 = vector.shape_cast %add3A_2122 : vector<16xf32> to vector<1x16xf32>
        tpu.vector_store %arg10[%swap3A_2124, %swap3A_2125], %swap3A_2128 {strides = array<i32>} : memref<8x3584xf32, #tpu.memory_space<vmem>>, vector<1x16xf32>,
        %mul3A_2129 = vector.broadcast %mul3A_712 : f32 to vector<16xf32>
        %mul3A_2130 = arith.mulf %mul3A_2129, %get3A_1908 : vector<16xf32>
        %mul3A_2131 = vector.broadcast %mul3A_715 : f32 to vector<16xf32>
        %mul3A_2132 = arith.mulf %mul3A_2131, %get3A_1913 : vector<16xf32>
        %add3A_2133 = arith.addf %mul3A_2130, %mul3A_2132 : vector<16xf32>
        %mul3A_2134 = vector.broadcast %mul3A_718 : f32 to vector<16xf32>
        %mul3A_2135 = arith.mulf %mul3A_2134, %get3A_1918 : vector<16xf32>
        %add3A_2136 = arith.addf %add3A_2133, %mul3A_2135 : vector<16xf32>
        %mul3A_2137 = vector.broadcast %mul3A_721 : f32 to vector<16xf32>
        %mul3A_2138 = arith.mulf %mul3A_2137, %get3A_1923 : vector<16xf32>
        %add3A_2139 = arith.addf %add3A_2136, %mul3A_2138 : vector<16xf32>
        %mul3A_2140 = vector.broadcast %mul3A_808 : f32 to vector<16xf32>
        %mul3A_2141 = arith.mulf %mul3A_2140, %get3A_1928 : vector<16xf32>
        %add3A_2142 = arith.addf %add3A_2139, %mul3A_2141 : vector<16xf32>
        %mul3A_2143 = vector.broadcast %mul3A_811 : f32 to vector<16xf32>
        %mul3A_2144 = arith.mulf %mul3A_2143, %get3A_1933 : vector<16xf32>
        %add3A_2145 = arith.addf %add3A_2142, %mul3A_2144 : vector<16xf32>
        %mul3A_2146 = vector.broadcast %mul3A_814 : f32 to vector<16xf32>
        %mul3A_2147 = arith.mulf %mul3A_2146, %get3A_1938 : vector<16xf32>
        %add3A_2148 = arith.addf %add3A_2145, %mul3A_2147 : vector<16xf32>
        %mul3A_2149 = vector.broadcast %mul3A_817 : f32 to vector<16xf32>
        %mul3A_2150 = arith.mulf %mul3A_2149, %get3A_1943 : vector<16xf32>
        %add3A_2151 = arith.addf %add3A_2148, %mul3A_2150 : vector<16xf32>
        %add3A_2152 = vector.broadcast %add3A_898 : f32 to vector<16xf32>
        %add3A_2153 = arith.addf %add3A_2151, %add3A_2152 : vector<16xf32>
        %swap3A_2154 = arith.constant 2 : i32
        %swap3A_2155 = arith.index_cast %swap3A_2154 : i32 to index
        %swap3A_2156 = arith.index_cast %mul3A_1903 : i32 to index
        %swap3A_2157 = tpu.vector_load %arg10[%swap3A_2155, %swap3A_2156] {strides = array<i32>} : memref<8x3584xf32, #tpu.memory_space<vmem>>, vector<1x16xf32>,
        %swap3A_2158 = vector.shape_cast %swap3A_2157 : vector<1x16xf32> to vector<16xf32>
        %swap3A_2159 = vector.shape_cast %add3A_2153 : vector<16xf32> to vector<1x16xf32>
        tpu.vector_store %arg10[%swap3A_2155, %swap3A_2156], %swap3A_2159 {strides = array<i32>} : memref<8x3584xf32, #tpu.memory_space<vmem>>, vector<1x16xf32>,
        %mul3A_2160 = vector.broadcast %mul3A_724 : f32 to vector<16xf32>
        %mul3A_2161 = arith.mulf %mul3A_2160, %get3A_1908 : vector<16xf32>
        %mul3A_2162 = vector.broadcast %mul3A_727 : f32 to vector<16xf32>
        %mul3A_2163 = arith.mulf %mul3A_2162, %get3A_1913 : vector<16xf32>
        %add3A_2164 = arith.addf %mul3A_2161, %mul3A_2163 : vector<16xf32>
        %mul3A_2165 = vector.broadcast %mul3A_730 : f32 to vector<16xf32>
        %mul3A_2166 = arith.mulf %mul3A_2165, %get3A_1918 : vector<16xf32>
        %add3A_2167 = arith.addf %add3A_2164, %mul3A_2166 : vector<16xf32>
        %mul3A_2168 = vector.broadcast %mul3A_733 : f32 to vector<16xf32>
        %mul3A_2169 = arith.mulf %mul3A_2168, %get3A_1923 : vector<16xf32>
        %add3A_2170 = arith.addf %add3A_2167, %mul3A_2169 : vector<16xf32>
        %mul3A_2171 = vector.broadcast %mul3A_820 : f32 to vector<16xf32>
        %mul3A_2172 = arith.mulf %mul3A_2171, %get3A_1928 : vector<16xf32>
        %add3A_2173 = arith.addf %add3A_2170, %mul3A_2172 : vector<16xf32>
        %mul3A_2174 = vector.broadcast %mul3A_823 : f32 to vector<16xf32>
        %mul3A_2175 = arith.mulf %mul3A_2174, %get3A_1933 : vector<16xf32>
        %add3A_2176 = arith.addf %add3A_2173, %mul3A_2175 : vector<16xf32>
        %mul3A_2177 = vector.broadcast %mul3A_826 : f32 to vector<16xf32>
        %mul3A_2178 = arith.mulf %mul3A_2177, %get3A_1938 : vector<16xf32>
        %add3A_2179 = arith.addf %add3A_2176, %mul3A_2178 : vector<16xf32>
        %mul3A_2180 = vector.broadcast %mul3A_829 : f32 to vector<16xf32>
        %mul3A_2181 = arith.mulf %mul3A_2180, %get3A_1943 : vector<16xf32>
        %add3A_2182 = arith.addf %add3A_2179, %mul3A_2181 : vector<16xf32>
        %add3A_2183 = vector.broadcast %add3A_905 : f32 to vector<16xf32>
        %add3A_2184 = arith.addf %add3A_2182, %add3A_2183 : vector<16xf32>
        %swap3A_2185 = arith.constant 3 : i32
        %swap3A_2186 = arith.index_cast %swap3A_2185 : i32 to index
        %swap3A_2187 = arith.index_cast %mul3A_1903 : i32 to index
        %swap3A_2188 = tpu.vector_load %arg10[%swap3A_2186, %swap3A_2187] {strides = array<i32>} : memref<8x3584xf32, #tpu.memory_space<vmem>>, vector<1x16xf32>,
        %swap3A_2189 = vector.shape_cast %swap3A_2188 : vector<1x16xf32> to vector<16xf32>
        %swap3A_2190 = vector.shape_cast %add3A_2184 : vector<16xf32> to vector<1x16xf32>
        tpu.vector_store %arg10[%swap3A_2186, %swap3A_2187], %swap3A_2190 {strides = array<i32>} : memref<8x3584xf32, #tpu.memory_space<vmem>>, vector<1x16xf32>,
        %mul3A_2191 = vector.broadcast %mul3A_736 : f32 to vector<16xf32>
        %mul3A_2192 = arith.mulf %mul3A_2191, %get3A_1908 : vector<16xf32>
        %mul3A_2193 = vector.broadcast %mul3A_739 : f32 to vector<16xf32>
        %mul3A_2194 = arith.mulf %mul3A_2193, %get3A_1913 : vector<16xf32>
        %add3A_2195 = arith.addf %mul3A_2192, %mul3A_2194 : vector<16xf32>
        %mul3A_2196 = vector.broadcast %mul3A_742 : f32 to vector<16xf32>
        %mul3A_2197 = arith.mulf %mul3A_2196, %get3A_1918 : vector<16xf32>
        %add3A_2198 = arith.addf %add3A_2195, %mul3A_2197 : vector<16xf32>
        %mul3A_2199 = vector.broadcast %mul3A_745 : f32 to vector<16xf32>
        %mul3A_2200 = arith.mulf %mul3A_2199, %get3A_1923 : vector<16xf32>
        %add3A_2201 = arith.addf %add3A_2198, %mul3A_2200 : vector<16xf32>
        %mul3A_2202 = vector.broadcast %mul3A_832 : f32 to vector<16xf32>
        %mul3A_2203 = arith.mulf %mul3A_2202, %get3A_1928 : vector<16xf32>
        %add3A_2204 = arith.addf %add3A_2201, %mul3A_2203 : vector<16xf32>
        %mul3A_2205 = vector.broadcast %mul3A_835 : f32 to vector<16xf32>
        %mul3A_2206 = arith.mulf %mul3A_2205, %get3A_1933 : vector<16xf32>
        %add3A_2207 = arith.addf %add3A_2204, %mul3A_2206 : vector<16xf32>
        %mul3A_2208 = vector.broadcast %mul3A_838 : f32 to vector<16xf32>
        %mul3A_2209 = arith.mulf %mul3A_2208, %get3A_1938 : vector<16xf32>
        %add3A_2210 = arith.addf %add3A_2207, %mul3A_2209 : vector<16xf32>
        %mul3A_2211 = vector.broadcast %mul3A_841 : f32 to vector<16xf32>
        %mul3A_2212 = arith.mulf %mul3A_2211, %get3A_1943 : vector<16xf32>
        %add3A_2213 = arith.addf %add3A_2210, %mul3A_2212 : vector<16xf32>
        %add3A_2214 = vector.broadcast %add3A_912 : f32 to vector<16xf32>
        %add3A_2215 = arith.addf %add3A_2213, %add3A_2214 : vector<16xf32>
        %swap3A_2216 = arith.constant 4 : i32
        %swap3A_2217 = arith.index_cast %swap3A_2216 : i32 to index
        %swap3A_2218 = arith.index_cast %mul3A_1903 : i32 to index
        %swap3A_2219 = tpu.vector_load %arg10[%swap3A_2217, %swap3A_2218] {strides = array<i32>} : memref<8x3584xf32, #tpu.memory_space<vmem>>, vector<1x16xf32>,
        %swap3A_2220 = vector.shape_cast %swap3A_2219 : vector<1x16xf32> to vector<16xf32>
        %swap3A_2221 = vector.shape_cast %add3A_2215 : vector<16xf32> to vector<1x16xf32>
        tpu.vector_store %arg10[%swap3A_2217, %swap3A_2218], %swap3A_2221 {strides = array<i32>} : memref<8x3584xf32, #tpu.memory_space<vmem>>, vector<1x16xf32>,
        %mul3A_2222 = vector.broadcast %mul3A_748 : f32 to vector<16xf32>
        %mul3A_2223 = arith.mulf %mul3A_2222, %get3A_1908 : vector<16xf32>
        %mul3A_2224 = vector.broadcast %mul3A_751 : f32 to vector<16xf32>
        %mul3A_2225 = arith.mulf %mul3A_2224, %get3A_1913 : vector<16xf32>
        %add3A_2226 = arith.addf %mul3A_2223, %mul3A_2225 : vector<16xf32>
        %mul3A_2227 = vector.broadcast %mul3A_754 : f32 to vector<16xf32>
        %mul3A_2228 = arith.mulf %mul3A_2227, %get3A_1918 : vector<16xf32>
        %add3A_2229 = arith.addf %add3A_2226, %mul3A_2228 : vector<16xf32>
        %mul3A_2230 = vector.broadcast %mul3A_757 : f32 to vector<16xf32>
        %mul3A_2231 = arith.mulf %mul3A_2230, %get3A_1923 : vector<16xf32>
        %add3A_2232 = arith.addf %add3A_2229, %mul3A_2231 : vector<16xf32>
        %mul3A_2233 = vector.broadcast %mul3A_844 : f32 to vector<16xf32>
        %mul3A_2234 = arith.mulf %mul3A_2233, %get3A_1928 : vector<16xf32>
        %add3A_2235 = arith.addf %add3A_2232, %mul3A_2234 : vector<16xf32>
        %mul3A_2236 = vector.broadcast %mul3A_847 : f32 to vector<16xf32>
        %mul3A_2237 = arith.mulf %mul3A_2236, %get3A_1933 : vector<16xf32>
        %add3A_2238 = arith.addf %add3A_2235, %mul3A_2237 : vector<16xf32>
        %mul3A_2239 = vector.broadcast %mul3A_850 : f32 to vector<16xf32>
        %mul3A_2240 = arith.mulf %mul3A_2239, %get3A_1938 : vector<16xf32>
        %add3A_2241 = arith.addf %add3A_2238, %mul3A_2240 : vector<16xf32>
        %mul3A_2242 = vector.broadcast %mul3A_853 : f32 to vector<16xf32>
        %mul3A_2243 = arith.mulf %mul3A_2242, %get3A_1943 : vector<16xf32>
        %add3A_2244 = arith.addf %add3A_2241, %mul3A_2243 : vector<16xf32>
        %add3A_2245 = vector.broadcast %add3A_919 : f32 to vector<16xf32>
        %add3A_2246 = arith.addf %add3A_2244, %add3A_2245 : vector<16xf32>
        %swap3A_2247 = arith.constant 5 : i32
        %swap3A_2248 = arith.index_cast %swap3A_2247 : i32 to index
        %swap3A_2249 = arith.index_cast %mul3A_1903 : i32 to index
        %swap3A_2250 = tpu.vector_load %arg10[%swap3A_2248, %swap3A_2249] {strides = array<i32>} : memref<8x3584xf32, #tpu.memory_space<vmem>>, vector<1x16xf32>,
        %swap3A_2251 = vector.shape_cast %swap3A_2250 : vector<1x16xf32> to vector<16xf32>
        %swap3A_2252 = vector.shape_cast %add3A_2246 : vector<16xf32> to vector<1x16xf32>
        tpu.vector_store %arg10[%swap3A_2248, %swap3A_2249], %swap3A_2252 {strides = array<i32>} : memref<8x3584xf32, #tpu.memory_space<vmem>>, vector<1x16xf32>,
        %mul3A_2253 = vector.broadcast %mul3A_760 : f32 to vector<16xf32>
        %mul3A_2254 = arith.mulf %mul3A_2253, %get3A_1908 : vector<16xf32>
        %mul3A_2255 = vector.broadcast %mul3A_763 : f32 to vector<16xf32>
        %mul3A_2256 = arith.mulf %mul3A_2255, %get3A_1913 : vector<16xf32>
        %add3A_2257 = arith.addf %mul3A_2254, %mul3A_2256 : vector<16xf32>
        %mul3A_2258 = vector.broadcast %mul3A_766 : f32 to vector<16xf32>
        %mul3A_2259 = arith.mulf %mul3A_2258, %get3A_1918 : vector<16xf32>
        %add3A_2260 = arith.addf %add3A_2257, %mul3A_2259 : vector<16xf32>
        %mul3A_2261 = vector.broadcast %mul3A_769 : f32 to vector<16xf32>
        %mul3A_2262 = arith.mulf %mul3A_2261, %get3A_1923 : vector<16xf32>
        %add3A_2263 = arith.addf %add3A_2260, %mul3A_2262 : vector<16xf32>
        %mul3A_2264 = vector.broadcast %mul3A_856 : f32 to vector<16xf32>
        %mul3A_2265 = arith.mulf %mul3A_2264, %get3A_1928 : vector<16xf32>
        %add3A_2266 = arith.addf %add3A_2263, %mul3A_2265 : vector<16xf32>
        %mul3A_2267 = vector.broadcast %mul3A_859 : f32 to vector<16xf32>
        %mul3A_2268 = arith.mulf %mul3A_2267, %get3A_1933 : vector<16xf32>
        %add3A_2269 = arith.addf %add3A_2266, %mul3A_2268 : vector<16xf32>
        %mul3A_2270 = vector.broadcast %mul3A_862 : f32 to vector<16xf32>
        %mul3A_2271 = arith.mulf %mul3A_2270, %get3A_1938 : vector<16xf32>
        %add3A_2272 = arith.addf %add3A_2269, %mul3A_2271 : vector<16xf32>
        %mul3A_2273 = vector.broadcast %mul3A_865 : f32 to vector<16xf32>
        %mul3A_2274 = arith.mulf %mul3A_2273, %get3A_1943 : vector<16xf32>
        %add3A_2275 = arith.addf %add3A_2272, %mul3A_2274 : vector<16xf32>
        %add3A_2276 = vector.broadcast %add3A_926 : f32 to vector<16xf32>
        %add3A_2277 = arith.addf %add3A_2275, %add3A_2276 : vector<16xf32>
        %swap3A_2278 = arith.constant 6 : i32
        %swap3A_2279 = arith.index_cast %swap3A_2278 : i32 to index
        %swap3A_2280 = arith.index_cast %mul3A_1903 : i32 to index
        %swap3A_2281 = tpu.vector_load %arg10[%swap3A_2279, %swap3A_2280] {strides = array<i32>} : memref<8x3584xf32, #tpu.memory_space<vmem>>, vector<1x16xf32>,
        %swap3A_2282 = vector.shape_cast %swap3A_2281 : vector<1x16xf32> to vector<16xf32>
        %swap3A_2283 = vector.shape_cast %add3A_2277 : vector<16xf32> to vector<1x16xf32>
        tpu.vector_store %arg10[%swap3A_2279, %swap3A_2280], %swap3A_2283 {strides = array<i32>} : memref<8x3584xf32, #tpu.memory_space<vmem>>, vector<1x16xf32>,
        %mul3A_2284 = vector.broadcast %mul3A_772 : f32 to vector<16xf32>
        %mul3A_2285 = arith.mulf %mul3A_2284, %get3A_1908 : vector<16xf32>
        %mul3A_2286 = vector.broadcast %mul3A_775 : f32 to vector<16xf32>
        %mul3A_2287 = arith.mulf %mul3A_2286, %get3A_1913 : vector<16xf32>
        %add3A_2288 = arith.addf %mul3A_2285, %mul3A_2287 : vector<16xf32>
        %mul3A_2289 = vector.broadcast %mul3A_778 : f32 to vector<16xf32>
        %mul3A_2290 = arith.mulf %mul3A_2289, %get3A_1918 : vector<16xf32>
        %add3A_2291 = arith.addf %add3A_2288, %mul3A_2290 : vector<16xf32>
        %mul3A_2292 = vector.broadcast %mul3A_781 : f32 to vector<16xf32>
        %mul3A_2293 = arith.mulf %mul3A_2292, %get3A_1923 : vector<16xf32>
        %add3A_2294 = arith.addf %add3A_2291, %mul3A_2293 : vector<16xf32>
        %mul3A_2295 = vector.broadcast %mul3A_868 : f32 to vector<16xf32>
        %mul3A_2296 = arith.mulf %mul3A_2295, %get3A_1928 : vector<16xf32>
        %add3A_2297 = arith.addf %add3A_2294, %mul3A_2296 : vector<16xf32>
        %mul3A_2298 = vector.broadcast %mul3A_871 : f32 to vector<16xf32>
        %mul3A_2299 = arith.mulf %mul3A_2298, %get3A_1933 : vector<16xf32>
        %add3A_2300 = arith.addf %add3A_2297, %mul3A_2299 : vector<16xf32>
        %mul3A_2301 = vector.broadcast %mul3A_874 : f32 to vector<16xf32>
        %mul3A_2302 = arith.mulf %mul3A_2301, %get3A_1938 : vector<16xf32>
        %add3A_2303 = arith.addf %add3A_2300, %mul3A_2302 : vector<16xf32>
        %mul3A_2304 = vector.broadcast %mul3A_877 : f32 to vector<16xf32>
        %mul3A_2305 = arith.mulf %mul3A_2304, %get3A_1943 : vector<16xf32>
        %add3A_2306 = arith.addf %add3A_2303, %mul3A_2305 : vector<16xf32>
        %add3A_2307 = vector.broadcast %add3A_933 : f32 to vector<16xf32>
        %add3A_2308 = arith.addf %add3A_2306, %add3A_2307 : vector<16xf32>
        %swap3A_2309 = arith.constant 7 : i32
        %swap3A_2310 = arith.index_cast %swap3A_2309 : i32 to index
        %swap3A_2311 = arith.index_cast %mul3A_1903 : i32 to index
        %swap3A_2312 = tpu.vector_load %arg10[%swap3A_2310, %swap3A_2311] {strides = array<i32>} : memref<8x3584xf32, #tpu.memory_space<vmem>>, vector<1x16xf32>,
        %swap3A_2313 = vector.shape_cast %swap3A_2312 : vector<1x16xf32> to vector<16xf32>
        %swap3A_2314 = vector.shape_cast %add3A_2308 : vector<16xf32> to vector<1x16xf32>
        tpu.vector_store %arg10[%swap3A_2310, %swap3A_2311], %swap3A_2314 {strides = array<i32>} : memref<8x3584xf32, #tpu.memory_space<vmem>>, vector<1x16xf32>,
        %scan3A_2315 = arith.constant 0 : i32
        scf.yield %scan3A_2315 : i32
      }
      %scan3A_1898 = arith.constant 224 : i32
      "tpu.region"() ({
        %run_scoped3A = tpu.sem_alloc : memref<!tpu.dma_semaphore, #tpu.memory_space<semaphore_mem>>
        %dma_start3A_1900 = arith.constant 0 : i32
        %dma_start3A_1901 = arith.constant 0 : i32
        %dma_start3A_1902 = tpu.memref_slice %arg5[%add3A_31, %dma_start3A_1900, %scan3A_1860, %dma_start3A_1901] : memref<64x4x14x3584xf32, #tpu.memory_space<hbm>> -> memref<1x4x1x3584xf32, #tpu.memory_space<hbm>>
        %dma_start3A_1903 = tpu.memref_squeeze %dma_start3A_1902 : memref<1x4x1x3584xf32, #tpu.memory_space<hbm>> -> memref<4x3584xf32, #tpu.memory_space<hbm>>
        %dma_start3A_1904 = arith.constant 0 : i32
        %dma_start3A_1905 = arith.constant 0 : i32
        %dma_start3A_1906 = tpu.memref_slice %arg5[%add3A_31, %dma_start3A_1904, %scan3A_1860, %dma_start3A_1905] : memref<64x4x14x3584xf32, #tpu.memory_space<hbm>> -> memref<1x4x1x3584xf32, #tpu.memory_space<hbm>>
        %dma_start3A_1907 = tpu.memref_squeeze %dma_start3A_1906 : memref<1x4x1x3584xf32, #tpu.memory_space<hbm>> -> memref<4x3584xf32, #tpu.memory_space<hbm>>
        tpu.enqueue_dma source(%arg9 : memref<4x3584xf32, #tpu.memory_space<vmem>>) target(%dma_start3A_1907 : memref<4x3584xf32, #tpu.memory_space<hbm>>) target_semaphore(%run_scoped3A : memref<!tpu.dma_semaphore, #tpu.memory_space<semaphore_mem>>)
        %dma_wait3A_1908 = arith.constant 0 : i32
        %dma_wait3A_1909 = arith.constant 0 : i32
        %dma_wait3A_1910 = tpu.memref_slice %arg5[%add3A_31, %dma_wait3A_1908, %scan3A_1860, %dma_wait3A_1909] : memref<64x4x14x3584xf32, #tpu.memory_space<hbm>> -> memref<1x4x1x3584xf32, #tpu.memory_space<hbm>>
        %dma_wait3A_1911 = tpu.memref_squeeze %dma_wait3A_1910 : memref<1x4x1x3584xf32, #tpu.memory_space<hbm>> -> memref<4x3584xf32, #tpu.memory_space<hbm>>
        %dma_wait3A_1912 = arith.constant 0 : i32
        %dma_wait3A_1913 = arith.constant 0 : i32
        %dma_wait3A_1914 = tpu.memref_slice %arg5[%add3A_31, %dma_wait3A_1912, %scan3A_1860, %dma_wait3A_1913] : memref<64x4x14x3584xf32, #tpu.memory_space<hbm>> -> memref<1x4x1x3584xf32, #tpu.memory_space<hbm>>
        %dma_wait3A_1915 = tpu.memref_squeeze %dma_wait3A_1914 : memref<1x4x1x3584xf32, #tpu.memory_space<hbm>> -> memref<4x3584xf32, #tpu.memory_space<hbm>>
        tpu.wait_dma2 semaphore(%run_scoped3A : memref<!tpu.dma_semaphore, #tpu.memory_space<semaphore_mem>>) src(%arg9 : memref<4x3584xf32, #tpu.memory_space<vmem>>) dst(%dma_wait3A_1915 : memref<4x3584xf32, #tpu.memory_space<hbm>>)
        tpu.yield
      }) : () -> ()
      "tpu.region"() ({
        %run_scoped3A = tpu.sem_alloc : memref<!tpu.dma_semaphore, #tpu.memory_space<semaphore_mem>>
        %dma_start3A_1900 = arith.constant 0 : i32
        %dma_start3A_1901 = arith.constant 0 : i32
        %dma_start3A_1902 = tpu.memref_slice %arg6[%add3A_31, %dma_start3A_1900, %scan3A_1860, %dma_start3A_1901] : memref<64x8x14x3584xf32, #tpu.memory_space<hbm>> -> memref<1x8x1x3584xf32, #tpu.memory_space<hbm>>
        %dma_start3A_1903 = tpu.memref_squeeze %dma_start3A_1902 : memref<1x8x1x3584xf32, #tpu.memory_space<hbm>> -> memref<8x3584xf32, #tpu.memory_space<hbm>>
        %dma_start3A_1904 = arith.constant 0 : i32
        %dma_start3A_1905 = arith.constant 0 : i32
        %dma_start3A_1906 = tpu.memref_slice %arg6[%add3A_31, %dma_start3A_1904, %scan3A_1860, %dma_start3A_1905] : memref<64x8x14x3584xf32, #tpu.memory_space<hbm>> -> memref<1x8x1x3584xf32, #tpu.memory_space<hbm>>
        %dma_start3A_1907 = tpu.memref_squeeze %dma_start3A_1906 : memref<1x8x1x3584xf32, #tpu.memory_space<hbm>> -> memref<8x3584xf32, #tpu.memory_space<hbm>>
        tpu.enqueue_dma source(%arg10 : memref<8x3584xf32, #tpu.memory_space<vmem>>) target(%dma_start3A_1907 : memref<8x3584xf32, #tpu.memory_space<hbm>>) target_semaphore(%run_scoped3A : memref<!tpu.dma_semaphore, #tpu.memory_space<semaphore_mem>>)
        %dma_wait3A_1908 = arith.constant 0 : i32
        %dma_wait3A_1909 = arith.constant 0 : i32
        %dma_wait3A_1910 = tpu.memref_slice %arg6[%add3A_31, %dma_wait3A_1908, %scan3A_1860, %dma_wait3A_1909] : memref<64x8x14x3584xf32, #tpu.memory_space<hbm>> -> memref<1x8x1x3584xf32, #tpu.memory_space<hbm>>
        %dma_wait3A_1911 = tpu.memref_squeeze %dma_wait3A_1910 : memref<1x8x1x3584xf32, #tpu.memory_space<hbm>> -> memref<8x3584xf32, #tpu.memory_space<hbm>>
        %dma_wait3A_1912 = arith.constant 0 : i32
        %dma_wait3A_1913 = arith.constant 0 : i32
        %dma_wait3A_1914 = tpu.memref_slice %arg6[%add3A_31, %dma_wait3A_1912, %scan3A_1860, %dma_wait3A_1913] : memref<64x8x14x3584xf32, #tpu.memory_space<hbm>> -> memref<1x8x1x3584xf32, #tpu.memory_space<hbm>>
        %dma_wait3A_1915 = tpu.memref_squeeze %dma_wait3A_1914 : memref<1x8x1x3584xf32, #tpu.memory_space<hbm>> -> memref<8x3584xf32, #tpu.memory_space<hbm>>
        tpu.wait_dma2 semaphore(%run_scoped3A : memref<!tpu.dma_semaphore, #tpu.memory_space<semaphore_mem>>) src(%arg10 : memref<8x3584xf32, #tpu.memory_space<vmem>>) dst(%dma_wait3A_1915 : memref<8x3584xf32, #tpu.memory_space<hbm>>)
        tpu.yield
      }) : () -> ()
      %scan3A_1899 = arith.constant 0 : i32
      scf.yield %scan3A_1899 : i32
    }
    %scan3A_940 = arith.constant 14 : i32
    %mul3A_941 = arith.constant 2 : i32
    %mul3A_942 = arith.muli %add3A, %mul3A_941 : i32
    %add3A_943 = arith.constant 1 : i32
    %add3A_944 = arith.addi %mul3A_942, %add3A_943 : i32
    %scan3A_945 = arith.constant 0 : i32
    %scan3A_946 = arith.constant 14 : i32
    %scan3A_947 = arith.addi %scan3A_945, %scan3A_946 : i32
    %scan3A_948 = arith.constant 1 : i32
    %scan3A_949:4 = scf.for %scan3A_1860 = %scan3A_945 to %scan3A_947 step %scan3A_948 iter_args(%scan3A_1861 = %broadcast_in_dim3A_27, %scan3A_1862 = %broadcast_in_dim3A_27, %scan3A_1863 = %broadcast_in_dim3A_27, %scan3A_1864 = %broadcast_in_dim3A_27) -> (vector<16xf32>, vector<16xf32>, vector<16xf32>, vector<16xf32>)  : i32 {
      %dma_start3A = arith.constant 0 : i32
      %dma_start3A_1865 = arith.constant 0 : i32
      %dma_start3A_1866 = tpu.memref_slice %arg2[%add3A_944, %dma_start3A, %scan3A_1860, %dma_start3A_1865] : memref<64x4x14x3584xf32, #tpu.memory_space<hbm>> -> memref<1x4x1x3584xf32, #tpu.memory_space<hbm>>
      %dma_start3A_1867 = tpu.memref_squeeze %dma_start3A_1866 : memref<1x4x1x3584xf32, #tpu.memory_space<hbm>> -> memref<4x3584xf32, #tpu.memory_space<hbm>>
      %dma_start3A_1868 = arith.constant 0 : i32
      %dma_start3A_1869 = arith.constant 0 : i32
      %dma_start3A_1870 = tpu.memref_slice %arg2[%add3A_944, %dma_start3A_1868, %scan3A_1860, %dma_start3A_1869] : memref<64x4x14x3584xf32, #tpu.memory_space<hbm>> -> memref<1x4x1x3584xf32, #tpu.memory_space<hbm>>
      %dma_start3A_1871 = tpu.memref_squeeze %dma_start3A_1870 : memref<1x4x1x3584xf32, #tpu.memory_space<hbm>> -> memref<4x3584xf32, #tpu.memory_space<hbm>>
      tpu.enqueue_dma source(%dma_start3A_1871 : memref<4x3584xf32, #tpu.memory_space<hbm>>) target(%arg7 : memref<4x3584xf32, #tpu.memory_space<vmem>>) target_semaphore(%arg12 : memref<!tpu.dma_semaphore, #tpu.memory_space<semaphore_mem>>)
      %dma_wait3A = arith.constant 0 : i32
      %dma_wait3A_1872 = arith.constant 0 : i32
      %dma_wait3A_1873 = tpu.memref_slice %arg2[%add3A_944, %dma_wait3A, %scan3A_1860, %dma_wait3A_1872] : memref<64x4x14x3584xf32, #tpu.memory_space<hbm>> -> memref<1x4x1x3584xf32, #tpu.memory_space<hbm>>
      %dma_wait3A_1874 = tpu.memref_squeeze %dma_wait3A_1873 : memref<1x4x1x3584xf32, #tpu.memory_space<hbm>> -> memref<4x3584xf32, #tpu.memory_space<hbm>>
      %dma_wait3A_1875 = arith.constant 0 : i32
      %dma_wait3A_1876 = arith.constant 0 : i32
      %dma_wait3A_1877 = tpu.memref_slice %arg2[%add3A_944, %dma_wait3A_1875, %scan3A_1860, %dma_wait3A_1876] : memref<64x4x14x3584xf32, #tpu.memory_space<hbm>> -> memref<1x4x1x3584xf32, #tpu.memory_space<hbm>>
      %dma_wait3A_1878 = tpu.memref_squeeze %dma_wait3A_1877 : memref<1x4x1x3584xf32, #tpu.memory_space<hbm>> -> memref<4x3584xf32, #tpu.memory_space<hbm>>
      tpu.wait_dma2 semaphore(%arg12 : memref<!tpu.dma_semaphore, #tpu.memory_space<semaphore_mem>>) src(%dma_wait3A_1878 : memref<4x3584xf32, #tpu.memory_space<hbm>>) dst(%arg7 : memref<4x3584xf32, #tpu.memory_space<vmem>>)
      %scan3A_1879 = arith.constant 0 : i32
      %scan3A_1880 = arith.constant 224 : i32
      %scan3A_1881 = arith.addi %scan3A_1879, %scan3A_1880 : i32
      %scan3A_1882 = arith.constant 1 : i32
      %scan3A_1883 = scf.for %scan3A_1903 = %scan3A_1879 to %scan3A_1881 step %scan3A_1882 iter_args(%scan3A_1904 = %scan3A_1861) -> (vector<16xf32>)  : i32 {
        %mul3A_1905 = arith.constant 16 : i32
        %mul3A_1906 = arith.muli %scan3A_1903, %mul3A_1905 : i32
        %get3A_1907 = arith.constant 0 : i32
        %get3A_1908 = arith.index_cast %get3A_1907 : i32 to index
        %get3A_1909 = arith.index_cast %mul3A_1906 : i32 to index
        %get3A_1910 = tpu.vector_load %arg7[%get3A_1908, %get3A_1909] {strides = array<i32>} : memref<4x3584xf32, #tpu.memory_space<vmem>>, vector<1x16xf32>,
        %get3A_1911 = vector.shape_cast %get3A_1910 : vector<1x16xf32> to vector<16xf32>
        %add3A_1912 = arith.addf %scan3A_1904, %get3A_1911 : vector<16xf32>
        scf.yield %add3A_1912 : vector<16xf32>
      }
      %scan3A_1884 = arith.constant 224 : i32
      %scan3A_1885 = arith.constant 0 : i32
      %scan3A_1886 = arith.constant 224 : i32
      %scan3A_1887 = arith.addi %scan3A_1885, %scan3A_1886 : i32
      %scan3A_1888 = arith.constant 1 : i32
      %scan3A_1889 = scf.for %scan3A_1903 = %scan3A_1885 to %scan3A_1887 step %scan3A_1888 iter_args(%scan3A_1904 = %scan3A_1862) -> (vector<16xf32>)  : i32 {
        %mul3A_1905 = arith.constant 16 : i32
        %mul3A_1906 = arith.muli %scan3A_1903, %mul3A_1905 : i32
        %get3A_1907 = arith.constant 1 : i32
        %get3A_1908 = arith.index_cast %get3A_1907 : i32 to index
        %get3A_1909 = arith.index_cast %mul3A_1906 : i32 to index
        %get3A_1910 = tpu.vector_load %arg7[%get3A_1908, %get3A_1909] {strides = array<i32>} : memref<4x3584xf32, #tpu.memory_space<vmem>>, vector<1x16xf32>,
        %get3A_1911 = vector.shape_cast %get3A_1910 : vector<1x16xf32> to vector<16xf32>
        %add3A_1912 = arith.addf %scan3A_1904, %get3A_1911 : vector<16xf32>
        scf.yield %add3A_1912 : vector<16xf32>
      }
      %scan3A_1890 = arith.constant 224 : i32
      %scan3A_1891 = arith.constant 0 : i32
      %scan3A_1892 = arith.constant 224 : i32
      %scan3A_1893 = arith.addi %scan3A_1891, %scan3A_1892 : i32
      %scan3A_1894 = arith.constant 1 : i32
      %scan3A_1895 = scf.for %scan3A_1903 = %scan3A_1891 to %scan3A_1893 step %scan3A_1894 iter_args(%scan3A_1904 = %scan3A_1863) -> (vector<16xf32>)  : i32 {
        %mul3A_1905 = arith.constant 16 : i32
        %mul3A_1906 = arith.muli %scan3A_1903, %mul3A_1905 : i32
        %get3A_1907 = arith.constant 2 : i32
        %get3A_1908 = arith.index_cast %get3A_1907 : i32 to index
        %get3A_1909 = arith.index_cast %mul3A_1906 : i32 to index
        %get3A_1910 = tpu.vector_load %arg7[%get3A_1908, %get3A_1909] {strides = array<i32>} : memref<4x3584xf32, #tpu.memory_space<vmem>>, vector<1x16xf32>,
        %get3A_1911 = vector.shape_cast %get3A_1910 : vector<1x16xf32> to vector<16xf32>
        %add3A_1912 = arith.addf %scan3A_1904, %get3A_1911 : vector<16xf32>
        scf.yield %add3A_1912 : vector<16xf32>
      }
      %scan3A_1896 = arith.constant 224 : i32
      %scan3A_1897 = arith.constant 0 : i32
      %scan3A_1898 = arith.constant 224 : i32
      %scan3A_1899 = arith.addi %scan3A_1897, %scan3A_1898 : i32
      %scan3A_1900 = arith.constant 1 : i32
      %scan3A_1901 = scf.for %scan3A_1903 = %scan3A_1897 to %scan3A_1899 step %scan3A_1900 iter_args(%scan3A_1904 = %scan3A_1864) -> (vector<16xf32>)  : i32 {
        %mul3A_1905 = arith.constant 16 : i32
        %mul3A_1906 = arith.muli %scan3A_1903, %mul3A_1905 : i32
        %get3A_1907 = arith.constant 3 : i32
        %get3A_1908 = arith.index_cast %get3A_1907 : i32 to index
        %get3A_1909 = arith.index_cast %mul3A_1906 : i32 to index
        %get3A_1910 = tpu.vector_load %arg7[%get3A_1908, %get3A_1909] {strides = array<i32>} : memref<4x3584xf32, #tpu.memory_space<vmem>>, vector<1x16xf32>,
        %get3A_1911 = vector.shape_cast %get3A_1910 : vector<1x16xf32> to vector<16xf32>
        %add3A_1912 = arith.addf %scan3A_1904, %get3A_1911 : vector<16xf32>
        scf.yield %add3A_1912 : vector<16xf32>
      }
      %scan3A_1902 = arith.constant 224 : i32
      scf.yield %scan3A_1883, %scan3A_1889, %scan3A_1895, %scan3A_1901 : vector<16xf32>, vector<16xf32>, vector<16xf32>, vector<16xf32>
    }
    %scan3A_950 = arith.constant 14 : i32
    %slice3A_951 = vector.extract_strided_slice %scan3A_949#0 {offsets = [0], sizes = [1], strides = [1]} : vector<16xf32> to vector<1xf32>
    %squeeze3A_952 = vector.extract %slice3A_951[0] : f32 from vector<1xf32>
    %slice3A_953 = vector.extract_strided_slice %scan3A_949#0 {offsets = [1], sizes = [1], strides = [1]} : vector<16xf32> to vector<1xf32>
    %squeeze3A_954 = vector.extract %slice3A_953[0] : f32 from vector<1xf32>
    %add3A_955 = arith.addf %squeeze3A_952, %squeeze3A_954 : f32
    %slice3A_956 = vector.extract_strided_slice %scan3A_949#0 {offsets = [2], sizes = [1], strides = [1]} : vector<16xf32> to vector<1xf32>
    %squeeze3A_957 = vector.extract %slice3A_956[0] : f32 from vector<1xf32>
    %add3A_958 = arith.addf %add3A_955, %squeeze3A_957 : f32
    %slice3A_959 = vector.extract_strided_slice %scan3A_949#0 {offsets = [3], sizes = [1], strides = [1]} : vector<16xf32> to vector<1xf32>
    %squeeze3A_960 = vector.extract %slice3A_959[0] : f32 from vector<1xf32>
    %add3A_961 = arith.addf %add3A_958, %squeeze3A_960 : f32
    %slice3A_962 = vector.extract_strided_slice %scan3A_949#0 {offsets = [4], sizes = [1], strides = [1]} : vector<16xf32> to vector<1xf32>
    %squeeze3A_963 = vector.extract %slice3A_962[0] : f32 from vector<1xf32>
    %add3A_964 = arith.addf %add3A_961, %squeeze3A_963 : f32
    %slice3A_965 = vector.extract_strided_slice %scan3A_949#0 {offsets = [5], sizes = [1], strides = [1]} : vector<16xf32> to vector<1xf32>
    %squeeze3A_966 = vector.extract %slice3A_965[0] : f32 from vector<1xf32>
    %add3A_967 = arith.addf %add3A_964, %squeeze3A_966 : f32
    %slice3A_968 = vector.extract_strided_slice %scan3A_949#0 {offsets = [6], sizes = [1], strides = [1]} : vector<16xf32> to vector<1xf32>
    %squeeze3A_969 = vector.extract %slice3A_968[0] : f32 from vector<1xf32>
    %add3A_970 = arith.addf %add3A_967, %squeeze3A_969 : f32
    %slice3A_971 = vector.extract_strided_slice %scan3A_949#0 {offsets = [7], sizes = [1], strides = [1]} : vector<16xf32> to vector<1xf32>
    %squeeze3A_972 = vector.extract %slice3A_971[0] : f32 from vector<1xf32>
    %add3A_973 = arith.addf %add3A_970, %squeeze3A_972 : f32
    %slice3A_974 = vector.extract_strided_slice %scan3A_949#0 {offsets = [8], sizes = [1], strides = [1]} : vector<16xf32> to vector<1xf32>
    %squeeze3A_975 = vector.extract %slice3A_974[0] : f32 from vector<1xf32>
    %add3A_976 = arith.addf %add3A_973, %squeeze3A_975 : f32
    %slice3A_977 = vector.extract_strided_slice %scan3A_949#0 {offsets = [9], sizes = [1], strides = [1]} : vector<16xf32> to vector<1xf32>
    %squeeze3A_978 = vector.extract %slice3A_977[0] : f32 from vector<1xf32>
    %add3A_979 = arith.addf %add3A_976, %squeeze3A_978 : f32
    %slice3A_980 = vector.extract_strided_slice %scan3A_949#0 {offsets = [10], sizes = [1], strides = [1]} : vector<16xf32> to vector<1xf32>
    %squeeze3A_981 = vector.extract %slice3A_980[0] : f32 from vector<1xf32>
    %add3A_982 = arith.addf %add3A_979, %squeeze3A_981 : f32
    %slice3A_983 = vector.extract_strided_slice %scan3A_949#0 {offsets = [11], sizes = [1], strides = [1]} : vector<16xf32> to vector<1xf32>
    %squeeze3A_984 = vector.extract %slice3A_983[0] : f32 from vector<1xf32>
    %add3A_985 = arith.addf %add3A_982, %squeeze3A_984 : f32
    %slice3A_986 = vector.extract_strided_slice %scan3A_949#0 {offsets = [12], sizes = [1], strides = [1]} : vector<16xf32> to vector<1xf32>
    %squeeze3A_987 = vector.extract %slice3A_986[0] : f32 from vector<1xf32>
    %add3A_988 = arith.addf %add3A_985, %squeeze3A_987 : f32
    %slice3A_989 = vector.extract_strided_slice %scan3A_949#0 {offsets = [13], sizes = [1], strides = [1]} : vector<16xf32> to vector<1xf32>
    %squeeze3A_990 = vector.extract %slice3A_989[0] : f32 from vector<1xf32>
    %add3A_991 = arith.addf %add3A_988, %squeeze3A_990 : f32
    %slice3A_992 = vector.extract_strided_slice %scan3A_949#0 {offsets = [14], sizes = [1], strides = [1]} : vector<16xf32> to vector<1xf32>
    %squeeze3A_993 = vector.extract %slice3A_992[0] : f32 from vector<1xf32>
    %add3A_994 = arith.addf %add3A_991, %squeeze3A_993 : f32
    %slice3A_995 = vector.extract_strided_slice %scan3A_949#0 {offsets = [15], sizes = [1], strides = [1]} : vector<16xf32> to vector<1xf32>
    %squeeze3A_996 = vector.extract %slice3A_995[0] : f32 from vector<1xf32>
    %add3A_997 = arith.addf %add3A_994, %squeeze3A_996 : f32
    %mul3A_998 = arith.constant 1.99298465E-5 : f32
    %mul3A_999 = arith.mulf %add3A_997, %mul3A_998 : f32
    %slice3A_1000 = vector.extract_strided_slice %scan3A_949#1 {offsets = [0], sizes = [1], strides = [1]} : vector<16xf32> to vector<1xf32>
    %squeeze3A_1001 = vector.extract %slice3A_1000[0] : f32 from vector<1xf32>
    %slice3A_1002 = vector.extract_strided_slice %scan3A_949#1 {offsets = [1], sizes = [1], strides = [1]} : vector<16xf32> to vector<1xf32>
    %squeeze3A_1003 = vector.extract %slice3A_1002[0] : f32 from vector<1xf32>
    %add3A_1004 = arith.addf %squeeze3A_1001, %squeeze3A_1003 : f32
    %slice3A_1005 = vector.extract_strided_slice %scan3A_949#1 {offsets = [2], sizes = [1], strides = [1]} : vector<16xf32> to vector<1xf32>
    %squeeze3A_1006 = vector.extract %slice3A_1005[0] : f32 from vector<1xf32>
    %add3A_1007 = arith.addf %add3A_1004, %squeeze3A_1006 : f32
    %slice3A_1008 = vector.extract_strided_slice %scan3A_949#1 {offsets = [3], sizes = [1], strides = [1]} : vector<16xf32> to vector<1xf32>
    %squeeze3A_1009 = vector.extract %slice3A_1008[0] : f32 from vector<1xf32>
    %add3A_1010 = arith.addf %add3A_1007, %squeeze3A_1009 : f32
    %slice3A_1011 = vector.extract_strided_slice %scan3A_949#1 {offsets = [4], sizes = [1], strides = [1]} : vector<16xf32> to vector<1xf32>
    %squeeze3A_1012 = vector.extract %slice3A_1011[0] : f32 from vector<1xf32>
    %add3A_1013 = arith.addf %add3A_1010, %squeeze3A_1012 : f32
    %slice3A_1014 = vector.extract_strided_slice %scan3A_949#1 {offsets = [5], sizes = [1], strides = [1]} : vector<16xf32> to vector<1xf32>
    %squeeze3A_1015 = vector.extract %slice3A_1014[0] : f32 from vector<1xf32>
    %add3A_1016 = arith.addf %add3A_1013, %squeeze3A_1015 : f32
    %slice3A_1017 = vector.extract_strided_slice %scan3A_949#1 {offsets = [6], sizes = [1], strides = [1]} : vector<16xf32> to vector<1xf32>
    %squeeze3A_1018 = vector.extract %slice3A_1017[0] : f32 from vector<1xf32>
    %add3A_1019 = arith.addf %add3A_1016, %squeeze3A_1018 : f32
    %slice3A_1020 = vector.extract_strided_slice %scan3A_949#1 {offsets = [7], sizes = [1], strides = [1]} : vector<16xf32> to vector<1xf32>
    %squeeze3A_1021 = vector.extract %slice3A_1020[0] : f32 from vector<1xf32>
    %add3A_1022 = arith.addf %add3A_1019, %squeeze3A_1021 : f32
    %slice3A_1023 = vector.extract_strided_slice %scan3A_949#1 {offsets = [8], sizes = [1], strides = [1]} : vector<16xf32> to vector<1xf32>
    %squeeze3A_1024 = vector.extract %slice3A_1023[0] : f32 from vector<1xf32>
    %add3A_1025 = arith.addf %add3A_1022, %squeeze3A_1024 : f32
    %slice3A_1026 = vector.extract_strided_slice %scan3A_949#1 {offsets = [9], sizes = [1], strides = [1]} : vector<16xf32> to vector<1xf32>
    %squeeze3A_1027 = vector.extract %slice3A_1026[0] : f32 from vector<1xf32>
    %add3A_1028 = arith.addf %add3A_1025, %squeeze3A_1027 : f32
    %slice3A_1029 = vector.extract_strided_slice %scan3A_949#1 {offsets = [10], sizes = [1], strides = [1]} : vector<16xf32> to vector<1xf32>
    %squeeze3A_1030 = vector.extract %slice3A_1029[0] : f32 from vector<1xf32>
    %add3A_1031 = arith.addf %add3A_1028, %squeeze3A_1030 : f32
    %slice3A_1032 = vector.extract_strided_slice %scan3A_949#1 {offsets = [11], sizes = [1], strides = [1]} : vector<16xf32> to vector<1xf32>
    %squeeze3A_1033 = vector.extract %slice3A_1032[0] : f32 from vector<1xf32>
    %add3A_1034 = arith.addf %add3A_1031, %squeeze3A_1033 : f32
    %slice3A_1035 = vector.extract_strided_slice %scan3A_949#1 {offsets = [12], sizes = [1], strides = [1]} : vector<16xf32> to vector<1xf32>
    %squeeze3A_1036 = vector.extract %slice3A_1035[0] : f32 from vector<1xf32>
    %add3A_1037 = arith.addf %add3A_1034, %squeeze3A_1036 : f32
    %slice3A_1038 = vector.extract_strided_slice %scan3A_949#1 {offsets = [13], sizes = [1], strides = [1]} : vector<16xf32> to vector<1xf32>
    %squeeze3A_1039 = vector.extract %slice3A_1038[0] : f32 from vector<1xf32>
    %add3A_1040 = arith.addf %add3A_1037, %squeeze3A_1039 : f32
    %slice3A_1041 = vector.extract_strided_slice %scan3A_949#1 {offsets = [14], sizes = [1], strides = [1]} : vector<16xf32> to vector<1xf32>
    %squeeze3A_1042 = vector.extract %slice3A_1041[0] : f32 from vector<1xf32>
    %add3A_1043 = arith.addf %add3A_1040, %squeeze3A_1042 : f32
    %slice3A_1044 = vector.extract_strided_slice %scan3A_949#1 {offsets = [15], sizes = [1], strides = [1]} : vector<16xf32> to vector<1xf32>
    %squeeze3A_1045 = vector.extract %slice3A_1044[0] : f32 from vector<1xf32>
    %add3A_1046 = arith.addf %add3A_1043, %squeeze3A_1045 : f32
    %mul3A_1047 = arith.constant 1.99298465E-5 : f32
    %mul3A_1048 = arith.mulf %add3A_1046, %mul3A_1047 : f32
    %slice3A_1049 = vector.extract_strided_slice %scan3A_949#2 {offsets = [0], sizes = [1], strides = [1]} : vector<16xf32> to vector<1xf32>
    %squeeze3A_1050 = vector.extract %slice3A_1049[0] : f32 from vector<1xf32>
    %slice3A_1051 = vector.extract_strided_slice %scan3A_949#2 {offsets = [1], sizes = [1], strides = [1]} : vector<16xf32> to vector<1xf32>
    %squeeze3A_1052 = vector.extract %slice3A_1051[0] : f32 from vector<1xf32>
    %add3A_1053 = arith.addf %squeeze3A_1050, %squeeze3A_1052 : f32
    %slice3A_1054 = vector.extract_strided_slice %scan3A_949#2 {offsets = [2], sizes = [1], strides = [1]} : vector<16xf32> to vector<1xf32>
    %squeeze3A_1055 = vector.extract %slice3A_1054[0] : f32 from vector<1xf32>
    %add3A_1056 = arith.addf %add3A_1053, %squeeze3A_1055 : f32
    %slice3A_1057 = vector.extract_strided_slice %scan3A_949#2 {offsets = [3], sizes = [1], strides = [1]} : vector<16xf32> to vector<1xf32>
    %squeeze3A_1058 = vector.extract %slice3A_1057[0] : f32 from vector<1xf32>
    %add3A_1059 = arith.addf %add3A_1056, %squeeze3A_1058 : f32
    %slice3A_1060 = vector.extract_strided_slice %scan3A_949#2 {offsets = [4], sizes = [1], strides = [1]} : vector<16xf32> to vector<1xf32>
    %squeeze3A_1061 = vector.extract %slice3A_1060[0] : f32 from vector<1xf32>
    %add3A_1062 = arith.addf %add3A_1059, %squeeze3A_1061 : f32
    %slice3A_1063 = vector.extract_strided_slice %scan3A_949#2 {offsets = [5], sizes = [1], strides = [1]} : vector<16xf32> to vector<1xf32>
    %squeeze3A_1064 = vector.extract %slice3A_1063[0] : f32 from vector<1xf32>
    %add3A_1065 = arith.addf %add3A_1062, %squeeze3A_1064 : f32
    %slice3A_1066 = vector.extract_strided_slice %scan3A_949#2 {offsets = [6], sizes = [1], strides = [1]} : vector<16xf32> to vector<1xf32>
    %squeeze3A_1067 = vector.extract %slice3A_1066[0] : f32 from vector<1xf32>
    %add3A_1068 = arith.addf %add3A_1065, %squeeze3A_1067 : f32
    %slice3A_1069 = vector.extract_strided_slice %scan3A_949#2 {offsets = [7], sizes = [1], strides = [1]} : vector<16xf32> to vector<1xf32>
    %squeeze3A_1070 = vector.extract %slice3A_1069[0] : f32 from vector<1xf32>
    %add3A_1071 = arith.addf %add3A_1068, %squeeze3A_1070 : f32
    %slice3A_1072 = vector.extract_strided_slice %scan3A_949#2 {offsets = [8], sizes = [1], strides = [1]} : vector<16xf32> to vector<1xf32>
    %squeeze3A_1073 = vector.extract %slice3A_1072[0] : f32 from vector<1xf32>
    %add3A_1074 = arith.addf %add3A_1071, %squeeze3A_1073 : f32
    %slice3A_1075 = vector.extract_strided_slice %scan3A_949#2 {offsets = [9], sizes = [1], strides = [1]} : vector<16xf32> to vector<1xf32>
    %squeeze3A_1076 = vector.extract %slice3A_1075[0] : f32 from vector<1xf32>
    %add3A_1077 = arith.addf %add3A_1074, %squeeze3A_1076 : f32
    %slice3A_1078 = vector.extract_strided_slice %scan3A_949#2 {offsets = [10], sizes = [1], strides = [1]} : vector<16xf32> to vector<1xf32>
    %squeeze3A_1079 = vector.extract %slice3A_1078[0] : f32 from vector<1xf32>
    %add3A_1080 = arith.addf %add3A_1077, %squeeze3A_1079 : f32
    %slice3A_1081 = vector.extract_strided_slice %scan3A_949#2 {offsets = [11], sizes = [1], strides = [1]} : vector<16xf32> to vector<1xf32>
    %squeeze3A_1082 = vector.extract %slice3A_1081[0] : f32 from vector<1xf32>
    %add3A_1083 = arith.addf %add3A_1080, %squeeze3A_1082 : f32
    %slice3A_1084 = vector.extract_strided_slice %scan3A_949#2 {offsets = [12], sizes = [1], strides = [1]} : vector<16xf32> to vector<1xf32>
    %squeeze3A_1085 = vector.extract %slice3A_1084[0] : f32 from vector<1xf32>
    %add3A_1086 = arith.addf %add3A_1083, %squeeze3A_1085 : f32
    %slice3A_1087 = vector.extract_strided_slice %scan3A_949#2 {offsets = [13], sizes = [1], strides = [1]} : vector<16xf32> to vector<1xf32>
    %squeeze3A_1088 = vector.extract %slice3A_1087[0] : f32 from vector<1xf32>
    %add3A_1089 = arith.addf %add3A_1086, %squeeze3A_1088 : f32
    %slice3A_1090 = vector.extract_strided_slice %scan3A_949#2 {offsets = [14], sizes = [1], strides = [1]} : vector<16xf32> to vector<1xf32>
    %squeeze3A_1091 = vector.extract %slice3A_1090[0] : f32 from vector<1xf32>
    %add3A_1092 = arith.addf %add3A_1089, %squeeze3A_1091 : f32
    %slice3A_1093 = vector.extract_strided_slice %scan3A_949#2 {offsets = [15], sizes = [1], strides = [1]} : vector<16xf32> to vector<1xf32>
    %squeeze3A_1094 = vector.extract %slice3A_1093[0] : f32 from vector<1xf32>
    %add3A_1095 = arith.addf %add3A_1092, %squeeze3A_1094 : f32
    %mul3A_1096 = arith.constant 1.99298465E-5 : f32
    %mul3A_1097 = arith.mulf %add3A_1095, %mul3A_1096 : f32
    %slice3A_1098 = vector.extract_strided_slice %scan3A_949#3 {offsets = [0], sizes = [1], strides = [1]} : vector<16xf32> to vector<1xf32>
    %squeeze3A_1099 = vector.extract %slice3A_1098[0] : f32 from vector<1xf32>
    %slice3A_1100 = vector.extract_strided_slice %scan3A_949#3 {offsets = [1], sizes = [1], strides = [1]} : vector<16xf32> to vector<1xf32>
    %squeeze3A_1101 = vector.extract %slice3A_1100[0] : f32 from vector<1xf32>
    %add3A_1102 = arith.addf %squeeze3A_1099, %squeeze3A_1101 : f32
    %slice3A_1103 = vector.extract_strided_slice %scan3A_949#3 {offsets = [2], sizes = [1], strides = [1]} : vector<16xf32> to vector<1xf32>
    %squeeze3A_1104 = vector.extract %slice3A_1103[0] : f32 from vector<1xf32>
    %add3A_1105 = arith.addf %add3A_1102, %squeeze3A_1104 : f32
    %slice3A_1106 = vector.extract_strided_slice %scan3A_949#3 {offsets = [3], sizes = [1], strides = [1]} : vector<16xf32> to vector<1xf32>
    %squeeze3A_1107 = vector.extract %slice3A_1106[0] : f32 from vector<1xf32>
    %add3A_1108 = arith.addf %add3A_1105, %squeeze3A_1107 : f32
    %slice3A_1109 = vector.extract_strided_slice %scan3A_949#3 {offsets = [4], sizes = [1], strides = [1]} : vector<16xf32> to vector<1xf32>
    %squeeze3A_1110 = vector.extract %slice3A_1109[0] : f32 from vector<1xf32>
    %add3A_1111 = arith.addf %add3A_1108, %squeeze3A_1110 : f32
    %slice3A_1112 = vector.extract_strided_slice %scan3A_949#3 {offsets = [5], sizes = [1], strides = [1]} : vector<16xf32> to vector<1xf32>
    %squeeze3A_1113 = vector.extract %slice3A_1112[0] : f32 from vector<1xf32>
    %add3A_1114 = arith.addf %add3A_1111, %squeeze3A_1113 : f32
    %slice3A_1115 = vector.extract_strided_slice %scan3A_949#3 {offsets = [6], sizes = [1], strides = [1]} : vector<16xf32> to vector<1xf32>
    %squeeze3A_1116 = vector.extract %slice3A_1115[0] : f32 from vector<1xf32>
    %add3A_1117 = arith.addf %add3A_1114, %squeeze3A_1116 : f32
    %slice3A_1118 = vector.extract_strided_slice %scan3A_949#3 {offsets = [7], sizes = [1], strides = [1]} : vector<16xf32> to vector<1xf32>
    %squeeze3A_1119 = vector.extract %slice3A_1118[0] : f32 from vector<1xf32>
    %add3A_1120 = arith.addf %add3A_1117, %squeeze3A_1119 : f32
    %slice3A_1121 = vector.extract_strided_slice %scan3A_949#3 {offsets = [8], sizes = [1], strides = [1]} : vector<16xf32> to vector<1xf32>
    %squeeze3A_1122 = vector.extract %slice3A_1121[0] : f32 from vector<1xf32>
    %add3A_1123 = arith.addf %add3A_1120, %squeeze3A_1122 : f32
    %slice3A_1124 = vector.extract_strided_slice %scan3A_949#3 {offsets = [9], sizes = [1], strides = [1]} : vector<16xf32> to vector<1xf32>
    %squeeze3A_1125 = vector.extract %slice3A_1124[0] : f32 from vector<1xf32>
    %add3A_1126 = arith.addf %add3A_1123, %squeeze3A_1125 : f32
    %slice3A_1127 = vector.extract_strided_slice %scan3A_949#3 {offsets = [10], sizes = [1], strides = [1]} : vector<16xf32> to vector<1xf32>
    %squeeze3A_1128 = vector.extract %slice3A_1127[0] : f32 from vector<1xf32>
    %add3A_1129 = arith.addf %add3A_1126, %squeeze3A_1128 : f32
    %slice3A_1130 = vector.extract_strided_slice %scan3A_949#3 {offsets = [11], sizes = [1], strides = [1]} : vector<16xf32> to vector<1xf32>
    %squeeze3A_1131 = vector.extract %slice3A_1130[0] : f32 from vector<1xf32>
    %add3A_1132 = arith.addf %add3A_1129, %squeeze3A_1131 : f32
    %slice3A_1133 = vector.extract_strided_slice %scan3A_949#3 {offsets = [12], sizes = [1], strides = [1]} : vector<16xf32> to vector<1xf32>
    %squeeze3A_1134 = vector.extract %slice3A_1133[0] : f32 from vector<1xf32>
    %add3A_1135 = arith.addf %add3A_1132, %squeeze3A_1134 : f32
    %slice3A_1136 = vector.extract_strided_slice %scan3A_949#3 {offsets = [13], sizes = [1], strides = [1]} : vector<16xf32> to vector<1xf32>
    %squeeze3A_1137 = vector.extract %slice3A_1136[0] : f32 from vector<1xf32>
    %add3A_1138 = arith.addf %add3A_1135, %squeeze3A_1137 : f32
    %slice3A_1139 = vector.extract_strided_slice %scan3A_949#3 {offsets = [14], sizes = [1], strides = [1]} : vector<16xf32> to vector<1xf32>
    %squeeze3A_1140 = vector.extract %slice3A_1139[0] : f32 from vector<1xf32>
    %add3A_1141 = arith.addf %add3A_1138, %squeeze3A_1140 : f32
    %slice3A_1142 = vector.extract_strided_slice %scan3A_949#3 {offsets = [15], sizes = [1], strides = [1]} : vector<16xf32> to vector<1xf32>
    %squeeze3A_1143 = vector.extract %slice3A_1142[0] : f32 from vector<1xf32>
    %add3A_1144 = arith.addf %add3A_1141, %squeeze3A_1143 : f32
    %mul3A_1145 = arith.constant 1.99298465E-5 : f32
    %mul3A_1146 = arith.mulf %add3A_1144, %mul3A_1145 : f32
    %scan3A_1147 = arith.constant 0 : i32
    %scan3A_1148 = arith.constant 14 : i32
    %scan3A_1149 = arith.addi %scan3A_1147, %scan3A_1148 : i32
    %scan3A_1150 = arith.constant 1 : i32
    %scan3A_1151:4 = scf.for %scan3A_1860 = %scan3A_1147 to %scan3A_1149 step %scan3A_1150 iter_args(%scan3A_1861 = %broadcast_in_dim3A_27, %scan3A_1862 = %broadcast_in_dim3A_27, %scan3A_1863 = %broadcast_in_dim3A_27, %scan3A_1864 = %broadcast_in_dim3A_27) -> (vector<16xf32>, vector<16xf32>, vector<16xf32>, vector<16xf32>)  : i32 {
      %dma_start3A = arith.constant 0 : i32
      %dma_start3A_1865 = arith.constant 0 : i32
      %dma_start3A_1866 = tpu.memref_slice %arg3[%add3A_944, %dma_start3A, %scan3A_1860, %dma_start3A_1865] : memref<64x4x14x3584xf32, #tpu.memory_space<hbm>> -> memref<1x4x1x3584xf32, #tpu.memory_space<hbm>>
      %dma_start3A_1867 = tpu.memref_squeeze %dma_start3A_1866 : memref<1x4x1x3584xf32, #tpu.memory_space<hbm>> -> memref<4x3584xf32, #tpu.memory_space<hbm>>
      %dma_start3A_1868 = arith.constant 0 : i32
      %dma_start3A_1869 = arith.constant 0 : i32
      %dma_start3A_1870 = tpu.memref_slice %arg3[%add3A_944, %dma_start3A_1868, %scan3A_1860, %dma_start3A_1869] : memref<64x4x14x3584xf32, #tpu.memory_space<hbm>> -> memref<1x4x1x3584xf32, #tpu.memory_space<hbm>>
      %dma_start3A_1871 = tpu.memref_squeeze %dma_start3A_1870 : memref<1x4x1x3584xf32, #tpu.memory_space<hbm>> -> memref<4x3584xf32, #tpu.memory_space<hbm>>
      tpu.enqueue_dma source(%dma_start3A_1871 : memref<4x3584xf32, #tpu.memory_space<hbm>>) target(%arg8 : memref<4x3584xf32, #tpu.memory_space<vmem>>) target_semaphore(%arg12 : memref<!tpu.dma_semaphore, #tpu.memory_space<semaphore_mem>>)
      %dma_wait3A = arith.constant 0 : i32
      %dma_wait3A_1872 = arith.constant 0 : i32
      %dma_wait3A_1873 = tpu.memref_slice %arg3[%add3A_944, %dma_wait3A, %scan3A_1860, %dma_wait3A_1872] : memref<64x4x14x3584xf32, #tpu.memory_space<hbm>> -> memref<1x4x1x3584xf32, #tpu.memory_space<hbm>>
      %dma_wait3A_1874 = tpu.memref_squeeze %dma_wait3A_1873 : memref<1x4x1x3584xf32, #tpu.memory_space<hbm>> -> memref<4x3584xf32, #tpu.memory_space<hbm>>
      %dma_wait3A_1875 = arith.constant 0 : i32
      %dma_wait3A_1876 = arith.constant 0 : i32
      %dma_wait3A_1877 = tpu.memref_slice %arg3[%add3A_944, %dma_wait3A_1875, %scan3A_1860, %dma_wait3A_1876] : memref<64x4x14x3584xf32, #tpu.memory_space<hbm>> -> memref<1x4x1x3584xf32, #tpu.memory_space<hbm>>
      %dma_wait3A_1878 = tpu.memref_squeeze %dma_wait3A_1877 : memref<1x4x1x3584xf32, #tpu.memory_space<hbm>> -> memref<4x3584xf32, #tpu.memory_space<hbm>>
      tpu.wait_dma2 semaphore(%arg12 : memref<!tpu.dma_semaphore, #tpu.memory_space<semaphore_mem>>) src(%dma_wait3A_1878 : memref<4x3584xf32, #tpu.memory_space<hbm>>) dst(%arg8 : memref<4x3584xf32, #tpu.memory_space<vmem>>)
      %scan3A_1879 = arith.constant 0 : i32
      %scan3A_1880 = arith.constant 224 : i32
      %scan3A_1881 = arith.addi %scan3A_1879, %scan3A_1880 : i32
      %scan3A_1882 = arith.constant 1 : i32
      %scan3A_1883 = scf.for %scan3A_1903 = %scan3A_1879 to %scan3A_1881 step %scan3A_1882 iter_args(%scan3A_1904 = %scan3A_1861) -> (vector<16xf32>)  : i32 {
        %mul3A_1905 = arith.constant 16 : i32
        %mul3A_1906 = arith.muli %scan3A_1903, %mul3A_1905 : i32
        %get3A_1907 = arith.constant 0 : i32
        %get3A_1908 = arith.index_cast %get3A_1907 : i32 to index
        %get3A_1909 = arith.index_cast %mul3A_1906 : i32 to index
        %get3A_1910 = tpu.vector_load %arg8[%get3A_1908, %get3A_1909] {strides = array<i32>} : memref<4x3584xf32, #tpu.memory_space<vmem>>, vector<1x16xf32>,
        %get3A_1911 = vector.shape_cast %get3A_1910 : vector<1x16xf32> to vector<16xf32>
        %add3A_1912 = arith.addf %scan3A_1904, %get3A_1911 : vector<16xf32>
        scf.yield %add3A_1912 : vector<16xf32>
      }
      %scan3A_1884 = arith.constant 224 : i32
      %scan3A_1885 = arith.constant 0 : i32
      %scan3A_1886 = arith.constant 224 : i32
      %scan3A_1887 = arith.addi %scan3A_1885, %scan3A_1886 : i32
      %scan3A_1888 = arith.constant 1 : i32
      %scan3A_1889 = scf.for %scan3A_1903 = %scan3A_1885 to %scan3A_1887 step %scan3A_1888 iter_args(%scan3A_1904 = %scan3A_1862) -> (vector<16xf32>)  : i32 {
        %mul3A_1905 = arith.constant 16 : i32
        %mul3A_1906 = arith.muli %scan3A_1903, %mul3A_1905 : i32
        %get3A_1907 = arith.constant 1 : i32
        %get3A_1908 = arith.index_cast %get3A_1907 : i32 to index
        %get3A_1909 = arith.index_cast %mul3A_1906 : i32 to index
        %get3A_1910 = tpu.vector_load %arg8[%get3A_1908, %get3A_1909] {strides = array<i32>} : memref<4x3584xf32, #tpu.memory_space<vmem>>, vector<1x16xf32>,
        %get3A_1911 = vector.shape_cast %get3A_1910 : vector<1x16xf32> to vector<16xf32>
        %add3A_1912 = arith.addf %scan3A_1904, %get3A_1911 : vector<16xf32>
        scf.yield %add3A_1912 : vector<16xf32>
      }
      %scan3A_1890 = arith.constant 224 : i32
      %scan3A_1891 = arith.constant 0 : i32
      %scan3A_1892 = arith.constant 224 : i32
      %scan3A_1893 = arith.addi %scan3A_1891, %scan3A_1892 : i32
      %scan3A_1894 = arith.constant 1 : i32
      %scan3A_1895 = scf.for %scan3A_1903 = %scan3A_1891 to %scan3A_1893 step %scan3A_1894 iter_args(%scan3A_1904 = %scan3A_1863) -> (vector<16xf32>)  : i32 {
        %mul3A_1905 = arith.constant 16 : i32
        %mul3A_1906 = arith.muli %scan3A_1903, %mul3A_1905 : i32
        %get3A_1907 = arith.constant 2 : i32
        %get3A_1908 = arith.index_cast %get3A_1907 : i32 to index
        %get3A_1909 = arith.index_cast %mul3A_1906 : i32 to index
        %get3A_1910 = tpu.vector_load %arg8[%get3A_1908, %get3A_1909] {strides = array<i32>} : memref<4x3584xf32, #tpu.memory_space<vmem>>, vector<1x16xf32>,
        %get3A_1911 = vector.shape_cast %get3A_1910 : vector<1x16xf32> to vector<16xf32>
        %add3A_1912 = arith.addf %scan3A_1904, %get3A_1911 : vector<16xf32>
        scf.yield %add3A_1912 : vector<16xf32>
      }
      %scan3A_1896 = arith.constant 224 : i32
      %scan3A_1897 = arith.constant 0 : i32
      %scan3A_1898 = arith.constant 224 : i32
      %scan3A_1899 = arith.addi %scan3A_1897, %scan3A_1898 : i32
      %scan3A_1900 = arith.constant 1 : i32
      %scan3A_1901 = scf.for %scan3A_1903 = %scan3A_1897 to %scan3A_1899 step %scan3A_1900 iter_args(%scan3A_1904 = %scan3A_1864) -> (vector<16xf32>)  : i32 {
        %mul3A_1905 = arith.constant 16 : i32
        %mul3A_1906 = arith.muli %scan3A_1903, %mul3A_1905 : i32
        %get3A_1907 = arith.constant 3 : i32
        %get3A_1908 = arith.index_cast %get3A_1907 : i32 to index
        %get3A_1909 = arith.index_cast %mul3A_1906 : i32 to index
        %get3A_1910 = tpu.vector_load %arg8[%get3A_1908, %get3A_1909] {strides = array<i32>} : memref<4x3584xf32, #tpu.memory_space<vmem>>, vector<1x16xf32>,
        %get3A_1911 = vector.shape_cast %get3A_1910 : vector<1x16xf32> to vector<16xf32>
        %add3A_1912 = arith.addf %scan3A_1904, %get3A_1911 : vector<16xf32>
        scf.yield %add3A_1912 : vector<16xf32>
      }
      %scan3A_1902 = arith.constant 224 : i32
      scf.yield %scan3A_1883, %scan3A_1889, %scan3A_1895, %scan3A_1901 : vector<16xf32>, vector<16xf32>, vector<16xf32>, vector<16xf32>
    }
    %scan3A_1152 = arith.constant 14 : i32
    %slice3A_1153 = vector.extract_strided_slice %scan3A_1151#0 {offsets = [0], sizes = [1], strides = [1]} : vector<16xf32> to vector<1xf32>
    %squeeze3A_1154 = vector.extract %slice3A_1153[0] : f32 from vector<1xf32>
    %slice3A_1155 = vector.extract_strided_slice %scan3A_1151#0 {offsets = [1], sizes = [1], strides = [1]} : vector<16xf32> to vector<1xf32>
    %squeeze3A_1156 = vector.extract %slice3A_1155[0] : f32 from vector<1xf32>
    %add3A_1157 = arith.addf %squeeze3A_1154, %squeeze3A_1156 : f32
    %slice3A_1158 = vector.extract_strided_slice %scan3A_1151#0 {offsets = [2], sizes = [1], strides = [1]} : vector<16xf32> to vector<1xf32>
    %squeeze3A_1159 = vector.extract %slice3A_1158[0] : f32 from vector<1xf32>
    %add3A_1160 = arith.addf %add3A_1157, %squeeze3A_1159 : f32
    %slice3A_1161 = vector.extract_strided_slice %scan3A_1151#0 {offsets = [3], sizes = [1], strides = [1]} : vector<16xf32> to vector<1xf32>
    %squeeze3A_1162 = vector.extract %slice3A_1161[0] : f32 from vector<1xf32>
    %add3A_1163 = arith.addf %add3A_1160, %squeeze3A_1162 : f32
    %slice3A_1164 = vector.extract_strided_slice %scan3A_1151#0 {offsets = [4], sizes = [1], strides = [1]} : vector<16xf32> to vector<1xf32>
    %squeeze3A_1165 = vector.extract %slice3A_1164[0] : f32 from vector<1xf32>
    %add3A_1166 = arith.addf %add3A_1163, %squeeze3A_1165 : f32
    %slice3A_1167 = vector.extract_strided_slice %scan3A_1151#0 {offsets = [5], sizes = [1], strides = [1]} : vector<16xf32> to vector<1xf32>
    %squeeze3A_1168 = vector.extract %slice3A_1167[0] : f32 from vector<1xf32>
    %add3A_1169 = arith.addf %add3A_1166, %squeeze3A_1168 : f32
    %slice3A_1170 = vector.extract_strided_slice %scan3A_1151#0 {offsets = [6], sizes = [1], strides = [1]} : vector<16xf32> to vector<1xf32>
    %squeeze3A_1171 = vector.extract %slice3A_1170[0] : f32 from vector<1xf32>
    %add3A_1172 = arith.addf %add3A_1169, %squeeze3A_1171 : f32
    %slice3A_1173 = vector.extract_strided_slice %scan3A_1151#0 {offsets = [7], sizes = [1], strides = [1]} : vector<16xf32> to vector<1xf32>
    %squeeze3A_1174 = vector.extract %slice3A_1173[0] : f32 from vector<1xf32>
    %add3A_1175 = arith.addf %add3A_1172, %squeeze3A_1174 : f32
    %slice3A_1176 = vector.extract_strided_slice %scan3A_1151#0 {offsets = [8], sizes = [1], strides = [1]} : vector<16xf32> to vector<1xf32>
    %squeeze3A_1177 = vector.extract %slice3A_1176[0] : f32 from vector<1xf32>
    %add3A_1178 = arith.addf %add3A_1175, %squeeze3A_1177 : f32
    %slice3A_1179 = vector.extract_strided_slice %scan3A_1151#0 {offsets = [9], sizes = [1], strides = [1]} : vector<16xf32> to vector<1xf32>
    %squeeze3A_1180 = vector.extract %slice3A_1179[0] : f32 from vector<1xf32>
    %add3A_1181 = arith.addf %add3A_1178, %squeeze3A_1180 : f32
    %slice3A_1182 = vector.extract_strided_slice %scan3A_1151#0 {offsets = [10], sizes = [1], strides = [1]} : vector<16xf32> to vector<1xf32>
    %squeeze3A_1183 = vector.extract %slice3A_1182[0] : f32 from vector<1xf32>
    %add3A_1184 = arith.addf %add3A_1181, %squeeze3A_1183 : f32
    %slice3A_1185 = vector.extract_strided_slice %scan3A_1151#0 {offsets = [11], sizes = [1], strides = [1]} : vector<16xf32> to vector<1xf32>
    %squeeze3A_1186 = vector.extract %slice3A_1185[0] : f32 from vector<1xf32>
    %add3A_1187 = arith.addf %add3A_1184, %squeeze3A_1186 : f32
    %slice3A_1188 = vector.extract_strided_slice %scan3A_1151#0 {offsets = [12], sizes = [1], strides = [1]} : vector<16xf32> to vector<1xf32>
    %squeeze3A_1189 = vector.extract %slice3A_1188[0] : f32 from vector<1xf32>
    %add3A_1190 = arith.addf %add3A_1187, %squeeze3A_1189 : f32
    %slice3A_1191 = vector.extract_strided_slice %scan3A_1151#0 {offsets = [13], sizes = [1], strides = [1]} : vector<16xf32> to vector<1xf32>
    %squeeze3A_1192 = vector.extract %slice3A_1191[0] : f32 from vector<1xf32>
    %add3A_1193 = arith.addf %add3A_1190, %squeeze3A_1192 : f32
    %slice3A_1194 = vector.extract_strided_slice %scan3A_1151#0 {offsets = [14], sizes = [1], strides = [1]} : vector<16xf32> to vector<1xf32>
    %squeeze3A_1195 = vector.extract %slice3A_1194[0] : f32 from vector<1xf32>
    %add3A_1196 = arith.addf %add3A_1193, %squeeze3A_1195 : f32
    %slice3A_1197 = vector.extract_strided_slice %scan3A_1151#0 {offsets = [15], sizes = [1], strides = [1]} : vector<16xf32> to vector<1xf32>
    %squeeze3A_1198 = vector.extract %slice3A_1197[0] : f32 from vector<1xf32>
    %add3A_1199 = arith.addf %add3A_1196, %squeeze3A_1198 : f32
    %mul3A_1200 = arith.constant 1.99298465E-5 : f32
    %mul3A_1201 = arith.mulf %add3A_1199, %mul3A_1200 : f32
    %slice3A_1202 = vector.extract_strided_slice %scan3A_1151#1 {offsets = [0], sizes = [1], strides = [1]} : vector<16xf32> to vector<1xf32>
    %squeeze3A_1203 = vector.extract %slice3A_1202[0] : f32 from vector<1xf32>
    %slice3A_1204 = vector.extract_strided_slice %scan3A_1151#1 {offsets = [1], sizes = [1], strides = [1]} : vector<16xf32> to vector<1xf32>
    %squeeze3A_1205 = vector.extract %slice3A_1204[0] : f32 from vector<1xf32>
    %add3A_1206 = arith.addf %squeeze3A_1203, %squeeze3A_1205 : f32
    %slice3A_1207 = vector.extract_strided_slice %scan3A_1151#1 {offsets = [2], sizes = [1], strides = [1]} : vector<16xf32> to vector<1xf32>
    %squeeze3A_1208 = vector.extract %slice3A_1207[0] : f32 from vector<1xf32>
    %add3A_1209 = arith.addf %add3A_1206, %squeeze3A_1208 : f32
    %slice3A_1210 = vector.extract_strided_slice %scan3A_1151#1 {offsets = [3], sizes = [1], strides = [1]} : vector<16xf32> to vector<1xf32>
    %squeeze3A_1211 = vector.extract %slice3A_1210[0] : f32 from vector<1xf32>
    %add3A_1212 = arith.addf %add3A_1209, %squeeze3A_1211 : f32
    %slice3A_1213 = vector.extract_strided_slice %scan3A_1151#1 {offsets = [4], sizes = [1], strides = [1]} : vector<16xf32> to vector<1xf32>
    %squeeze3A_1214 = vector.extract %slice3A_1213[0] : f32 from vector<1xf32>
    %add3A_1215 = arith.addf %add3A_1212, %squeeze3A_1214 : f32
    %slice3A_1216 = vector.extract_strided_slice %scan3A_1151#1 {offsets = [5], sizes = [1], strides = [1]} : vector<16xf32> to vector<1xf32>
    %squeeze3A_1217 = vector.extract %slice3A_1216[0] : f32 from vector<1xf32>
    %add3A_1218 = arith.addf %add3A_1215, %squeeze3A_1217 : f32
    %slice3A_1219 = vector.extract_strided_slice %scan3A_1151#1 {offsets = [6], sizes = [1], strides = [1]} : vector<16xf32> to vector<1xf32>
    %squeeze3A_1220 = vector.extract %slice3A_1219[0] : f32 from vector<1xf32>
    %add3A_1221 = arith.addf %add3A_1218, %squeeze3A_1220 : f32
    %slice3A_1222 = vector.extract_strided_slice %scan3A_1151#1 {offsets = [7], sizes = [1], strides = [1]} : vector<16xf32> to vector<1xf32>
    %squeeze3A_1223 = vector.extract %slice3A_1222[0] : f32 from vector<1xf32>
    %add3A_1224 = arith.addf %add3A_1221, %squeeze3A_1223 : f32
    %slice3A_1225 = vector.extract_strided_slice %scan3A_1151#1 {offsets = [8], sizes = [1], strides = [1]} : vector<16xf32> to vector<1xf32>
    %squeeze3A_1226 = vector.extract %slice3A_1225[0] : f32 from vector<1xf32>
    %add3A_1227 = arith.addf %add3A_1224, %squeeze3A_1226 : f32
    %slice3A_1228 = vector.extract_strided_slice %scan3A_1151#1 {offsets = [9], sizes = [1], strides = [1]} : vector<16xf32> to vector<1xf32>
    %squeeze3A_1229 = vector.extract %slice3A_1228[0] : f32 from vector<1xf32>
    %add3A_1230 = arith.addf %add3A_1227, %squeeze3A_1229 : f32
    %slice3A_1231 = vector.extract_strided_slice %scan3A_1151#1 {offsets = [10], sizes = [1], strides = [1]} : vector<16xf32> to vector<1xf32>
    %squeeze3A_1232 = vector.extract %slice3A_1231[0] : f32 from vector<1xf32>
    %add3A_1233 = arith.addf %add3A_1230, %squeeze3A_1232 : f32
    %slice3A_1234 = vector.extract_strided_slice %scan3A_1151#1 {offsets = [11], sizes = [1], strides = [1]} : vector<16xf32> to vector<1xf32>
    %squeeze3A_1235 = vector.extract %slice3A_1234[0] : f32 from vector<1xf32>
    %add3A_1236 = arith.addf %add3A_1233, %squeeze3A_1235 : f32
    %slice3A_1237 = vector.extract_strided_slice %scan3A_1151#1 {offsets = [12], sizes = [1], strides = [1]} : vector<16xf32> to vector<1xf32>
    %squeeze3A_1238 = vector.extract %slice3A_1237[0] : f32 from vector<1xf32>
    %add3A_1239 = arith.addf %add3A_1236, %squeeze3A_1238 : f32
    %slice3A_1240 = vector.extract_strided_slice %scan3A_1151#1 {offsets = [13], sizes = [1], strides = [1]} : vector<16xf32> to vector<1xf32>
    %squeeze3A_1241 = vector.extract %slice3A_1240[0] : f32 from vector<1xf32>
    %add3A_1242 = arith.addf %add3A_1239, %squeeze3A_1241 : f32
    %slice3A_1243 = vector.extract_strided_slice %scan3A_1151#1 {offsets = [14], sizes = [1], strides = [1]} : vector<16xf32> to vector<1xf32>
    %squeeze3A_1244 = vector.extract %slice3A_1243[0] : f32 from vector<1xf32>
    %add3A_1245 = arith.addf %add3A_1242, %squeeze3A_1244 : f32
    %slice3A_1246 = vector.extract_strided_slice %scan3A_1151#1 {offsets = [15], sizes = [1], strides = [1]} : vector<16xf32> to vector<1xf32>
    %squeeze3A_1247 = vector.extract %slice3A_1246[0] : f32 from vector<1xf32>
    %add3A_1248 = arith.addf %add3A_1245, %squeeze3A_1247 : f32
    %mul3A_1249 = arith.constant 1.99298465E-5 : f32
    %mul3A_1250 = arith.mulf %add3A_1248, %mul3A_1249 : f32
    %slice3A_1251 = vector.extract_strided_slice %scan3A_1151#2 {offsets = [0], sizes = [1], strides = [1]} : vector<16xf32> to vector<1xf32>
    %squeeze3A_1252 = vector.extract %slice3A_1251[0] : f32 from vector<1xf32>
    %slice3A_1253 = vector.extract_strided_slice %scan3A_1151#2 {offsets = [1], sizes = [1], strides = [1]} : vector<16xf32> to vector<1xf32>
    %squeeze3A_1254 = vector.extract %slice3A_1253[0] : f32 from vector<1xf32>
    %add3A_1255 = arith.addf %squeeze3A_1252, %squeeze3A_1254 : f32
    %slice3A_1256 = vector.extract_strided_slice %scan3A_1151#2 {offsets = [2], sizes = [1], strides = [1]} : vector<16xf32> to vector<1xf32>
    %squeeze3A_1257 = vector.extract %slice3A_1256[0] : f32 from vector<1xf32>
    %add3A_1258 = arith.addf %add3A_1255, %squeeze3A_1257 : f32
    %slice3A_1259 = vector.extract_strided_slice %scan3A_1151#2 {offsets = [3], sizes = [1], strides = [1]} : vector<16xf32> to vector<1xf32>
    %squeeze3A_1260 = vector.extract %slice3A_1259[0] : f32 from vector<1xf32>
    %add3A_1261 = arith.addf %add3A_1258, %squeeze3A_1260 : f32
    %slice3A_1262 = vector.extract_strided_slice %scan3A_1151#2 {offsets = [4], sizes = [1], strides = [1]} : vector<16xf32> to vector<1xf32>
    %squeeze3A_1263 = vector.extract %slice3A_1262[0] : f32 from vector<1xf32>
    %add3A_1264 = arith.addf %add3A_1261, %squeeze3A_1263 : f32
    %slice3A_1265 = vector.extract_strided_slice %scan3A_1151#2 {offsets = [5], sizes = [1], strides = [1]} : vector<16xf32> to vector<1xf32>
    %squeeze3A_1266 = vector.extract %slice3A_1265[0] : f32 from vector<1xf32>
    %add3A_1267 = arith.addf %add3A_1264, %squeeze3A_1266 : f32
    %slice3A_1268 = vector.extract_strided_slice %scan3A_1151#2 {offsets = [6], sizes = [1], strides = [1]} : vector<16xf32> to vector<1xf32>
    %squeeze3A_1269 = vector.extract %slice3A_1268[0] : f32 from vector<1xf32>
    %add3A_1270 = arith.addf %add3A_1267, %squeeze3A_1269 : f32
    %slice3A_1271 = vector.extract_strided_slice %scan3A_1151#2 {offsets = [7], sizes = [1], strides = [1]} : vector<16xf32> to vector<1xf32>
    %squeeze3A_1272 = vector.extract %slice3A_1271[0] : f32 from vector<1xf32>
    %add3A_1273 = arith.addf %add3A_1270, %squeeze3A_1272 : f32
    %slice3A_1274 = vector.extract_strided_slice %scan3A_1151#2 {offsets = [8], sizes = [1], strides = [1]} : vector<16xf32> to vector<1xf32>
    %squeeze3A_1275 = vector.extract %slice3A_1274[0] : f32 from vector<1xf32>
    %add3A_1276 = arith.addf %add3A_1273, %squeeze3A_1275 : f32
    %slice3A_1277 = vector.extract_strided_slice %scan3A_1151#2 {offsets = [9], sizes = [1], strides = [1]} : vector<16xf32> to vector<1xf32>
    %squeeze3A_1278 = vector.extract %slice3A_1277[0] : f32 from vector<1xf32>
    %add3A_1279 = arith.addf %add3A_1276, %squeeze3A_1278 : f32
    %slice3A_1280 = vector.extract_strided_slice %scan3A_1151#2 {offsets = [10], sizes = [1], strides = [1]} : vector<16xf32> to vector<1xf32>
    %squeeze3A_1281 = vector.extract %slice3A_1280[0] : f32 from vector<1xf32>
    %add3A_1282 = arith.addf %add3A_1279, %squeeze3A_1281 : f32
    %slice3A_1283 = vector.extract_strided_slice %scan3A_1151#2 {offsets = [11], sizes = [1], strides = [1]} : vector<16xf32> to vector<1xf32>
    %squeeze3A_1284 = vector.extract %slice3A_1283[0] : f32 from vector<1xf32>
    %add3A_1285 = arith.addf %add3A_1282, %squeeze3A_1284 : f32
    %slice3A_1286 = vector.extract_strided_slice %scan3A_1151#2 {offsets = [12], sizes = [1], strides = [1]} : vector<16xf32> to vector<1xf32>
    %squeeze3A_1287 = vector.extract %slice3A_1286[0] : f32 from vector<1xf32>
    %add3A_1288 = arith.addf %add3A_1285, %squeeze3A_1287 : f32
    %slice3A_1289 = vector.extract_strided_slice %scan3A_1151#2 {offsets = [13], sizes = [1], strides = [1]} : vector<16xf32> to vector<1xf32>
    %squeeze3A_1290 = vector.extract %slice3A_1289[0] : f32 from vector<1xf32>
    %add3A_1291 = arith.addf %add3A_1288, %squeeze3A_1290 : f32
    %slice3A_1292 = vector.extract_strided_slice %scan3A_1151#2 {offsets = [14], sizes = [1], strides = [1]} : vector<16xf32> to vector<1xf32>
    %squeeze3A_1293 = vector.extract %slice3A_1292[0] : f32 from vector<1xf32>
    %add3A_1294 = arith.addf %add3A_1291, %squeeze3A_1293 : f32
    %slice3A_1295 = vector.extract_strided_slice %scan3A_1151#2 {offsets = [15], sizes = [1], strides = [1]} : vector<16xf32> to vector<1xf32>
    %squeeze3A_1296 = vector.extract %slice3A_1295[0] : f32 from vector<1xf32>
    %add3A_1297 = arith.addf %add3A_1294, %squeeze3A_1296 : f32
    %mul3A_1298 = arith.constant 1.99298465E-5 : f32
    %mul3A_1299 = arith.mulf %add3A_1297, %mul3A_1298 : f32
    %slice3A_1300 = vector.extract_strided_slice %scan3A_1151#3 {offsets = [0], sizes = [1], strides = [1]} : vector<16xf32> to vector<1xf32>
    %squeeze3A_1301 = vector.extract %slice3A_1300[0] : f32 from vector<1xf32>
    %slice3A_1302 = vector.extract_strided_slice %scan3A_1151#3 {offsets = [1], sizes = [1], strides = [1]} : vector<16xf32> to vector<1xf32>
    %squeeze3A_1303 = vector.extract %slice3A_1302[0] : f32 from vector<1xf32>
    %add3A_1304 = arith.addf %squeeze3A_1301, %squeeze3A_1303 : f32
    %slice3A_1305 = vector.extract_strided_slice %scan3A_1151#3 {offsets = [2], sizes = [1], strides = [1]} : vector<16xf32> to vector<1xf32>
    %squeeze3A_1306 = vector.extract %slice3A_1305[0] : f32 from vector<1xf32>
    %add3A_1307 = arith.addf %add3A_1304, %squeeze3A_1306 : f32
    %slice3A_1308 = vector.extract_strided_slice %scan3A_1151#3 {offsets = [3], sizes = [1], strides = [1]} : vector<16xf32> to vector<1xf32>
    %squeeze3A_1309 = vector.extract %slice3A_1308[0] : f32 from vector<1xf32>
    %add3A_1310 = arith.addf %add3A_1307, %squeeze3A_1309 : f32
    %slice3A_1311 = vector.extract_strided_slice %scan3A_1151#3 {offsets = [4], sizes = [1], strides = [1]} : vector<16xf32> to vector<1xf32>
    %squeeze3A_1312 = vector.extract %slice3A_1311[0] : f32 from vector<1xf32>
    %add3A_1313 = arith.addf %add3A_1310, %squeeze3A_1312 : f32
    %slice3A_1314 = vector.extract_strided_slice %scan3A_1151#3 {offsets = [5], sizes = [1], strides = [1]} : vector<16xf32> to vector<1xf32>
    %squeeze3A_1315 = vector.extract %slice3A_1314[0] : f32 from vector<1xf32>
    %add3A_1316 = arith.addf %add3A_1313, %squeeze3A_1315 : f32
    %slice3A_1317 = vector.extract_strided_slice %scan3A_1151#3 {offsets = [6], sizes = [1], strides = [1]} : vector<16xf32> to vector<1xf32>
    %squeeze3A_1318 = vector.extract %slice3A_1317[0] : f32 from vector<1xf32>
    %add3A_1319 = arith.addf %add3A_1316, %squeeze3A_1318 : f32
    %slice3A_1320 = vector.extract_strided_slice %scan3A_1151#3 {offsets = [7], sizes = [1], strides = [1]} : vector<16xf32> to vector<1xf32>
    %squeeze3A_1321 = vector.extract %slice3A_1320[0] : f32 from vector<1xf32>
    %add3A_1322 = arith.addf %add3A_1319, %squeeze3A_1321 : f32
    %slice3A_1323 = vector.extract_strided_slice %scan3A_1151#3 {offsets = [8], sizes = [1], strides = [1]} : vector<16xf32> to vector<1xf32>
    %squeeze3A_1324 = vector.extract %slice3A_1323[0] : f32 from vector<1xf32>
    %add3A_1325 = arith.addf %add3A_1322, %squeeze3A_1324 : f32
    %slice3A_1326 = vector.extract_strided_slice %scan3A_1151#3 {offsets = [9], sizes = [1], strides = [1]} : vector<16xf32> to vector<1xf32>
    %squeeze3A_1327 = vector.extract %slice3A_1326[0] : f32 from vector<1xf32>
    %add3A_1328 = arith.addf %add3A_1325, %squeeze3A_1327 : f32
    %slice3A_1329 = vector.extract_strided_slice %scan3A_1151#3 {offsets = [10], sizes = [1], strides = [1]} : vector<16xf32> to vector<1xf32>
    %squeeze3A_1330 = vector.extract %slice3A_1329[0] : f32 from vector<1xf32>
    %add3A_1331 = arith.addf %add3A_1328, %squeeze3A_1330 : f32
    %slice3A_1332 = vector.extract_strided_slice %scan3A_1151#3 {offsets = [11], sizes = [1], strides = [1]} : vector<16xf32> to vector<1xf32>
    %squeeze3A_1333 = vector.extract %slice3A_1332[0] : f32 from vector<1xf32>
    %add3A_1334 = arith.addf %add3A_1331, %squeeze3A_1333 : f32
    %slice3A_1335 = vector.extract_strided_slice %scan3A_1151#3 {offsets = [12], sizes = [1], strides = [1]} : vector<16xf32> to vector<1xf32>
    %squeeze3A_1336 = vector.extract %slice3A_1335[0] : f32 from vector<1xf32>
    %add3A_1337 = arith.addf %add3A_1334, %squeeze3A_1336 : f32
    %slice3A_1338 = vector.extract_strided_slice %scan3A_1151#3 {offsets = [13], sizes = [1], strides = [1]} : vector<16xf32> to vector<1xf32>
    %squeeze3A_1339 = vector.extract %slice3A_1338[0] : f32 from vector<1xf32>
    %add3A_1340 = arith.addf %add3A_1337, %squeeze3A_1339 : f32
    %slice3A_1341 = vector.extract_strided_slice %scan3A_1151#3 {offsets = [14], sizes = [1], strides = [1]} : vector<16xf32> to vector<1xf32>
    %squeeze3A_1342 = vector.extract %slice3A_1341[0] : f32 from vector<1xf32>
    %add3A_1343 = arith.addf %add3A_1340, %squeeze3A_1342 : f32
    %slice3A_1344 = vector.extract_strided_slice %scan3A_1151#3 {offsets = [15], sizes = [1], strides = [1]} : vector<16xf32> to vector<1xf32>
    %squeeze3A_1345 = vector.extract %slice3A_1344[0] : f32 from vector<1xf32>
    %add3A_1346 = arith.addf %add3A_1343, %squeeze3A_1345 : f32
    %mul3A_1347 = arith.constant 1.99298465E-5 : f32
    %mul3A_1348 = arith.mulf %add3A_1346, %mul3A_1347 : f32
    %slice3A_1349 = vector.extract_strided_slice %get3A_2 {offsets = [0], sizes = [1], strides = [1]} : vector<16xf32> to vector<1xf32>
    %squeeze3A_1350 = vector.extract %slice3A_1349[0] : f32 from vector<1xf32>
    %mul3A_1351 = arith.mulf %squeeze3A_1350, %mul3A_999 : f32
    %slice3A_1352 = vector.extract_strided_slice %get3A_2 {offsets = [1], sizes = [1], strides = [1]} : vector<16xf32> to vector<1xf32>
    %squeeze3A_1353 = vector.extract %slice3A_1352[0] : f32 from vector<1xf32>
    %mul3A_1354 = arith.mulf %squeeze3A_1353, %mul3A_1048 : f32
    %add3A_1355 = arith.addf %mul3A_1351, %mul3A_1354 : f32
    %slice3A_1356 = vector.extract_strided_slice %get3A_2 {offsets = [2], sizes = [1], strides = [1]} : vector<16xf32> to vector<1xf32>
    %squeeze3A_1357 = vector.extract %slice3A_1356[0] : f32 from vector<1xf32>
    %mul3A_1358 = arith.mulf %squeeze3A_1357, %mul3A_1097 : f32
    %add3A_1359 = arith.addf %add3A_1355, %mul3A_1358 : f32
    %slice3A_1360 = vector.extract_strided_slice %get3A_2 {offsets = [3], sizes = [1], strides = [1]} : vector<16xf32> to vector<1xf32>
    %squeeze3A_1361 = vector.extract %slice3A_1360[0] : f32 from vector<1xf32>
    %mul3A_1362 = arith.mulf %squeeze3A_1361, %mul3A_1146 : f32
    %add3A_1363 = arith.addf %add3A_1359, %mul3A_1362 : f32
    %slice3A_1364 = vector.extract_strided_slice %get3A_2 {offsets = [8], sizes = [1], strides = [1]} : vector<16xf32> to vector<1xf32>
    %squeeze3A_1365 = vector.extract %slice3A_1364[0] : f32 from vector<1xf32>
    %add3A_1366 = arith.addf %add3A_1363, %squeeze3A_1365 : f32
    %slice3A_1367 = vector.extract_strided_slice %get3A_2 {offsets = [4], sizes = [1], strides = [1]} : vector<16xf32> to vector<1xf32>
    %squeeze3A_1368 = vector.extract %slice3A_1367[0] : f32 from vector<1xf32>
    %mul3A_1369 = arith.mulf %squeeze3A_1368, %mul3A_999 : f32
    %slice3A_1370 = vector.extract_strided_slice %get3A_2 {offsets = [5], sizes = [1], strides = [1]} : vector<16xf32> to vector<1xf32>
    %squeeze3A_1371 = vector.extract %slice3A_1370[0] : f32 from vector<1xf32>
    %mul3A_1372 = arith.mulf %squeeze3A_1371, %mul3A_1048 : f32
    %add3A_1373 = arith.addf %mul3A_1369, %mul3A_1372 : f32
    %slice3A_1374 = vector.extract_strided_slice %get3A_2 {offsets = [6], sizes = [1], strides = [1]} : vector<16xf32> to vector<1xf32>
    %squeeze3A_1375 = vector.extract %slice3A_1374[0] : f32 from vector<1xf32>
    %mul3A_1376 = arith.mulf %squeeze3A_1375, %mul3A_1097 : f32
    %add3A_1377 = arith.addf %add3A_1373, %mul3A_1376 : f32
    %slice3A_1378 = vector.extract_strided_slice %get3A_2 {offsets = [7], sizes = [1], strides = [1]} : vector<16xf32> to vector<1xf32>
    %squeeze3A_1379 = vector.extract %slice3A_1378[0] : f32 from vector<1xf32>
    %mul3A_1380 = arith.mulf %squeeze3A_1379, %mul3A_1146 : f32
    %add3A_1381 = arith.addf %add3A_1377, %mul3A_1380 : f32
    %slice3A_1382 = vector.extract_strided_slice %get3A_2 {offsets = [9], sizes = [1], strides = [1]} : vector<16xf32> to vector<1xf32>
    %squeeze3A_1383 = vector.extract %slice3A_1382[0] : f32 from vector<1xf32>
    %add3A_1384 = arith.addf %add3A_1381, %squeeze3A_1383 : f32
    %slice3A_1385 = vector.extract_strided_slice %get3A_2 {offsets = [10], sizes = [1], strides = [1]} : vector<16xf32> to vector<1xf32>
    %squeeze3A_1386 = vector.extract %slice3A_1385[0] : f32 from vector<1xf32>
    %mul3A_1387 = arith.mulf %squeeze3A_1386, %add3A_1366 : f32
    %slice3A_1388 = vector.extract_strided_slice %get3A_2 {offsets = [11], sizes = [1], strides = [1]} : vector<16xf32> to vector<1xf32>
    %squeeze3A_1389 = vector.extract %slice3A_1388[0] : f32 from vector<1xf32>
    %mul3A_1390 = arith.mulf %squeeze3A_1389, %add3A_1384 : f32
    %add3A_1391 = arith.addf %mul3A_1387, %mul3A_1390 : f32
    %slice3A_1392 = vector.extract_strided_slice %get3A_2 {offsets = [14], sizes = [1], strides = [1]} : vector<16xf32> to vector<1xf32>
    %squeeze3A_1393 = vector.extract %slice3A_1392[0] : f32 from vector<1xf32>
    %add3A_1394 = arith.addf %add3A_1391, %squeeze3A_1393 : f32
    %slice3A_1395 = vector.extract_strided_slice %get3A_2 {offsets = [12], sizes = [1], strides = [1]} : vector<16xf32> to vector<1xf32>
    %squeeze3A_1396 = vector.extract %slice3A_1395[0] : f32 from vector<1xf32>
    %mul3A_1397 = arith.mulf %squeeze3A_1396, %add3A_1366 : f32
    %slice3A_1398 = vector.extract_strided_slice %get3A_2 {offsets = [13], sizes = [1], strides = [1]} : vector<16xf32> to vector<1xf32>
    %squeeze3A_1399 = vector.extract %slice3A_1398[0] : f32 from vector<1xf32>
    %mul3A_1400 = arith.mulf %squeeze3A_1399, %add3A_1384 : f32
    %add3A_1401 = arith.addf %mul3A_1397, %mul3A_1400 : f32
    %slice3A_1402 = vector.extract_strided_slice %get3A_2 {offsets = [15], sizes = [1], strides = [1]} : vector<16xf32> to vector<1xf32>
    %squeeze3A_1403 = vector.extract %slice3A_1402[0] : f32 from vector<1xf32>
    %add3A_1404 = arith.addf %add3A_1401, %squeeze3A_1403 : f32
    %slice3A_1405 = vector.extract_strided_slice %get3A_2 {offsets = [0], sizes = [1], strides = [1]} : vector<16xf32> to vector<1xf32>
    %squeeze3A_1406 = vector.extract %slice3A_1405[0] : f32 from vector<1xf32>
    %mul3A_1407 = arith.mulf %squeeze3A_1406, %mul3A_1201 : f32
    %slice3A_1408 = vector.extract_strided_slice %get3A_2 {offsets = [1], sizes = [1], strides = [1]} : vector<16xf32> to vector<1xf32>
    %squeeze3A_1409 = vector.extract %slice3A_1408[0] : f32 from vector<1xf32>
    %mul3A_1410 = arith.mulf %squeeze3A_1409, %mul3A_1250 : f32
    %add3A_1411 = arith.addf %mul3A_1407, %mul3A_1410 : f32
    %slice3A_1412 = vector.extract_strided_slice %get3A_2 {offsets = [2], sizes = [1], strides = [1]} : vector<16xf32> to vector<1xf32>
    %squeeze3A_1413 = vector.extract %slice3A_1412[0] : f32 from vector<1xf32>
    %mul3A_1414 = arith.mulf %squeeze3A_1413, %mul3A_1299 : f32
    %add3A_1415 = arith.addf %add3A_1411, %mul3A_1414 : f32
    %slice3A_1416 = vector.extract_strided_slice %get3A_2 {offsets = [3], sizes = [1], strides = [1]} : vector<16xf32> to vector<1xf32>
    %squeeze3A_1417 = vector.extract %slice3A_1416[0] : f32 from vector<1xf32>
    %mul3A_1418 = arith.mulf %squeeze3A_1417, %mul3A_1348 : f32
    %add3A_1419 = arith.addf %add3A_1415, %mul3A_1418 : f32
    %slice3A_1420 = vector.extract_strided_slice %get3A_2 {offsets = [8], sizes = [1], strides = [1]} : vector<16xf32> to vector<1xf32>
    %squeeze3A_1421 = vector.extract %slice3A_1420[0] : f32 from vector<1xf32>
    %add3A_1422 = arith.addf %add3A_1419, %squeeze3A_1421 : f32
    %slice3A_1423 = vector.extract_strided_slice %get3A_2 {offsets = [4], sizes = [1], strides = [1]} : vector<16xf32> to vector<1xf32>
    %squeeze3A_1424 = vector.extract %slice3A_1423[0] : f32 from vector<1xf32>
    %mul3A_1425 = arith.mulf %squeeze3A_1424, %mul3A_1201 : f32
    %slice3A_1426 = vector.extract_strided_slice %get3A_2 {offsets = [5], sizes = [1], strides = [1]} : vector<16xf32> to vector<1xf32>
    %squeeze3A_1427 = vector.extract %slice3A_1426[0] : f32 from vector<1xf32>
    %mul3A_1428 = arith.mulf %squeeze3A_1427, %mul3A_1250 : f32
    %add3A_1429 = arith.addf %mul3A_1425, %mul3A_1428 : f32
    %slice3A_1430 = vector.extract_strided_slice %get3A_2 {offsets = [6], sizes = [1], strides = [1]} : vector<16xf32> to vector<1xf32>
    %squeeze3A_1431 = vector.extract %slice3A_1430[0] : f32 from vector<1xf32>
    %mul3A_1432 = arith.mulf %squeeze3A_1431, %mul3A_1299 : f32
    %add3A_1433 = arith.addf %add3A_1429, %mul3A_1432 : f32
    %slice3A_1434 = vector.extract_strided_slice %get3A_2 {offsets = [7], sizes = [1], strides = [1]} : vector<16xf32> to vector<1xf32>
    %squeeze3A_1435 = vector.extract %slice3A_1434[0] : f32 from vector<1xf32>
    %mul3A_1436 = arith.mulf %squeeze3A_1435, %mul3A_1348 : f32
    %add3A_1437 = arith.addf %add3A_1433, %mul3A_1436 : f32
    %slice3A_1438 = vector.extract_strided_slice %get3A_2 {offsets = [9], sizes = [1], strides = [1]} : vector<16xf32> to vector<1xf32>
    %squeeze3A_1439 = vector.extract %slice3A_1438[0] : f32 from vector<1xf32>
    %add3A_1440 = arith.addf %add3A_1437, %squeeze3A_1439 : f32
    %slice3A_1441 = vector.extract_strided_slice %get3A_2 {offsets = [10], sizes = [1], strides = [1]} : vector<16xf32> to vector<1xf32>
    %squeeze3A_1442 = vector.extract %slice3A_1441[0] : f32 from vector<1xf32>
    %mul3A_1443 = arith.mulf %squeeze3A_1442, %add3A_1422 : f32
    %slice3A_1444 = vector.extract_strided_slice %get3A_2 {offsets = [11], sizes = [1], strides = [1]} : vector<16xf32> to vector<1xf32>
    %squeeze3A_1445 = vector.extract %slice3A_1444[0] : f32 from vector<1xf32>
    %mul3A_1446 = arith.mulf %squeeze3A_1445, %add3A_1440 : f32
    %add3A_1447 = arith.addf %mul3A_1443, %mul3A_1446 : f32
    %slice3A_1448 = vector.extract_strided_slice %get3A_2 {offsets = [14], sizes = [1], strides = [1]} : vector<16xf32> to vector<1xf32>
    %squeeze3A_1449 = vector.extract %slice3A_1448[0] : f32 from vector<1xf32>
    %add3A_1450 = arith.addf %add3A_1447, %squeeze3A_1449 : f32
    %slice3A_1451 = vector.extract_strided_slice %get3A_2 {offsets = [12], sizes = [1], strides = [1]} : vector<16xf32> to vector<1xf32>
    %squeeze3A_1452 = vector.extract %slice3A_1451[0] : f32 from vector<1xf32>
    %mul3A_1453 = arith.mulf %squeeze3A_1452, %add3A_1422 : f32
    %slice3A_1454 = vector.extract_strided_slice %get3A_2 {offsets = [13], sizes = [1], strides = [1]} : vector<16xf32> to vector<1xf32>
    %squeeze3A_1455 = vector.extract %slice3A_1454[0] : f32 from vector<1xf32>
    %mul3A_1456 = arith.mulf %squeeze3A_1455, %add3A_1440 : f32
    %add3A_1457 = arith.addf %mul3A_1453, %mul3A_1456 : f32
    %slice3A_1458 = vector.extract_strided_slice %get3A_2 {offsets = [15], sizes = [1], strides = [1]} : vector<16xf32> to vector<1xf32>
    %squeeze3A_1459 = vector.extract %slice3A_1458[0] : f32 from vector<1xf32>
    %add3A_1460 = arith.addf %add3A_1457, %squeeze3A_1459 : f32
    %gt3A_1461 = arith.constant 0.000000e+00 : f32
    %gt3A_1462 = arith.cmpf ogt, %add3A_1394, %gt3A_1461 : f32
    %jit3A_1463 = arith.constant 1.000000e+00 : f32
    %jit3A_1464 = arith.constant 0.000000e+00 : f32
    %select_n3A_1465 = arith.select %gt3A_1462, %jit3A_1463, %jit3A_1464 : f32
    %gt3A_1466 = arith.constant 0.000000e+00 : f32
    %gt3A_1467 = arith.cmpf ogt, %add3A_1404, %gt3A_1466 : f32
    %jit3A_1468 = arith.constant 1.000000e+00 : f32
    %jit3A_1469 = arith.constant 0.000000e+00 : f32
    %select_n3A_1470 = arith.select %gt3A_1467, %jit3A_1468, %jit3A_1469 : f32
    %gt3A_1471 = arith.constant 0.000000e+00 : f32
    %gt3A_1472 = arith.cmpf ogt, %add3A_1450, %gt3A_1471 : f32
    %jit3A_1473 = arith.constant 1.000000e+00 : f32
    %jit3A_1474 = arith.constant 0.000000e+00 : f32
    %select_n3A_1475 = arith.select %gt3A_1472, %jit3A_1473, %jit3A_1474 : f32
    %gt3A_1476 = arith.constant 0.000000e+00 : f32
    %gt3A_1477 = arith.cmpf ogt, %add3A_1460, %gt3A_1476 : f32
    %jit3A_1478 = arith.constant 1.000000e+00 : f32
    %jit3A_1479 = arith.constant 0.000000e+00 : f32
    %select_n3A_1480 = arith.select %gt3A_1477, %jit3A_1478, %jit3A_1479 : f32
    %slice3A_1481 = vector.extract_strided_slice %get3A_5 {offsets = [0], sizes = [1], strides = [1]} : vector<16xf32> to vector<1xf32>
    %squeeze3A_1482 = vector.extract %slice3A_1481[0] : f32 from vector<1xf32>
    %mul3A_1483 = arith.mulf %select_n3A_1465, %squeeze3A_1482 : f32
    %slice3A_1484 = vector.extract_strided_slice %get3A_5 {offsets = [1], sizes = [1], strides = [1]} : vector<16xf32> to vector<1xf32>
    %squeeze3A_1485 = vector.extract %slice3A_1484[0] : f32 from vector<1xf32>
    %mul3A_1486 = arith.mulf %select_n3A_1465, %squeeze3A_1485 : f32
    %slice3A_1487 = vector.extract_strided_slice %get3A_5 {offsets = [2], sizes = [1], strides = [1]} : vector<16xf32> to vector<1xf32>
    %squeeze3A_1488 = vector.extract %slice3A_1487[0] : f32 from vector<1xf32>
    %mul3A_1489 = arith.mulf %select_n3A_1465, %squeeze3A_1488 : f32
    %slice3A_1490 = vector.extract_strided_slice %get3A_5 {offsets = [3], sizes = [1], strides = [1]} : vector<16xf32> to vector<1xf32>
    %squeeze3A_1491 = vector.extract %slice3A_1490[0] : f32 from vector<1xf32>
    %mul3A_1492 = arith.mulf %select_n3A_1465, %squeeze3A_1491 : f32
    %slice3A_1493 = vector.extract_strided_slice %get3A_5 {offsets = [4], sizes = [1], strides = [1]} : vector<16xf32> to vector<1xf32>
    %squeeze3A_1494 = vector.extract %slice3A_1493[0] : f32 from vector<1xf32>
    %mul3A_1495 = arith.mulf %select_n3A_1465, %squeeze3A_1494 : f32
    %slice3A_1496 = vector.extract_strided_slice %get3A_5 {offsets = [5], sizes = [1], strides = [1]} : vector<16xf32> to vector<1xf32>
    %squeeze3A_1497 = vector.extract %slice3A_1496[0] : f32 from vector<1xf32>
    %mul3A_1498 = arith.mulf %select_n3A_1465, %squeeze3A_1497 : f32
    %slice3A_1499 = vector.extract_strided_slice %get3A_5 {offsets = [6], sizes = [1], strides = [1]} : vector<16xf32> to vector<1xf32>
    %squeeze3A_1500 = vector.extract %slice3A_1499[0] : f32 from vector<1xf32>
    %mul3A_1501 = arith.mulf %select_n3A_1465, %squeeze3A_1500 : f32
    %slice3A_1502 = vector.extract_strided_slice %get3A_5 {offsets = [7], sizes = [1], strides = [1]} : vector<16xf32> to vector<1xf32>
    %squeeze3A_1503 = vector.extract %slice3A_1502[0] : f32 from vector<1xf32>
    %mul3A_1504 = arith.mulf %select_n3A_1465, %squeeze3A_1503 : f32
    %slice3A_1505 = vector.extract_strided_slice %get3A_5 {offsets = [8], sizes = [1], strides = [1]} : vector<16xf32> to vector<1xf32>
    %squeeze3A_1506 = vector.extract %slice3A_1505[0] : f32 from vector<1xf32>
    %mul3A_1507 = arith.mulf %select_n3A_1465, %squeeze3A_1506 : f32
    %slice3A_1508 = vector.extract_strided_slice %get3A_5 {offsets = [9], sizes = [1], strides = [1]} : vector<16xf32> to vector<1xf32>
    %squeeze3A_1509 = vector.extract %slice3A_1508[0] : f32 from vector<1xf32>
    %mul3A_1510 = arith.mulf %select_n3A_1465, %squeeze3A_1509 : f32
    %slice3A_1511 = vector.extract_strided_slice %get3A_5 {offsets = [10], sizes = [1], strides = [1]} : vector<16xf32> to vector<1xf32>
    %squeeze3A_1512 = vector.extract %slice3A_1511[0] : f32 from vector<1xf32>
    %mul3A_1513 = arith.mulf %select_n3A_1465, %squeeze3A_1512 : f32
    %slice3A_1514 = vector.extract_strided_slice %get3A_5 {offsets = [11], sizes = [1], strides = [1]} : vector<16xf32> to vector<1xf32>
    %squeeze3A_1515 = vector.extract %slice3A_1514[0] : f32 from vector<1xf32>
    %mul3A_1516 = arith.mulf %select_n3A_1465, %squeeze3A_1515 : f32
    %slice3A_1517 = vector.extract_strided_slice %get3A_5 {offsets = [12], sizes = [1], strides = [1]} : vector<16xf32> to vector<1xf32>
    %squeeze3A_1518 = vector.extract %slice3A_1517[0] : f32 from vector<1xf32>
    %mul3A_1519 = arith.mulf %select_n3A_1465, %squeeze3A_1518 : f32
    %slice3A_1520 = vector.extract_strided_slice %get3A_5 {offsets = [13], sizes = [1], strides = [1]} : vector<16xf32> to vector<1xf32>
    %squeeze3A_1521 = vector.extract %slice3A_1520[0] : f32 from vector<1xf32>
    %mul3A_1522 = arith.mulf %select_n3A_1465, %squeeze3A_1521 : f32
    %slice3A_1523 = vector.extract_strided_slice %get3A_5 {offsets = [14], sizes = [1], strides = [1]} : vector<16xf32> to vector<1xf32>
    %squeeze3A_1524 = vector.extract %slice3A_1523[0] : f32 from vector<1xf32>
    %mul3A_1525 = arith.mulf %select_n3A_1465, %squeeze3A_1524 : f32
    %slice3A_1526 = vector.extract_strided_slice %get3A_5 {offsets = [15], sizes = [1], strides = [1]} : vector<16xf32> to vector<1xf32>
    %squeeze3A_1527 = vector.extract %slice3A_1526[0] : f32 from vector<1xf32>
    %mul3A_1528 = arith.mulf %select_n3A_1465, %squeeze3A_1527 : f32
    %slice3A_1529 = vector.extract_strided_slice %get3A_14 {offsets = [12], sizes = [1], strides = [1]} : vector<16xf32> to vector<1xf32>
    %squeeze3A_1530 = vector.extract %slice3A_1529[0] : f32 from vector<1xf32>
    %mul3A_1531 = arith.mulf %select_n3A_1475, %squeeze3A_1530 : f32
    %slice3A_1532 = vector.extract_strided_slice %get3A_14 {offsets = [13], sizes = [1], strides = [1]} : vector<16xf32> to vector<1xf32>
    %squeeze3A_1533 = vector.extract %slice3A_1532[0] : f32 from vector<1xf32>
    %mul3A_1534 = arith.mulf %select_n3A_1475, %squeeze3A_1533 : f32
    %slice3A_1535 = vector.extract_strided_slice %get3A_14 {offsets = [14], sizes = [1], strides = [1]} : vector<16xf32> to vector<1xf32>
    %squeeze3A_1536 = vector.extract %slice3A_1535[0] : f32 from vector<1xf32>
    %mul3A_1537 = arith.mulf %select_n3A_1475, %squeeze3A_1536 : f32
    %slice3A_1538 = vector.extract_strided_slice %get3A_14 {offsets = [15], sizes = [1], strides = [1]} : vector<16xf32> to vector<1xf32>
    %squeeze3A_1539 = vector.extract %slice3A_1538[0] : f32 from vector<1xf32>
    %mul3A_1540 = arith.mulf %select_n3A_1475, %squeeze3A_1539 : f32
    %slice3A_1541 = vector.extract_strided_slice %get3A_17 {offsets = [0], sizes = [1], strides = [1]} : vector<16xf32> to vector<1xf32>
    %squeeze3A_1542 = vector.extract %slice3A_1541[0] : f32 from vector<1xf32>
    %mul3A_1543 = arith.mulf %select_n3A_1475, %squeeze3A_1542 : f32
    %slice3A_1544 = vector.extract_strided_slice %get3A_17 {offsets = [1], sizes = [1], strides = [1]} : vector<16xf32> to vector<1xf32>
    %squeeze3A_1545 = vector.extract %slice3A_1544[0] : f32 from vector<1xf32>
    %mul3A_1546 = arith.mulf %select_n3A_1475, %squeeze3A_1545 : f32
    %slice3A_1547 = vector.extract_strided_slice %get3A_17 {offsets = [2], sizes = [1], strides = [1]} : vector<16xf32> to vector<1xf32>
    %squeeze3A_1548 = vector.extract %slice3A_1547[0] : f32 from vector<1xf32>
    %mul3A_1549 = arith.mulf %select_n3A_1475, %squeeze3A_1548 : f32
    %slice3A_1550 = vector.extract_strided_slice %get3A_17 {offsets = [3], sizes = [1], strides = [1]} : vector<16xf32> to vector<1xf32>
    %squeeze3A_1551 = vector.extract %slice3A_1550[0] : f32 from vector<1xf32>
    %mul3A_1552 = arith.mulf %select_n3A_1475, %squeeze3A_1551 : f32
    %slice3A_1553 = vector.extract_strided_slice %get3A_17 {offsets = [4], sizes = [1], strides = [1]} : vector<16xf32> to vector<1xf32>
    %squeeze3A_1554 = vector.extract %slice3A_1553[0] : f32 from vector<1xf32>
    %mul3A_1555 = arith.mulf %select_n3A_1475, %squeeze3A_1554 : f32
    %slice3A_1556 = vector.extract_strided_slice %get3A_17 {offsets = [5], sizes = [1], strides = [1]} : vector<16xf32> to vector<1xf32>
    %squeeze3A_1557 = vector.extract %slice3A_1556[0] : f32 from vector<1xf32>
    %mul3A_1558 = arith.mulf %select_n3A_1475, %squeeze3A_1557 : f32
    %slice3A_1559 = vector.extract_strided_slice %get3A_17 {offsets = [6], sizes = [1], strides = [1]} : vector<16xf32> to vector<1xf32>
    %squeeze3A_1560 = vector.extract %slice3A_1559[0] : f32 from vector<1xf32>
    %mul3A_1561 = arith.mulf %select_n3A_1475, %squeeze3A_1560 : f32
    %slice3A_1562 = vector.extract_strided_slice %get3A_17 {offsets = [7], sizes = [1], strides = [1]} : vector<16xf32> to vector<1xf32>
    %squeeze3A_1563 = vector.extract %slice3A_1562[0] : f32 from vector<1xf32>
    %mul3A_1564 = arith.mulf %select_n3A_1475, %squeeze3A_1563 : f32
    %slice3A_1565 = vector.extract_strided_slice %get3A_17 {offsets = [8], sizes = [1], strides = [1]} : vector<16xf32> to vector<1xf32>
    %squeeze3A_1566 = vector.extract %slice3A_1565[0] : f32 from vector<1xf32>
    %mul3A_1567 = arith.mulf %select_n3A_1475, %squeeze3A_1566 : f32
    %slice3A_1568 = vector.extract_strided_slice %get3A_17 {offsets = [9], sizes = [1], strides = [1]} : vector<16xf32> to vector<1xf32>
    %squeeze3A_1569 = vector.extract %slice3A_1568[0] : f32 from vector<1xf32>
    %mul3A_1570 = arith.mulf %select_n3A_1475, %squeeze3A_1569 : f32
    %slice3A_1571 = vector.extract_strided_slice %get3A_17 {offsets = [10], sizes = [1], strides = [1]} : vector<16xf32> to vector<1xf32>
    %squeeze3A_1572 = vector.extract %slice3A_1571[0] : f32 from vector<1xf32>
    %mul3A_1573 = arith.mulf %select_n3A_1475, %squeeze3A_1572 : f32
    %slice3A_1574 = vector.extract_strided_slice %get3A_17 {offsets = [11], sizes = [1], strides = [1]} : vector<16xf32> to vector<1xf32>
    %squeeze3A_1575 = vector.extract %slice3A_1574[0] : f32 from vector<1xf32>
    %mul3A_1576 = arith.mulf %select_n3A_1475, %squeeze3A_1575 : f32
    %slice3A_1577 = vector.extract_strided_slice %get3A_8 {offsets = [0], sizes = [1], strides = [1]} : vector<16xf32> to vector<1xf32>
    %squeeze3A_1578 = vector.extract %slice3A_1577[0] : f32 from vector<1xf32>
    %mul3A_1579 = arith.mulf %select_n3A_1465, %squeeze3A_1578 : f32
    %slice3A_1580 = vector.extract_strided_slice %get3A_17 {offsets = [12], sizes = [1], strides = [1]} : vector<16xf32> to vector<1xf32>
    %squeeze3A_1581 = vector.extract %slice3A_1580[0] : f32 from vector<1xf32>
    %mul3A_1582 = arith.mulf %select_n3A_1475, %squeeze3A_1581 : f32
    %add3A_1583 = arith.addf %mul3A_1579, %mul3A_1582 : f32
    %slice3A_1584 = vector.extract_strided_slice %get3A_8 {offsets = [1], sizes = [1], strides = [1]} : vector<16xf32> to vector<1xf32>
    %squeeze3A_1585 = vector.extract %slice3A_1584[0] : f32 from vector<1xf32>
    %mul3A_1586 = arith.mulf %select_n3A_1465, %squeeze3A_1585 : f32
    %slice3A_1587 = vector.extract_strided_slice %get3A_17 {offsets = [13], sizes = [1], strides = [1]} : vector<16xf32> to vector<1xf32>
    %squeeze3A_1588 = vector.extract %slice3A_1587[0] : f32 from vector<1xf32>
    %mul3A_1589 = arith.mulf %select_n3A_1475, %squeeze3A_1588 : f32
    %add3A_1590 = arith.addf %mul3A_1586, %mul3A_1589 : f32
    %slice3A_1591 = vector.extract_strided_slice %get3A_8 {offsets = [2], sizes = [1], strides = [1]} : vector<16xf32> to vector<1xf32>
    %squeeze3A_1592 = vector.extract %slice3A_1591[0] : f32 from vector<1xf32>
    %mul3A_1593 = arith.mulf %select_n3A_1465, %squeeze3A_1592 : f32
    %slice3A_1594 = vector.extract_strided_slice %get3A_17 {offsets = [14], sizes = [1], strides = [1]} : vector<16xf32> to vector<1xf32>
    %squeeze3A_1595 = vector.extract %slice3A_1594[0] : f32 from vector<1xf32>
    %mul3A_1596 = arith.mulf %select_n3A_1475, %squeeze3A_1595 : f32
    %add3A_1597 = arith.addf %mul3A_1593, %mul3A_1596 : f32
    %slice3A_1598 = vector.extract_strided_slice %get3A_8 {offsets = [3], sizes = [1], strides = [1]} : vector<16xf32> to vector<1xf32>
    %squeeze3A_1599 = vector.extract %slice3A_1598[0] : f32 from vector<1xf32>
    %mul3A_1600 = arith.mulf %select_n3A_1465, %squeeze3A_1599 : f32
    %slice3A_1601 = vector.extract_strided_slice %get3A_17 {offsets = [15], sizes = [1], strides = [1]} : vector<16xf32> to vector<1xf32>
    %squeeze3A_1602 = vector.extract %slice3A_1601[0] : f32 from vector<1xf32>
    %mul3A_1603 = arith.mulf %select_n3A_1475, %squeeze3A_1602 : f32
    %add3A_1604 = arith.addf %mul3A_1600, %mul3A_1603 : f32
    %slice3A_1605 = vector.extract_strided_slice %get3A_8 {offsets = [4], sizes = [1], strides = [1]} : vector<16xf32> to vector<1xf32>
    %squeeze3A_1606 = vector.extract %slice3A_1605[0] : f32 from vector<1xf32>
    %mul3A_1607 = arith.mulf %select_n3A_1470, %squeeze3A_1606 : f32
    %slice3A_1608 = vector.extract_strided_slice %get3A_8 {offsets = [5], sizes = [1], strides = [1]} : vector<16xf32> to vector<1xf32>
    %squeeze3A_1609 = vector.extract %slice3A_1608[0] : f32 from vector<1xf32>
    %mul3A_1610 = arith.mulf %select_n3A_1470, %squeeze3A_1609 : f32
    %slice3A_1611 = vector.extract_strided_slice %get3A_8 {offsets = [6], sizes = [1], strides = [1]} : vector<16xf32> to vector<1xf32>
    %squeeze3A_1612 = vector.extract %slice3A_1611[0] : f32 from vector<1xf32>
    %mul3A_1613 = arith.mulf %select_n3A_1470, %squeeze3A_1612 : f32
    %slice3A_1614 = vector.extract_strided_slice %get3A_8 {offsets = [7], sizes = [1], strides = [1]} : vector<16xf32> to vector<1xf32>
    %squeeze3A_1615 = vector.extract %slice3A_1614[0] : f32 from vector<1xf32>
    %mul3A_1616 = arith.mulf %select_n3A_1470, %squeeze3A_1615 : f32
    %slice3A_1617 = vector.extract_strided_slice %get3A_8 {offsets = [8], sizes = [1], strides = [1]} : vector<16xf32> to vector<1xf32>
    %squeeze3A_1618 = vector.extract %slice3A_1617[0] : f32 from vector<1xf32>
    %mul3A_1619 = arith.mulf %select_n3A_1470, %squeeze3A_1618 : f32
    %slice3A_1620 = vector.extract_strided_slice %get3A_8 {offsets = [9], sizes = [1], strides = [1]} : vector<16xf32> to vector<1xf32>
    %squeeze3A_1621 = vector.extract %slice3A_1620[0] : f32 from vector<1xf32>
    %mul3A_1622 = arith.mulf %select_n3A_1470, %squeeze3A_1621 : f32
    %slice3A_1623 = vector.extract_strided_slice %get3A_8 {offsets = [10], sizes = [1], strides = [1]} : vector<16xf32> to vector<1xf32>
    %squeeze3A_1624 = vector.extract %slice3A_1623[0] : f32 from vector<1xf32>
    %mul3A_1625 = arith.mulf %select_n3A_1470, %squeeze3A_1624 : f32
    %slice3A_1626 = vector.extract_strided_slice %get3A_8 {offsets = [11], sizes = [1], strides = [1]} : vector<16xf32> to vector<1xf32>
    %squeeze3A_1627 = vector.extract %slice3A_1626[0] : f32 from vector<1xf32>
    %mul3A_1628 = arith.mulf %select_n3A_1470, %squeeze3A_1627 : f32
    %slice3A_1629 = vector.extract_strided_slice %get3A_8 {offsets = [12], sizes = [1], strides = [1]} : vector<16xf32> to vector<1xf32>
    %squeeze3A_1630 = vector.extract %slice3A_1629[0] : f32 from vector<1xf32>
    %mul3A_1631 = arith.mulf %select_n3A_1470, %squeeze3A_1630 : f32
    %slice3A_1632 = vector.extract_strided_slice %get3A_8 {offsets = [13], sizes = [1], strides = [1]} : vector<16xf32> to vector<1xf32>
    %squeeze3A_1633 = vector.extract %slice3A_1632[0] : f32 from vector<1xf32>
    %mul3A_1634 = arith.mulf %select_n3A_1470, %squeeze3A_1633 : f32
    %slice3A_1635 = vector.extract_strided_slice %get3A_8 {offsets = [14], sizes = [1], strides = [1]} : vector<16xf32> to vector<1xf32>
    %squeeze3A_1636 = vector.extract %slice3A_1635[0] : f32 from vector<1xf32>
    %mul3A_1637 = arith.mulf %select_n3A_1470, %squeeze3A_1636 : f32
    %slice3A_1638 = vector.extract_strided_slice %get3A_8 {offsets = [15], sizes = [1], strides = [1]} : vector<16xf32> to vector<1xf32>
    %squeeze3A_1639 = vector.extract %slice3A_1638[0] : f32 from vector<1xf32>
    %mul3A_1640 = arith.mulf %select_n3A_1470, %squeeze3A_1639 : f32
    %slice3A_1641 = vector.extract_strided_slice %get3A_11 {offsets = [0], sizes = [1], strides = [1]} : vector<16xf32> to vector<1xf32>
    %squeeze3A_1642 = vector.extract %slice3A_1641[0] : f32 from vector<1xf32>
    %mul3A_1643 = arith.mulf %select_n3A_1470, %squeeze3A_1642 : f32
    %slice3A_1644 = vector.extract_strided_slice %get3A_11 {offsets = [1], sizes = [1], strides = [1]} : vector<16xf32> to vector<1xf32>
    %squeeze3A_1645 = vector.extract %slice3A_1644[0] : f32 from vector<1xf32>
    %mul3A_1646 = arith.mulf %select_n3A_1470, %squeeze3A_1645 : f32
    %slice3A_1647 = vector.extract_strided_slice %get3A_11 {offsets = [2], sizes = [1], strides = [1]} : vector<16xf32> to vector<1xf32>
    %squeeze3A_1648 = vector.extract %slice3A_1647[0] : f32 from vector<1xf32>
    %mul3A_1649 = arith.mulf %select_n3A_1470, %squeeze3A_1648 : f32
    %slice3A_1650 = vector.extract_strided_slice %get3A_11 {offsets = [3], sizes = [1], strides = [1]} : vector<16xf32> to vector<1xf32>
    %squeeze3A_1651 = vector.extract %slice3A_1650[0] : f32 from vector<1xf32>
    %mul3A_1652 = arith.mulf %select_n3A_1470, %squeeze3A_1651 : f32
    %slice3A_1653 = vector.extract_strided_slice %get3A_11 {offsets = [4], sizes = [1], strides = [1]} : vector<16xf32> to vector<1xf32>
    %squeeze3A_1654 = vector.extract %slice3A_1653[0] : f32 from vector<1xf32>
    %mul3A_1655 = arith.mulf %select_n3A_1470, %squeeze3A_1654 : f32
    %slice3A_1656 = vector.extract_strided_slice %get3A_11 {offsets = [5], sizes = [1], strides = [1]} : vector<16xf32> to vector<1xf32>
    %squeeze3A_1657 = vector.extract %slice3A_1656[0] : f32 from vector<1xf32>
    %mul3A_1658 = arith.mulf %select_n3A_1470, %squeeze3A_1657 : f32
    %slice3A_1659 = vector.extract_strided_slice %get3A_11 {offsets = [6], sizes = [1], strides = [1]} : vector<16xf32> to vector<1xf32>
    %squeeze3A_1660 = vector.extract %slice3A_1659[0] : f32 from vector<1xf32>
    %mul3A_1661 = arith.mulf %select_n3A_1470, %squeeze3A_1660 : f32
    %slice3A_1662 = vector.extract_strided_slice %get3A_11 {offsets = [7], sizes = [1], strides = [1]} : vector<16xf32> to vector<1xf32>
    %squeeze3A_1663 = vector.extract %slice3A_1662[0] : f32 from vector<1xf32>
    %mul3A_1664 = arith.mulf %select_n3A_1470, %squeeze3A_1663 : f32
    %slice3A_1665 = vector.extract_strided_slice %get3A_11 {offsets = [8], sizes = [1], strides = [1]} : vector<16xf32> to vector<1xf32>
    %squeeze3A_1666 = vector.extract %slice3A_1665[0] : f32 from vector<1xf32>
    %mul3A_1667 = arith.mulf %select_n3A_1470, %squeeze3A_1666 : f32
    %slice3A_1668 = vector.extract_strided_slice %get3A_11 {offsets = [9], sizes = [1], strides = [1]} : vector<16xf32> to vector<1xf32>
    %squeeze3A_1669 = vector.extract %slice3A_1668[0] : f32 from vector<1xf32>
    %mul3A_1670 = arith.mulf %select_n3A_1470, %squeeze3A_1669 : f32
    %slice3A_1671 = vector.extract_strided_slice %get3A_11 {offsets = [10], sizes = [1], strides = [1]} : vector<16xf32> to vector<1xf32>
    %squeeze3A_1672 = vector.extract %slice3A_1671[0] : f32 from vector<1xf32>
    %mul3A_1673 = arith.mulf %select_n3A_1470, %squeeze3A_1672 : f32
    %slice3A_1674 = vector.extract_strided_slice %get3A_11 {offsets = [11], sizes = [1], strides = [1]} : vector<16xf32> to vector<1xf32>
    %squeeze3A_1675 = vector.extract %slice3A_1674[0] : f32 from vector<1xf32>
    %mul3A_1676 = arith.mulf %select_n3A_1470, %squeeze3A_1675 : f32
    %slice3A_1677 = vector.extract_strided_slice %get3A_11 {offsets = [12], sizes = [1], strides = [1]} : vector<16xf32> to vector<1xf32>
    %squeeze3A_1678 = vector.extract %slice3A_1677[0] : f32 from vector<1xf32>
    %mul3A_1679 = arith.mulf %select_n3A_1470, %squeeze3A_1678 : f32
    %slice3A_1680 = vector.extract_strided_slice %get3A_11 {offsets = [13], sizes = [1], strides = [1]} : vector<16xf32> to vector<1xf32>
    %squeeze3A_1681 = vector.extract %slice3A_1680[0] : f32 from vector<1xf32>
    %mul3A_1682 = arith.mulf %select_n3A_1470, %squeeze3A_1681 : f32
    %slice3A_1683 = vector.extract_strided_slice %get3A_11 {offsets = [14], sizes = [1], strides = [1]} : vector<16xf32> to vector<1xf32>
    %squeeze3A_1684 = vector.extract %slice3A_1683[0] : f32 from vector<1xf32>
    %mul3A_1685 = arith.mulf %select_n3A_1470, %squeeze3A_1684 : f32
    %slice3A_1686 = vector.extract_strided_slice %get3A_11 {offsets = [15], sizes = [1], strides = [1]} : vector<16xf32> to vector<1xf32>
    %squeeze3A_1687 = vector.extract %slice3A_1686[0] : f32 from vector<1xf32>
    %mul3A_1688 = arith.mulf %select_n3A_1470, %squeeze3A_1687 : f32
    %slice3A_1689 = vector.extract_strided_slice %get3A_14 {offsets = [0], sizes = [1], strides = [1]} : vector<16xf32> to vector<1xf32>
    %squeeze3A_1690 = vector.extract %slice3A_1689[0] : f32 from vector<1xf32>
    %mul3A_1691 = arith.mulf %select_n3A_1470, %squeeze3A_1690 : f32
    %slice3A_1692 = vector.extract_strided_slice %get3A_14 {offsets = [1], sizes = [1], strides = [1]} : vector<16xf32> to vector<1xf32>
    %squeeze3A_1693 = vector.extract %slice3A_1692[0] : f32 from vector<1xf32>
    %mul3A_1694 = arith.mulf %select_n3A_1470, %squeeze3A_1693 : f32
    %slice3A_1695 = vector.extract_strided_slice %get3A_14 {offsets = [2], sizes = [1], strides = [1]} : vector<16xf32> to vector<1xf32>
    %squeeze3A_1696 = vector.extract %slice3A_1695[0] : f32 from vector<1xf32>
    %mul3A_1697 = arith.mulf %select_n3A_1470, %squeeze3A_1696 : f32
    %slice3A_1698 = vector.extract_strided_slice %get3A_14 {offsets = [3], sizes = [1], strides = [1]} : vector<16xf32> to vector<1xf32>
    %squeeze3A_1699 = vector.extract %slice3A_1698[0] : f32 from vector<1xf32>
    %mul3A_1700 = arith.mulf %select_n3A_1470, %squeeze3A_1699 : f32
    %slice3A_1701 = vector.extract_strided_slice %get3A_20 {offsets = [0], sizes = [1], strides = [1]} : vector<16xf32> to vector<1xf32>
    %squeeze3A_1702 = vector.extract %slice3A_1701[0] : f32 from vector<1xf32>
    %mul3A_1703 = arith.mulf %select_n3A_1480, %squeeze3A_1702 : f32
    %slice3A_1704 = vector.extract_strided_slice %get3A_20 {offsets = [1], sizes = [1], strides = [1]} : vector<16xf32> to vector<1xf32>
    %squeeze3A_1705 = vector.extract %slice3A_1704[0] : f32 from vector<1xf32>
    %mul3A_1706 = arith.mulf %select_n3A_1480, %squeeze3A_1705 : f32
    %slice3A_1707 = vector.extract_strided_slice %get3A_20 {offsets = [2], sizes = [1], strides = [1]} : vector<16xf32> to vector<1xf32>
    %squeeze3A_1708 = vector.extract %slice3A_1707[0] : f32 from vector<1xf32>
    %mul3A_1709 = arith.mulf %select_n3A_1480, %squeeze3A_1708 : f32
    %slice3A_1710 = vector.extract_strided_slice %get3A_20 {offsets = [3], sizes = [1], strides = [1]} : vector<16xf32> to vector<1xf32>
    %squeeze3A_1711 = vector.extract %slice3A_1710[0] : f32 from vector<1xf32>
    %mul3A_1712 = arith.mulf %select_n3A_1480, %squeeze3A_1711 : f32
    %slice3A_1713 = vector.extract_strided_slice %get3A_20 {offsets = [4], sizes = [1], strides = [1]} : vector<16xf32> to vector<1xf32>
    %squeeze3A_1714 = vector.extract %slice3A_1713[0] : f32 from vector<1xf32>
    %mul3A_1715 = arith.mulf %select_n3A_1480, %squeeze3A_1714 : f32
    %slice3A_1716 = vector.extract_strided_slice %get3A_20 {offsets = [5], sizes = [1], strides = [1]} : vector<16xf32> to vector<1xf32>
    %squeeze3A_1717 = vector.extract %slice3A_1716[0] : f32 from vector<1xf32>
    %mul3A_1718 = arith.mulf %select_n3A_1480, %squeeze3A_1717 : f32
    %slice3A_1719 = vector.extract_strided_slice %get3A_20 {offsets = [6], sizes = [1], strides = [1]} : vector<16xf32> to vector<1xf32>
    %squeeze3A_1720 = vector.extract %slice3A_1719[0] : f32 from vector<1xf32>
    %mul3A_1721 = arith.mulf %select_n3A_1480, %squeeze3A_1720 : f32
    %slice3A_1722 = vector.extract_strided_slice %get3A_20 {offsets = [7], sizes = [1], strides = [1]} : vector<16xf32> to vector<1xf32>
    %squeeze3A_1723 = vector.extract %slice3A_1722[0] : f32 from vector<1xf32>
    %mul3A_1724 = arith.mulf %select_n3A_1480, %squeeze3A_1723 : f32
    %slice3A_1725 = vector.extract_strided_slice %get3A_20 {offsets = [8], sizes = [1], strides = [1]} : vector<16xf32> to vector<1xf32>
    %squeeze3A_1726 = vector.extract %slice3A_1725[0] : f32 from vector<1xf32>
    %mul3A_1727 = arith.mulf %select_n3A_1480, %squeeze3A_1726 : f32
    %slice3A_1728 = vector.extract_strided_slice %get3A_20 {offsets = [9], sizes = [1], strides = [1]} : vector<16xf32> to vector<1xf32>
    %squeeze3A_1729 = vector.extract %slice3A_1728[0] : f32 from vector<1xf32>
    %mul3A_1730 = arith.mulf %select_n3A_1480, %squeeze3A_1729 : f32
    %slice3A_1731 = vector.extract_strided_slice %get3A_20 {offsets = [10], sizes = [1], strides = [1]} : vector<16xf32> to vector<1xf32>
    %squeeze3A_1732 = vector.extract %slice3A_1731[0] : f32 from vector<1xf32>
    %mul3A_1733 = arith.mulf %select_n3A_1480, %squeeze3A_1732 : f32
    %slice3A_1734 = vector.extract_strided_slice %get3A_20 {offsets = [11], sizes = [1], strides = [1]} : vector<16xf32> to vector<1xf32>
    %squeeze3A_1735 = vector.extract %slice3A_1734[0] : f32 from vector<1xf32>
    %mul3A_1736 = arith.mulf %select_n3A_1480, %squeeze3A_1735 : f32
    %slice3A_1737 = vector.extract_strided_slice %get3A_20 {offsets = [12], sizes = [1], strides = [1]} : vector<16xf32> to vector<1xf32>
    %squeeze3A_1738 = vector.extract %slice3A_1737[0] : f32 from vector<1xf32>
    %mul3A_1739 = arith.mulf %select_n3A_1480, %squeeze3A_1738 : f32
    %slice3A_1740 = vector.extract_strided_slice %get3A_20 {offsets = [13], sizes = [1], strides = [1]} : vector<16xf32> to vector<1xf32>
    %squeeze3A_1741 = vector.extract %slice3A_1740[0] : f32 from vector<1xf32>
    %mul3A_1742 = arith.mulf %select_n3A_1480, %squeeze3A_1741 : f32
    %slice3A_1743 = vector.extract_strided_slice %get3A_20 {offsets = [14], sizes = [1], strides = [1]} : vector<16xf32> to vector<1xf32>
    %squeeze3A_1744 = vector.extract %slice3A_1743[0] : f32 from vector<1xf32>
    %mul3A_1745 = arith.mulf %select_n3A_1480, %squeeze3A_1744 : f32
    %slice3A_1746 = vector.extract_strided_slice %get3A_20 {offsets = [15], sizes = [1], strides = [1]} : vector<16xf32> to vector<1xf32>
    %squeeze3A_1747 = vector.extract %slice3A_1746[0] : f32 from vector<1xf32>
    %mul3A_1748 = arith.mulf %select_n3A_1480, %squeeze3A_1747 : f32
    %slice3A_1749 = vector.extract_strided_slice %get3A_23 {offsets = [0], sizes = [1], strides = [1]} : vector<16xf32> to vector<1xf32>
    %squeeze3A_1750 = vector.extract %slice3A_1749[0] : f32 from vector<1xf32>
    %mul3A_1751 = arith.mulf %select_n3A_1480, %squeeze3A_1750 : f32
    %slice3A_1752 = vector.extract_strided_slice %get3A_23 {offsets = [1], sizes = [1], strides = [1]} : vector<16xf32> to vector<1xf32>
    %squeeze3A_1753 = vector.extract %slice3A_1752[0] : f32 from vector<1xf32>
    %mul3A_1754 = arith.mulf %select_n3A_1480, %squeeze3A_1753 : f32
    %slice3A_1755 = vector.extract_strided_slice %get3A_23 {offsets = [2], sizes = [1], strides = [1]} : vector<16xf32> to vector<1xf32>
    %squeeze3A_1756 = vector.extract %slice3A_1755[0] : f32 from vector<1xf32>
    %mul3A_1757 = arith.mulf %select_n3A_1480, %squeeze3A_1756 : f32
    %slice3A_1758 = vector.extract_strided_slice %get3A_23 {offsets = [3], sizes = [1], strides = [1]} : vector<16xf32> to vector<1xf32>
    %squeeze3A_1759 = vector.extract %slice3A_1758[0] : f32 from vector<1xf32>
    %mul3A_1760 = arith.mulf %select_n3A_1480, %squeeze3A_1759 : f32
    %slice3A_1761 = vector.extract_strided_slice %get3A_23 {offsets = [4], sizes = [1], strides = [1]} : vector<16xf32> to vector<1xf32>
    %squeeze3A_1762 = vector.extract %slice3A_1761[0] : f32 from vector<1xf32>
    %mul3A_1763 = arith.mulf %select_n3A_1480, %squeeze3A_1762 : f32
    %slice3A_1764 = vector.extract_strided_slice %get3A_23 {offsets = [5], sizes = [1], strides = [1]} : vector<16xf32> to vector<1xf32>
    %squeeze3A_1765 = vector.extract %slice3A_1764[0] : f32 from vector<1xf32>
    %mul3A_1766 = arith.mulf %select_n3A_1480, %squeeze3A_1765 : f32
    %slice3A_1767 = vector.extract_strided_slice %get3A_23 {offsets = [6], sizes = [1], strides = [1]} : vector<16xf32> to vector<1xf32>
    %squeeze3A_1768 = vector.extract %slice3A_1767[0] : f32 from vector<1xf32>
    %mul3A_1769 = arith.mulf %select_n3A_1480, %squeeze3A_1768 : f32
    %slice3A_1770 = vector.extract_strided_slice %get3A_23 {offsets = [7], sizes = [1], strides = [1]} : vector<16xf32> to vector<1xf32>
    %squeeze3A_1771 = vector.extract %slice3A_1770[0] : f32 from vector<1xf32>
    %mul3A_1772 = arith.mulf %select_n3A_1480, %squeeze3A_1771 : f32
    %slice3A_1773 = vector.extract_strided_slice %get3A_23 {offsets = [8], sizes = [1], strides = [1]} : vector<16xf32> to vector<1xf32>
    %squeeze3A_1774 = vector.extract %slice3A_1773[0] : f32 from vector<1xf32>
    %mul3A_1775 = arith.mulf %select_n3A_1480, %squeeze3A_1774 : f32
    %slice3A_1776 = vector.extract_strided_slice %get3A_23 {offsets = [9], sizes = [1], strides = [1]} : vector<16xf32> to vector<1xf32>
    %squeeze3A_1777 = vector.extract %slice3A_1776[0] : f32 from vector<1xf32>
    %mul3A_1778 = arith.mulf %select_n3A_1480, %squeeze3A_1777 : f32
    %slice3A_1779 = vector.extract_strided_slice %get3A_23 {offsets = [10], sizes = [1], strides = [1]} : vector<16xf32> to vector<1xf32>
    %squeeze3A_1780 = vector.extract %slice3A_1779[0] : f32 from vector<1xf32>
    %mul3A_1781 = arith.mulf %select_n3A_1480, %squeeze3A_1780 : f32
    %slice3A_1782 = vector.extract_strided_slice %get3A_23 {offsets = [11], sizes = [1], strides = [1]} : vector<16xf32> to vector<1xf32>
    %squeeze3A_1783 = vector.extract %slice3A_1782[0] : f32 from vector<1xf32>
    %mul3A_1784 = arith.mulf %select_n3A_1480, %squeeze3A_1783 : f32
    %slice3A_1785 = vector.extract_strided_slice %get3A_23 {offsets = [12], sizes = [1], strides = [1]} : vector<16xf32> to vector<1xf32>
    %squeeze3A_1786 = vector.extract %slice3A_1785[0] : f32 from vector<1xf32>
    %mul3A_1787 = arith.mulf %select_n3A_1480, %squeeze3A_1786 : f32
    %slice3A_1788 = vector.extract_strided_slice %get3A_23 {offsets = [13], sizes = [1], strides = [1]} : vector<16xf32> to vector<1xf32>
    %squeeze3A_1789 = vector.extract %slice3A_1788[0] : f32 from vector<1xf32>
    %mul3A_1790 = arith.mulf %select_n3A_1480, %squeeze3A_1789 : f32
    %slice3A_1791 = vector.extract_strided_slice %get3A_23 {offsets = [14], sizes = [1], strides = [1]} : vector<16xf32> to vector<1xf32>
    %squeeze3A_1792 = vector.extract %slice3A_1791[0] : f32 from vector<1xf32>
    %mul3A_1793 = arith.mulf %select_n3A_1480, %squeeze3A_1792 : f32
    %slice3A_1794 = vector.extract_strided_slice %get3A_23 {offsets = [15], sizes = [1], strides = [1]} : vector<16xf32> to vector<1xf32>
    %squeeze3A_1795 = vector.extract %slice3A_1794[0] : f32 from vector<1xf32>
    %mul3A_1796 = arith.mulf %select_n3A_1480, %squeeze3A_1795 : f32
    %slice3A_1797 = vector.extract_strided_slice %get3A_14 {offsets = [4], sizes = [1], strides = [1]} : vector<16xf32> to vector<1xf32>
    %squeeze3A_1798 = vector.extract %slice3A_1797[0] : f32 from vector<1xf32>
    %mul3A_1799 = arith.mulf %select_n3A_1470, %squeeze3A_1798 : f32
    %slice3A_1800 = vector.extract_strided_slice %get3A_26 {offsets = [0], sizes = [1], strides = [1]} : vector<16xf32> to vector<1xf32>
    %squeeze3A_1801 = vector.extract %slice3A_1800[0] : f32 from vector<1xf32>
    %mul3A_1802 = arith.mulf %select_n3A_1480, %squeeze3A_1801 : f32
    %add3A_1803 = arith.addf %mul3A_1799, %mul3A_1802 : f32
    %slice3A_1804 = vector.extract_strided_slice %get3A_14 {offsets = [5], sizes = [1], strides = [1]} : vector<16xf32> to vector<1xf32>
    %squeeze3A_1805 = vector.extract %slice3A_1804[0] : f32 from vector<1xf32>
    %mul3A_1806 = arith.mulf %select_n3A_1470, %squeeze3A_1805 : f32
    %slice3A_1807 = vector.extract_strided_slice %get3A_26 {offsets = [1], sizes = [1], strides = [1]} : vector<16xf32> to vector<1xf32>
    %squeeze3A_1808 = vector.extract %slice3A_1807[0] : f32 from vector<1xf32>
    %mul3A_1809 = arith.mulf %select_n3A_1480, %squeeze3A_1808 : f32
    %add3A_1810 = arith.addf %mul3A_1806, %mul3A_1809 : f32
    %slice3A_1811 = vector.extract_strided_slice %get3A_14 {offsets = [6], sizes = [1], strides = [1]} : vector<16xf32> to vector<1xf32>
    %squeeze3A_1812 = vector.extract %slice3A_1811[0] : f32 from vector<1xf32>
    %mul3A_1813 = arith.mulf %select_n3A_1470, %squeeze3A_1812 : f32
    %slice3A_1814 = vector.extract_strided_slice %get3A_26 {offsets = [2], sizes = [1], strides = [1]} : vector<16xf32> to vector<1xf32>
    %squeeze3A_1815 = vector.extract %slice3A_1814[0] : f32 from vector<1xf32>
    %mul3A_1816 = arith.mulf %select_n3A_1480, %squeeze3A_1815 : f32
    %add3A_1817 = arith.addf %mul3A_1813, %mul3A_1816 : f32
    %slice3A_1818 = vector.extract_strided_slice %get3A_14 {offsets = [7], sizes = [1], strides = [1]} : vector<16xf32> to vector<1xf32>
    %squeeze3A_1819 = vector.extract %slice3A_1818[0] : f32 from vector<1xf32>
    %mul3A_1820 = arith.mulf %select_n3A_1470, %squeeze3A_1819 : f32
    %slice3A_1821 = vector.extract_strided_slice %get3A_26 {offsets = [3], sizes = [1], strides = [1]} : vector<16xf32> to vector<1xf32>
    %squeeze3A_1822 = vector.extract %slice3A_1821[0] : f32 from vector<1xf32>
    %mul3A_1823 = arith.mulf %select_n3A_1480, %squeeze3A_1822 : f32
    %add3A_1824 = arith.addf %mul3A_1820, %mul3A_1823 : f32
    %slice3A_1825 = vector.extract_strided_slice %get3A_14 {offsets = [8], sizes = [1], strides = [1]} : vector<16xf32> to vector<1xf32>
    %squeeze3A_1826 = vector.extract %slice3A_1825[0] : f32 from vector<1xf32>
    %mul3A_1827 = arith.mulf %select_n3A_1470, %squeeze3A_1826 : f32
    %slice3A_1828 = vector.extract_strided_slice %get3A_26 {offsets = [4], sizes = [1], strides = [1]} : vector<16xf32> to vector<1xf32>
    %squeeze3A_1829 = vector.extract %slice3A_1828[0] : f32 from vector<1xf32>
    %mul3A_1830 = arith.mulf %select_n3A_1480, %squeeze3A_1829 : f32
    %add3A_1831 = arith.addf %mul3A_1827, %mul3A_1830 : f32
    %slice3A_1832 = vector.extract_strided_slice %get3A_14 {offsets = [9], sizes = [1], strides = [1]} : vector<16xf32> to vector<1xf32>
    %squeeze3A_1833 = vector.extract %slice3A_1832[0] : f32 from vector<1xf32>
    %mul3A_1834 = arith.mulf %select_n3A_1470, %squeeze3A_1833 : f32
    %slice3A_1835 = vector.extract_strided_slice %get3A_26 {offsets = [5], sizes = [1], strides = [1]} : vector<16xf32> to vector<1xf32>
    %squeeze3A_1836 = vector.extract %slice3A_1835[0] : f32 from vector<1xf32>
    %mul3A_1837 = arith.mulf %select_n3A_1480, %squeeze3A_1836 : f32
    %add3A_1838 = arith.addf %mul3A_1834, %mul3A_1837 : f32
    %slice3A_1839 = vector.extract_strided_slice %get3A_14 {offsets = [10], sizes = [1], strides = [1]} : vector<16xf32> to vector<1xf32>
    %squeeze3A_1840 = vector.extract %slice3A_1839[0] : f32 from vector<1xf32>
    %mul3A_1841 = arith.mulf %select_n3A_1470, %squeeze3A_1840 : f32
    %slice3A_1842 = vector.extract_strided_slice %get3A_26 {offsets = [6], sizes = [1], strides = [1]} : vector<16xf32> to vector<1xf32>
    %squeeze3A_1843 = vector.extract %slice3A_1842[0] : f32 from vector<1xf32>
    %mul3A_1844 = arith.mulf %select_n3A_1480, %squeeze3A_1843 : f32
    %add3A_1845 = arith.addf %mul3A_1841, %mul3A_1844 : f32
    %slice3A_1846 = vector.extract_strided_slice %get3A_14 {offsets = [11], sizes = [1], strides = [1]} : vector<16xf32> to vector<1xf32>
    %squeeze3A_1847 = vector.extract %slice3A_1846[0] : f32 from vector<1xf32>
    %mul3A_1848 = arith.mulf %select_n3A_1470, %squeeze3A_1847 : f32
    %slice3A_1849 = vector.extract_strided_slice %get3A_26 {offsets = [7], sizes = [1], strides = [1]} : vector<16xf32> to vector<1xf32>
    %squeeze3A_1850 = vector.extract %slice3A_1849[0] : f32 from vector<1xf32>
    %mul3A_1851 = arith.mulf %select_n3A_1480, %squeeze3A_1850 : f32
    %add3A_1852 = arith.addf %mul3A_1848, %mul3A_1851 : f32
    %scan3A_1853 = arith.constant 0 : i32
    %scan3A_1854 = arith.constant 0 : i32
    %scan3A_1855 = arith.constant 14 : i32
    %scan3A_1856 = arith.addi %scan3A_1854, %scan3A_1855 : i32
    %scan3A_1857 = arith.constant 1 : i32
    %scan3A_1858 = scf.for %scan3A_1860 = %scan3A_1854 to %scan3A_1856 step %scan3A_1857 iter_args(%scan3A_1861 = %scan3A_1853) -> (i32)  : i32 {
      %dma_start3A = arith.constant 0 : i32
      %dma_start3A_1862 = arith.constant 0 : i32
      %dma_start3A_1863 = tpu.memref_slice %arg2[%add3A_944, %dma_start3A, %scan3A_1860, %dma_start3A_1862] : memref<64x4x14x3584xf32, #tpu.memory_space<hbm>> -> memref<1x4x1x3584xf32, #tpu.memory_space<hbm>>
      %dma_start3A_1864 = tpu.memref_squeeze %dma_start3A_1863 : memref<1x4x1x3584xf32, #tpu.memory_space<hbm>> -> memref<4x3584xf32, #tpu.memory_space<hbm>>
      %dma_start3A_1865 = arith.constant 0 : i32
      %dma_start3A_1866 = arith.constant 0 : i32
      %dma_start3A_1867 = tpu.memref_slice %arg2[%add3A_944, %dma_start3A_1865, %scan3A_1860, %dma_start3A_1866] : memref<64x4x14x3584xf32, #tpu.memory_space<hbm>> -> memref<1x4x1x3584xf32, #tpu.memory_space<hbm>>
      %dma_start3A_1868 = tpu.memref_squeeze %dma_start3A_1867 : memref<1x4x1x3584xf32, #tpu.memory_space<hbm>> -> memref<4x3584xf32, #tpu.memory_space<hbm>>
      tpu.enqueue_dma source(%dma_start3A_1868 : memref<4x3584xf32, #tpu.memory_space<hbm>>) target(%arg7 : memref<4x3584xf32, #tpu.memory_space<vmem>>) target_semaphore(%arg12 : memref<!tpu.dma_semaphore, #tpu.memory_space<semaphore_mem>>)
      %dma_wait3A = arith.constant 0 : i32
      %dma_wait3A_1869 = arith.constant 0 : i32
      %dma_wait3A_1870 = tpu.memref_slice %arg2[%add3A_944, %dma_wait3A, %scan3A_1860, %dma_wait3A_1869] : memref<64x4x14x3584xf32, #tpu.memory_space<hbm>> -> memref<1x4x1x3584xf32, #tpu.memory_space<hbm>>
      %dma_wait3A_1871 = tpu.memref_squeeze %dma_wait3A_1870 : memref<1x4x1x3584xf32, #tpu.memory_space<hbm>> -> memref<4x3584xf32, #tpu.memory_space<hbm>>
      %dma_wait3A_1872 = arith.constant 0 : i32
      %dma_wait3A_1873 = arith.constant 0 : i32
      %dma_wait3A_1874 = tpu.memref_slice %arg2[%add3A_944, %dma_wait3A_1872, %scan3A_1860, %dma_wait3A_1873] : memref<64x4x14x3584xf32, #tpu.memory_space<hbm>> -> memref<1x4x1x3584xf32, #tpu.memory_space<hbm>>
      %dma_wait3A_1875 = tpu.memref_squeeze %dma_wait3A_1874 : memref<1x4x1x3584xf32, #tpu.memory_space<hbm>> -> memref<4x3584xf32, #tpu.memory_space<hbm>>
      tpu.wait_dma2 semaphore(%arg12 : memref<!tpu.dma_semaphore, #tpu.memory_space<semaphore_mem>>) src(%dma_wait3A_1875 : memref<4x3584xf32, #tpu.memory_space<hbm>>) dst(%arg7 : memref<4x3584xf32, #tpu.memory_space<vmem>>)
      %dma_start3A_1876 = arith.constant 0 : i32
      %dma_start3A_1877 = arith.constant 0 : i32
      %dma_start3A_1878 = tpu.memref_slice %arg3[%add3A_944, %dma_start3A_1876, %scan3A_1860, %dma_start3A_1877] : memref<64x4x14x3584xf32, #tpu.memory_space<hbm>> -> memref<1x4x1x3584xf32, #tpu.memory_space<hbm>>
      %dma_start3A_1879 = tpu.memref_squeeze %dma_start3A_1878 : memref<1x4x1x3584xf32, #tpu.memory_space<hbm>> -> memref<4x3584xf32, #tpu.memory_space<hbm>>
      %dma_start3A_1880 = arith.constant 0 : i32
      %dma_start3A_1881 = arith.constant 0 : i32
      %dma_start3A_1882 = tpu.memref_slice %arg3[%add3A_944, %dma_start3A_1880, %scan3A_1860, %dma_start3A_1881] : memref<64x4x14x3584xf32, #tpu.memory_space<hbm>> -> memref<1x4x1x3584xf32, #tpu.memory_space<hbm>>
      %dma_start3A_1883 = tpu.memref_squeeze %dma_start3A_1882 : memref<1x4x1x3584xf32, #tpu.memory_space<hbm>> -> memref<4x3584xf32, #tpu.memory_space<hbm>>
      tpu.enqueue_dma source(%dma_start3A_1883 : memref<4x3584xf32, #tpu.memory_space<hbm>>) target(%arg8 : memref<4x3584xf32, #tpu.memory_space<vmem>>) target_semaphore(%arg12 : memref<!tpu.dma_semaphore, #tpu.memory_space<semaphore_mem>>)
      %dma_wait3A_1884 = arith.constant 0 : i32
      %dma_wait3A_1885 = arith.constant 0 : i32
      %dma_wait3A_1886 = tpu.memref_slice %arg3[%add3A_944, %dma_wait3A_1884, %scan3A_1860, %dma_wait3A_1885] : memref<64x4x14x3584xf32, #tpu.memory_space<hbm>> -> memref<1x4x1x3584xf32, #tpu.memory_space<hbm>>
      %dma_wait3A_1887 = tpu.memref_squeeze %dma_wait3A_1886 : memref<1x4x1x3584xf32, #tpu.memory_space<hbm>> -> memref<4x3584xf32, #tpu.memory_space<hbm>>
      %dma_wait3A_1888 = arith.constant 0 : i32
      %dma_wait3A_1889 = arith.constant 0 : i32
      %dma_wait3A_1890 = tpu.memref_slice %arg3[%add3A_944, %dma_wait3A_1888, %scan3A_1860, %dma_wait3A_1889] : memref<64x4x14x3584xf32, #tpu.memory_space<hbm>> -> memref<1x4x1x3584xf32, #tpu.memory_space<hbm>>
      %dma_wait3A_1891 = tpu.memref_squeeze %dma_wait3A_1890 : memref<1x4x1x3584xf32, #tpu.memory_space<hbm>> -> memref<4x3584xf32, #tpu.memory_space<hbm>>
      tpu.wait_dma2 semaphore(%arg12 : memref<!tpu.dma_semaphore, #tpu.memory_space<semaphore_mem>>) src(%dma_wait3A_1891 : memref<4x3584xf32, #tpu.memory_space<hbm>>) dst(%arg8 : memref<4x3584xf32, #tpu.memory_space<vmem>>)
      %scan3A_1892 = arith.constant 0 : i32
      %scan3A_1893 = arith.constant 0 : i32
      %scan3A_1894 = arith.constant 224 : i32
      %scan3A_1895 = arith.addi %scan3A_1893, %scan3A_1894 : i32
      %scan3A_1896 = arith.constant 1 : i32
      %scan3A_1897 = scf.for %scan3A_1900 = %scan3A_1893 to %scan3A_1895 step %scan3A_1896 iter_args(%scan3A_1901 = %scan3A_1892) -> (i32)  : i32 {
        %mul3A_1902 = arith.constant 16 : i32
        %mul3A_1903 = arith.muli %scan3A_1900, %mul3A_1902 : i32
        %get3A_1904 = arith.constant 0 : i32
        %get3A_1905 = arith.index_cast %get3A_1904 : i32 to index
        %get3A_1906 = arith.index_cast %mul3A_1903 : i32 to index
        %get3A_1907 = tpu.vector_load %arg7[%get3A_1905, %get3A_1906] {strides = array<i32>} : memref<4x3584xf32, #tpu.memory_space<vmem>>, vector<1x16xf32>,
        %get3A_1908 = vector.shape_cast %get3A_1907 : vector<1x16xf32> to vector<16xf32>
        %get3A_1909 = arith.constant 1 : i32
        %get3A_1910 = arith.index_cast %get3A_1909 : i32 to index
        %get3A_1911 = arith.index_cast %mul3A_1903 : i32 to index
        %get3A_1912 = tpu.vector_load %arg7[%get3A_1910, %get3A_1911] {strides = array<i32>} : memref<4x3584xf32, #tpu.memory_space<vmem>>, vector<1x16xf32>,
        %get3A_1913 = vector.shape_cast %get3A_1912 : vector<1x16xf32> to vector<16xf32>
        %get3A_1914 = arith.constant 2 : i32
        %get3A_1915 = arith.index_cast %get3A_1914 : i32 to index
        %get3A_1916 = arith.index_cast %mul3A_1903 : i32 to index
        %get3A_1917 = tpu.vector_load %arg7[%get3A_1915, %get3A_1916] {strides = array<i32>} : memref<4x3584xf32, #tpu.memory_space<vmem>>, vector<1x16xf32>,
        %get3A_1918 = vector.shape_cast %get3A_1917 : vector<1x16xf32> to vector<16xf32>
        %get3A_1919 = arith.constant 3 : i32
        %get3A_1920 = arith.index_cast %get3A_1919 : i32 to index
        %get3A_1921 = arith.index_cast %mul3A_1903 : i32 to index
        %get3A_1922 = tpu.vector_load %arg7[%get3A_1920, %get3A_1921] {strides = array<i32>} : memref<4x3584xf32, #tpu.memory_space<vmem>>, vector<1x16xf32>,
        %get3A_1923 = vector.shape_cast %get3A_1922 : vector<1x16xf32> to vector<16xf32>
        %get3A_1924 = arith.constant 0 : i32
        %get3A_1925 = arith.index_cast %get3A_1924 : i32 to index
        %get3A_1926 = arith.index_cast %mul3A_1903 : i32 to index
        %get3A_1927 = tpu.vector_load %arg8[%get3A_1925, %get3A_1926] {strides = array<i32>} : memref<4x3584xf32, #tpu.memory_space<vmem>>, vector<1x16xf32>,
        %get3A_1928 = vector.shape_cast %get3A_1927 : vector<1x16xf32> to vector<16xf32>
        %get3A_1929 = arith.constant 1 : i32
        %get3A_1930 = arith.index_cast %get3A_1929 : i32 to index
        %get3A_1931 = arith.index_cast %mul3A_1903 : i32 to index
        %get3A_1932 = tpu.vector_load %arg8[%get3A_1930, %get3A_1931] {strides = array<i32>} : memref<4x3584xf32, #tpu.memory_space<vmem>>, vector<1x16xf32>,
        %get3A_1933 = vector.shape_cast %get3A_1932 : vector<1x16xf32> to vector<16xf32>
        %get3A_1934 = arith.constant 2 : i32
        %get3A_1935 = arith.index_cast %get3A_1934 : i32 to index
        %get3A_1936 = arith.index_cast %mul3A_1903 : i32 to index
        %get3A_1937 = tpu.vector_load %arg8[%get3A_1935, %get3A_1936] {strides = array<i32>} : memref<4x3584xf32, #tpu.memory_space<vmem>>, vector<1x16xf32>,
        %get3A_1938 = vector.shape_cast %get3A_1937 : vector<1x16xf32> to vector<16xf32>
        %get3A_1939 = arith.constant 3 : i32
        %get3A_1940 = arith.index_cast %get3A_1939 : i32 to index
        %get3A_1941 = arith.index_cast %mul3A_1903 : i32 to index
        %get3A_1942 = tpu.vector_load %arg8[%get3A_1940, %get3A_1941] {strides = array<i32>} : memref<4x3584xf32, #tpu.memory_space<vmem>>, vector<1x16xf32>,
        %get3A_1943 = vector.shape_cast %get3A_1942 : vector<1x16xf32> to vector<16xf32>
        %mul3A_1944 = vector.broadcast %mul3A_1483 : f32 to vector<16xf32>
        %mul3A_1945 = arith.mulf %mul3A_1944, %get3A_1908 : vector<16xf32>
        %mul3A_1946 = vector.broadcast %mul3A_1486 : f32 to vector<16xf32>
        %mul3A_1947 = arith.mulf %mul3A_1946, %get3A_1913 : vector<16xf32>
        %add3A_1948 = arith.addf %mul3A_1945, %mul3A_1947 : vector<16xf32>
        %mul3A_1949 = vector.broadcast %mul3A_1489 : f32 to vector<16xf32>
        %mul3A_1950 = arith.mulf %mul3A_1949, %get3A_1918 : vector<16xf32>
        %add3A_1951 = arith.addf %add3A_1948, %mul3A_1950 : vector<16xf32>
        %mul3A_1952 = vector.broadcast %mul3A_1492 : f32 to vector<16xf32>
        %mul3A_1953 = arith.mulf %mul3A_1952, %get3A_1923 : vector<16xf32>
        %add3A_1954 = arith.addf %add3A_1951, %mul3A_1953 : vector<16xf32>
        %mul3A_1955 = vector.broadcast %mul3A_1531 : f32 to vector<16xf32>
        %mul3A_1956 = arith.mulf %mul3A_1955, %get3A_1928 : vector<16xf32>
        %add3A_1957 = arith.addf %add3A_1954, %mul3A_1956 : vector<16xf32>
        %mul3A_1958 = vector.broadcast %mul3A_1534 : f32 to vector<16xf32>
        %mul3A_1959 = arith.mulf %mul3A_1958, %get3A_1933 : vector<16xf32>
        %add3A_1960 = arith.addf %add3A_1957, %mul3A_1959 : vector<16xf32>
        %mul3A_1961 = vector.broadcast %mul3A_1537 : f32 to vector<16xf32>
        %mul3A_1962 = arith.mulf %mul3A_1961, %get3A_1938 : vector<16xf32>
        %add3A_1963 = arith.addf %add3A_1960, %mul3A_1962 : vector<16xf32>
        %mul3A_1964 = vector.broadcast %mul3A_1540 : f32 to vector<16xf32>
        %mul3A_1965 = arith.mulf %mul3A_1964, %get3A_1943 : vector<16xf32>
        %add3A_1966 = arith.addf %add3A_1963, %mul3A_1965 : vector<16xf32>
        %add3A_1967 = vector.broadcast %add3A_1583 : f32 to vector<16xf32>
        %add3A_1968 = arith.addf %add3A_1966, %add3A_1967 : vector<16xf32>
        %swap3A = arith.constant 0 : i32
        %swap3A_1969 = arith.index_cast %swap3A : i32 to index
        %swap3A_1970 = arith.index_cast %mul3A_1903 : i32 to index
        %swap3A_1971 = tpu.vector_load %arg9[%swap3A_1969, %swap3A_1970] {strides = array<i32>} : memref<4x3584xf32, #tpu.memory_space<vmem>>, vector<1x16xf32>,
        %swap3A_1972 = vector.shape_cast %swap3A_1971 : vector<1x16xf32> to vector<16xf32>
        %swap3A_1973 = vector.shape_cast %add3A_1968 : vector<16xf32> to vector<1x16xf32>
        tpu.vector_store %arg9[%swap3A_1969, %swap3A_1970], %swap3A_1973 {strides = array<i32>} : memref<4x3584xf32, #tpu.memory_space<vmem>>, vector<1x16xf32>,
        %mul3A_1974 = vector.broadcast %mul3A_1495 : f32 to vector<16xf32>
        %mul3A_1975 = arith.mulf %mul3A_1974, %get3A_1908 : vector<16xf32>
        %mul3A_1976 = vector.broadcast %mul3A_1498 : f32 to vector<16xf32>
        %mul3A_1977 = arith.mulf %mul3A_1976, %get3A_1913 : vector<16xf32>
        %add3A_1978 = arith.addf %mul3A_1975, %mul3A_1977 : vector<16xf32>
        %mul3A_1979 = vector.broadcast %mul3A_1501 : f32 to vector<16xf32>
        %mul3A_1980 = arith.mulf %mul3A_1979, %get3A_1918 : vector<16xf32>
        %add3A_1981 = arith.addf %add3A_1978, %mul3A_1980 : vector<16xf32>
        %mul3A_1982 = vector.broadcast %mul3A_1504 : f32 to vector<16xf32>
        %mul3A_1983 = arith.mulf %mul3A_1982, %get3A_1923 : vector<16xf32>
        %add3A_1984 = arith.addf %add3A_1981, %mul3A_1983 : vector<16xf32>
        %mul3A_1985 = vector.broadcast %mul3A_1543 : f32 to vector<16xf32>
        %mul3A_1986 = arith.mulf %mul3A_1985, %get3A_1928 : vector<16xf32>
        %add3A_1987 = arith.addf %add3A_1984, %mul3A_1986 : vector<16xf32>
        %mul3A_1988 = vector.broadcast %mul3A_1546 : f32 to vector<16xf32>
        %mul3A_1989 = arith.mulf %mul3A_1988, %get3A_1933 : vector<16xf32>
        %add3A_1990 = arith.addf %add3A_1987, %mul3A_1989 : vector<16xf32>
        %mul3A_1991 = vector.broadcast %mul3A_1549 : f32 to vector<16xf32>
        %mul3A_1992 = arith.mulf %mul3A_1991, %get3A_1938 : vector<16xf32>
        %add3A_1993 = arith.addf %add3A_1990, %mul3A_1992 : vector<16xf32>
        %mul3A_1994 = vector.broadcast %mul3A_1552 : f32 to vector<16xf32>
        %mul3A_1995 = arith.mulf %mul3A_1994, %get3A_1943 : vector<16xf32>
        %add3A_1996 = arith.addf %add3A_1993, %mul3A_1995 : vector<16xf32>
        %add3A_1997 = vector.broadcast %add3A_1590 : f32 to vector<16xf32>
        %add3A_1998 = arith.addf %add3A_1996, %add3A_1997 : vector<16xf32>
        %swap3A_1999 = arith.constant 1 : i32
        %swap3A_2000 = arith.index_cast %swap3A_1999 : i32 to index
        %swap3A_2001 = arith.index_cast %mul3A_1903 : i32 to index
        %swap3A_2002 = tpu.vector_load %arg9[%swap3A_2000, %swap3A_2001] {strides = array<i32>} : memref<4x3584xf32, #tpu.memory_space<vmem>>, vector<1x16xf32>,
        %swap3A_2003 = vector.shape_cast %swap3A_2002 : vector<1x16xf32> to vector<16xf32>
        %swap3A_2004 = vector.shape_cast %add3A_1998 : vector<16xf32> to vector<1x16xf32>
        tpu.vector_store %arg9[%swap3A_2000, %swap3A_2001], %swap3A_2004 {strides = array<i32>} : memref<4x3584xf32, #tpu.memory_space<vmem>>, vector<1x16xf32>,
        %mul3A_2005 = vector.broadcast %mul3A_1507 : f32 to vector<16xf32>
        %mul3A_2006 = arith.mulf %mul3A_2005, %get3A_1908 : vector<16xf32>
        %mul3A_2007 = vector.broadcast %mul3A_1510 : f32 to vector<16xf32>
        %mul3A_2008 = arith.mulf %mul3A_2007, %get3A_1913 : vector<16xf32>
        %add3A_2009 = arith.addf %mul3A_2006, %mul3A_2008 : vector<16xf32>
        %mul3A_2010 = vector.broadcast %mul3A_1513 : f32 to vector<16xf32>
        %mul3A_2011 = arith.mulf %mul3A_2010, %get3A_1918 : vector<16xf32>
        %add3A_2012 = arith.addf %add3A_2009, %mul3A_2011 : vector<16xf32>
        %mul3A_2013 = vector.broadcast %mul3A_1516 : f32 to vector<16xf32>
        %mul3A_2014 = arith.mulf %mul3A_2013, %get3A_1923 : vector<16xf32>
        %add3A_2015 = arith.addf %add3A_2012, %mul3A_2014 : vector<16xf32>
        %mul3A_2016 = vector.broadcast %mul3A_1555 : f32 to vector<16xf32>
        %mul3A_2017 = arith.mulf %mul3A_2016, %get3A_1928 : vector<16xf32>
        %add3A_2018 = arith.addf %add3A_2015, %mul3A_2017 : vector<16xf32>
        %mul3A_2019 = vector.broadcast %mul3A_1558 : f32 to vector<16xf32>
        %mul3A_2020 = arith.mulf %mul3A_2019, %get3A_1933 : vector<16xf32>
        %add3A_2021 = arith.addf %add3A_2018, %mul3A_2020 : vector<16xf32>
        %mul3A_2022 = vector.broadcast %mul3A_1561 : f32 to vector<16xf32>
        %mul3A_2023 = arith.mulf %mul3A_2022, %get3A_1938 : vector<16xf32>
        %add3A_2024 = arith.addf %add3A_2021, %mul3A_2023 : vector<16xf32>
        %mul3A_2025 = vector.broadcast %mul3A_1564 : f32 to vector<16xf32>
        %mul3A_2026 = arith.mulf %mul3A_2025, %get3A_1943 : vector<16xf32>
        %add3A_2027 = arith.addf %add3A_2024, %mul3A_2026 : vector<16xf32>
        %add3A_2028 = vector.broadcast %add3A_1597 : f32 to vector<16xf32>
        %add3A_2029 = arith.addf %add3A_2027, %add3A_2028 : vector<16xf32>
        %swap3A_2030 = arith.constant 2 : i32
        %swap3A_2031 = arith.index_cast %swap3A_2030 : i32 to index
        %swap3A_2032 = arith.index_cast %mul3A_1903 : i32 to index
        %swap3A_2033 = tpu.vector_load %arg9[%swap3A_2031, %swap3A_2032] {strides = array<i32>} : memref<4x3584xf32, #tpu.memory_space<vmem>>, vector<1x16xf32>,
        %swap3A_2034 = vector.shape_cast %swap3A_2033 : vector<1x16xf32> to vector<16xf32>
        %swap3A_2035 = vector.shape_cast %add3A_2029 : vector<16xf32> to vector<1x16xf32>
        tpu.vector_store %arg9[%swap3A_2031, %swap3A_2032], %swap3A_2035 {strides = array<i32>} : memref<4x3584xf32, #tpu.memory_space<vmem>>, vector<1x16xf32>,
        %mul3A_2036 = vector.broadcast %mul3A_1519 : f32 to vector<16xf32>
        %mul3A_2037 = arith.mulf %mul3A_2036, %get3A_1908 : vector<16xf32>
        %mul3A_2038 = vector.broadcast %mul3A_1522 : f32 to vector<16xf32>
        %mul3A_2039 = arith.mulf %mul3A_2038, %get3A_1913 : vector<16xf32>
        %add3A_2040 = arith.addf %mul3A_2037, %mul3A_2039 : vector<16xf32>
        %mul3A_2041 = vector.broadcast %mul3A_1525 : f32 to vector<16xf32>
        %mul3A_2042 = arith.mulf %mul3A_2041, %get3A_1918 : vector<16xf32>
        %add3A_2043 = arith.addf %add3A_2040, %mul3A_2042 : vector<16xf32>
        %mul3A_2044 = vector.broadcast %mul3A_1528 : f32 to vector<16xf32>
        %mul3A_2045 = arith.mulf %mul3A_2044, %get3A_1923 : vector<16xf32>
        %add3A_2046 = arith.addf %add3A_2043, %mul3A_2045 : vector<16xf32>
        %mul3A_2047 = vector.broadcast %mul3A_1567 : f32 to vector<16xf32>
        %mul3A_2048 = arith.mulf %mul3A_2047, %get3A_1928 : vector<16xf32>
        %add3A_2049 = arith.addf %add3A_2046, %mul3A_2048 : vector<16xf32>
        %mul3A_2050 = vector.broadcast %mul3A_1570 : f32 to vector<16xf32>
        %mul3A_2051 = arith.mulf %mul3A_2050, %get3A_1933 : vector<16xf32>
        %add3A_2052 = arith.addf %add3A_2049, %mul3A_2051 : vector<16xf32>
        %mul3A_2053 = vector.broadcast %mul3A_1573 : f32 to vector<16xf32>
        %mul3A_2054 = arith.mulf %mul3A_2053, %get3A_1938 : vector<16xf32>
        %add3A_2055 = arith.addf %add3A_2052, %mul3A_2054 : vector<16xf32>
        %mul3A_2056 = vector.broadcast %mul3A_1576 : f32 to vector<16xf32>
        %mul3A_2057 = arith.mulf %mul3A_2056, %get3A_1943 : vector<16xf32>
        %add3A_2058 = arith.addf %add3A_2055, %mul3A_2057 : vector<16xf32>
        %add3A_2059 = vector.broadcast %add3A_1604 : f32 to vector<16xf32>
        %add3A_2060 = arith.addf %add3A_2058, %add3A_2059 : vector<16xf32>
        %swap3A_2061 = arith.constant 3 : i32
        %swap3A_2062 = arith.index_cast %swap3A_2061 : i32 to index
        %swap3A_2063 = arith.index_cast %mul3A_1903 : i32 to index
        %swap3A_2064 = tpu.vector_load %arg9[%swap3A_2062, %swap3A_2063] {strides = array<i32>} : memref<4x3584xf32, #tpu.memory_space<vmem>>, vector<1x16xf32>,
        %swap3A_2065 = vector.shape_cast %swap3A_2064 : vector<1x16xf32> to vector<16xf32>
        %swap3A_2066 = vector.shape_cast %add3A_2060 : vector<16xf32> to vector<1x16xf32>
        tpu.vector_store %arg9[%swap3A_2062, %swap3A_2063], %swap3A_2066 {strides = array<i32>} : memref<4x3584xf32, #tpu.memory_space<vmem>>, vector<1x16xf32>,
        %mul3A_2067 = vector.broadcast %mul3A_1607 : f32 to vector<16xf32>
        %mul3A_2068 = arith.mulf %mul3A_2067, %get3A_1908 : vector<16xf32>
        %mul3A_2069 = vector.broadcast %mul3A_1610 : f32 to vector<16xf32>
        %mul3A_2070 = arith.mulf %mul3A_2069, %get3A_1913 : vector<16xf32>
        %add3A_2071 = arith.addf %mul3A_2068, %mul3A_2070 : vector<16xf32>
        %mul3A_2072 = vector.broadcast %mul3A_1613 : f32 to vector<16xf32>
        %mul3A_2073 = arith.mulf %mul3A_2072, %get3A_1918 : vector<16xf32>
        %add3A_2074 = arith.addf %add3A_2071, %mul3A_2073 : vector<16xf32>
        %mul3A_2075 = vector.broadcast %mul3A_1616 : f32 to vector<16xf32>
        %mul3A_2076 = arith.mulf %mul3A_2075, %get3A_1923 : vector<16xf32>
        %add3A_2077 = arith.addf %add3A_2074, %mul3A_2076 : vector<16xf32>
        %mul3A_2078 = vector.broadcast %mul3A_1703 : f32 to vector<16xf32>
        %mul3A_2079 = arith.mulf %mul3A_2078, %get3A_1928 : vector<16xf32>
        %add3A_2080 = arith.addf %add3A_2077, %mul3A_2079 : vector<16xf32>
        %mul3A_2081 = vector.broadcast %mul3A_1706 : f32 to vector<16xf32>
        %mul3A_2082 = arith.mulf %mul3A_2081, %get3A_1933 : vector<16xf32>
        %add3A_2083 = arith.addf %add3A_2080, %mul3A_2082 : vector<16xf32>
        %mul3A_2084 = vector.broadcast %mul3A_1709 : f32 to vector<16xf32>
        %mul3A_2085 = arith.mulf %mul3A_2084, %get3A_1938 : vector<16xf32>
        %add3A_2086 = arith.addf %add3A_2083, %mul3A_2085 : vector<16xf32>
        %mul3A_2087 = vector.broadcast %mul3A_1712 : f32 to vector<16xf32>
        %mul3A_2088 = arith.mulf %mul3A_2087, %get3A_1943 : vector<16xf32>
        %add3A_2089 = arith.addf %add3A_2086, %mul3A_2088 : vector<16xf32>
        %add3A_2090 = vector.broadcast %add3A_1803 : f32 to vector<16xf32>
        %add3A_2091 = arith.addf %add3A_2089, %add3A_2090 : vector<16xf32>
        %swap3A_2092 = arith.constant 0 : i32
        %swap3A_2093 = arith.index_cast %swap3A_2092 : i32 to index
        %swap3A_2094 = arith.index_cast %mul3A_1903 : i32 to index
        %swap3A_2095 = tpu.vector_load %arg10[%swap3A_2093, %swap3A_2094] {strides = array<i32>} : memref<8x3584xf32, #tpu.memory_space<vmem>>, vector<1x16xf32>,
        %swap3A_2096 = vector.shape_cast %swap3A_2095 : vector<1x16xf32> to vector<16xf32>
        %swap3A_2097 = vector.shape_cast %add3A_2091 : vector<16xf32> to vector<1x16xf32>
        tpu.vector_store %arg10[%swap3A_2093, %swap3A_2094], %swap3A_2097 {strides = array<i32>} : memref<8x3584xf32, #tpu.memory_space<vmem>>, vector<1x16xf32>,
        %mul3A_2098 = vector.broadcast %mul3A_1619 : f32 to vector<16xf32>
        %mul3A_2099 = arith.mulf %mul3A_2098, %get3A_1908 : vector<16xf32>
        %mul3A_2100 = vector.broadcast %mul3A_1622 : f32 to vector<16xf32>
        %mul3A_2101 = arith.mulf %mul3A_2100, %get3A_1913 : vector<16xf32>
        %add3A_2102 = arith.addf %mul3A_2099, %mul3A_2101 : vector<16xf32>
        %mul3A_2103 = vector.broadcast %mul3A_1625 : f32 to vector<16xf32>
        %mul3A_2104 = arith.mulf %mul3A_2103, %get3A_1918 : vector<16xf32>
        %add3A_2105 = arith.addf %add3A_2102, %mul3A_2104 : vector<16xf32>
        %mul3A_2106 = vector.broadcast %mul3A_1628 : f32 to vector<16xf32>
        %mul3A_2107 = arith.mulf %mul3A_2106, %get3A_1923 : vector<16xf32>
        %add3A_2108 = arith.addf %add3A_2105, %mul3A_2107 : vector<16xf32>
        %mul3A_2109 = vector.broadcast %mul3A_1715 : f32 to vector<16xf32>
        %mul3A_2110 = arith.mulf %mul3A_2109, %get3A_1928 : vector<16xf32>
        %add3A_2111 = arith.addf %add3A_2108, %mul3A_2110 : vector<16xf32>
        %mul3A_2112 = vector.broadcast %mul3A_1718 : f32 to vector<16xf32>
        %mul3A_2113 = arith.mulf %mul3A_2112, %get3A_1933 : vector<16xf32>
        %add3A_2114 = arith.addf %add3A_2111, %mul3A_2113 : vector<16xf32>
        %mul3A_2115 = vector.broadcast %mul3A_1721 : f32 to vector<16xf32>
        %mul3A_2116 = arith.mulf %mul3A_2115, %get3A_1938 : vector<16xf32>
        %add3A_2117 = arith.addf %add3A_2114, %mul3A_2116 : vector<16xf32>
        %mul3A_2118 = vector.broadcast %mul3A_1724 : f32 to vector<16xf32>
        %mul3A_2119 = arith.mulf %mul3A_2118, %get3A_1943 : vector<16xf32>
        %add3A_2120 = arith.addf %add3A_2117, %mul3A_2119 : vector<16xf32>
        %add3A_2121 = vector.broadcast %add3A_1810 : f32 to vector<16xf32>
        %add3A_2122 = arith.addf %add3A_2120, %add3A_2121 : vector<16xf32>
        %swap3A_2123 = arith.constant 1 : i32
        %swap3A_2124 = arith.index_cast %swap3A_2123 : i32 to index
        %swap3A_2125 = arith.index_cast %mul3A_1903 : i32 to index
        %swap3A_2126 = tpu.vector_load %arg10[%swap3A_2124, %swap3A_2125] {strides = array<i32>} : memref<8x3584xf32, #tpu.memory_space<vmem>>, vector<1x16xf32>,
        %swap3A_2127 = vector.shape_cast %swap3A_2126 : vector<1x16xf32> to vector<16xf32>
        %swap3A_2128 = vector.shape_cast %add3A_2122 : vector<16xf32> to vector<1x16xf32>
        tpu.vector_store %arg10[%swap3A_2124, %swap3A_2125], %swap3A_2128 {strides = array<i32>} : memref<8x3584xf32, #tpu.memory_space<vmem>>, vector<1x16xf32>,
        %mul3A_2129 = vector.broadcast %mul3A_1631 : f32 to vector<16xf32>
        %mul3A_2130 = arith.mulf %mul3A_2129, %get3A_1908 : vector<16xf32>
        %mul3A_2131 = vector.broadcast %mul3A_1634 : f32 to vector<16xf32>
        %mul3A_2132 = arith.mulf %mul3A_2131, %get3A_1913 : vector<16xf32>
        %add3A_2133 = arith.addf %mul3A_2130, %mul3A_2132 : vector<16xf32>
        %mul3A_2134 = vector.broadcast %mul3A_1637 : f32 to vector<16xf32>
        %mul3A_2135 = arith.mulf %mul3A_2134, %get3A_1918 : vector<16xf32>
        %add3A_2136 = arith.addf %add3A_2133, %mul3A_2135 : vector<16xf32>
        %mul3A_2137 = vector.broadcast %mul3A_1640 : f32 to vector<16xf32>
        %mul3A_2138 = arith.mulf %mul3A_2137, %get3A_1923 : vector<16xf32>
        %add3A_2139 = arith.addf %add3A_2136, %mul3A_2138 : vector<16xf32>
        %mul3A_2140 = vector.broadcast %mul3A_1727 : f32 to vector<16xf32>
        %mul3A_2141 = arith.mulf %mul3A_2140, %get3A_1928 : vector<16xf32>
        %add3A_2142 = arith.addf %add3A_2139, %mul3A_2141 : vector<16xf32>
        %mul3A_2143 = vector.broadcast %mul3A_1730 : f32 to vector<16xf32>
        %mul3A_2144 = arith.mulf %mul3A_2143, %get3A_1933 : vector<16xf32>
        %add3A_2145 = arith.addf %add3A_2142, %mul3A_2144 : vector<16xf32>
        %mul3A_2146 = vector.broadcast %mul3A_1733 : f32 to vector<16xf32>
        %mul3A_2147 = arith.mulf %mul3A_2146, %get3A_1938 : vector<16xf32>
        %add3A_2148 = arith.addf %add3A_2145, %mul3A_2147 : vector<16xf32>
        %mul3A_2149 = vector.broadcast %mul3A_1736 : f32 to vector<16xf32>
        %mul3A_2150 = arith.mulf %mul3A_2149, %get3A_1943 : vector<16xf32>
        %add3A_2151 = arith.addf %add3A_2148, %mul3A_2150 : vector<16xf32>
        %add3A_2152 = vector.broadcast %add3A_1817 : f32 to vector<16xf32>
        %add3A_2153 = arith.addf %add3A_2151, %add3A_2152 : vector<16xf32>
        %swap3A_2154 = arith.constant 2 : i32
        %swap3A_2155 = arith.index_cast %swap3A_2154 : i32 to index
        %swap3A_2156 = arith.index_cast %mul3A_1903 : i32 to index
        %swap3A_2157 = tpu.vector_load %arg10[%swap3A_2155, %swap3A_2156] {strides = array<i32>} : memref<8x3584xf32, #tpu.memory_space<vmem>>, vector<1x16xf32>,
        %swap3A_2158 = vector.shape_cast %swap3A_2157 : vector<1x16xf32> to vector<16xf32>
        %swap3A_2159 = vector.shape_cast %add3A_2153 : vector<16xf32> to vector<1x16xf32>
        tpu.vector_store %arg10[%swap3A_2155, %swap3A_2156], %swap3A_2159 {strides = array<i32>} : memref<8x3584xf32, #tpu.memory_space<vmem>>, vector<1x16xf32>,
        %mul3A_2160 = vector.broadcast %mul3A_1643 : f32 to vector<16xf32>
        %mul3A_2161 = arith.mulf %mul3A_2160, %get3A_1908 : vector<16xf32>
        %mul3A_2162 = vector.broadcast %mul3A_1646 : f32 to vector<16xf32>
        %mul3A_2163 = arith.mulf %mul3A_2162, %get3A_1913 : vector<16xf32>
        %add3A_2164 = arith.addf %mul3A_2161, %mul3A_2163 : vector<16xf32>
        %mul3A_2165 = vector.broadcast %mul3A_1649 : f32 to vector<16xf32>
        %mul3A_2166 = arith.mulf %mul3A_2165, %get3A_1918 : vector<16xf32>
        %add3A_2167 = arith.addf %add3A_2164, %mul3A_2166 : vector<16xf32>
        %mul3A_2168 = vector.broadcast %mul3A_1652 : f32 to vector<16xf32>
        %mul3A_2169 = arith.mulf %mul3A_2168, %get3A_1923 : vector<16xf32>
        %add3A_2170 = arith.addf %add3A_2167, %mul3A_2169 : vector<16xf32>
        %mul3A_2171 = vector.broadcast %mul3A_1739 : f32 to vector<16xf32>
        %mul3A_2172 = arith.mulf %mul3A_2171, %get3A_1928 : vector<16xf32>
        %add3A_2173 = arith.addf %add3A_2170, %mul3A_2172 : vector<16xf32>
        %mul3A_2174 = vector.broadcast %mul3A_1742 : f32 to vector<16xf32>
        %mul3A_2175 = arith.mulf %mul3A_2174, %get3A_1933 : vector<16xf32>
        %add3A_2176 = arith.addf %add3A_2173, %mul3A_2175 : vector<16xf32>
        %mul3A_2177 = vector.broadcast %mul3A_1745 : f32 to vector<16xf32>
        %mul3A_2178 = arith.mulf %mul3A_2177, %get3A_1938 : vector<16xf32>
        %add3A_2179 = arith.addf %add3A_2176, %mul3A_2178 : vector<16xf32>
        %mul3A_2180 = vector.broadcast %mul3A_1748 : f32 to vector<16xf32>
        %mul3A_2181 = arith.mulf %mul3A_2180, %get3A_1943 : vector<16xf32>
        %add3A_2182 = arith.addf %add3A_2179, %mul3A_2181 : vector<16xf32>
        %add3A_2183 = vector.broadcast %add3A_1824 : f32 to vector<16xf32>
        %add3A_2184 = arith.addf %add3A_2182, %add3A_2183 : vector<16xf32>
        %swap3A_2185 = arith.constant 3 : i32
        %swap3A_2186 = arith.index_cast %swap3A_2185 : i32 to index
        %swap3A_2187 = arith.index_cast %mul3A_1903 : i32 to index
        %swap3A_2188 = tpu.vector_load %arg10[%swap3A_2186, %swap3A_2187] {strides = array<i32>} : memref<8x3584xf32, #tpu.memory_space<vmem>>, vector<1x16xf32>,
        %swap3A_2189 = vector.shape_cast %swap3A_2188 : vector<1x16xf32> to vector<16xf32>
        %swap3A_2190 = vector.shape_cast %add3A_2184 : vector<16xf32> to vector<1x16xf32>
        tpu.vector_store %arg10[%swap3A_2186, %swap3A_2187], %swap3A_2190 {strides = array<i32>} : memref<8x3584xf32, #tpu.memory_space<vmem>>, vector<1x16xf32>,
        %mul3A_2191 = vector.broadcast %mul3A_1655 : f32 to vector<16xf32>
        %mul3A_2192 = arith.mulf %mul3A_2191, %get3A_1908 : vector<16xf32>
        %mul3A_2193 = vector.broadcast %mul3A_1658 : f32 to vector<16xf32>
        %mul3A_2194 = arith.mulf %mul3A_2193, %get3A_1913 : vector<16xf32>
        %add3A_2195 = arith.addf %mul3A_2192, %mul3A_2194 : vector<16xf32>
        %mul3A_2196 = vector.broadcast %mul3A_1661 : f32 to vector<16xf32>
        %mul3A_2197 = arith.mulf %mul3A_2196, %get3A_1918 : vector<16xf32>
        %add3A_2198 = arith.addf %add3A_2195, %mul3A_2197 : vector<16xf32>
        %mul3A_2199 = vector.broadcast %mul3A_1664 : f32 to vector<16xf32>
        %mul3A_2200 = arith.mulf %mul3A_2199, %get3A_1923 : vector<16xf32>
        %add3A_2201 = arith.addf %add3A_2198, %mul3A_2200 : vector<16xf32>
        %mul3A_2202 = vector.broadcast %mul3A_1751 : f32 to vector<16xf32>
        %mul3A_2203 = arith.mulf %mul3A_2202, %get3A_1928 : vector<16xf32>
        %add3A_2204 = arith.addf %add3A_2201, %mul3A_2203 : vector<16xf32>
        %mul3A_2205 = vector.broadcast %mul3A_1754 : f32 to vector<16xf32>
        %mul3A_2206 = arith.mulf %mul3A_2205, %get3A_1933 : vector<16xf32>
        %add3A_2207 = arith.addf %add3A_2204, %mul3A_2206 : vector<16xf32>
        %mul3A_2208 = vector.broadcast %mul3A_1757 : f32 to vector<16xf32>
        %mul3A_2209 = arith.mulf %mul3A_2208, %get3A_1938 : vector<16xf32>
        %add3A_2210 = arith.addf %add3A_2207, %mul3A_2209 : vector<16xf32>
        %mul3A_2211 = vector.broadcast %mul3A_1760 : f32 to vector<16xf32>
        %mul3A_2212 = arith.mulf %mul3A_2211, %get3A_1943 : vector<16xf32>
        %add3A_2213 = arith.addf %add3A_2210, %mul3A_2212 : vector<16xf32>
        %add3A_2214 = vector.broadcast %add3A_1831 : f32 to vector<16xf32>
        %add3A_2215 = arith.addf %add3A_2213, %add3A_2214 : vector<16xf32>
        %swap3A_2216 = arith.constant 4 : i32
        %swap3A_2217 = arith.index_cast %swap3A_2216 : i32 to index
        %swap3A_2218 = arith.index_cast %mul3A_1903 : i32 to index
        %swap3A_2219 = tpu.vector_load %arg10[%swap3A_2217, %swap3A_2218] {strides = array<i32>} : memref<8x3584xf32, #tpu.memory_space<vmem>>, vector<1x16xf32>,
        %swap3A_2220 = vector.shape_cast %swap3A_2219 : vector<1x16xf32> to vector<16xf32>
        %swap3A_2221 = vector.shape_cast %add3A_2215 : vector<16xf32> to vector<1x16xf32>
        tpu.vector_store %arg10[%swap3A_2217, %swap3A_2218], %swap3A_2221 {strides = array<i32>} : memref<8x3584xf32, #tpu.memory_space<vmem>>, vector<1x16xf32>,
        %mul3A_2222 = vector.broadcast %mul3A_1667 : f32 to vector<16xf32>
        %mul3A_2223 = arith.mulf %mul3A_2222, %get3A_1908 : vector<16xf32>
        %mul3A_2224 = vector.broadcast %mul3A_1670 : f32 to vector<16xf32>
        %mul3A_2225 = arith.mulf %mul3A_2224, %get3A_1913 : vector<16xf32>
        %add3A_2226 = arith.addf %mul3A_2223, %mul3A_2225 : vector<16xf32>
        %mul3A_2227 = vector.broadcast %mul3A_1673 : f32 to vector<16xf32>
        %mul3A_2228 = arith.mulf %mul3A_2227, %get3A_1918 : vector<16xf32>
        %add3A_2229 = arith.addf %add3A_2226, %mul3A_2228 : vector<16xf32>
        %mul3A_2230 = vector.broadcast %mul3A_1676 : f32 to vector<16xf32>
        %mul3A_2231 = arith.mulf %mul3A_2230, %get3A_1923 : vector<16xf32>
        %add3A_2232 = arith.addf %add3A_2229, %mul3A_2231 : vector<16xf32>
        %mul3A_2233 = vector.broadcast %mul3A_1763 : f32 to vector<16xf32>
        %mul3A_2234 = arith.mulf %mul3A_2233, %get3A_1928 : vector<16xf32>
        %add3A_2235 = arith.addf %add3A_2232, %mul3A_2234 : vector<16xf32>
        %mul3A_2236 = vector.broadcast %mul3A_1766 : f32 to vector<16xf32>
        %mul3A_2237 = arith.mulf %mul3A_2236, %get3A_1933 : vector<16xf32>
        %add3A_2238 = arith.addf %add3A_2235, %mul3A_2237 : vector<16xf32>
        %mul3A_2239 = vector.broadcast %mul3A_1769 : f32 to vector<16xf32>
        %mul3A_2240 = arith.mulf %mul3A_2239, %get3A_1938 : vector<16xf32>
        %add3A_2241 = arith.addf %add3A_2238, %mul3A_2240 : vector<16xf32>
        %mul3A_2242 = vector.broadcast %mul3A_1772 : f32 to vector<16xf32>
        %mul3A_2243 = arith.mulf %mul3A_2242, %get3A_1943 : vector<16xf32>
        %add3A_2244 = arith.addf %add3A_2241, %mul3A_2243 : vector<16xf32>
        %add3A_2245 = vector.broadcast %add3A_1838 : f32 to vector<16xf32>
        %add3A_2246 = arith.addf %add3A_2244, %add3A_2245 : vector<16xf32>
        %swap3A_2247 = arith.constant 5 : i32
        %swap3A_2248 = arith.index_cast %swap3A_2247 : i32 to index
        %swap3A_2249 = arith.index_cast %mul3A_1903 : i32 to index
        %swap3A_2250 = tpu.vector_load %arg10[%swap3A_2248, %swap3A_2249] {strides = array<i32>} : memref<8x3584xf32, #tpu.memory_space<vmem>>, vector<1x16xf32>,
        %swap3A_2251 = vector.shape_cast %swap3A_2250 : vector<1x16xf32> to vector<16xf32>
        %swap3A_2252 = vector.shape_cast %add3A_2246 : vector<16xf32> to vector<1x16xf32>
        tpu.vector_store %arg10[%swap3A_2248, %swap3A_2249], %swap3A_2252 {strides = array<i32>} : memref<8x3584xf32, #tpu.memory_space<vmem>>, vector<1x16xf32>,
        %mul3A_2253 = vector.broadcast %mul3A_1679 : f32 to vector<16xf32>
        %mul3A_2254 = arith.mulf %mul3A_2253, %get3A_1908 : vector<16xf32>
        %mul3A_2255 = vector.broadcast %mul3A_1682 : f32 to vector<16xf32>
        %mul3A_2256 = arith.mulf %mul3A_2255, %get3A_1913 : vector<16xf32>
        %add3A_2257 = arith.addf %mul3A_2254, %mul3A_2256 : vector<16xf32>
        %mul3A_2258 = vector.broadcast %mul3A_1685 : f32 to vector<16xf32>
        %mul3A_2259 = arith.mulf %mul3A_2258, %get3A_1918 : vector<16xf32>
        %add3A_2260 = arith.addf %add3A_2257, %mul3A_2259 : vector<16xf32>
        %mul3A_2261 = vector.broadcast %mul3A_1688 : f32 to vector<16xf32>
        %mul3A_2262 = arith.mulf %mul3A_2261, %get3A_1923 : vector<16xf32>
        %add3A_2263 = arith.addf %add3A_2260, %mul3A_2262 : vector<16xf32>
        %mul3A_2264 = vector.broadcast %mul3A_1775 : f32 to vector<16xf32>
        %mul3A_2265 = arith.mulf %mul3A_2264, %get3A_1928 : vector<16xf32>
        %add3A_2266 = arith.addf %add3A_2263, %mul3A_2265 : vector<16xf32>
        %mul3A_2267 = vector.broadcast %mul3A_1778 : f32 to vector<16xf32>
        %mul3A_2268 = arith.mulf %mul3A_2267, %get3A_1933 : vector<16xf32>
        %add3A_2269 = arith.addf %add3A_2266, %mul3A_2268 : vector<16xf32>
        %mul3A_2270 = vector.broadcast %mul3A_1781 : f32 to vector<16xf32>
        %mul3A_2271 = arith.mulf %mul3A_2270, %get3A_1938 : vector<16xf32>
        %add3A_2272 = arith.addf %add3A_2269, %mul3A_2271 : vector<16xf32>
        %mul3A_2273 = vector.broadcast %mul3A_1784 : f32 to vector<16xf32>
        %mul3A_2274 = arith.mulf %mul3A_2273, %get3A_1943 : vector<16xf32>
        %add3A_2275 = arith.addf %add3A_2272, %mul3A_2274 : vector<16xf32>
        %add3A_2276 = vector.broadcast %add3A_1845 : f32 to vector<16xf32>
        %add3A_2277 = arith.addf %add3A_2275, %add3A_2276 : vector<16xf32>
        %swap3A_2278 = arith.constant 6 : i32
        %swap3A_2279 = arith.index_cast %swap3A_2278 : i32 to index
        %swap3A_2280 = arith.index_cast %mul3A_1903 : i32 to index
        %swap3A_2281 = tpu.vector_load %arg10[%swap3A_2279, %swap3A_2280] {strides = array<i32>} : memref<8x3584xf32, #tpu.memory_space<vmem>>, vector<1x16xf32>,
        %swap3A_2282 = vector.shape_cast %swap3A_2281 : vector<1x16xf32> to vector<16xf32>
        %swap3A_2283 = vector.shape_cast %add3A_2277 : vector<16xf32> to vector<1x16xf32>
        tpu.vector_store %arg10[%swap3A_2279, %swap3A_2280], %swap3A_2283 {strides = array<i32>} : memref<8x3584xf32, #tpu.memory_space<vmem>>, vector<1x16xf32>,
        %mul3A_2284 = vector.broadcast %mul3A_1691 : f32 to vector<16xf32>
        %mul3A_2285 = arith.mulf %mul3A_2284, %get3A_1908 : vector<16xf32>
        %mul3A_2286 = vector.broadcast %mul3A_1694 : f32 to vector<16xf32>
        %mul3A_2287 = arith.mulf %mul3A_2286, %get3A_1913 : vector<16xf32>
        %add3A_2288 = arith.addf %mul3A_2285, %mul3A_2287 : vector<16xf32>
        %mul3A_2289 = vector.broadcast %mul3A_1697 : f32 to vector<16xf32>
        %mul3A_2290 = arith.mulf %mul3A_2289, %get3A_1918 : vector<16xf32>
        %add3A_2291 = arith.addf %add3A_2288, %mul3A_2290 : vector<16xf32>
        %mul3A_2292 = vector.broadcast %mul3A_1700 : f32 to vector<16xf32>
        %mul3A_2293 = arith.mulf %mul3A_2292, %get3A_1923 : vector<16xf32>
        %add3A_2294 = arith.addf %add3A_2291, %mul3A_2293 : vector<16xf32>
        %mul3A_2295 = vector.broadcast %mul3A_1787 : f32 to vector<16xf32>
        %mul3A_2296 = arith.mulf %mul3A_2295, %get3A_1928 : vector<16xf32>
        %add3A_2297 = arith.addf %add3A_2294, %mul3A_2296 : vector<16xf32>
        %mul3A_2298 = vector.broadcast %mul3A_1790 : f32 to vector<16xf32>
        %mul3A_2299 = arith.mulf %mul3A_2298, %get3A_1933 : vector<16xf32>
        %add3A_2300 = arith.addf %add3A_2297, %mul3A_2299 : vector<16xf32>
        %mul3A_2301 = vector.broadcast %mul3A_1793 : f32 to vector<16xf32>
        %mul3A_2302 = arith.mulf %mul3A_2301, %get3A_1938 : vector<16xf32>
        %add3A_2303 = arith.addf %add3A_2300, %mul3A_2302 : vector<16xf32>
        %mul3A_2304 = vector.broadcast %mul3A_1796 : f32 to vector<16xf32>
        %mul3A_2305 = arith.mulf %mul3A_2304, %get3A_1943 : vector<16xf32>
        %add3A_2306 = arith.addf %add3A_2303, %mul3A_2305 : vector<16xf32>
        %add3A_2307 = vector.broadcast %add3A_1852 : f32 to vector<16xf32>
        %add3A_2308 = arith.addf %add3A_2306, %add3A_2307 : vector<16xf32>
        %swap3A_2309 = arith.constant 7 : i32
        %swap3A_2310 = arith.index_cast %swap3A_2309 : i32 to index
        %swap3A_2311 = arith.index_cast %mul3A_1903 : i32 to index
        %swap3A_2312 = tpu.vector_load %arg10[%swap3A_2310, %swap3A_2311] {strides = array<i32>} : memref<8x3584xf32, #tpu.memory_space<vmem>>, vector<1x16xf32>,
        %swap3A_2313 = vector.shape_cast %swap3A_2312 : vector<1x16xf32> to vector<16xf32>
        %swap3A_2314 = vector.shape_cast %add3A_2308 : vector<16xf32> to vector<1x16xf32>
        tpu.vector_store %arg10[%swap3A_2310, %swap3A_2311], %swap3A_2314 {strides = array<i32>} : memref<8x3584xf32, #tpu.memory_space<vmem>>, vector<1x16xf32>,
        %scan3A_2315 = arith.constant 0 : i32
        scf.yield %scan3A_2315 : i32
      }
      %scan3A_1898 = arith.constant 224 : i32
      "tpu.region"() ({
        %run_scoped3A = tpu.sem_alloc : memref<!tpu.dma_semaphore, #tpu.memory_space<semaphore_mem>>
        %dma_start3A_1900 = arith.constant 0 : i32
        %dma_start3A_1901 = arith.constant 0 : i32
        %dma_start3A_1902 = tpu.memref_slice %arg5[%add3A_944, %dma_start3A_1900, %scan3A_1860, %dma_start3A_1901] : memref<64x4x14x3584xf32, #tpu.memory_space<hbm>> -> memref<1x4x1x3584xf32, #tpu.memory_space<hbm>>
        %dma_start3A_1903 = tpu.memref_squeeze %dma_start3A_1902 : memref<1x4x1x3584xf32, #tpu.memory_space<hbm>> -> memref<4x3584xf32, #tpu.memory_space<hbm>>
        %dma_start3A_1904 = arith.constant 0 : i32
        %dma_start3A_1905 = arith.constant 0 : i32
        %dma_start3A_1906 = tpu.memref_slice %arg5[%add3A_944, %dma_start3A_1904, %scan3A_1860, %dma_start3A_1905] : memref<64x4x14x3584xf32, #tpu.memory_space<hbm>> -> memref<1x4x1x3584xf32, #tpu.memory_space<hbm>>
        %dma_start3A_1907 = tpu.memref_squeeze %dma_start3A_1906 : memref<1x4x1x3584xf32, #tpu.memory_space<hbm>> -> memref<4x3584xf32, #tpu.memory_space<hbm>>
        tpu.enqueue_dma source(%arg9 : memref<4x3584xf32, #tpu.memory_space<vmem>>) target(%dma_start3A_1907 : memref<4x3584xf32, #tpu.memory_space<hbm>>) target_semaphore(%run_scoped3A : memref<!tpu.dma_semaphore, #tpu.memory_space<semaphore_mem>>)
        %dma_wait3A_1908 = arith.constant 0 : i32
        %dma_wait3A_1909 = arith.constant 0 : i32
        %dma_wait3A_1910 = tpu.memref_slice %arg5[%add3A_944, %dma_wait3A_1908, %scan3A_1860, %dma_wait3A_1909] : memref<64x4x14x3584xf32, #tpu.memory_space<hbm>> -> memref<1x4x1x3584xf32, #tpu.memory_space<hbm>>
        %dma_wait3A_1911 = tpu.memref_squeeze %dma_wait3A_1910 : memref<1x4x1x3584xf32, #tpu.memory_space<hbm>> -> memref<4x3584xf32, #tpu.memory_space<hbm>>
        %dma_wait3A_1912 = arith.constant 0 : i32
        %dma_wait3A_1913 = arith.constant 0 : i32
        %dma_wait3A_1914 = tpu.memref_slice %arg5[%add3A_944, %dma_wait3A_1912, %scan3A_1860, %dma_wait3A_1913] : memref<64x4x14x3584xf32, #tpu.memory_space<hbm>> -> memref<1x4x1x3584xf32, #tpu.memory_space<hbm>>
        %dma_wait3A_1915 = tpu.memref_squeeze %dma_wait3A_1914 : memref<1x4x1x3584xf32, #tpu.memory_space<hbm>> -> memref<4x3584xf32, #tpu.memory_space<hbm>>
        tpu.wait_dma2 semaphore(%run_scoped3A : memref<!tpu.dma_semaphore, #tpu.memory_space<semaphore_mem>>) src(%arg9 : memref<4x3584xf32, #tpu.memory_space<vmem>>) dst(%dma_wait3A_1915 : memref<4x3584xf32, #tpu.memory_space<hbm>>)
        tpu.yield
      }) : () -> ()
      "tpu.region"() ({
        %run_scoped3A = tpu.sem_alloc : memref<!tpu.dma_semaphore, #tpu.memory_space<semaphore_mem>>
        %dma_start3A_1900 = arith.constant 0 : i32
        %dma_start3A_1901 = arith.constant 0 : i32
        %dma_start3A_1902 = tpu.memref_slice %arg6[%add3A_944, %dma_start3A_1900, %scan3A_1860, %dma_start3A_1901] : memref<64x8x14x3584xf32, #tpu.memory_space<hbm>> -> memref<1x8x1x3584xf32, #tpu.memory_space<hbm>>
        %dma_start3A_1903 = tpu.memref_squeeze %dma_start3A_1902 : memref<1x8x1x3584xf32, #tpu.memory_space<hbm>> -> memref<8x3584xf32, #tpu.memory_space<hbm>>
        %dma_start3A_1904 = arith.constant 0 : i32
        %dma_start3A_1905 = arith.constant 0 : i32
        %dma_start3A_1906 = tpu.memref_slice %arg6[%add3A_944, %dma_start3A_1904, %scan3A_1860, %dma_start3A_1905] : memref<64x8x14x3584xf32, #tpu.memory_space<hbm>> -> memref<1x8x1x3584xf32, #tpu.memory_space<hbm>>
        %dma_start3A_1907 = tpu.memref_squeeze %dma_start3A_1906 : memref<1x8x1x3584xf32, #tpu.memory_space<hbm>> -> memref<8x3584xf32, #tpu.memory_space<hbm>>
        tpu.enqueue_dma source(%arg10 : memref<8x3584xf32, #tpu.memory_space<vmem>>) target(%dma_start3A_1907 : memref<8x3584xf32, #tpu.memory_space<hbm>>) target_semaphore(%run_scoped3A : memref<!tpu.dma_semaphore, #tpu.memory_space<semaphore_mem>>)
        %dma_wait3A_1908 = arith.constant 0 : i32
        %dma_wait3A_1909 = arith.constant 0 : i32
        %dma_wait3A_1910 = tpu.memref_slice %arg6[%add3A_944, %dma_wait3A_1908, %scan3A_1860, %dma_wait3A_1909] : memref<64x8x14x3584xf32, #tpu.memory_space<hbm>> -> memref<1x8x1x3584xf32, #tpu.memory_space<hbm>>
        %dma_wait3A_1911 = tpu.memref_squeeze %dma_wait3A_1910 : memref<1x8x1x3584xf32, #tpu.memory_space<hbm>> -> memref<8x3584xf32, #tpu.memory_space<hbm>>
        %dma_wait3A_1912 = arith.constant 0 : i32
        %dma_wait3A_1913 = arith.constant 0 : i32
        %dma_wait3A_1914 = tpu.memref_slice %arg6[%add3A_944, %dma_wait3A_1912, %scan3A_1860, %dma_wait3A_1913] : memref<64x8x14x3584xf32, #tpu.memory_space<hbm>> -> memref<1x8x1x3584xf32, #tpu.memory_space<hbm>>
        %dma_wait3A_1915 = tpu.memref_squeeze %dma_wait3A_1914 : memref<1x8x1x3584xf32, #tpu.memory_space<hbm>> -> memref<8x3584xf32, #tpu.memory_space<hbm>>
        tpu.wait_dma2 semaphore(%run_scoped3A : memref<!tpu.dma_semaphore, #tpu.memory_space<semaphore_mem>>) src(%arg10 : memref<8x3584xf32, #tpu.memory_space<vmem>>) dst(%dma_wait3A_1915 : memref<8x3584xf32, #tpu.memory_space<hbm>>)
        tpu.yield
      }) : () -> ()
      %scan3A_1899 = arith.constant 0 : i32
      scf.yield %scan3A_1899 : i32
    }
    %scan3A_1859 = arith.constant 14 : i32
    return
  }
}

</mosaic_0001>

<sc_bundles>
// kernel: kernel.3.cloned.1.call-start
scs
__scs_entry_jumppad:
0x0: {  	(pc) =	sbr.rel $0x88, $3  }
0x1: {  	(tag) =	ssettag $0x0;
	lr =	simm.s32 $0x1  }
0x2: {  	[smem:$0x3F93] =	sst lr;
	_ =	strace $0xD0000000  }
0x3: {  	_ = 	snop  }
0x4: {  	_ = 	snop  }
0x5: {  	_ = 	snop  }
0x6: {  	_ = 	snop  }
0x7: {  	_ = 	snop  }
__scs_overlays_trampoline_lowered:
0x8: {  	[smem:$0x3FA2] =	sst s0  }
0x9: {  	[smem:$0x3FA3] =	sst s1  }
0xa: {  	[smem:$0x3FA4] =	sst s2  }
0xb: {  	[smem:$0x3FA5] =	sst s3  }
0xc: {  	[smem:$0x3FA6] =	sst s4  }
0xd: {  	[smem:$0x3FA7] =	sst s5  }
0xe: {  	[smem:$0x3FA8] =	sst s6  }
0xf: {  	[smem:$0x3FA9] =	sst s7  }
0x10: {  	[smem:$0x3FAA] =	sst s8  }
0x11: {  	[smem:$0x3FAB] =	sst s9;
	s0 =	simm.s32 @!p0 $0x0  }
0x12: {  	s1 =	sld [smem:$0x3F91];
	s0 =	simm.s32 @p0 $0x1  }
0x13: {  	[smem:$0x3FAC] =	sst s0;
	s0 =	simm.s32 @!p1 $0x0  }
0x14: {  	s2 =	sld [smem:$0x3F90];
	s0 =	simm.s32 @p1 $0x1  }
0x15: {  	[smem:$0x3FAD] =	sst s0;
	s0 =	simm.s32 @!p2 $0x0  }
0x16: {  	s3 =	sld [smem:$0x3FDB];
	s0 =	simm.s32 @p2 $0x1  }
0x17: {  	s4 =	simm.s32 $0x1BF5;
	[smem:$0x3FAF] =	sst s0  }
0x18: {  	s0 =	sld [smem:$0x3F92];
	_ =	swait.ge [sflag:s4], $0x0  }
0x19: {  	s7 =	sld [smem:$0x3F93]  }
0x1a: {  	s8 =	sadd.s32 $0xFFFFE003, lr  }
0x1b: {  	s9 =	sadd.s32 $0xFFFFFEF7, lr;
	s5 =	simm.s32 $0xFFFFFFFF;
	p2 =	slt.u32 s8, $0xFFFFF086  }
0x1c: {  	p1 =	slt.u32 s9, $0xF7A;
	s5 =	simm.s32 @!p2 $0x0  }
0x1d: {  	s5 =	simm.s32 @p1 $0x1;
	p0 =	seq.s32 s7, s2  }
0x1e: {  	s7 =	smul.u32 @!p0 $0xF7A, s2;
	p2 =	seq.s32 @!p0 s5, $0x0  }
0x1f: {  	s9 =	smul.u32 $0xF7A, s1;
	s8 =	simm.s32 @!p0 $0x1BF5;
	p2 =	por !p2, p0  }
0x20: {  	[sflag:s8] =	ssyncset.s32 @!p0 $0xFFFFF086;
	s6 =	sadd.s32 @!p0 s3, s7;
	s7 =	simm.s32 @!p0 $0x108  }
0x21: {  	s3 =	sadd.s32 s3, s9;
	s6 =	sadd.s32 @!p0 $0x88, s6;
	s7 =	simm.s32 @p2 $0x1082  }
0x22: {  	[simem:s7], [sflag:s8] =	dma.local @!p0 [hbm:s6], $0xF7A  }
0x23: {  	s9 =	sor.u32 $0xD0000000, s2;
	s6 =	simm.s32 $0x108;
	_ =	swait.ge @!p0 [sflag:s8], $0x0  }
0x24: {  	s3 =	sadd.s32 $0x88, s3;
	s6 =	simm.s32 @!p1 $0x1082;
	[sflag:s4] =	ssyncset.s32 $0xFFFFF086  }
0x25: {  	[simem:s6], [sflag:s4] =	dma.local [hbm:s3], $0xF7A  }
0x26: {  	[smem:$0x3F93] =	sst s1;
	(tag) =	ssettag s2;
	_ =	strace s9  }
0x27: {  	s1 =	sld [smem:$0x3FA3]  }
0x28: {  	s2 =	sld [smem:$0x3FA4]  }
0x29: {  	s4 =	sld [smem:$0x3FA6]  }
0x2a: {  	p0 =	seq.s32 s5, $0x0;
	s5 =	sld [smem:$0x3FA7]  }
0x2b: {  	s6 =	sld [smem:$0x3FA8]  }
0x2c: {  	s7 =	sld [smem:$0x3FA9]  }
0x2d: {  	s3 =	simm.s32 $0x108;
	s8 =	sld [smem:$0x3FAA]  }
0x2e: {  	s3 =	simm.s32 @!p0 $0x1082;
	s9 =	sld [smem:$0x3FAB]  }
0x2f: {  	lr =	sadd.s32 s0, s3;
	s0 =	sld [smem:$0x3FA2]  }
0x30: {  	s3 =	sld [smem:$0x3FA5]  }
0x31: {  	[smem:$0x3FAE] =	sst s10  }
0x32: {  	s10 =	sld [smem:$0x3FAC];
	_ =	sdelay $0x3  }
0x33: {  	p0 =	seq.s32 s10, $0x1;
	s10 =	sld [smem:$0x3FAE];
	_ =	sdelay $0x3  }
0x34: {  	[smem:$0x3FAE] =	sst s10  }
0x35: {  	s10 =	sld [smem:$0x3FAD];
	_ =	sdelay $0x3  }
0x36: {  	p1 =	seq.s32 s10, $0x1;
	s10 =	sld [smem:$0x3FAE];
	_ =	sdelay $0x3  }
0x37: {  	[smem:$0x3FAE] =	sst s10  }
0x38: {  	s10 =	sld [smem:$0x3FAF]  }
0x39: {  	_ = 	snop;
	(pc) =	sbr.ind lr, $3  }
0x3a: {  	_ = 	snop  }
0x3b: {  	_ = 	snop  }
0x3c: {  	p2 =	seq.s32 s10, $0x1;
	s10 =	sld [smem:$0x3FAE]  }
0x3d: {  	_ =	shalt  }
0x3e: {  	_ =	shalt  }
0x3f: {  	_ =	shalt  }
0x40: {  	_ =	shalt  }
0x41: {  	_ =	shalt  }
0x42: {  	_ =	shalt  }
0x43: {  	_ =	shalt  }
0x44: {  	_ =	shalt  }
0x45: {  	_ =	shalt  }
0x46: {  	_ =	shalt  }
0x47: {  	_ =	shalt  }
0x48: {  	_ =	shalt  }
0x49: {  	_ =	shalt  }
0x4a: {  	_ =	shalt  }
0x4b: {  	_ =	shalt  }
0x4c: {  	_ =	shalt  }
0x4d: {  	_ =	shalt  }
0x4e: {  	_ =	shalt  }
0x4f: {  	_ =	shalt  }
0x50: {  	_ =	shalt  }
0x51: {  	_ =	shalt  }
0x52: {  	_ =	shalt  }
0x53: {  	_ =	shalt  }
0x54: {  	_ =	shalt  }
0x55: {  	_ =	shalt  }
0x56: {  	_ =	shalt  }
0x57: {  	_ =	shalt  }
0x58: {  	_ =	shalt  }
0x59: {  	_ =	shalt  }
0x5a: {  	_ =	shalt  }
0x5b: {  	_ =	shalt  }
0x5c: {  	_ =	shalt  }
0x5d: {  	_ =	shalt  }
0x5e: {  	_ =	shalt  }
0x5f: {  	_ =	shalt  }
0x60: {  	_ =	shalt  }
0x61: {  	_ =	shalt  }
0x62: {  	_ =	shalt  }
0x63: {  	_ =	shalt  }
0x64: {  	_ =	shalt  }
0x65: {  	_ =	shalt  }
0x66: {  	_ =	shalt  }
0x67: {  	_ =	shalt  }
0x68: {  	_ =	shalt  }
0x69: {  	_ =	shalt  }
0x6a: {  	_ =	shalt  }
0x6b: {  	_ =	shalt  }
0x6c: {  	_ =	shalt  }
0x6d: {  	_ =	shalt  }
0x6e: {  	_ =	shalt  }
0x6f: {  	_ =	shalt  }
0x70: {  	_ =	shalt  }
0x71: {  	_ =	shalt  }
0x72: {  	_ =	shalt  }
0x73: {  	_ =	shalt  }
0x74: {  	_ =	shalt  }
0x75: {  	_ =	shalt  }
0x76: {  	_ =	shalt  }
0x77: {  	_ =	shalt  }
0x78: {  	_ =	shalt  }
0x79: {  	_ =	shalt  }
0x7a: {  	_ =	shalt  }
0x7b: {  	_ =	shalt  }
0x7c: {  	_ =	shalt  }
0x7d: {  	_ =	shalt  }
0x7e: {  	_ =	shalt  }
0x7f: {  	_ =	shalt  }
0x80: {  	_ =	shalt  }
0x81: {  	_ =	shalt  }
0x82: {  	_ =	shalt  }
0x83: {  	_ =	shalt  }
0x84: {  	_ =	shalt  }
0x85: {  	_ =	shalt  }
0x86: {  	_ =	shalt  }
0x87: {  	_ =	shalt  }
.Lfunc_end0:
.L_simem_size_0:
called_computation_lowered:
.L_overlay_start_0:
0x88: {  	s2 =	sld [smem:$0x3FD9]  }
0x89: {  	s3 =	sld [smem:$0x3FFE];
	_ =	sdelay $0x1  }
0x8a: {  	s1 =	srdreg.scid  }
0x8b: {  	s0 =	sand.u32 $0x1, s1  }
0x8c: {  	s14 =	sshll.u32 s0, $0xA;
	s2 =	sadd.s32 s3, s2  }
0x8d: {  	s2 =	sadd.s32 s2, s14  }
0x8e: {  	[smem:$0x3FBA] =	sst s2  }
0x8f: {  	_ = 	snop  }
0x90: {  	s2 =	sld [smem:$0x3FD0];
	_ =	sdelay $0x2  }
0x91: {  	s15 =	simm.s32 $0xA;
	s4 =	simm.s32 $0x10  }
0x92: {  	[smem:s4], [sflag:s15] =	dma.local [hbm:s2], $0x1  }
0x93: {  	_ =	swait.eq [sflag:s15], $0x1  }
0x94: {  	[sflag:s15] =	ssyncset.done $0x0  }
0x95: {  	s16 =	sld [smem:$0x10];
	[sflag:s15] =	ssyncadd.s32 $0xFFFFFFFF  }
0x96: {  	s17 =	sld [smem:$0x11];
	(tm) =	ssettm $0x1  }
0x97: {  	s18 =	sld [smem:$0x3FFB];
	_ =	sdelay $0x3  }
0x98: {  	_ =	strace s18  }
0x99: {  	s4 =	sld [smem:$0x3FFC];
	_ =	sdelay $0x3  }
0x9a: {  	_ =	strace s4  }
0x9b: {  	s4 =	sld [smem:$0x3FFD];
	_ =	sdelay $0x3  }
0x9c: {  	_ =	strace s4  }
0x9d: {  	_ =	strace $0x8FFFFFFF  }
0x9e: {  	s19 =	sld [smem:$0x3FDB];
	_ =	sdelay $0x1  }
0x9f: {  	s5 =	simm.s32 $_scs_section_size  }
0xa0: {  	s6 =	simm.s32 $_size__tile_overlayer_lowered;
	s7 =	simm.s32 $_tile_overlayer_lowered  }
0xa1: {  	s22 =	simm.s32 $0x1BFF;
	s21 =	sshll.u32 s7, $0x1;
	s4 =	sadd.s32 s5, s19  }
0xa2: {  	s8 =	simm.s32 $0x0;
	s20 =	sshll.u32 s6, $0x1;
	s6 =	sadd.s32 s21, s4  }
0xa3: {  	[timem:s8], [sflag:s22] =	dma.local [hbm:s6], s20  }
0xa4: {  	_ =	swait.ge [sflag:s22], s20  }
0xa5: {  	s5 =	ssub.s32 $0x0, s20;
	[sflag:s22] =	ssyncset.done $0x0  }
0xa6: {  	[sflag:s22] =	ssyncadd.s32 s5;
	_ =	sdelay $0x1  }
0xa7: {  	s23 =	simm.s32 $0x1B8B  }
0xa8: {  	_ =	swait.ge [sflag:s23], $0x1  }
0xa9: {  	[sflag:s23] =	ssyncset.done $0x0  }
0xaa: {  	s25 =	simm.s32 $0x1B8E;
	s24 =	sld [smem:$0x3FFE];
	[sflag:s23] =	ssyncadd.s32 $0xFFFFFFFF  }
0xab: {  	s26 =	simm.s32 $execute0_lowered;
	[smem:$0x3FD2] =	sst s25  }
0xac: {  	s6 =	sshll.u32 s26, $0x1;
	_ =	strace $0x80000046;
	[dreg:$0x1] =	wrdreg $0xFFFFFFFF  }
0xad: {  	s28 =	simm.s32 $_size_execute0_lowered;
	s4 =	sadd.s32 s4, s6;
	[dreg:$0x0] =	wrdreg $0x0  }
0xae: {  	s6 =	sshll.u32 s28, $0x1;
	[dreg:$0x2] =	wrdreg s4  }
0xaf: {  	[dreg:$0x3] =	wrdreg s6  }
0xb0: {  	[dreg:$0x4] =	wrdreg $0xC0  }
0xb1: {  	_ =	task [dreg:s8], $0x5FFFF  }
0xb2: {  	[dreg:$0x1] =	wrdreg $0xFFFFFFFF  }
0xb3: {  	[dreg:$0x0] =	wrdreg $0x60  }
0xb4: {  	[dreg:$0x2] =	wrdreg s16  }
0xb5: {  	[dreg:$0x3] =	wrdreg s17  }
0xb6: {  	[dreg:$0x4] =	wrdreg s24  }
0xb7: {  	[dreg:$0x5] =	wrdreg $0x9  }
0xb8: {  	_ =	task.clear_ibuf [dreg:s8], $0x6FFFF;
	_ =	strace $0x90000046  }
0xb9: {  	s29 =	simm.s32 $0x9;
	_ =	strace $0x80000048  }
0xba: {  	_ =	swait.ge [sflag:s29], $0x1  }
0xbb: {  	[sflag:s29] =	ssyncadd.s32 $0xFFFFFFFF  }
0xbc: {  	_ =	strace $0x90000048  }
0xbd: {  	_ =	sfence  }
0xbe: {  	s30 =	sld [smem:$0x0];
	_ =	sdelay $0x2  }
0xbf: {  	s31 =	sshll.u32 s1, $0xD;
	s1 =	sshrl.u32 s1, $0x2  }
0xc0: {  	s3 =	sand.u32 $0x4000, s31;
	s1 =	sadd.s32 s1, s30  }
0xc1: {  	s0 =	sor.u32 s3, s0;
	s1 =	sshll.u32 s1, $0x11  }
0xc2: {  	s0 =	sor.u32 s1, s0  }
0xc3: {  	s0 =	sadd.s32 $0x8F2B, s0  }
0xc4: {  	[sflag:s0] =	ssyncadd.remote.s32 $0x1  }
0xc5: {  	_ =	sfence.sel $0xFFFF  }
0xc6: {  	[dreg:$0x0] =	wrdreg $0xFFFFFFFF;
	(pc) =	sbr.abs _section_cstart, $3  }
0xc7: {  	[dreg:$0x1] =	wrdreg $0xFFFFFFFF  }
0xc8: {  	_ =	task.clear_ibuf [dreg:s8], $0x2FFFF;
	_ =	strace $0x9FFFFFFF  }
0xc9: {  	(tm) =	ssettm $0x7FFFFFFF  }
tec
execute0_lowered:
.L_overlay_start_1:
0x0: {  	(tag) =	ssettag $0x1  }
0x1: {  	s7 =	rddreg [dreg:$0x0]  }
0x2: {  	s21 =	rddreg [dreg:$0x1]  }
0x3: {  	s0 =	rddreg [dreg:$0x2];
	s3 =	simm.s32 $0x0  }
0x4: {  	s1 =	srdreg.scid;
	s2 =	stileid.u32;
	s14 =	simm.s32 $0x2  }
0x5: {  	s15 =	simm.s32 $0x80;
	[smem:$0x7FF] =	sst s3;
	s1 =	sand.u32 $0x1, s1  }
0x6: {  	s28 =	sshll.u32 s2, $0x1;
	s29 =	sadd.s32 $0x1400, s0;
	s8 =	sadd.s32 $0x1600, s0  }
0x7: {  	s10 =	sadd.s32 $0x1C1600, s0;
	_ =	strace $0x80000047;
	[dreg:$0x4] =	wrdreg s29  }
0x8: {  	s3 =	sor.u32 s1, s28;
	s1 =	ssub.s32 $0x2, s1;
	[dreg:$0x6] =	wrdreg s8  }
0x9: {  	[dreg:$0x19] =	wrdreg s10;
	s4 =	sshrl.u32 s1, $0x1;
	s30 =	smul.u32 $0xE0000, s3  }
0xa: {  	s6 =	smul.u32 $0x70000, s3;
	s3 =	sshllo.u32 s3, $0x1;
	s1 =	ssub.s32 s1, s4  }
0xb: {  	s20 =	smul.u32 $0x70000, s3;
	s31 =	smax.u32 s1, $0x1;
	[dreg:$0x5] =	wrdreg s30  }
0xc: {  	s16 =	simm.s32 $0xE000;
	s17 =	simm.s32 $0x1;
	[dreg:$0x8] =	wrdreg s31  }
0xd: {  	s9 =	smul.u32 $0x38000, s3;
	s1 =	simm.s32 $0x0;
	[dreg:$0x7] =	wrdreg s20  }
.LBB2_1:
0xe: {  	[dreg:$0x9] =	wrdreg s1  }
0xf: {  	s0 =	simm.s32 $0x0;
	s31 =	rddreg [dreg:$0x4];
	s3 =	simm.s32 $0x11800  }
0x10: {  	[tilespmem:s3], [sflag:$0x2] =	stream.linear.gather [hbm4b:s31+s0], $0x100, $0x38;
	[tilespmem:$0x11900] =	vst v63  }
0x11: {  	_ =	swait.ge [sflag:s14], $0x100  }
0x12: {  	[sflag:s14] =	ssyncset.done $0x0  }
0x13: {  	[sflag:s14] =	ssyncadd.s32 $0xFFFFFF00  }
0x14: {  	v8 =	vld [tilespmem:$0x11800]  }
0x15: {  	v7 =	vld [tilespmem:$0x11810]  }
0x16: {  	v5 =	vld [tilespmem:$0x11820]  }
0x17: {  	v4 =	vld [tilespmem:$0x11830]  }
0x18: {  	v1 =	vld [tilespmem:$0x11840]  }
0x19: {  	v6 =	vld [tilespmem:$0x11850]  }
0x1a: {  	v3 =	vld [tilespmem:$0x11860]  }
0x1b: {  	v11 =	vimm.f32 $0.0e+00;
	v2 =	vld [tilespmem:$0x11870]  }
0x1c: {  	v13 =	vimm.f32 $0.0e+00;
	v15 =	vimm.f32 $0.0e+00;
	v16 =	vimm.f32 $0.0e+00;
	s0 =	simm.s32 $0x0;
	v0 =	vld [tilespmem:$0x11880]  }
.LBB2_2:
0x1d: {  	s1 =	sshrl.u32 s0, $0x3  }
0x1e: {  	s1 =	smul.u32 $0x7000, s1  }
0x1f: {  	s3 =	sshll.u32 s0, $0x7  }
0x20: {  	s3 =	sand.u32 $0x380, s3;
	s1 =	sadd.s32 s6, s1  }
0x21: {  	s1 =	sor.u32 s3, s1  }
0x22: {  	s1 =	sshrl.u32 s1, $0x3  }
0x23: {  	s4 =	simm.s32 $0x80;
	s1 =	sadd.s32 s7, s1  }
0x24: {  	s5 =	simm.s32 $0x200;
	s3 =	simm.s32 $0x0;
	s11 =	sadd.s32 $0x0, s1  }
.LBB2_3:
0x25: {  	[tilespmem:s3], [sflag:$0x1] =	stream.strided.gather [hbm4b:s11+s15], $0x200, s16, s15, $0x38;
	[tilespmem:$0x11900] =	vst v63  }
0x26: {  	s11 =	smov.u32 s4;
	s3 =	smov.u32 s5;
	p0 =	sne.s32 s4, $0xD80  }
.Ltmp0:
0x27: {  	s4 =	sadd.s32 $0x80, s4;
	(pc) =	sbr.rel @p0 .LBB2_3-.Ltmp0, $2  }
0x28: {  	_ =	sdelay $0x2  }
0x29: {  	s5 =	sadd.s32 $0x200, s5;
	s11 =	sadd.s32 s11, s1  }
0x2a: {  	[tilespmem:s3], [sflag:$0x1] =	stream.strided.gather [hbm4b:s11+s15], $0x200, s16, s15, $0x38;
	[tilespmem:$0x11900] =	vst v63  }
0x2b: {  	s1 =	simm.s32 $0x0;
	_ =	swait.ge [sflag:s17], $0x3800  }
0x2c: {  	s31 =	sand.u32 $0x70, s1;
	s4 =	sand.u32 $0x3E00, s1;
	[sflag:s17] =	ssyncset.done $0x0  }
0x2d: {  	s3 =	sor.u32 s31, s4;
	[sflag:s17] =	ssyncadd.s32 $0xFFFFC800  }
0x2e: {  	s5 =	simm.s32 $0x0;
	s4 =	simm.s32 $0x10;
	v9 =	vld [tilespmem:s3+$0x0]  }
.LBB2_5:
0x2f: {  	p0 =	sne.s32 s4, $0xDF0  }
.Ltmp1:
0x30: {  	_ = 	snop;
	(pc) =	sbr.rel @p0 .LBB2_5-.Ltmp1, $4  }
0x31: {  	s5 =	sadd.s32 $0x40, s5  }
0x32: {  	s11 =	sand.u32 $0x70, s4;
	s12 =	sand.u32 $0x3E00, s5  }
0x33: {  	s11 =	sor.u32 s11, s12  }
0x34: {  	s4 =	sadd.s32 $0x10, s4;
	v16 =	vadd.f32 v9, v16;
	v9 =	vld [tilespmem:s11+$0x0]  }
0x35: {  	_ =	sdelay $0x3  }
0x36: {  	s4 =	simm.s32 $0x10;
	v16 =	vadd.f32 v9, v16;
	v9 =	vld [tilespmem:s3+$0x80]  }
.LBB2_7:
0x37: {  	p0 =	sne.s32 s4, $0xDF0  }
.Ltmp2:
0x38: {  	_ = 	snop;
	(pc) =	sbr.rel @p0 .LBB2_7-.Ltmp2, $4  }
0x39: {  	s1 =	sadd.s32 $0x40, s1  }
0x3a: {  	s3 =	sand.u32 $0x70, s4;
	s5 =	sand.u32 $0x3E00, s1  }
0x3b: {  	s3 =	sor.u32 s3, s5  }
0x3c: {  	s4 =	sadd.s32 $0x10, s4;
	v15 =	vadd.f32 v9, v15;
	v9 =	vld [tilespmem:s3+$0x80]  }
0x3d: {  	_ = 	snop  }
0x3e: {  	s1 =	simm.s32 $0x0  }
0x3f: {  	s3 =	sand.u32 $0x70, s1;
	s4 =	sand.u32 $0x3E00, s1  }
0x40: {  	s3 =	sor.u32 s3, s4  }
0x41: {  	s5 =	simm.s32 $0x0;
	s4 =	simm.s32 $0x10;
	v15 =	vadd.f32 v9, v15;
	v9 =	vld [tilespmem:s3+$0x100]  }
.LBB2_9:
0x42: {  	p0 =	sne.s32 s4, $0xDF0  }
.Ltmp3:
0x43: {  	_ = 	snop;
	(pc) =	sbr.rel @p0 .LBB2_9-.Ltmp3, $4  }
0x44: {  	s5 =	sadd.s32 $0x40, s5  }
0x45: {  	s11 =	sand.u32 $0x70, s4;
	s12 =	sand.u32 $0x3E00, s5  }
0x46: {  	s11 =	sor.u32 s11, s12  }
0x47: {  	s4 =	sadd.s32 $0x10, s4;
	v13 =	vadd.f32 v9, v13;
	v9 =	vld [tilespmem:s11+$0x100]  }
0x48: {  	_ =	sdelay $0x3  }
0x49: {  	s4 =	simm.s32 $0x10;
	v13 =	vadd.f32 v9, v13;
	v9 =	vld [tilespmem:s3+$0x180]  }
.LBB2_11:
0x4a: {  	p0 =	sne.s32 s4, $0xDF0  }
.Ltmp4:
0x4b: {  	_ = 	snop;
	(pc) =	sbr.rel @p0 .LBB2_11-.Ltmp4, $4  }
0x4c: {  	s1 =	sadd.s32 $0x40, s1  }
0x4d: {  	s3 =	sand.u32 $0x70, s4;
	s5 =	sand.u32 $0x3E00, s1  }
0x4e: {  	s3 =	sor.u32 s3, s5  }
0x4f: {  	s4 =	sadd.s32 $0x10, s4;
	v11 =	vadd.f32 v9, v11;
	v9 =	vld [tilespmem:s3+$0x180]  }
0x50: {  	s0 =	sadd.s32 $0x1, s0  }
0x51: {  	p0 =	sne.s32 s0, $0xE  }
.Ltmp5:
0x52: {  	_ = 	snop;
	(pc) =	sbr.rel @p0 .LBB2_2-.Ltmp5, $2  }
0x53: {  	_ =	sdelay $0x2  }
0x54: {  	v11 =	vadd.f32 v9, v11  }
0x55: {  	v9 =	vimm.f32 $0.0e+00  }
0x56: {  	s0 =	simm.s32 $0x0;
	v10 =	vimm.f32 $0.0e+00;
	v12 =	vimm.f32 $0.0e+00;
	v14 =	vimm.f32 $0.0e+00  }
.LBB2_14:
0x57: {  	s1 =	sshrl.u32 s0, $0x3  }
0x58: {  	s1 =	smul.u32 $0x7000, s1  }
0x59: {  	s3 =	sshll.u32 s0, $0x7  }
0x5a: {  	s3 =	sand.u32 $0x380, s3;
	s1 =	sadd.s32 s6, s1  }
0x5b: {  	s1 =	sor.u32 s3, s1  }
0x5c: {  	s1 =	sshrl.u32 s1, $0x3  }
0x5d: {  	s4 =	simm.s32 $0x80;
	s1 =	sadd.s32 s21, s1  }
0x5e: {  	s5 =	simm.s32 $0x3A00;
	s3 =	simm.s32 $0x3800;
	s11 =	sadd.s32 $0x0, s1  }
.LBB2_15:
0x5f: {  	[tilespmem:s3], [sflag:$0x1] =	stream.strided.gather [hbm4b:s11+s15], $0x200, s16, s15, $0x38;
	[tilespmem:$0x11900] =	vst v63  }
0x60: {  	s11 =	smov.u32 s4;
	s3 =	smov.u32 s5;
	p0 =	sne.s32 s4, $0xD80  }
.Ltmp6:
0x61: {  	s4 =	sadd.s32 $0x80, s4;
	(pc) =	sbr.rel @p0 .LBB2_15-.Ltmp6, $2  }
0x62: {  	_ =	sdelay $0x2  }
0x63: {  	s5 =	sadd.s32 $0x200, s5;
	s11 =	sadd.s32 s11, s1  }
0x64: {  	[tilespmem:s3], [sflag:$0x1] =	stream.strided.gather [hbm4b:s11+s15], $0x200, s16, s15, $0x38;
	[tilespmem:$0x11900] =	vst v63  }
0x65: {  	s1 =	simm.s32 $0x0;
	_ =	swait.ge [sflag:s17], $0x3800  }
0x66: {  	s31 =	sand.u32 $0x70, s1;
	s4 =	sand.u32 $0x3E00, s1;
	[sflag:s17] =	ssyncset.done $0x0  }
0x67: {  	s3 =	sor.u32 s31, s4;
	[sflag:s17] =	ssyncadd.s32 $0xFFFFC800  }
0x68: {  	s5 =	simm.s32 $0x0;
	s4 =	simm.s32 $0x10;
	v17 =	vld [tilespmem:s3+$0x3800]  }
.LBB2_17:
0x69: {  	p0 =	sne.s32 s4, $0xDF0  }
.Ltmp7:
0x6a: {  	_ = 	snop;
	(pc) =	sbr.rel @p0 .LBB2_17-.Ltmp7, $4  }
0x6b: {  	s5 =	sadd.s32 $0x40, s5  }
0x6c: {  	s11 =	sand.u32 $0x70, s4;
	s12 =	sand.u32 $0x3E00, s5  }
0x6d: {  	s11 =	sor.u32 s11, s12  }
0x6e: {  	s4 =	sadd.s32 $0x10, s4;
	v14 =	vadd.f32 v17, v14;
	v17 =	vld [tilespmem:s11+$0x3800]  }
0x6f: {  	_ =	sdelay $0x3  }
0x70: {  	s4 =	simm.s32 $0x10;
	v14 =	vadd.f32 v17, v14;
	v17 =	vld [tilespmem:s3+$0x3880]  }
.LBB2_19:
0x71: {  	p0 =	sne.s32 s4, $0xDF0  }
.Ltmp8:
0x72: {  	_ = 	snop;
	(pc) =	sbr.rel @p0 .LBB2_19-.Ltmp8, $4  }
0x73: {  	s1 =	sadd.s32 $0x40, s1  }
0x74: {  	s3 =	sand.u32 $0x70, s4;
	s5 =	sand.u32 $0x3E00, s1  }
0x75: {  	s3 =	sor.u32 s3, s5  }
0x76: {  	s4 =	sadd.s32 $0x10, s4;
	v12 =	vadd.f32 v17, v12;
	v17 =	vld [tilespmem:s3+$0x3880]  }
0x77: {  	_ = 	snop  }
0x78: {  	s1 =	simm.s32 $0x0  }
0x79: {  	s3 =	sand.u32 $0x70, s1;
	s4 =	sand.u32 $0x3E00, s1  }
0x7a: {  	s3 =	sor.u32 s3, s4  }
0x7b: {  	s5 =	simm.s32 $0x0;
	s4 =	simm.s32 $0x10;
	v12 =	vadd.f32 v17, v12;
	v17 =	vld [tilespmem:s3+$0x3900]  }
.LBB2_21:
0x7c: {  	p0 =	sne.s32 s4, $0xDF0  }
.Ltmp9:
0x7d: {  	_ = 	snop;
	(pc) =	sbr.rel @p0 .LBB2_21-.Ltmp9, $4  }
0x7e: {  	s5 =	sadd.s32 $0x40, s5  }
0x7f: {  	s11 =	sand.u32 $0x70, s4;
	s12 =	sand.u32 $0x3E00, s5  }
0x80: {  	s11 =	sor.u32 s11, s12  }
0x81: {  	s4 =	sadd.s32 $0x10, s4;
	v10 =	vadd.f32 v17, v10;
	v17 =	vld [tilespmem:s11+$0x3900]  }
0x82: {  	_ =	sdelay $0x3  }
0x83: {  	s4 =	simm.s32 $0x10;
	v10 =	vadd.f32 v17, v10;
	v17 =	vld [tilespmem:s3+$0x3980]  }
.LBB2_23:
0x84: {  	p0 =	sne.s32 s4, $0xDF0  }
.Ltmp10:
0x85: {  	_ = 	snop;
	(pc) =	sbr.rel @p0 .LBB2_23-.Ltmp10, $4  }
0x86: {  	s1 =	sadd.s32 $0x40, s1  }
0x87: {  	s3 =	sand.u32 $0x70, s4;
	s5 =	sand.u32 $0x3E00, s1  }
0x88: {  	s3 =	sor.u32 s3, s5  }
0x89: {  	s4 =	sadd.s32 $0x10, s4;
	v9 =	vadd.f32 v17, v9;
	v17 =	vld [tilespmem:s3+$0x3980]  }
0x8a: {  	s0 =	sadd.s32 $0x1, s0  }
0x8b: {  	p0 =	sne.s32 s0, $0xE  }
.Ltmp11:
0x8c: {  	_ = 	snop;
	(pc) =	sbr.rel @p0 .LBB2_14-.Ltmp11, $2  }
0x8d: {  	_ =	sdelay $0x2  }
0x8e: {  	v9 =	vadd.f32 v17, v9  }
0x8f: {  	(v2sf) =	vpush v16, $0x0  }
0x90: {  	(v2sf) =	vpush v16, $0x1  }
0x91: {  	(v2sf) =	vpush v16, $0x2  }
0x92: {  	(v2sf) =	vpush v16, $0x3  }
0x93: {  	(v2sf) =	vpush v16, $0x4  }
0x94: {  	(v2sf) =	vpush v16, $0x5  }
0x95: {  	(v2sf) =	vpush v16, $0x6  }
0x96: {  	(v2sf) =	vpush v16, $0x7  }
0x97: {  	(v2sf) =	vpush v16, $0x8  }
0x98: {  	(v2sf) =	vpush v16, $0x9  }
0x99: {  	(v2sf) =	vpush v16, $0xA  }
0x9a: {  	(v2sf) =	vpush v16, $0xB  }
0x9b: {  	(v2sf) =	vpush v16, $0xC  }
0x9c: {  	(v2sf) =	vpush v16, $0xD;
	_ =	sdelay $0x1  }
0x9d: {  	(v2sf) =	vpush v16, $0xE;
	s1 =	spop (v2sf)  }
0x9e: {  	s21 =	spop (v2sf);
	(v2sf) =	vpush v16, $0xF  }
0x9f: {  	s22 =	spop (v2sf);
	(v2sf) =	vpush v15, $0x0  }
0xa0: {  	s23 =	spop (v2sf);
	(v2sf) =	vpush v15, $0x1  }
0xa1: {  	s24 =	spop (v2sf);
	(v2sf) =	vpush v15, $0x2  }
0xa2: {  	s25 =	spop (v2sf);
	(v2sf) =	vpush v15, $0x3  }
0xa3: {  	s19 =	spop (v2sf);
	(v2sf) =	vpush v15, $0x4  }
0xa4: {  	s18 =	spop (v2sf);
	(v2sf) =	vpush v15, $0x5  }
0xa5: {  	s13 =	spop (v2sf);
	(v2sf) =	vpush v15, $0x6  }
0xa6: {  	s12 =	spop (v2sf);
	(v2sf) =	vpush v15, $0x7  }
0xa7: {  	s1 =	sadd.f32 s21, s1;
	s20 =	spop (v2sf);
	(v2sf) =	vpush v15, $0x8  }
0xa8: {  	s5 =	spop (v2sf);
	(v2sf) =	vpush v15, $0x9  }
0xa9: {  	s1 =	sadd.f32 s1, s22;
	s10 =	spop (v2sf);
	(v2sf) =	vpush v15, $0xA  }
0xaa: {  	s8 =	spop (v2sf);
	(v2sf) =	vpush v15, $0xB  }
0xab: {  	s1 =	sadd.f32 s1, s23;
	(v2sf) =	vpush v15, $0xC  }
0xac: {  	s11 =	spop (v2sf);
	(v2sf) =	vpush v15, $0xD  }
0xad: {  	s1 =	sadd.f32 s1, s24;
	s0 =	spop (v2sf);
	(v2sf) =	vpush v15, $0xE  }
0xae: {  	s26 =	spop (v2sf);
	(v2sf) =	vpush v15, $0xF  }
0xaf: {  	s1 =	sadd.f32 s1, s25;
	s28 =	spop (v2sf);
	(v2sf) =	vpush v13, $0x0  }
0xb0: {  	s29 =	spop (v2sf);
	(v2sf) =	vpush v13, $0x1  }
0xb1: {  	s1 =	sadd.f32 s1, s19;
	s30 =	spop (v2sf);
	(v2sf) =	vpush v13, $0x2  }
0xb2: {  	s31 =	spop (v2sf);
	(v2sf) =	vpush v13, $0x3  }
0xb3: {  	s1 =	sadd.f32 s1, s18;
	s2 =	spop (v2sf);
	(v2sf) =	vpush v13, $0x4  }
0xb4: {  	s26 =	sadd.f32 s28, s26;
	s3 =	spop (v2sf);
	(v2sf) =	vpush v13, $0x5  }
0xb5: {  	s1 =	sadd.f32 s1, s13;
	s4 =	spop (v2sf);
	(v2sf) =	vpush v13, $0x6  }
0xb6: {  	s26 =	sadd.f32 s26, s29;
	s28 =	spop (v2sf);
	(v2sf) =	vpush v13, $0x7  }
0xb7: {  	[smem:$0x735] =	sst s0;
	s23 =	spop (v2sf);
	(v2sf) =	vpush v13, $0x8  }
0xb8: {  	s26 =	sadd.f32 s26, s30;
	s29 =	spop (v2sf);
	(v2sf) =	vpush v13, $0x9  }
0xb9: {  	s12 =	sadd.f32 s1, s12;
	s24 =	spop (v2sf);
	(v2sf) =	vpush v13, $0xA  }
0xba: {  	s26 =	sadd.f32 s26, s31;
	s30 =	spop (v2sf);
	(v2sf) =	vpush v13, $0xB  }
0xbb: {  	s12 =	sadd.f32 s12, s20;
	s25 =	spop (v2sf);
	(v2sf) =	vpush v13, $0xC  }
0xbc: {  	s21 =	sadd.f32 s26, s2;
	s31 =	spop (v2sf);
	(v2sf) =	vpush v13, $0xD  }
0xbd: {  	s5 =	sadd.f32 s12, s5;
	s19 =	spop (v2sf);
	(v2sf) =	vpush v13, $0xE  }
0xbe: {  	s0 =	sadd.f32 s21, s3;
	s7 =	spop (v2sf);
	(v2sf) =	vpush v13, $0xF  }
0xbf: {  	s5 =	sadd.f32 s5, s10;
	s18 =	spop (v2sf);
	(v2sf) =	vpush v11, $0x0  }
0xc0: {  	s0 =	sadd.f32 s0, s4;
	s2 =	spop (v2sf);
	(v2sf) =	vpush v11, $0x1  }
0xc1: {  	s5 =	sadd.f32 s5, s8;
	s3 =	spop (v2sf);
	(v2sf) =	vpush v11, $0x2  }
0xc2: {  	s0 =	sadd.f32 s0, s28;
	s4 =	spop (v2sf);
	(v2sf) =	vpush v11, $0x3  }
0xc3: {  	s11 =	sadd.f32 s5, s11;
	s1 =	spop (v2sf);
	(v2sf) =	vpush v11, $0x4  }
0xc4: {  	s0 =	sadd.f32 s0, s23;
	s28 =	spop (v2sf);
	(v2sf) =	vpush v11, $0x5  }
0xc5: {  	s18 =	sadd.f32 s18, s7;
	s26 =	spop (v2sf);
	(v2sf) =	vpush v11, $0x6  }
0xc6: {  	s0 =	sadd.f32 s0, s29;
	s21 =	spop (v2sf);
	(v2sf) =	vpush v11, $0x7  }
0xc7: {  	s2 =	sadd.f32 s18, s2;
	s20 =	spop (v2sf);
	(v2sf) =	vpush v11, $0x8  }
0xc8: {  	s0 =	sadd.f32 s0, s24;
	s23 =	spop (v2sf);
	(v2sf) =	vpush v11, $0x9  }
0xc9: {  	s2 =	sadd.f32 s2, s3;
	s29 =	spop (v2sf);
	(v2sf) =	vpush v11, $0xA  }
0xca: {  	s0 =	sadd.f32 s0, s30;
	s13 =	spop (v2sf);
	(v2sf) =	vpush v11, $0xB  }
0xcb: {  	s30 =	sld [smem:$0x735];
	s12 =	spop (v2sf);
	(v2sf) =	vpush v11, $0xC  }
0xcc: {  	s2 =	sadd.f32 s2, s4;
	s22 =	spop (v2sf);
	(v2sf) =	vpush v11, $0xD  }
0xcd: {  	s10 =	sadd.f32 s0, s25;
	s8 =	spop (v2sf);
	(v2sf) =	vpush v11, $0xE  }
0xce: {  	s1 =	sadd.f32 s2, s1;
	s25 =	spop (v2sf);
	(v2sf) =	vpush v11, $0xF  }
0xcf: {  	[smem:$0x736] =	sst s8;
	s5 =	spop (v2sf);
	(v2sf) =	vpush v14, $0x0  }
0xd0: {  	s8 =	sadd.f32 s11, s30;
	s30 =	spop (v2sf);
	(v2sf) =	vpush v14, $0x1  }
0xd1: {  	s24 =	sadd.f32 s10, s31;
	s31 =	spop (v2sf);
	(v2sf) =	vpush v14, $0x2  }
0xd2: {  	s11 =	sadd.f32 s5, s25;
	s0 =	spop (v2sf);
	(v2sf) =	vpush v14, $0x3  }
0xd3: {  	s10 =	sadd.f32 s24, s19;
	s7 =	spop (v2sf);
	(v2sf) =	vpush v14, $0x4  }
0xd4: {  	s11 =	sadd.f32 s11, s30;
	s24 =	spop (v2sf);
	(v2sf) =	vpush v14, $0x5  }
0xd5: {  	s1 =	sadd.f32 s1, s28;
	s5 =	spop (v2sf);
	(v2sf) =	vpush v14, $0x6  }
0xd6: {  	s11 =	sadd.f32 s11, s31;
	s25 =	spop (v2sf);
	(v2sf) =	vpush v14, $0x7  }
0xd7: {  	s1 =	sadd.f32 s1, s26;
	s4 =	spop (v2sf);
	(v2sf) =	vpush v14, $0x8  }
0xd8: {  	s11 =	sadd.f32 s11, s0;
	s30 =	spop (v2sf);
	(v2sf) =	vpush v14, $0x9  }
0xd9: {  	s1 =	sadd.f32 s1, s21;
	s2 =	spop (v2sf);
	(v2sf) =	vpush v14, $0xA  }
0xda: {  	s11 =	sadd.f32 s11, s7;
	s31 =	spop (v2sf);
	(v2sf) =	vpush v14, $0xB  }
0xdb: {  	s1 =	sadd.f32 s1, s20;
	s0 =	spop (v2sf);
	(v2sf) =	vpush v14, $0xC  }
0xdc: {  	s11 =	sadd.f32 s11, s24;
	s7 =	spop (v2sf);
	(v2sf) =	vpush v14, $0xD  }
0xdd: {  	s1 =	sadd.f32 s1, s23;
	s26 =	spop (v2sf);
	(v2sf) =	vpush v14, $0xE  }
0xde: {  	s3 =	sadd.f32 s11, s5;
	s24 =	spop (v2sf);
	(v2sf) =	vpush v14, $0xF  }
0xdf: {  	s29 =	sadd.f32 s1, s29;
	s18 =	spop (v2sf);
	(v2sf) =	vpush v12, $0x0  }
0xe0: {  	s3 =	sadd.f32 s3, s25;
	s11 =	spop (v2sf);
	(v2sf) =	vpush v12, $0x1  }
0xe1: {  	s13 =	sadd.f32 s29, s13;
	s5 =	spop (v2sf);
	(v2sf) =	vpush v12, $0x2  }
0xe2: {  	s3 =	sadd.f32 s3, s4;
	s25 =	spop (v2sf);
	(v2sf) =	vpush v12, $0x3  }
0xe3: {  	s12 =	sadd.f32 s13, s12;
	s23 =	spop (v2sf);
	(v2sf) =	vpush v12, $0x4  }
0xe4: {  	s3 =	sadd.f32 s3, s30;
	s4 =	spop (v2sf);
	(v2sf) =	vpush v12, $0x5  }
0xe5: {  	s22 =	sadd.f32 s12, s22;
	s1 =	spop (v2sf);
	(v2sf) =	vpush v12, $0x6  }
0xe6: {  	s3 =	sadd.f32 s3, s2;
	s21 =	spop (v2sf);
	(v2sf) =	vpush v12, $0x7  }
0xe7: {  	s18 =	sadd.f32 s18, s24;
	s20 =	spop (v2sf);
	(v2sf) =	vpush v12, $0x8  }
0xe8: {  	s3 =	sadd.f32 s3, s31;
	s19 =	spop (v2sf);
	(v2sf) =	vpush v12, $0x9  }
0xe9: {  	s31 =	sld [smem:$0x736];
	s2 =	spop (v2sf);
	(v2sf) =	vpush v12, $0xA  }
0xea: {  	s11 =	sadd.f32 s18, s11;
	s13 =	spop (v2sf);
	(v2sf) =	vpush v12, $0xB  }
0xeb: {  	s30 =	sadd.f32 s3, s0;
	s12 =	spop (v2sf);
	(v2sf) =	vpush v12, $0xC  }
0xec: {  	s3 =	sadd.f32 s22, s31;
	s28 =	spop (v2sf);
	(v2sf) =	vpush v12, $0xD  }
0xed: {  	s0 =	sadd.f32 s30, s7;
	s22 =	spop (v2sf);
	(v2sf) =	vpush v12, $0xE  }
0xee: {  	[smem:$0x737] =	sst s3;
	s7 =	spop (v2sf);
	(v2sf) =	vpush v12, $0xF  }
0xef: {  	s0 =	sadd.f32 s0, s26;
	s30 =	spop (v2sf);
	(v2sf) =	vpush v10, $0x0  }
0xf0: {  	s31 =	spop (v2sf);
	(v2sf) =	vpush v10, $0x1;
	s24 =	sadd.f32 s30, s7  }
0xf1: {  	[smem:$0x738] =	sst s0;
	s0 =	spop (v2sf);
	(v2sf) =	vpush v10, $0x2  }
0xf2: {  	s3 =	spop (v2sf);
	(v2sf) =	vpush v10, $0x3;
	s24 =	sadd.f32 s24, s31  }
0xf3: {  	s5 =	sadd.f32 s11, s5;
	s7 =	spop (v2sf);
	(v2sf) =	vpush v10, $0x4  }
0xf4: {  	s26 =	spop (v2sf);
	(v2sf) =	vpush v10, $0x5;
	s18 =	sadd.f32 s24, s0  }
0xf5: {  	s5 =	sadd.f32 s5, s25;
	s25 =	spop (v2sf);
	(v2sf) =	vpush v10, $0x6  }
0xf6: {  	s30 =	spop (v2sf);
	(v2sf) =	vpush v10, $0x7;
	s18 =	sadd.f32 s18, s3  }
0xf7: {  	s5 =	sadd.f32 s5, s23;
	s31 =	spop (v2sf);
	(v2sf) =	vpush v10, $0x8  }
0xf8: {  	s0 =	spop (v2sf);
	(v2sf) =	vpush v10, $0x9;
	s11 =	sadd.f32 s18, s7  }
0xf9: {  	s4 =	sadd.f32 s5, s4;
	s3 =	spop (v2sf);
	(v2sf) =	vpush v10, $0xA  }
0xfa: {  	s7 =	spop (v2sf);
	(v2sf) =	vpush v10, $0xB;
	s11 =	sadd.f32 s11, s26  }
0xfb: {  	s1 =	sadd.f32 s4, s1;
	s4 =	spop (v2sf);
	(v2sf) =	vpush v10, $0xC  }
0xfc: {  	s26 =	spop (v2sf);
	(v2sf) =	vpush v10, $0xD;
	s11 =	sadd.f32 s11, s25  }
0xfd: {  	s1 =	sadd.f32 s1, s21;
	s21 =	spop (v2sf);
	(v2sf) =	vpush v10, $0xE  }
0xfe: {  	s25 =	spop (v2sf);
	(v2sf) =	vpush v10, $0xF;
	s11 =	sadd.f32 s11, s30  }
0xff: {  	s1 =	sadd.f32 s1, s20;
	s20 =	spop (v2sf);
	(v2sf) =	vpush v9, $0x0  }
0x100: {  	s24 =	spop (v2sf);
	(v2sf) =	vpush v9, $0x1;
	s11 =	sadd.f32 s11, s31  }
0x101: {  	s1 =	sadd.f32 s1, s19;
	s30 =	spop (v2sf)  }
0x102: {  	s23 =	spop (v2sf);
	s11 =	sadd.f32 s11, s0  }
0x103: {  	s1 =	sadd.f32 s1, s2;
	(v2sf) =	vpush v9, $0x2;
	s2 =	spop (v2sf)  }
0x104: {  	s29 =	spop (v2sf);
	s5 =	sadd.f32 s11, s3  }
0x105: {  	s1 =	sadd.f32 s1, s13;
	(v2sf) =	vpush v9, $0x3;
	s31 =	spop (v2sf)  }
0x106: {  	s0 =	spop (v2sf);
	s5 =	sadd.f32 s5, s7  }
0x107: {  	s1 =	sadd.f32 s1, s12;
	(v2sf) =	vpush v9, $0x4;
	s3 =	spop (v2sf)  }
0x108: {  	s7 =	spop (v2sf);
	s4 =	sadd.f32 s5, s4  }
0x109: {  	s1 =	sadd.f32 s1, s28;
	s28 =	spop (v2sf)  }
0x10a: {  	(v2sf) =	vpush v9, $0x5;
	s19 =	spop (v2sf);
	s4 =	sadd.f32 s4, s26  }
0x10b: {  	s13 =	sadd.f32 s20, s25;
	s12 =	spop (v2sf)  }
0x10c: {  	(v2sf) =	vpush v9, $0x6;
	s11 =	spop (v2sf);
	s21 =	sadd.f32 s4, s21  }
0x10d: {  	s4 =	sadd.f32 s13, s24;
	s20 =	spop (v2sf)  }
0x10e: {  	s5 =	sadd.f32 s1, s22;
	s18 =	spop (v2sf)  }
0x10f: {  	(v2sf) =	vpush v9, $0x7;
	s4 =	sadd.f32 s4, s30;
	s22 =	spop (v2sf)  }
0x110: {  	s1 =	sadd.f32 s22, s18  }
0x111: {  	(v2sf) =	vpush v9, $0x8;
	s4 =	sadd.f32 s4, s23  }
0x112: {  	(v2sf) =	vpush v9, $0x9;
	s24 =	spop (v2sf);
	s23 =	sld [smem:$0x738]  }
0x113: {  	(v2sf) =	vpush v9, $0xA;
	s1 =	sadd.f32 s1, s24  }
0x114: {  	(v2sf) =	vpush v9, $0xB;
	s25 =	spop (v2sf);
	s2 =	sadd.f32 s4, s2  }
0x115: {  	(v2sf) =	vpush v9, $0xC;
	s1 =	sadd.f32 s1, s25  }
0x116: {  	(v2sf) =	vpush v9, $0xD;
	s2 =	sadd.f32 s2, s29;
	s26 =	spop (v2sf)  }
0x117: {  	(v2sf) =	vpush v9, $0xE;
	s4 =	sadd.f32 s1, s26  }
0x118: {  	s13 =	smul.f32 $1.992984650e-05, s8;
	(v2sf) =	vpush v9, $0xF;
	s2 =	sadd.f32 s2, s31  }
0x119: {  	(v2sf) =	vpush v8, $0x0;
	s31 =	sld [smem:$0x737];
	s29 =	spop (v2sf)  }
0x11a: {  	s1 =	smul.f32 $1.992984650e-05, s10;
	s4 =	sadd.f32 s4, s29  }
0x11b: {  	s0 =	sadd.f32 s2, s0;
	s30 =	spop (v2sf)  }
0x11c: {  	(v2sf) =	vpush v8, $0x1;
	s29 =	smul.f32 $1.992984650e-05, s21;
	s22 =	sadd.f32 s4, s30  }
0x11d: {  	(v2sf) =	vpush v8, $0x2;
	s18 =	smul.f32 $1.992984650e-05, s31;
	s0 =	sadd.f32 s0, s3  }
0x11e: {  	s10 =	spop (v2sf);
	[smem:$0x739] =	sst s29  }
0x11f: {  	s3 =	smul.f32 $1.992984650e-05, s5;
	s2 =	sadd.f32 s22, s10  }
0x120: {  	(v2sf) =	vpush v8, $0x3;
	s24 =	spop (v2sf);
	s25 =	sadd.f32 s0, s7  }
0x121: {  	s26 =	spop (v2sf);
	s2 =	sadd.f32 s2, s24  }
0x122: {  	(v2sf) =	vpush v8, $0x8;
	s30 =	spop (v2sf);
	s5 =	sadd.f32 s25, s28  }
0x123: {  	s31 =	spop (v2sf);
	s2 =	sadd.f32 s2, s26  }
0x124: {  	(v2sf) =	vpush v8, $0x4;
	s0 =	spop (v2sf);
	s5 =	sadd.f32 s5, s19  }
0x125: {  	s8 =	spop (v2sf);
	s2 =	sadd.f32 s2, s30  }
0x126: {  	(v2sf) =	vpush v8, $0x5;
	s10 =	spop (v2sf);
	s5 =	sadd.f32 s5, s12  }
0x127: {  	s19 =	spop (v2sf);
	s2 =	sadd.f32 s2, s31  }
0x128: {  	(v2sf) =	vpush v8, $0x6;
	s5 =	sadd.f32 s5, s11;
	s31 =	spop (v2sf)  }
0x129: {  	s4 =	smul.f32 $1.992984650e-05, s23;
	[dreg:$0x17] =	wrdreg s31  }
0x12a: {  	(v2sf) =	vpush v8, $0x7;
	s12 =	smul.f32 s13, s31;
	s2 =	sadd.f32 s2, s0  }
0x12b: {  	s23 =	spop (v2sf);
	s5 =	sadd.f32 s5, s20  }
0x12c: {  	s22 =	spop (v2sf);
	[dreg:$0xf] =	wrdreg s23  }
0x12d: {  	(v2sf) =	vpush v8, $0x9;
	s25 =	smul.f32 s1, s23;
	s2 =	sadd.f32 s2, s8  }
0x12e: {  	(v2sf) =	vpush v8, $0xA;
	[dreg:$0xd] =	wrdreg s22  }
0x12f: {  	s21 =	spop (v2sf);
	s7 =	sadd.f32 s25, s12  }
0x130: {  	(v2sf) =	vpush v8, $0xB;
	s28 =	smul.f32 s18, s22;
	[dreg:$0xc] =	wrdreg s21  }
0x131: {  	(v2sf) =	vpush v8, $0xE;
	s20 =	spop (v2sf);
	s2 =	sadd.f32 s2, s10  }
0x132: {  	s30 =	smul.f32 s4, s21;
	[dreg:$0xb] =	wrdreg s20  }
0x133: {  	(v2sf) =	vpush v8, $0xC;
	s0 =	spop (v2sf);
	s7 =	sadd.f32 s28, s7  }
0x134: {  	(v2sf) =	vpush v8, $0xD;
	s26 =	smul.f32 s13, s0;
	[smem:$0x73A] =	sst s0  }
0x135: {  	s24 =	spop (v2sf);
	s19 =	sadd.f32 s2, s19  }
0x136: {  	(v2sf) =	vpush v8, $0xF;
	s1 =	smul.f32 s1, s24;
	[dreg:$0x10] =	wrdreg s24  }
0x137: {  	s25 =	spop (v2sf);
	s7 =	sadd.f32 s30, s7  }
0x138: {  	(v2sf) =	vpush v7, $0x0;
	[dreg:$0x11] =	wrdreg s25  }
0x139: {  	s28 =	spop (v2sf);
	s1 =	sadd.f32 s1, s26  }
0x13a: {  	s29 =	smul.f32 s18, s25;
	[dreg:$0x14] =	wrdreg s28  }
0x13b: {  	(v2sf) =	vpush v7, $0x1;
	s4 =	smul.f32 s4, s28;
	s7 =	sadd.f32 s7, s20  }
0x13c: {  	(v2sf) =	vpush v7, $0x2;
	s18 =	spop (v2sf);
	s1 =	sadd.f32 s29, s1  }
0x13d: {  	(v2sf) =	vpush v7, $0x3;
	s29 =	spop (v2sf);
	[dreg:$0x12] =	wrdreg s18  }
0x13e: {  	[dreg:$0x15] =	wrdreg s29  }
0x13f: {  	s26 =	spop (v2sf);
	s1 =	sadd.f32 s4, s1  }
0x140: {  	(v2sf) =	vpush v7, $0x4;
	s13 =	spop (v2sf);
	[dreg:$0x13] =	wrdreg s26  }
0x141: {  	s4 =	smul.f32 s7, s29;
	s1 =	sadd.f32 s1, s18  }
0x142: {  	(v2sf) =	vpush v7, $0x5;
	[dreg:$0xe] =	wrdreg s13;
	s10 =	spop (v2sf)  }
0x143: {  	(v2sf) =	vpush v7, $0x6;
	s30 =	spop (v2sf);
	s11 =	smul.f32 s1, s26  }
0x144: {  	s7 =	smul.f32 s7, s10;
	[dreg:$0x18] =	wrdreg s10  }
0x145: {  	(v2sf) =	vpush v7, $0x7;
	s8 =	spop (v2sf);
	[dreg:$0x16] =	wrdreg s30  }
0x146: {  	(v2sf) =	vpush v7, $0x8;
	s1 =	smul.f32 s1, s30;
	s4 =	sadd.f32 s11, s4  }
0x147: {  	(v2sf) =	vpush v7, $0x9;
	s2 =	spop (v2sf);
	[dreg:$0xa] =	wrdreg s8  }
0x148: {  	(v2sf) =	vpush v7, $0xA;
	[dreg:$0x1a] =	wrdreg s2  }
0x149: {  	s5 =	smul.f32 $1.992984650e-05, s5;
	(v2sf) =	vpush v7, $0xB;
	s1 =	sadd.f32 s1, s7  }
0x14a: {  	(v2sf) =	vpush v7, $0xC;
	s11 =	spop (v2sf);
	[smem:$0x73B] =	sst s4  }
0x14b: {  	[dreg:$0x1b] =	wrdreg s11;
	s12 =	spop (v2sf)  }
0x14c: {  	(v2sf) =	vpush v7, $0xD;
	[dreg:$0x1c] =	wrdreg s12;
	s2 =	spop (v2sf)  }
0x14d: {  	(v2sf) =	vpush v7, $0xE;
	s11 =	smul.f32 s3, s31;
	[dreg:$0x1d] =	wrdreg s2  }
0x14e: {  	s3 =	smul.f32 s3, s0;
	s2 =	smov.u32 s6;
	s6 =	sld [smem:$0x739]  }
0x14f: {  	(v2sf) =	vpush v7, $0xF;
	s1 =	sadd.f32 s1, s8;
	s31 =	spop (v2sf)  }
0x150: {  	s4 =	smul.f32 s5, s22;
	[dreg:$0x1e] =	wrdreg s31  }
0x151: {  	(v2sf) =	vpush v1, $0xC;
	s12 =	smul.f32 s6, s23;
	s23 =	spop (v2sf)  }
0x152: {  	(v2sf) =	vpush v1, $0xD;
	s7 =	spop (v2sf);
	[dreg:$0x1f] =	wrdreg s23  }
0x153: {  	s5 =	smul.f32 s5, s25;
	[smem:$0x73C] =	sst s7  }
0x154: {  	s7 =	sadd.f32 s12, s11;
	s12 =	spop (v2sf)  }
0x155: {  	(v2sf) =	vpush v1, $0xE;
	[smem:$0x73D] =	sst s12;
	s11 =	spop (v2sf)  }
0x156: {  	(v2sf) =	vpush v1, $0xF;
	[smem:$0x73E] =	sst s11;
	s12 =	spop (v2sf)  }
0x157: {  	[smem:$0x73F] =	sst s12;
	s22 =	spop (v2sf)  }
0x158: {  	(v2sf) =	vpush v6, $0x0;
	s12 =	smul.f32 s6, s24;
	s24 =	spop (v2sf)  }
0x159: {  	s7 =	sadd.f32 s4, s7;
	s6 =	smov.u32 s2;
	s2 =	spop (v2sf)  }
0x15a: {  	(v2sf) =	vpush v6, $0x1;
	s0 =	sadd.f32 s12, s3;
	s12 =	smul.f32 $1.992984650e-05, s19  }
0x15b: {  	[smem:$0x742] =	sst s2;
	s4 =	spop (v2sf)  }
0x15c: {  	[smem:$0x743] =	sst s4;
	s11 =	spop (v2sf)  }
0x15d: {  	(v2sf) =	vpush v6, $0x2;
	s0 =	sadd.f32 s5, s0;
	s21 =	smul.f32 s12, s21  }
0x15e: {  	[smem:$0x744] =	sst s11;
	s19 =	spop (v2sf)  }
0x15f: {  	(v2sf) =	vpush v6, $0x3;
	s2 =	smul.f32 s12, s28;
	[smem:$0x745] =	sst s19  }
0x160: {  	s11 =	spop (v2sf);
	s3 =	sadd.f32 s21, s7  }
0x161: {  	(v2sf) =	vpush v6, $0x4;
	s0 =	sadd.f32 s2, s0;
	s25 =	spop (v2sf)  }
0x162: {  	(v2sf) =	vpush v6, $0x5;
	[smem:$0x74B] =	sst s25  }
0x163: {  	s12 =	sadd.f32 s3, s20  }
0x164: {  	(v2sf) =	vpush v6, $0x6;
	s28 =	spop (v2sf);
	s0 =	sadd.f32 s0, s18  }
0x165: {  	[smem:$0x74C] =	sst s28;
	s5 =	spop (v2sf)  }
0x166: {  	(v2sf) =	vpush v6, $0x7;
	[smem:$0x74D] =	sst s5;
	s21 =	smul.f32 s12, s29  }
0x167: {  	(v2sf) =	vpush v6, $0x8;
	s7 =	spop (v2sf);
	s2 =	smul.f32 s12, s10  }
0x168: {  	s28 =	smul.f32 s0, s26;
	s12 =	sld [smem:$0x73B]  }
0x169: {  	(v2sf) =	vpush v6, $0x9;
	[smem:$0x74E] =	sst s7;
	s19 =	spop (v2sf)  }
0x16a: {  	s0 =	smul.f32 s0, s30;
	[smem:$0x74F] =	sst s19  }
0x16b: {  	s3 =	sadd.f32 s28, s21  }
0x16c: {  	(v2sf) =	vpush v6, $0xA;
	s20 =	spop (v2sf);
	s0 =	sadd.f32 s0, s2  }
0x16d: {  	[smem:$0x750] =	sst s20  }
0x16e: {  	(v2sf) =	vpush v6, $0xB;
	s25 =	spop (v2sf);
	s2 =	sadd.f32 s12, s13  }
0x16f: {  	(v2sf) =	vpush v5, $0x0;
	[smem:$0x751] =	sst s25  }
0x170: {  	s10 =	spop (v2sf);
	s21 =	sadd.f32 s3, s13  }
0x171: {  	(v2sf) =	vpush v6, $0xC;
	s0 =	sadd.f32 s0, s8;
	s29 =	spop (v2sf)  }
0x172: {  	[smem:$0x753] =	sst s29  }
0x173: {  	(v2sf) =	vpush v5, $0x1;
	s30 =	spop (v2sf);
	s29 =	rddreg [dreg:$0x1a]  }
0x174: {  	(v2sf) =	vpush v6, $0xD;
	p2 =	sgt.f32 s2, $0.0e+00;
	[smem:$0x754] =	sst s30  }
0x175: {  	(v2sf) =	vpush v5, $0x2;
	s3 =	simm.f32 $1.000000000e+00;
	s5 =	spop (v2sf);
	s30 =	rddreg [dreg:$0x1b]  }
0x176: {  	(v2sf) =	vpush v6, $0xE;
	s3 =	simm.s32 @!p2 $0x0;
	[smem:$0x755] =	sst s5;
	s7 =	spop (v2sf)  }
0x177: {  	s8 =	smul.f32 s3, s29;
	s29 =	sld [smem:$0x73D]  }
0x178: {  	(v2sf) =	vpush v5, $0x3;
	[smem:$0x756] =	sst s7;
	s18 =	spop (v2sf)  }
0x179: {  	(v2sf) =	vpush v6, $0xF;
	[smem:$0x757] =	sst s18  }
0x17a: {  	p1 =	sgt.f32 s1, $0.0e+00;
	(v2sf) =	vpush v5, $0x4;
	[smem:$0x78B] =	sst s8  }
0x17b: {  	(v2sf) =	vpush v5, $0x5;
	s19 =	spop (v2sf);
	s18 =	rddreg [dreg:$0x1c]  }
0x17c: {  	(v2sf) =	vpush v5, $0x6;
	s8 =	smul.f32 s3, s30;
	[smem:$0x758] =	sst s19  }
0x17d: {  	(v2sf) =	vpush v5, $0x7;
	s20 =	spop (v2sf);
	s19 =	rddreg [dreg:$0x1d]  }
0x17e: {  	(v2sf) =	vpush v5, $0x8;
	[smem:$0x759] =	sst s20;
	s7 =	spop (v2sf)  }
0x17f: {  	(v2sf) =	vpush v5, $0x9;
	[smem:$0x78F] =	sst s8;
	s8 =	smul.f32 s3, s18  }
0x180: {  	s18 =	sld [smem:$0x73E];
	s25 =	spop (v2sf)  }
0x181: {  	p3 =	sgt.f32 s21, $0.0e+00;
	(v2sf) =	vpush v5, $0xA;
	[smem:$0x75A] =	sst s25  }
0x182: {  	(v2sf) =	vpush v5, $0xB;
	s4 =	spop (v2sf);
	[smem:$0x790] =	sst s8  }
0x183: {  	(v2sf) =	vpush v5, $0xC;
	s8 =	smul.f32 s3, s19;
	s26 =	spop (v2sf)  }
0x184: {  	(v2sf) =	vpush v5, $0xD;
	[smem:$0x75B] =	sst s26;
	s2 =	spop (v2sf)  }
0x185: {  	(v2sf) =	vpush v5, $0xE;
	[smem:$0x791] =	sst s8;
	s28 =	spop (v2sf)  }
0x186: {  	s25 =	smul.f32 s3, s31;
	(v2sf) =	vpush v5, $0xF;
	[smem:$0x75C] =	sst s28  }
0x187: {  	(v2sf) =	vpush v4, $0x0;
	s1 =	spop (v2sf);
	s28 =	sld [smem:$0x73C]  }
0x188: {  	[smem:$0x798] =	sst s25;
	(v2sf) =	vpush v4, $0x1;
	s12 =	spop (v2sf)  }
0x189: {  	s26 =	smul.f32 s3, s23;
	(v2sf) =	vpush v4, $0x2;
	s21 =	spop (v2sf)  }
0x18a: {  	(v2sf) =	vpush v4, $0x3;
	s13 =	spop (v2sf);
	s8 =	smul.f32 s3, s28  }
0x18b: {  	(v2sf) =	vpush v4, $0x4;
	[smem:$0x75F] =	sst s13;
	s13 =	spop (v2sf)  }
0x18c: {  	(v2sf) =	vpush v4, $0x5;
	s20 =	spop (v2sf);
	[smem:$0x79D] =	sst s8  }
0x18d: {  	(v2sf) =	vpush v4, $0x6;
	s8 =	smul.f32 s3, s29;
	s31 =	spop (v2sf)  }
0x18e: {  	[smem:$0x79C] =	sst s26;
	(v2sf) =	vpush v4, $0x7;
	s23 =	spop (v2sf)  }
0x18f: {  	(v2sf) =	vpush v4, $0x8;
	[smem:$0x79E] =	sst s8;
	s8 =	smul.f32 s3, s18  }
0x190: {  	[smem:$0x761] =	sst s20;
	(v2sf) =	vpush v4, $0x9;
	s19 =	spop (v2sf)  }
0x191: {  	(v2sf) =	vpush v4, $0xA;
	s30 =	spop (v2sf);
	[smem:$0x7A5] =	sst s8  }
0x192: {  	(v2sf) =	vpush v4, $0xB;
	[smem:$0x765] =	sst s30;
	s18 =	spop (v2sf)  }
0x193: {  	s25 =	smul.f32 s3, s24;
	(v2sf) =	vpush v4, $0xC;
	[smem:$0x740] =	sst s22  }
0x194: {  	[smem:$0x741] =	sst s24  }
0x195: {  	[smem:$0x7AB] =	sst s25  }
0x196: {  	[smem:$0x746] =	sst s7  }
0x197: {  	[smem:$0x747] =	sst s4  }
0x198: {  	[smem:$0x748] =	sst s2  }
0x199: {  	[smem:$0x749] =	sst s1  }
0x19a: {  	[smem:$0x74A] =	sst s11  }
0x19b: {  	[smem:$0x752] =	sst s10  }
0x19c: {  	[smem:$0x75D] =	sst s12  }
0x19d: {  	[smem:$0x75E] =	sst s21  }
0x19e: {  	[smem:$0x760] =	sst s13  }
0x19f: {  	[smem:$0x762] =	sst s31  }
0x1a0: {  	[smem:$0x763] =	sst s23  }
0x1a1: {  	[smem:$0x764] =	sst s19  }
0x1a2: {  	[smem:$0x766] =	sst s18  }
0x1a3: {  	s20 =	sld [smem:$0x73F]  }
0x1a4: {  	s26 =	sld [smem:$0x742]  }
0x1a5: {  	s28 =	sld [smem:$0x743]  }
0x1a6: {  	s22 =	smul.f32 s3, s22;
	s29 =	sld [smem:$0x744]  }
0x1a7: {  	s7 =	smul.f32 s3, s7;
	s30 =	sld [smem:$0x745]  }
0x1a8: {  	s4 =	smul.f32 s3, s4;
	[smem:$0x7AA] =	sst s22  }
0x1a9: {  	s5 =	simm.f32 $1.000000000e+00;
	s2 =	smul.f32 s3, s2;
	[smem:$0x78D] =	sst s7  }
0x1aa: {  	s5 =	simm.s32 @!p1 $0x0;
	s1 =	smul.f32 s3, s1;
	[smem:$0x79A] =	sst s4  }
0x1ab: {  	s21 =	smul.f32 s5, s21;
	[smem:$0x7A7] =	sst s2  }
0x1ac: {  	s13 =	smul.f32 s5, s13;
	[smem:$0x7B4] =	sst s1  }
0x1ad: {  	s23 =	smul.f32 s5, s23;
	[smem:$0x7BF] =	sst s21  }
0x1ae: {  	[smem:$0x7C2] =	sst s13  }
0x1af: {  	[smem:$0x7C9] =	sst s23  }
0x1b0: {  	s8 =	smul.f32 s3, s20;
	s20 =	spop (v2sf)  }
0x1b1: {  	s22 =	spop (v2sf);
	[smem:$0x767] =	sst s20  }
0x1b2: {  	[smem:$0x7A9] =	sst s8;
	s24 =	spop (v2sf)  }
0x1b3: {  	s8 =	smul.f32 s3, s26;
	[smem:$0x768] =	sst s22  }
0x1b4: {  	s25 =	spop (v2sf);
	[smem:$0x769] =	sst s24  }
0x1b5: {  	[smem:$0x7B2] =	sst s8;
	s8 =	smul.f32 s3, s28  }
0x1b6: {  	s26 =	spop (v2sf);
	[smem:$0x76A] =	sst s25  }
0x1b7: {  	s28 =	spop (v2sf);
	[smem:$0x76B] =	sst s26  }
0x1b8: {  	s26 =	smul.f32 s5, s26;
	[smem:$0x7B6] =	sst s8  }
0x1b9: {  	s8 =	smul.f32 s3, s29;
	[smem:$0x76C] =	sst s28  }
0x1ba: {  	s29 =	spop (v2sf);
	[smem:$0x7DA] =	sst s26  }
0x1bb: {  	[smem:$0x76D] =	sst s29  }
0x1bc: {  	[smem:$0x7B7] =	sst s8;
	s8 =	smul.f32 s3, s30  }
0x1bd: {  	p0 =	sgt.f32 s0, $0.0e+00;
	s3 =	sld [smem:$0x74C]  }
0x1be: {  	s0 =	simm.f32 $1.000000000e+00;
	[smem:$0x7B8] =	sst s8;
	s8 =	spop (v2sf)  }
0x1bf: {  	s0 =	simm.s32 @!p3 $0x0;
	[smem:$0x76E] =	sst s8;
	s30 =	spop (v2sf)  }
0x1c0: {  	s8 =	smul.f32 s0, s11;
	[smem:$0x76F] =	sst s30  }
0x1c1: {  	s4 =	spop (v2sf);
	s30 =	sld [smem:$0x74B]  }
0x1c2: {  	(v2sf) =	vpush v4, $0xD;
	[smem:$0x770] =	sst s4  }
0x1c3: {  	s7 =	spop (v2sf);
	[smem:$0x793] =	sst s8  }
0x1c4: {  	(v2sf) =	vpush v4, $0xE;
	[smem:$0x771] =	sst s7  }
0x1c5: {  	s11 =	spop (v2sf);
	s7 =	sld [smem:$0x74D]  }
0x1c6: {  	[smem:$0x772] =	sst s11  }
0x1c7: {  	s2 =	spop (v2sf);
	s11 =	sld [smem:$0x74E]  }
0x1c8: {  	s1 =	smul.f32 s0, s30;
	[smem:$0x773] =	sst s2  }
0x1c9: {  	s2 =	sld [smem:$0x74F]  }
0x1ca: {  	(v2sf) =	vpush v4, $0xF;
	s4 =	spop (v2sf);
	[smem:$0x794] =	sst s1  }
0x1cb: {  	s1 =	smul.f32 s0, s3;
	[smem:$0x774] =	sst s4  }
0x1cc: {  	(v2sf) =	vpush v1, $0x0;
	s8 =	spop (v2sf);
	s3 =	sld [smem:$0x750]  }
0x1cd: {  	[smem:$0x775] =	sst s8  }
0x1ce: {  	(v2sf) =	vpush v1, $0x1;
	s30 =	spop (v2sf);
	[smem:$0x795] =	sst s1  }
0x1cf: {  	[smem:$0x776] =	sst s30  }
0x1d0: {  	(v2sf) =	vpush v1, $0x2;
	s1 =	smul.f32 s0, s7;
	s7 =	sld [smem:$0x751]  }
0x1d1: {  	(v2sf) =	vpush v1, $0x3;
	s4 =	spop (v2sf);
	s30 =	sld [smem:$0x753]  }
0x1d2: {  	(v2sf) =	vpush v3, $0x0;
	[smem:$0x797] =	sst s1;
	s1 =	smul.f32 s0, s11  }
0x1d3: {  	s8 =	spop (v2sf);
	[smem:$0x777] =	sst s4  }
0x1d4: {  	[smem:$0x7A0] =	sst s1;
	s1 =	smul.f32 s0, s2  }
0x1d5: {  	s11 =	smul.f32 s0, s10;
	[smem:$0x778] =	sst s8  }
0x1d6: {  	[smem:$0x7A1] =	sst s1;
	s1 =	smul.f32 s0, s3  }
0x1d7: {  	(v2sf) =	vpush v3, $0x1;
	s4 =	smul.f32 s5, s4;
	[smem:$0x7AD] =	sst s11  }
0x1d8: {  	[smem:$0x7A2] =	sst s1;
	s1 =	smul.f32 s0, s7  }
0x1d9: {  	s2 =	sld [smem:$0x754];
	s7 =	spop (v2sf)  }
0x1da: {  	[smem:$0x7A4] =	sst s1;
	s1 =	smul.f32 s0, s30  }
0x1db: {  	s3 =	sld [smem:$0x755];
	s10 =	spop (v2sf)  }
0x1dc: {  	(v2sf) =	vpush v3, $0x2;
	[smem:$0x7AE] =	sst s1;
	s1 =	smul.f32 s0, s2  }
0x1dd: {  	s11 =	sld [smem:$0x756];
	s30 =	spop (v2sf)  }
0x1de: {  	[smem:$0x7AF] =	sst s1;
	s1 =	smul.f32 s0, s3  }
0x1df: {  	[smem:$0x7F2] =	sst s4;
	s2 =	spop (v2sf)  }
0x1e0: {  	[smem:$0x7B1] =	sst s1;
	s1 =	spop (v2sf)  }
0x1e1: {  	(v2sf) =	vpush v3, $0x3;
	s3 =	smul.f32 s0, s11;
	s11 =	spop (v2sf)  }
0x1e2: {  	[smem:$0x786] =	sst s11  }
0x1e3: {  	s11 =	sld [smem:$0x757]  }
0x1e4: {  	[smem:$0x779] =	sst s7  }
0x1e5: {  	[smem:$0x7BA] =	sst s3  }
0x1e6: {  	(v2sf) =	vpush v3, $0x4;
	s3 =	smul.f32 s0, s11;
	s11 =	spop (v2sf)  }
0x1e7: {  	[smem:$0x787] =	sst s11  }
0x1e8: {  	s11 =	sld [smem:$0x758]  }
0x1e9: {  	[smem:$0x77A] =	sst s10  }
0x1ea: {  	[smem:$0x7BB] =	sst s3  }
0x1eb: {  	s3 =	smul.f32 s0, s11;
	s11 =	spop (v2sf)  }
0x1ec: {  	s7 =	smul.f32 s5, s7;
	[smem:$0x788] =	sst s11  }
0x1ed: {  	s11 =	sld [smem:$0x759]  }
0x1ee: {  	[smem:$0x7F5] =	sst s7  }
0x1ef: {  	[smem:$0x7BC] =	sst s3  }
0x1f0: {  	s3 =	smul.f32 s0, s11;
	s11 =	spop (v2sf)  }
0x1f1: {  	(v2sf) =	vpush v3, $0x5;
	[smem:$0x789] =	sst s11  }
0x1f2: {  	s11 =	sld [smem:$0x75A]  }
0x1f3: {  	[smem:$0x77C] =	sst s2  }
0x1f4: {  	(v2sf) =	vpush v3, $0x6;
	[smem:$0x7BE] =	sst s3  }
0x1f5: {  	s3 =	smul.f32 s0, s11;
	s11 =	spop (v2sf)  }
0x1f6: {  	(v2sf) =	vpush v3, $0x7;
	[smem:$0x78A] =	sst s11  }
0x1f7: {  	(v2sf) =	vpush v3, $0x8;
	s2 =	smul.f32 s5, s2;
	s11 =	sld [smem:$0x75B]  }
0x1f8: {  	(v2sf) =	vpush v3, $0x9;
	[smem:$0x77B] =	sst s30  }
0x1f9: {  	[smem:$0x7FB] =	sst s2  }
0x1fa: {  	(v2sf) =	vpush v3, $0xA;
	[smem:$0x78E] =	sst s3;
	s3 =	smul.f32 s0, s11  }
0x1fb: {  	[smem:$0x77D] =	sst s1  }
0x1fc: {  	(v2sf) =	vpush v3, $0xB;
	[smem:$0x79B] =	sst s3  }
0x1fd: {  	s1 =	smul.f32 s5, s1;
	s3 =	sld [smem:$0x75C]  }
0x1fe: {  	(v2sf) =	vpush v3, $0xC;
	s2 =	sld [smem:$0x78B]  }
0x1ff: {  	(v2sf) =	vpush v3, $0xD;
	[smem:$0x7FD] =	sst s1  }
0x200: {  	s11 =	spop (v2sf);
	s3 =	smul.f32 s0, s3  }
0x201: {  	(v2sf) =	vpush v3, $0xE;
	[smem:$0x78C] =	sst s11;
	s0 =	smul.f32 s0, s12  }
0x202: {  	[smem:$0x7A8] =	sst s3  }
0x203: {  	s3 =	spop (v2sf);
	[smem:$0x7B5] =	sst s0  }
0x204: {  	(v2sf) =	vpush v3, $0xF;
	[smem:$0x792] =	sst s3  }
0x205: {  	s12 =	spop (v2sf);
	s3 =	sld [smem:$0x75F]  }
0x206: {  	[smem:$0x796] =	sst s12;
	s21 =	spop (v2sf)  }
0x207: {  	(v2sf) =	vpush v2, $0x0;
	s12 =	spop (v2sf);
	[smem:$0x799] =	sst s21  }
0x208: {  	s0 =	smul.f32 s5, s3;
	[smem:$0x79F] =	sst s12  }
0x209: {  	(v2sf) =	vpush v2, $0x1;
	s13 =	spop (v2sf);
	s3 =	sld [smem:$0x761]  }
0x20a: {  	[smem:$0x7A3] =	sst s13  }
0x20b: {  	s12 =	spop (v2sf);
	[smem:$0x7C1] =	sst s0  }
0x20c: {  	[smem:$0x7A6] =	sst s12;
	s0 =	smul.f32 s5, s3  }
0x20d: {  	(v2sf) =	vpush v2, $0x2;
	s12 =	spop (v2sf);
	s3 =	smul.f32 s5, s31  }
0x20e: {  	[smem:$0x7AC] =	sst s12;
	s31 =	spop (v2sf)  }
0x20f: {  	[smem:$0x7B0] =	sst s31  }
0x210: {  	s12 =	spop (v2sf);
	[smem:$0x7C3] =	sst s0  }
0x211: {  	s31 =	smul.f32 s5, s18;
	[smem:$0x7C6] =	sst s3  }
0x212: {  	(v2sf) =	vpush v2, $0x3;
	s3 =	smul.f32 s5, s19;
	[smem:$0x7B3] =	sst s12  }
0x213: {  	s19 =	sld [smem:$0x765];
	s23 =	spop (v2sf)  }
0x214: {  	[smem:$0x7B9] =	sst s23  }
0x215: {  	(v2sf) =	vpush v2, $0x4;
	s12 =	smul.f32 s5, s20;
	[smem:$0x7D1] =	sst s31  }
0x216: {  	[smem:$0x7CA] =	sst s3;
	s3 =	spop (v2sf)  }
0x217: {  	(v2sf) =	vpush v2, $0x5;
	[smem:$0x7D2] =	sst s12;
	s0 =	smul.f32 s5, s19  }
0x218: {  	[smem:$0x7C0] =	sst s3;
	s18 =	spop (v2sf)  }
0x219: {  	(v2sf) =	vpush v2, $0x6;
	s3 =	smul.f32 s5, s28;
	s28 =	sld [smem:$0x771]  }
0x21a: {  	s19 =	smul.f32 s5, s22;
	[smem:$0x7C4] =	sst s18  }
0x21b: {  	(v2sf) =	vpush v2, $0x7;
	s22 =	smul.f32 s5, s24;
	[smem:$0x7CC] =	sst s0  }
0x21c: {  	s20 =	spop (v2sf);
	[smem:$0x7D3] =	sst s19  }
0x21d: {  	s24 =	smul.f32 s5, s25;
	[smem:$0x7C7] =	sst s20  }
0x21e: {  	(v2sf) =	vpush v2, $0x8;
	[smem:$0x7D5] =	sst s22  }
0x21f: {  	[smem:$0x7D9] =	sst s24  }
0x220: {  	s18 =	smul.f32 s5, s29;
	[smem:$0x7DB] =	sst s3  }
0x221: {  	(v2sf) =	vpush v2, $0x9;
	s23 =	spop (v2sf);
	s20 =	sld [smem:$0x76E]  }
0x222: {  	(v2sf) =	vpush v2, $0xA;
	[smem:$0x7CB] =	sst s23  }
0x223: {  	[smem:$0x7DD] =	sst s18  }
0x224: {  	(v2sf) =	vpush v2, $0xB;
	s25 =	spop (v2sf);
	s23 =	sld [smem:$0x76F]  }
0x225: {  	[smem:$0x7CF] =	sst s25  }
0x226: {  	(v2sf) =	vpush v2, $0xC;
	s31 =	spop (v2sf);
	s25 =	sld [smem:$0x770]  }
0x227: {  	[smem:$0x7D4] =	sst s31  }
0x228: {  	(v2sf) =	vpush v2, $0xD;
	s12 =	spop (v2sf);
	s31 =	sld [smem:$0x772]  }
0x229: {  	s0 =	smul.f32 s5, s20;
	[smem:$0x7D7] =	sst s12  }
0x22a: {  	(v2sf) =	vpush v2, $0xE;
	s19 =	spop (v2sf);
	s12 =	sld [smem:$0x773]  }
0x22b: {  	[smem:$0x7DC] =	sst s19  }
0x22c: {  	(v2sf) =	vpush v2, $0xF;
	[smem:$0x7E1] =	sst s0  }
0x22d: {  	s22 =	spop (v2sf);
	s19 =	sld [smem:$0x774]  }
0x22e: {  	s0 =	smul.f32 s5, s23;
	s23 =	sld [smem:$0x775]  }
0x22f: {  	(v2sf) =	vpush v1, $0x4;
	[smem:$0x7DF] =	sst s22  }
0x230: {  	s24 =	spop (v2sf);
	[smem:$0x7E2] =	sst s0  }
0x231: {  	(v2sf) =	vpush v0, $0x0;
	[smem:$0x7E4] =	sst s24;
	s26 =	spop (v2sf)  }
0x232: {  	s0 =	smul.f32 s5, s25;
	[smem:$0x7E7] =	sst s26  }
0x233: {  	(v2sf) =	vpush v1, $0x5;
	s29 =	spop (v2sf);
	s26 =	sld [smem:$0x776]  }
0x234: {  	(v2sf) =	vpush v0, $0x1;
	[smem:$0x7E3] =	sst s0;
	s0 =	smul.f32 s5, s28  }
0x235: {  	[smem:$0x7EE] =	sst s29;
	s3 =	spop (v2sf)  }
0x236: {  	s29 =	smul.f32 s5, s8;
	[smem:$0x7F0] =	sst s3  }
0x237: {  	(v2sf) =	vpush v1, $0x6;
	s18 =	spop (v2sf);
	[smem:$0x7E5] =	sst s0  }
0x238: {  	s0 =	smul.f32 s5, s31;
	[smem:$0x7F4] =	sst s18  }
0x239: {  	s20 =	spop (v2sf);
	[smem:$0x7F3] =	sst s29  }
0x23a: {  	(v2sf) =	vpush v0, $0x2;
	s3 =	smul.f32 s5, s26;
	[smem:$0x7F7] =	sst s20  }
0x23b: {  	(v2sf) =	vpush v1, $0x7;
	s22 =	spop (v2sf);
	[smem:$0x7E9] =	sst s0  }
0x23c: {  	s20 =	smul.f32 s5, s10;
	[smem:$0x7FC] =	sst s22  }
0x23d: {  	(v2sf) =	vpush v0, $0x3;
	s0 =	smul.f32 s5, s12;
	[smem:$0x7F1] =	sst s3  }
0x23e: {  	(v2sf) =	vpush v1, $0x8;
	s24 =	spop (v2sf);
	[smem:$0x7F9] =	sst s20  }
0x23f: {  	s22 =	smul.f32 s5, s30;
	[smem:$0x77E] =	sst s24  }
0x240: {  	(v2sf) =	vpush v0, $0x4;
	s3 =	spop (v2sf);
	[smem:$0x7EA] =	sst s0  }
0x241: {  	(v2sf) =	vpush v1, $0x9;
	s0 =	smul.f32 s5, s19;
	[smem:$0x7FA] =	sst s22  }
0x242: {  	(v2sf) =	vpush v0, $0x5;
	s28 =	spop (v2sf);
	s22 =	sld [smem:$0x786]  }
0x243: {  	s4 =	spop (v2sf);
	[smem:$0x77F] =	sst s28  }
0x244: {  	s26 =	smul.f32 s5, s28;
	[smem:$0x7EB] =	sst s0  }
0x245: {  	(v2sf) =	vpush v1, $0xA;
	s18 =	smul.f32 s5, s24;
	[smem:$0x7C5] =	sst s4  }
0x246: {  	(v2sf) =	vpush v0, $0x6;
	s31 =	spop (v2sf);
	[smem:$0x7C8] =	sst s26  }
0x247: {  	s0 =	smul.f32 s5, s23;
	[smem:$0x780] =	sst s31  }
0x248: {  	s29 =	smul.f32 s5, s31;
	s26 =	sld [smem:$0x789]  }
0x249: {  	s10 =	spop (v2sf);
	[smem:$0x7ED] =	sst s0  }
0x24a: {  	(v2sf) =	vpush v1, $0xB;
	s23 =	spop (v2sf);
	[smem:$0x7D0] =	sst s29  }
0x24b: {  	[smem:$0x781] =	sst s23;
	s31 =	smul.f32 s5, s23  }
0x24c: {  	s12 =	spop (v2sf);
	s23 =	sld [smem:$0x787]  }
0x24d: {  	s25 =	spop (v2sf);
	[smem:$0x7D8] =	sst s31  }
0x24e: {  	[smem:$0x782] =	sst s25;
	s1 =	smul.f32 s5, s25  }
0x24f: {  	s24 =	spop (v2sf);
	s25 =	sld [smem:$0x788]  }
0x250: {  	s28 =	spop (v2sf);
	[smem:$0x7E0] =	sst s1  }
0x251: {  	s30 =	spop (v2sf);
	[smem:$0x783] =	sst s28  }
0x252: {  	s0 =	smul.f32 s5, s28;
	s28 =	sld [smem:$0x78A]  }
0x253: {  	[smem:$0x7E6] =	sst s30  }
0x254: {  	s7 =	spop (v2sf);
	[smem:$0x7E8] =	sst s0  }
0x255: {  	s8 =	spop (v2sf);
	[smem:$0x784] =	sst s7  }
0x256: {  	s19 =	smul.f32 s5, s7;
	s7 =	sld [smem:$0x78E]  }
0x257: {  	[smem:$0x7EC] =	sst s8  }
0x258: {  	s8 =	sld [smem:$0x78F]  }
0x259: {  	s20 =	spop (v2sf);
	[smem:$0x7EF] =	sst s19  }
0x25a: {  	[smem:$0x785] =	sst s20  }
0x25b: {  	s1 =	smul.f32 s5, s20;
	s5 =	sld [smem:$0x78D]  }
0x25c: {  	s0 =	simm.f32 $1.000000000e+00;
	s19 =	sld [smem:$0x790]  }
0x25d: {  	s0 =	simm.s32 @!p0 $0x0;
	s20 =	sld [smem:$0x791]  }
0x25e: {  	s31 =	smul.f32 s0, s22;
	s22 =	sld [smem:$0x792]  }
0x25f: {  	s29 =	smul.f32 s0, s23;
	s23 =	sld [smem:$0x793]  }
0x260: {  	s30 =	smul.f32 s0, s26;
	s26 =	sld [smem:$0x794]  }
0x261: {  	[smem:$0x7F8] =	sst s1  }
0x262: {  	s1 =	smul.f32 s0, s28;
	s28 =	sld [smem:$0x795]  }
0x263: {  	s25 =	smul.f32 s0, s25;
	v3 =	vmov s8;
	s8 =	sld [smem:$0x798]  }
0x264: {  	v40 =	vmov s31;
	s31 =	smul.f32 s0, s4;
	s4 =	sld [smem:$0x7C6]  }
0x265: {  	v42 =	vmov s25;
	s25 =	sld [smem:$0x7C9]  }
0x266: {  	v41 =	vmov s29;
	s29 =	sld [smem:$0x7CA]  }
0x267: {  	v6 =	vmov s19;
	s19 =	sld [smem:$0x79A]  }
0x268: {  	v52 =	vmov s20;
	s20 =	smul.f32 s0, s22;
	s22 =	sld [smem:$0x79C]  }
0x269: {  	v5 =	vmov s23;
	s23 =	sld [smem:$0x79D]  }
0x26a: {  	v55 =	vmov s26;
	s26 =	sld [smem:$0x79E]  }
0x26b: {  	[smem:$0x7CD] =	sst s1  }
0x26c: {  	s1 =	sadd.f32 s7, s5  }
0x26d: {  	s7 =	sld [smem:$0x797]  }
0x26e: {  	v57 =	vmov s28;
	s28 =	smul.f32 s0, s21;
	s21 =	sld [smem:$0x79B]  }
0x26f: {  	v10 =	vmov s8;
	s8 =	sld [smem:$0x7A0]  }
0x270: {  	v8 =	vmov s22;
	s22 =	sld [smem:$0x7A2]  }
0x271: {  	v11 =	vmov s23;
	s23 =	sld [smem:$0x7A4]  }
0x272: {  	v13 =	vmov s26;
	s26 =	sld [smem:$0x7A5]  }
0x273: {  	v58 =	vmov s7;
	s7 =	sld [smem:$0x79F]  }
0x274: {  	v4 =	vmov s2;
	s2 =	sadd.f32 s21, s19  }
0x275: {  	s19 =	sld [smem:$0x7A1]  }
0x276: {  	v59 =	vmov s8;
	s8 =	sld [smem:$0x7A8]  }
0x277: {  	v60 =	vmov s23;
	s23 =	sld [smem:$0x7AA]  }
0x278: {  	v15 =	vmov s26;
	s26 =	sld [smem:$0x7AB]  }
0x279: {  	v14 =	vmov s19;
	s19 =	smul.f32 s0, s13;
	s13 =	sld [smem:$0x7A9]  }
0x27a: {  	v17 =	vmov s2;
	s2 =	sld [smem:$0x7A6]  }
0x27b: {  	s21 =	smul.f32 s0, s7;
	s7 =	sld [smem:$0x7A7]  }
0x27c: {  	v56 =	vmov s13;
	s13 =	sld [smem:$0x7AE]  }
0x27d: {  	v22 =	vmov s26;
	s26 =	sld [smem:$0x7AF]  }
0x27e: {  	v16 =	vmov s22;
	s22 =	smul.f32 s0, s2;
	s2 =	sadd.f32 s8, s7  }
0x27f: {  	v23 =	vmov s13;
	s13 =	sld [smem:$0x7B2]  }
0x280: {  	s7 =	sld [smem:$0x7AC]  }
0x281: {  	s8 =	sld [smem:$0x7AD]  }
0x282: {  	v2 =	vmov s13;
	s13 =	sld [smem:$0x7B6]  }
0x283: {  	v20 =	vmov s23;
	s23 =	smul.f32 s0, s7;
	s7 =	sld [smem:$0x7B0]  }
0x284: {  	v61 =	vmov s8;
	s8 =	sld [smem:$0x7B1]  }
0x285: {  	v1 =	vmov s1;
	v28 =	vmov s13;
	s13 =	sld [smem:$0x7B8]  }
0x286: {  	[tilespmem:$0x1FBE0] =	vst v1;
	v1 =	vmov s26;
	s26 =	smul.f32 s0, s7;
	s7 =	sld [smem:$0x7B4]  }
0x287: {  	v63 =	vmov s8;
	s8 =	sld [smem:$0x7B5]  }
0x288: {  	v39 =	vmov s13;
	s13 =	sld [smem:$0x7BA]  }
0x289: {  	v43 =	vmov s30;
	s30 =	sld [smem:$0x7CB]  }
0x28a: {  	s7 =	sadd.f32 s8, s7  }
0x28b: {  	v7 =	vmov s4;
	v62 =	vmov s13;
	s13 =	sld [smem:$0x7BB]  }
0x28c: {  	[tilespmem:$0x1FBF0] =	vst v7;
	v7 =	vmov s25;
	s8 =	sld [smem:$0x7B7]  }
0x28d: {  	[tilespmem:$0x1FC00] =	vst v7;
	v7 =	vmov s29;
	s29 =	sld [smem:$0x7D0]  }
0x28e: {  	v32 =	vmov s13;
	s13 =	sld [smem:$0x7BC]  }
0x28f: {  	v29 =	vmov s8;
	s8 =	sld [smem:$0x7B9]  }
0x290: {  	[smem:$0x7CE] =	sst s10;
	s10 =	smul.f32 s0, s10  }
0x291: {  	s25 =	smul.f32 s0, s30;
	v33 =	vmov s13;
	s13 =	sld [smem:$0x7BE]  }
0x292: {  	s30 =	sadd.f32 s10, s29;
	s1 =	smul.f32 s0, s8  }
0x293: {  	s29 =	sld [smem:$0x7D7];
	s8 =	smul.f32 s0, s3  }
0x294: {  	v34 =	vmov s13;
	s13 =	sld [smem:$0x7BF]  }
0x295: {  	s8 =	sadd.f32 s8, s18  }
0x296: {  	s18 =	sld [smem:$0x7C2]  }
0x297: {  	v36 =	vmov s13;
	s13 =	sld [smem:$0x7C1]  }
0x298: {  	v26 =	vmov s2;
	s2 =	sld [smem:$0x7B3]  }
0x299: {  	v38 =	vmov s18;
	s18 =	sld [smem:$0x7C4]  }
0x29a: {  	v37 =	vmov s13;
	s13 =	sld [smem:$0x7C3]  }
0x29b: {  	[smem:$0x7BD] =	sst s3;
	[tilespmem:$0x1FEB0] =	vst v42;
	s2 =	smul.f32 s0, s2  }
0x29c: {  	[tilespmem:$0x1FC10] =	vst v7;
	v24 =	vmov s25;
	s3 =	smul.f32 s0, s29;
	v44 =	vmov s8;
	s8 =	sld [smem:$0x7C7]  }
0x29d: {  	[tilespmem:$0x1FDC0] =	vst v24;
	v9 =	vmov s23;
	v25 =	vmov s13;
	s13 =	smul.f32 s0, s18;
	s18 =	sld [smem:$0x7C8]  }
0x29e: {  	[smem:$0x7D6] =	sst s12;
	[tilespmem:$0x1FD40] =	vst v9;
	v12 =	vmov s2  }
0x29f: {  	[smem:$0x7DE] =	sst s24;
	[tilespmem:$0x1FD60] =	vst v12;
	v45 =	vmov s3  }
0x2a0: {  	[tilespmem:$0x1FE00] =	vst v45;
	s8 =	smul.f32 s0, s8;
	s18 =	sadd.f32 s31, s18  }
0x2a1: {  	[tilespmem:$0x1FEC0] =	vst v25;
	v21 =	vmov s13;
	s31 =	sld [smem:$0x7CC]  }
0x2a2: {  	s4 =	sld [smem:$0x7CD];
	[tilespmem:$0x1FDB0] =	vst v21;
	v21 =	vmov s8  }
0x2a3: {  	s5 =	sld [smem:$0x796];
	[tilespmem:$0x1FF10] =	vst v21;
	v54 =	vmov s18  }
0x2a4: {  	(v2sf) =	vpush v0, $0x7;
	s11 =	smul.f32 s0, s11;
	s25 =	sld [smem:$0x7EA];
	v0 =	vmov s31;
	[tilespmem:$0x1FED0] =	vst v54  }
0x2a5: {  	s10 =	sld [smem:$0x7D2];
	[tilespmem:$0x1FC20] =	vst v0;
	v0 =	vmov s4  }
0x2a6: {  	s5 =	smul.f32 s0, s5;
	s31 =	sld [smem:$0x7D1];
	[tilespmem:$0x1FC30] =	vst v0;
	v0 =	vmov s11  }
0x2a7: {  	[tilespmem:$0x1FC40] =	vst v0;
	v0 =	vmov s20;
	s20 =	sld [smem:$0x7CF]  }
0x2a8: {  	s11 =	sld [smem:$0x7D3];
	[tilespmem:$0x1FC50] =	vst v0;
	v0 =	vmov s5  }
0x2a9: {  	s18 =	sld [smem:$0x7D4];
	[tilespmem:$0x1FC60] =	vst v0;
	v0 =	vmov s31  }
0x2aa: {  	s4 =	smul.f32 s0, s20;
	[tilespmem:$0x1FC70] =	vst v0;
	v0 =	vmov s10;
	s20 =	sld [smem:$0x7D5]  }
0x2ab: {  	s23 =	sld [smem:$0x7E8];
	[tilespmem:$0x1FC80] =	vst v0;
	v0 =	vmov s11  }
0x2ac: {  	v35 =	vmov s7;
	s7 =	sld [smem:$0x7C0];
	s11 =	smul.f32 s0, s18;
	[tilespmem:$0x1FC90] =	vst v0;
	v31 =	vmov s4  }
0x2ad: {  	s18 =	sld [smem:$0x7DB];
	v0 =	vmov s20;
	[tilespmem:$0x1FDF0] =	vst v31  }
0x2ae: {  	s29 =	sld [smem:$0x7E1];
	v31 =	vmov s11;
	[tilespmem:$0x1FCA0] =	vst v0  }
0x2af: {  	s13 =	sld [smem:$0x7F3];
	v0 =	vmov s28;
	[tilespmem:$0x1FF50] =	vst v31  }
0x2b0: {  	s31 =	sld [smem:$0x7D9];
	v7 =	vmov s18;
	[tilespmem:$0x1FCB0] =	vst v0  }
0x2b1: {  	s18 =	sld [smem:$0x7E5];
	v0 =	vmov s21;
	[tilespmem:$0x1FD20] =	vst v7  }
0x2b2: {  	s28 =	sld [smem:$0x7E0];
	[tilespmem:$0x1FCC0] =	vst v0;
	v0 =	vmov s19  }
0x2b3: {  	s24 =	smul.f32 s0, s24;
	s20 =	sld [smem:$0x7DD];
	[tilespmem:$0x1FCD0] =	vst v0;
	v0 =	vmov s22  }
0x2b4: {  	s7 =	smul.f32 s0, s7;
	v19 =	vmov s18;
	[tilespmem:$0x1FCE0] =	vst v0;
	v0 =	vmov s30;
	s30 =	sld [smem:$0x7D8]  }
0x2b5: {  	s12 =	smul.f32 s0, s12;
	s2 =	sadd.f32 s24, s28;
	[tilespmem:$0x1FDA0] =	vst v19  }
0x2b6: {  	s24 =	sld [smem:$0x7E9];
	v19 =	vmov s7;
	[tilespmem:$0x1FCF0] =	vst v0  }
0x2b7: {  	v0 =	vmov s31;
	[tilespmem:$0x1FF00] =	vst v19;
	s5 =	sadd.f32 s12, s30  }
0x2b8: {  	v24 =	vmov s2;
	[tilespmem:$0x1FD00] =	vst v0;
	s12 =	sld [smem:$0x7DA]  }
0x2b9: {  	v27 =	vmov s24;
	[tilespmem:$0x1FF20] =	vst v24;
	s30 =	sld [smem:$0x7E2]  }
0x2ba: {  	s19 =	sld [smem:$0x7DC];
	[tilespmem:$0x1FDD0] =	vst v27;
	v27 =	vmov s25  }
0x2bb: {  	s31 =	sld [smem:$0x7E3];
	[tilespmem:$0x1FF30] =	vst v27;
	v0 =	vmov s12  }
0x2bc: {  	s10 =	sld [smem:$0x7E4];
	v18 =	vmov s30;
	[tilespmem:$0x1FD10] =	vst v0  }
0x2bd: {  	s11 =	sld [smem:$0x7F1];
	v0 =	vmov s20;
	[tilespmem:$0x1FD90] =	vst v18  }
0x2be: {  	s28 =	sld [smem:$0x7EC];
	s12 =	smul.f32 s0, s19;
	v18 =	vmov s31;
	[tilespmem:$0x1FD30] =	vst v0  }
0x2bf: {  	s30 =	sld [smem:$0x7EE];
	v0 =	vmov s26;
	[tilespmem:$0x1FEF0] =	vst v18  }
0x2c0: {  	v45 =	vmov s12;
	s12 =	sld [smem:$0x7F2];
	[tilespmem:$0x1FD50] =	vst v0  }
0x2c1: {  	s19 =	sld [smem:$0x7E6];
	v0 =	vmov s1;
	[tilespmem:$0x1FF60] =	vst v45  }
0x2c2: {  	s31 =	sld [smem:$0x7EF];
	s4 =	smul.f32 s0, s30;
	[tilespmem:$0x1FD70] =	vst v0;
	v0 =	vmov s5  }
0x2c3: {  	s8 =	smul.f32 s0, s28;
	s20 =	sld [smem:$0x7E7];
	[tilespmem:$0x1FD80] =	vst v0;
	v47 =	vmov s12  }
0x2c4: {  	s26 =	sld [smem:$0x7DF];
	s5 =	smul.f32 s0, s10;
	v50 =	vmov s4;
	[tilespmem:$0x1FE20] =	vst v47  }
0x2c5: {  	s7 =	smul.f32 s0, s19;
	s8 =	sadd.f32 s8, s31;
	v0 =	vmov s29;
	[tilespmem:$0x1FE50] =	vst v50  }
0x2c6: {  	s2 =	smul.f32 s0, s20;
	s20 =	sld [smem:$0x7F5];
	v49 =	vmov s5;
	[tilespmem:$0x1FEE0] =	vst v0  }
0x2c7: {  	s7 =	sadd.f32 s7, s23;
	v47 =	vmov s13;
	[tilespmem:$0x1FE40] =	vst v49  }
0x2c8: {  	s21 =	rddreg [dreg:$0x1];
	v50 =	vmov s8;
	[tilespmem:$0x1FF80] =	vst v47  }
0x2c9: {  	s1 =	smul.f32 s0, s26;
	s26 =	sld [smem:$0x7EB];
	v46 =	vmov s7;
	[tilespmem:$0x1FFB0] =	vst v50  }
0x2ca: {  	s10 =	sld [smem:$0x7F0];
	v48 =	vmov s20;
	[tilespmem:$0x1FE10] =	vst v46  }
0x2cb: {  	s24 =	sld [smem:$0x7F7];
	s19 =	spop (v2sf);
	v49 =	vmov s2;
	[tilespmem:$0x1FE30] =	vst v48  }
0x2cc: {  	s18 =	sld [smem:$0x7F4];
	s23 =	smul.f32 s0, s19;
	v30 =	vmov s26;
	[tilespmem:$0x1FFA0] =	vst v49  }
0x2cd: {  	s25 =	sld [smem:$0x7F8];
	s3 =	smul.f32 s0, s10;
	v46 =	vmov s11;
	[tilespmem:$0x1FDE0] =	vst v30  }
0x2ce: {  	s29 =	sld [smem:$0x7ED];
	s2 =	smul.f32 s0, s24;
	v48 =	vmov s1;
	[tilespmem:$0x1FF70] =	vst v46  }
0x2cf: {  	s30 =	sld [smem:$0x7FC];
	v7 =	vmov s3;
	[tilespmem:$0x1FF90] =	vst v48  }
0x2d0: {  	s1 =	sadd.f32 s23, s25;
	v9 =	vmov s2;
	[tilespmem:$0x1FE80] =	vst v7  }
0x2d1: {  	s22 =	rddreg [dreg:$0x6];
	s7 =	smul.f32 s0, s18;
	v30 =	vmov s29;
	[tilespmem:$0x1FE90] =	vst v9  }
0x2d2: {  	s0 =	smul.f32 s0, s30;
	s26 =	sld [smem:$0x7F9];
	v12 =	vmov s1;
	[tilespmem:$0x1FF40] =	vst v30  }
0x2d3: {  	s29 =	sld [smem:$0x7FB];
	v7 =	vmov s7;
	[tilespmem:$0x1FEA0] =	vst v12  }
0x2d4: {  	s28 =	sld [smem:$0x7FA];
	v9 =	vmov s0;
	[tilespmem:$0x1FFE0] =	vst v7  }
0x2d5: {  	s31 =	sld [smem:$0x7FD];
	v51 =	vmov s26;
	[tilespmem:$0x1FFF0] =	vst v9  }
0x2d6: {  	[smem:$0x7F6] =	sst s19;
	[tilespmem:$0x1FE60] =	vst v51;
	v53 =	vmov s29  }
0x2d7: {  	s8 =	rddreg [dreg:$0x0];
	v51 =	vmov s28;
	[tilespmem:$0x1FE70] =	vst v53  }
0x2d8: {  	s10 =	rddreg [dreg:$0x19];
	v53 =	vmov s31;
	[tilespmem:$0x1FFC0] =	vst v51  }
0x2d9: {  	s5 =	simm.s32 $0x0;
	s7 =	rddreg [dreg:$0x5];
	[tilespmem:$0x1FFD0] =	vst v53  }
.LBB2_26:
0x2da: {  	s0 =	sshrl.u32 s5, $0x3  }
0x2db: {  	s12 =	smul.u32 $0x7000, s0  }
0x2dc: {  	s30 =	sshll.u32 s5, $0x7  }
0x2dd: {  	s18 =	sand.u32 $0x380, s30;
	s31 =	sadd.s32 s6, s12  }
0x2de: {  	s0 =	sor.u32 s18, s31  }
0x2df: {  	s19 =	sshrl.u32 s0, $0x3  }
0x2e0: {  	s1 =	simm.s32 $0x80;
	s0 =	sadd.s32 s8, s19  }
0x2e1: {  	s3 =	simm.s32 $0x200;
	s4 =	simm.s32 $0x0;
	s11 =	sadd.s32 $0x0, s0  }
.LBB2_27:
0x2e2: {  	[tilespmem:s4], [sflag:$0x1] =	stream.strided.gather [hbm4b:s11+s15], $0x200, s16, s15, $0x38;
	[tilespmem:$0x11900] =	vst v63  }
0x2e3: {  	s2 =	smov.u32 s1;
	s4 =	smov.u32 s3;
	p0 =	sne.s32 s1, $0xD80  }
.Ltmp12:
0x2e4: {  	s1 =	sadd.s32 $0x80, s1;
	(pc) =	sbr.rel @p0 .LBB2_27-.Ltmp12, $2  }
0x2e5: {  	_ =	sdelay $0x2  }
0x2e6: {  	s3 =	sadd.s32 $0x200, s3;
	s11 =	sadd.s32 s2, s0  }
0x2e7: {  	[tilespmem:s4], [sflag:$0x1] =	stream.strided.gather [hbm4b:s11+s15], $0x200, s16, s15, $0x38;
	[tilespmem:$0x11900] =	vst v63  }
0x2e8: {  	s0 =	sadd.s32 s21, s19;
	_ =	swait.ge [sflag:s17], $0x3800  }
0x2e9: {  	s1 =	simm.s32 $0x3800;
	s3 =	simm.s32 $0x80;
	[sflag:s17] =	ssyncset.done $0x0  }
0x2ea: {  	s4 =	simm.s32 $0x3A00;
	s11 =	sadd.s32 $0x0, s0;
	[sflag:s17] =	ssyncadd.s32 $0xFFFFC800  }
.LBB2_29:
0x2eb: {  	[tilespmem:s1], [sflag:$0x1] =	stream.strided.gather [hbm4b:s11+s15], $0x200, s16, s15, $0x38;
	[tilespmem:$0x11900] =	vst v63  }
0x2ec: {  	s2 =	smov.u32 s3;
	s1 =	smov.u32 s4;
	p0 =	sne.s32 s3, $0xD80  }
.Ltmp13:
0x2ed: {  	s3 =	sadd.s32 $0x80, s3;
	(pc) =	sbr.rel @p0 .LBB2_29-.Ltmp13, $2  }
0x2ee: {  	_ =	sdelay $0x2  }
0x2ef: {  	s4 =	sadd.s32 $0x200, s4;
	s11 =	sadd.s32 s2, s0  }
0x2f0: {  	[tilespmem:s1], [sflag:$0x1] =	stream.strided.gather [hbm4b:s11+s15], $0x200, s16, s15, $0x38;
	[tilespmem:$0x11900] =	vst v63  }
0x2f1: {  	_ =	swait.ge [sflag:s17], $0x3800  }
0x2f2: {  	[sflag:s17] =	ssyncset.done $0x0  }
0x2f3: {  	s20 =	simm.s32 $0x0;
	s0 =	simm.s32 $0x0;
	[sflag:s17] =	ssyncadd.s32 $0xFFFFC800  }
.LBB2_31:
0x2f4: {  	s1 =	sshll.u32 s0, $0x6  }
0x2f5: {  	s3 =	sand.u32 $0x70, s20;
	s1 =	sand.u32 $0xFFFFFE00, s1  }
0x2f6: {  	s4 =	sor.u32 s3, s1  }
0x2f7: {  	v50 =	vld [tilespmem:s4+$0x0]  }
0x2f8: {  	v51 =	vld [tilespmem:s4+$0x80];
	_ =	sdelay $0x1  }
0x2f9: {  	v49 =	vld [tilespmem:s4+$0x100];
	_ =	sdelay $0x2  }
0x2fa: {  	v45 =	vmul.f32 v50, v4;
	v46 =	vmul.f32 v51, v3;
	_ =	sdelay $0x1  }
0x2fb: {  	v0 =	vld [tilespmem:s4+$0x180];
	v54 =	vmul.f32 v49, v6;
	v45 =	vadd.f32 v46, v45;
	_ =	sdelay $0x1  }
0x2fc: {  	v48 =	vld [tilespmem:s4+$0x3800];
	v53 =	vmul.f32 v50, v10;
	v45 =	vadd.f32 v54, v45;
	v54 =	vmul.f32 v51, v8;
	_ =	sdelay $0x1  }
0x2fd: {  	v53 =	vadd.f32 v54, v53;
	v54 =	vmul.f32 v49, v11  }
0x2fe: {  	v9 =	vmov v6;
	v47 =	vld [tilespmem:s4+$0x3880];
	v6 =	vmov v52;
	v52 =	vmul.f32 v0, v52  }
0x2ff: {  	v53 =	vadd.f32 v54, v53;
	v54 =	vmul.f32 v0, v13  }
0x300: {  	v46 =	vld [tilespmem:s4+$0x3900];
	v45 =	vadd.f32 v52, v45;
	v52 =	vmul.f32 v48, v5  }
0x301: {  	v53 =	vadd.f32 v54, v53;
	v54 =	vmul.f32 v48, v59  }
0x302: {  	v52 =	vadd.f32 v52, v45;
	v45 =	vld [tilespmem:s4+$0x3980]  }
0x303: {  	v53 =	vadd.f32 v54, v53;
	v54 =	vmul.f32 v47, v14;
	_ =	sdelay $0x1  }
0x304: {  	v21 =	vmovc v13;
	v13 =	vmov v59;
	v59 =	vmul.f32 v46, v16;
	v53 =	vadd.f32 v54, v53;
	_ =	sdelay $0x1  }
0x305: {  	v24 =	vmovc v16;
	v16 =	vmov v60;
	v60 =	vmul.f32 v45, v60;
	v53 =	vadd.f32 v59, v53  }
0x306: {  	v18 =	vmovc v10;
	v10 =	vmov v8;
	v8 =	vmov v55;
	v55 =	vmul.f32 v47, v55  }
0x307: {  	v7 =	vmov v4;
	v4 =	vmov v3;
	v3 =	vadd.f32 v60, v53  }
0x308: {  	v19 =	vmovc v56;
	v56 =	vmul.f32 v51, v56;
	v52 =	vadd.f32 v55, v52;
	v55 =	vmul.f32 v50, v15  }
0x309: {  	[tilespmem:$0x1FBD0] =	vst v3;
	v3 =	vld [tilespmem:$0x1FBF0]  }
0x30a: {  	v55 =	vadd.f32 v56, v55;
	v56 =	vmul.f32 v49, v20  }
0x30b: {  	v27 =	vmov v15;
	v15 =	vmov v57;
	v57 =	vmul.f32 v46, v57  }
0x30c: {  	v55 =	vadd.f32 v56, v55;
	v56 =	vmul.f32 v0, v22  }
0x30d: {  	v52 =	vadd.f32 v57, v52  }
0x30e: {  	v57 =	vmul.f32 v45, v58;
	v55 =	vadd.f32 v56, v55;
	v56 =	vmul.f32 v50, v3;
	v3 =	vld [tilespmem:$0x1FC00]  }
0x30f: {  	v12 =	vmovc v5;
	v5 =	vmov v58;
	v58 =	vmul.f32 v51, v28;
	v54 =	vmul.f32 v50, v2;
	_ =	sdelay $0x1  }
0x310: {  	v54 =	vadd.f32 v58, v54;
	v58 =	vmul.f32 v50, v36;
	v60 =	vmul.f32 v51, v37;
	_ =	sdelay $0x1  }
0x311: {  	v58 =	vadd.f32 v60, v58;
	v60 =	vmul.f32 v51, v3;
	v3 =	vld [tilespmem:$0x1FC10];
	_ =	sdelay $0x3  }
0x312: {  	v52 =	vadd.f32 v57, v52;
	v57 =	vmul.f32 v49, v29  }
0x313: {  	v56 =	vadd.f32 v60, v56;
	v60 =	vmul.f32 v49, v3;
	v3 =	vld [tilespmem:$0x1FC20]  }
0x314: {  	v54 =	vadd.f32 v57, v54;
	v57 =	vmul.f32 v0, v39;
	_ =	sdelay $0x1  }
0x315: {  	v59 =	vmul.f32 v49, v38;
	v54 =	vadd.f32 v57, v54;
	v57 =	vmul.f32 v48, v62;
	_ =	sdelay $0x1  }
0x316: {  	v54 =	vadd.f32 v57, v54;
	v57 =	vadd.f32 v59, v58;
	v59 =	vmul.f32 v0, v3;
	v3 =	vld [tilespmem:$0x1FC30];
	_ =	sdelay $0x2  }
0x317: {  	v56 =	vadd.f32 v60, v56  }
0x318: {  	v58 =	vmul.f32 v0, v25  }
0x319: {  	v56 =	vadd.f32 v59, v56;
	v59 =	vmul.f32 v48, v3;
	v3 =	vld [tilespmem:$0x1FC40]  }
0x31a: {  	v57 =	vadd.f32 v58, v57;
	v58 =	vmul.f32 v48, v40;
	_ =	sdelay $0x1  }
0x31b: {  	v57 =	vadd.f32 v58, v57;
	v58 =	vmul.f32 v47, v41;
	_ =	sdelay $0x1  }
0x31c: {  	v57 =	vadd.f32 v58, v57;
	v58 =	vmul.f32 v46, v42;
	v42 =	vmul.f32 v47, v3;
	v3 =	vld [tilespmem:$0x1FC70]  }
0x31d: {  	v53 =	vmul.f32 v47, v32;
	_ =	sdelay $0x1  }
0x31e: {  	v54 =	vadd.f32 v53, v54;
	v60 =	vmul.f32 v46, v33;
	_ =	sdelay $0x1  }
0x31f: {  	v54 =	vadd.f32 v60, v54;
	v60 =	vmul.f32 v50, v3;
	v3 =	vld [tilespmem:$0x1FC80];
	_ =	sdelay $0x2  }
0x320: {  	v53 =	vmul.f32 v45, v34;
	_ =	sdelay $0x1  }
0x321: {  	v54 =	vadd.f32 v53, v54;
	v53 =	vmul.f32 v51, v3;
	v3 =	vld [tilespmem:$0x1FC50];
	_ =	sdelay $0x1  }
0x322: {  	v30 =	vmov v22;
	v22 =	vmov v61;
	v61 =	vmul.f32 v48, v61  }
0x323: {  	v56 =	vadd.f32 v59, v56  }
0x324: {  	v55 =	vadd.f32 v61, v55;
	v61 =	vmul.f32 v47, v23  }
0x325: {  	v56 =	vadd.f32 v42, v56;
	v42 =	vmul.f32 v46, v3;
	v3 =	vld [tilespmem:$0x1FC90]  }
0x326: {  	v55 =	vadd.f32 v61, v55;
	v61 =	vmul.f32 v46, v1;
	_ =	sdelay $0x1  }
0x327: {  	v55 =	vadd.f32 v61, v55;
	v61 =	vmul.f32 v45, v63;
	_ =	sdelay $0x1  }
0x328: {  	v55 =	vadd.f32 v61, v55;
	v61 =	vmul.f32 v49, v3;
	v3 =	vld [tilespmem:$0x1FD00];
	_ =	sdelay $0x4  }
0x329: {  	v57 =	vadd.f32 v58, v57;
	v58 =	vmul.f32 v50, v3;
	v3 =	vmovc v44;
	v44 =	vmov v41  }
0x32a: {  	v41 =	vmovc v38;
	v38 =	vmovc v35;
	v35 =	vmov v32;
	v32 =	vmov v29;
	v29 =	vmov v26  }
0x32b: {  	v26 =	vmovc v23;
	v23 =	vmovc v20;
	v20 =	vmov v17;
	v17 =	vmov v14;
	v14 =	vmov v11;
	v11 =	vld [tilespmem:$0x1FD10];
	_ =	sdelay $0x4  }
0x32c: {  	v60 =	vadd.f32 v53, v60;
	v53 =	vmul.f32 v51, v11;
	v11 =	vld [tilespmem:$0x1FC60];
	_ =	sdelay $0x4  }
0x32d: {  	v25 =	vmov v63;
	v63 =	vmul.f32 v45, v11;
	v11 =	vld [tilespmem:$0x1FCA0];
	_ =	sdelay $0x4  }
0x32e: {  	v56 =	vadd.f32 v42, v56;
	v42 =	vmul.f32 v0, v11;
	v11 =	vld [tilespmem:$0x1FD20];
	_ =	sdelay $0x4  }
0x32f: {  	v58 =	vadd.f32 v53, v58;
	v53 =	vmul.f32 v49, v11;
	v11 =	vld [tilespmem:$0x1FCB0];
	_ =	sdelay $0x2  }
0x330: {  	v60 =	vadd.f32 v61, v60;
	_ =	sdelay $0x1  }
0x331: {  	v60 =	vadd.f32 v42, v60;
	v42 =	vmul.f32 v48, v11;
	v11 =	vld [tilespmem:$0x1FCC0];
	_ =	sdelay $0x4  }
0x332: {  	v31 =	vmov v62;
	v62 =	vmul.f32 v47, v11;
	v11 =	vld [tilespmem:$0x1FD30];
	_ =	sdelay $0x4  }
0x333: {  	v58 =	vadd.f32 v53, v58;
	v53 =	vmul.f32 v0, v11;
	v11 =	vld [tilespmem:$0x1FCD0];
	_ =	sdelay $0x4  }
0x334: {  	v61 =	vmul.f32 v46, v11;
	v11 =	vld [tilespmem:$0x1FD40];
	_ =	sdelay $0x4  }
0x335: {  	v56 =	vadd.f32 v63, v56;
	v63 =	vmul.f32 v48, v11;
	v11 =	vld [tilespmem:$0x1FEE0];
	_ =	sdelay $0x2  }
0x336: {  	v59 =	vmul.f32 v45, v43;
	v60 =	vadd.f32 v42, v60;
	v42 =	vmovc v33;
	v33 =	vmov v1;
	v1 =	vld [tilespmem:$0x1FD90];
	_ =	sdelay $0x1  }
0x337: {  	v57 =	vadd.f32 v59, v57;
	v59 =	vmul.f32 v50, v11;
	v11 =	vld [tilespmem:$0x1FEF0];
	_ =	sdelay $0x2  }
0x338: {  	v1 =	vmul.f32 v51, v1;
	v58 =	vadd.f32 v53, v58;
	v53 =	vmovc v36;
	v36 =	vmov v2;
	v2 =	vld [tilespmem:$0x1FDD0];
	_ =	sdelay $0x1  }
0x339: {  	v1 =	vadd.f32 v1, v59;
	v59 =	vmul.f32 v49, v11;
	v11 =	vld [tilespmem:$0x1FD50];
	_ =	sdelay $0x2  }
0x33a: {  	v60 =	vadd.f32 v62, v60;
	v62 =	vmul.f32 v50, v2;
	v2 =	vld [tilespmem:$0x1FF30];
	_ =	sdelay $0x1  }
0x33b: {  	v58 =	vadd.f32 v63, v58;
	v63 =	vmul.f32 v47, v11;
	v11 =	vld [tilespmem:$0x1FDE0];
	_ =	sdelay $0x2  }
0x33c: {  	v2 =	vmul.f32 v51, v2;
	_ =	sdelay $0x1  }
0x33d: {  	v2 =	vadd.f32 v2, v62;
	v62 =	vmul.f32 v49, v11;
	v11 =	vld [tilespmem:$0x1FDA0];
	_ =	sdelay $0x4  }
0x33e: {  	v1 =	vadd.f32 v59, v1;
	v59 =	vmul.f32 v0, v11;
	v11 =	vld [tilespmem:$0x1FF40];
	_ =	sdelay $0x4  }
0x33f: {  	v60 =	vadd.f32 v61, v60;
	v61 =	vmul.f32 v0, v11;
	v11 =	vld [tilespmem:$0x1FD60];
	_ =	sdelay $0x4  }
0x340: {  	v2 =	vadd.f32 v62, v2;
	v62 =	vmul.f32 v46, v11;
	v11 =	vld [tilespmem:$0x1FF00];
	_ =	sdelay $0x4  }
0x341: {  	v1 =	vadd.f32 v59, v1;
	v59 =	vmul.f32 v48, v11;
	v11 =	vld [tilespmem:$0x1FCE0];
	_ =	sdelay $0x4  }
0x342: {  	v58 =	vadd.f32 v63, v58;
	v63 =	vmul.f32 v45, v11;
	v11 =	vld [tilespmem:$0x1FDF0];
	_ =	sdelay $0x4  }
0x343: {  	v2 =	vadd.f32 v61, v2;
	v61 =	vmul.f32 v48, v11;
	v11 =	vld [tilespmem:$0x1FDB0];
	_ =	sdelay $0x4  }
0x344: {  	v1 =	vadd.f32 v59, v1;
	v59 =	vmul.f32 v47, v11;
	v11 =	vld [tilespmem:$0x1FD70];
	_ =	sdelay $0x4  }
0x345: {  	v58 =	vadd.f32 v62, v58;
	v62 =	vmul.f32 v45, v11;
	v11 =	vld [tilespmem:$0x1FF50];
	_ =	sdelay $0x4  }
0x346: {  	v2 =	vadd.f32 v61, v2;
	v61 =	vmul.f32 v47, v11;
	v11 =	vld [tilespmem:$0x1FF10];
	_ =	sdelay $0x4  }
0x347: {  	v1 =	vadd.f32 v59, v1;
	v59 =	vmul.f32 v46, v11;
	v11 =	vld [tilespmem:$0x1FE00];
	_ =	sdelay $0x4  }
0x348: {  	v2 =	vadd.f32 v61, v2;
	v61 =	vmul.f32 v46, v11;
	v11 =	vld [tilespmem:$0x1FF70];
	_ =	sdelay $0x4  }
0x349: {  	v1 =	vadd.f32 v59, v1;
	v59 =	vmul.f32 v50, v11;
	v11 =	vld [tilespmem:$0x1FE20];
	_ =	sdelay $0x4  }
0x34a: {  	v58 =	vadd.f32 v62, v58;
	v62 =	vmul.f32 v51, v11;
	v11 =	vld [tilespmem:$0x1FE60];
	_ =	sdelay $0x4  }
0x34b: {  	v50 =	vmul.f32 v50, v11;
	v11 =	vld [tilespmem:$0x1FFC0];
	_ =	sdelay $0x4  }
0x34c: {  	v51 =	vmul.f32 v51, v11;
	v11 =	vld [tilespmem:$0x1FDC0];
	_ =	sdelay $0x4  }
0x34d: {  	v2 =	vadd.f32 v61, v2;
	v61 =	vmul.f32 v45, v11;
	v11 =	vld [tilespmem:$0x1FF80];
	_ =	sdelay $0x4  }
0x34e: {  	v59 =	vadd.f32 v62, v59;
	v62 =	vmul.f32 v49, v11;
	v11 =	vld [tilespmem:$0x1FF60];
	_ =	sdelay $0x4  }
0x34f: {  	v50 =	vadd.f32 v51, v50;
	v51 =	vmul.f32 v45, v11;
	v11 =	vld [tilespmem:$0x1FE70];
	_ =	sdelay $0x4  }
0x350: {  	v49 =	vmul.f32 v49, v11;
	v11 =	vmov v14;
	v14 =	vmov v17  }
0x351: {  	v17 =	vmovc v20;
	v20 =	vmovc v23;
	v23 =	vmov v26;
	v26 =	vmov v29;
	v29 =	vmov v32  }
0x352: {  	v32 =	vmovc v35;
	v35 =	vmovc v38;
	v38 =	vmov v41;
	v41 =	vmov v44;
	v44 =	vmov v3;
	v3 =	vld [tilespmem:$0x1FE30];
	_ =	sdelay $0x4  }
0x353: {  	v1 =	vadd.f32 v61, v1;
	v61 =	vmul.f32 v0, v3;
	v3 =	vld [tilespmem:$0x1FFD0];
	_ =	sdelay $0x4  }
0x354: {  	v0 =	vmul.f32 v0, v3;
	v3 =	vld [tilespmem:$0x1FF90];
	_ =	sdelay $0x2  }
0x355: {  	v59 =	vadd.f32 v62, v59;
	_ =	sdelay $0x1  }
0x356: {  	v60 =	vadd.f32 v63, v60;
	v63 =	vadd.f32 v61, v59;
	v59 =	vmul.f32 v48, v3;
	v3 =	vld [tilespmem:$0x1FBD0];
	_ =	sdelay $0x4  }
0x357: {  	v61 =	vadd.f32 v3, v17;
	v3 =	vld [tilespmem:$0x1FE80];
	_ =	sdelay $0x4  }
0x358: {  	v48 =	vmul.f32 v48, v3;
	v3 =	vld [tilespmem:$0x1FE40];
	_ =	sdelay $0x4  }
0x359: {  	v2 =	vadd.f32 v51, v2;
	v51 =	vadd.f32 v59, v63;
	v63 =	vmul.f32 v47, v3;
	v3 =	vld [tilespmem:$0x1FFE0];
	_ =	sdelay $0x2  }
0x35a: {  	v62 =	vld [tilespmem:$0x1FBE0];
	_ =	sdelay $0x1  }
0x35b: {  	v47 =	vmul.f32 v47, v3;
	v3 =	vld [tilespmem:$0x1FFA0];
	_ =	sdelay $0x2  }
0x35c: {  	v62 =	vadd.f32 v52, v62;
	_ =	sdelay $0x1  }
0x35d: {  	[tilespmem:s4+$0x7000] =	vst v62;
	v62 =	vadd.f32 v55, v26;
	v55 =	vmul.f32 v46, v3;
	v3 =	vld [tilespmem:$0x1FE90];
	_ =	sdelay $0x4  }
0x35e: {  	v46 =	vmul.f32 v46, v3;
	v3 =	vld [tilespmem:$0x1FCF0];
	_ =	sdelay $0x4  }
0x35f: {  	[tilespmem:s4+$0x7100] =	vst v62;
	v62 =	vadd.f32 v57, v44;
	v57 =	vadd.f32 v60, v3;
	v3 =	vld [tilespmem:$0x1FE50];
	_ =	sdelay $0x3  }
0x360: {  	[tilespmem:s4+$0x7080] =	vst v61;
	v61 =	vld [tilespmem:$0x1FED0]  }
0x361: {  	v60 =	vmul.f32 v45, v3;
	v3 =	vld [tilespmem:$0x1FD80];
	_ =	sdelay $0x4  }
0x362: {  	v56 =	vadd.f32 v56, v61;
	v61 =	vadd.f32 v58, v3;
	v3 =	vld [tilespmem:$0x1FFF0];
	_ =	sdelay $0x4  }
0x363: {  	v45 =	vmul.f32 v45, v3;
	v3 =	vld [tilespmem:$0x1FF20];
	_ =	sdelay $0x4  }
0x364: {  	v49 =	vadd.f32 v49, v50;
	v1 =	vadd.f32 v1, v3;
	v3 =	vld [tilespmem:$0x1FE10];
	_ =	sdelay $0x1  }
0x365: {  	v0 =	vadd.f32 v0, v49  }
0x366: {  	v59 =	vadd.f32 v54, v35;
	v63 =	vadd.f32 v63, v51  }
0x367: {  	s31 =	sshll.u32 s0, $0x7;
	v0 =	vadd.f32 v48, v0  }
0x368: {  	s1 =	sand.u32 $0x3FFFFC00, s31;
	[tilespmem:s4+$0x7180] =	vst v59;
	v59 =	vadd.f32 v55, v63;
	v63 =	vld [tilespmem:$0x1FFB0];
	v2 =	vadd.f32 v2, v3  }
0x369: {  	s1 =	sor.u32 s3, s1;
	v0 =	vadd.f32 v47, v0  }
0x36a: {  	[tilespmem:s1+$0xAA80] =	vst v2;
	v2 =	vld [tilespmem:$0x1FEA0]  }
0x36b: {  	[tilespmem:s1+$0xA800] =	vst v62;
	v0 =	vadd.f32 v46, v0;
	v62 =	vadd.f32 v60, v59  }
0x36c: {  	p0 =	sne.s32 s0, $0xDF;
	v52 =	vmov v6;
	v6 =	vmov v9;
	[tilespmem:s1+$0xA880] =	vst v56;
	v56 =	vmov v19  }
.Ltmp14:
0x36d: {  	v55 =	vmovc v8;
	v8 =	vmov v10;
	v0 =	vadd.f32 v45, v0;
	[tilespmem:s1+$0xAA00] =	vst v1;
	v1 =	vadd.f32 v62, v63;
	(pc) =	sbr.rel @p0 .LBB2_31-.Ltmp14, $4  }
0x36e: {  	v10 =	vmovc v18;
	[tilespmem:s1+$0xA900] =	vst v57;
	v57 =	vmovc v15;
	v15 =	vmov v27;
	v59 =	vmov v13;
	v13 =	vmov v21  }
0x36f: {  	v60 =	vmovc v16;
	v16 =	vmovc v24;
	v58 =	vmov v5;
	v5 =	vmov v12;
	[tilespmem:s1+$0xA980] =	vst v61;
	v0 =	vadd.f32 v0, v2  }
0x370: {  	v61 =	vmovc v22;
	v22 =	vmovc v30;
	v62 =	vmov v31;
	v63 =	vmov v25;
	v25 =	vld [tilespmem:$0x1FEC0];
	[tilespmem:s1+$0xAB00] =	vst v1;
	v3 =	vmov v4  }
0x371: {  	s20 =	sadd.s32 $0x10, s20;
	s0 =	sadd.s32 $0x1, s0;
	v4 =	vmovc v7;
	v1 =	vmovc v33;
	v33 =	vmov v42;
	v42 =	vld [tilespmem:$0x1FEB0];
	v2 =	vmov v36;
	v36 =	vmov v53;
	[tilespmem:s1+$0xAB80] =	vst v0  }
0x372: {  	s0 =	sadd.s32 s22, s19;
	s1 =	simm.s32 $0x7000  }
0x373: {  	s3 =	simm.s32 $0x80;
	s4 =	simm.s32 $0x7200;
	s11 =	sadd.s32 $0x0, s0  }
.LBB2_33:
0x374: {  	[hbm4b:s11+s15] =	stream.strided.scatter [tilespmem:s1], [sflag:$0x2], $0x200, s16, s15, $0x38;
	[tilespmem:$0x11900] =	vst v63  }
0x375: {  	s2 =	smov.u32 s3;
	s1 =	smov.u32 s4;
	p0 =	sne.s32 s3, $0xD80  }
.Ltmp15:
0x376: {  	s3 =	sadd.s32 $0x80, s3;
	(pc) =	sbr.rel @p0 .LBB2_33-.Ltmp15, $2  }
0x377: {  	_ =	sdelay $0x2  }
0x378: {  	s4 =	sadd.s32 $0x200, s4;
	s11 =	sadd.s32 s2, s0  }
0x379: {  	[hbm4b:s11+s15] =	stream.strided.scatter [tilespmem:s1], [sflag:$0x2], $0x200, s16, s15, $0x38;
	[tilespmem:$0x11900] =	vst v63  }
0x37a: {  	s0 =	sadd.s32 s7, s12  }
0x37b: {  	s0 =	sor.u32 s18, s0  }
0x37c: {  	s1 =	simm.s32 $0xA800;
	_ =	swait.ge [sflag:s14], $0x3800;
	s0 =	sshrl.u32 s0, $0x3  }
0x37d: {  	s3 =	simm.s32 $0x80;
	[sflag:s14] =	ssyncset.done $0x0;
	s0 =	sadd.s32 s10, s0  }
0x37e: {  	s4 =	simm.s32 $0xAC00;
	[sflag:s14] =	ssyncadd.s32 $0xFFFFC800;
	s11 =	sadd.s32 $0x0, s0  }
.LBB2_35:
0x37f: {  	[hbm4b:s11+s15] =	stream.strided.scatter [tilespmem:s1], [sflag:$0x2], $0x400, s16, s15, $0x38;
	[tilespmem:$0x11900] =	vst v63  }
0x380: {  	s2 =	smov.u32 s3;
	s1 =	smov.u32 s4;
	p0 =	sne.s32 s3, $0xD80  }
.Ltmp16:
0x381: {  	s3 =	sadd.s32 $0x80, s3;
	(pc) =	sbr.rel @p0 .LBB2_35-.Ltmp16, $2  }
0x382: {  	_ =	sdelay $0x2  }
0x383: {  	s4 =	sadd.s32 $0x400, s4;
	s11 =	sadd.s32 s2, s0  }
0x384: {  	s5 =	sadd.s32 $0x1, s5  }
0x385: {  	p0 =	sne.s32 s5, $0xE  }
.Ltmp17:
0x386: {  	_ = 	snop;
	(pc) =	sbr.rel @p0 .LBB2_26-.Ltmp17, $4  }
0x387: {  	[hbm4b:s11+s15] =	stream.strided.scatter [tilespmem:s1], [sflag:$0x2], $0x400, s16, s15, $0x38;
	[tilespmem:$0x11900] =	vst v63  }
0x388: {  	_ =	swait.ge [sflag:s14], $0x7000  }
0x389: {  	[sflag:s14] =	ssyncset.done $0x0  }
0x38a: {  	[sflag:s14] =	ssyncadd.s32 $0xFFFF9000  }
0x38b: {  	v2 =	vimm.f32 $0.0e+00  }
0x38c: {  	s0 =	simm.s32 $0x0;
	v4 =	vimm.f32 $0.0e+00;
	v6 =	vimm.f32 $0.0e+00;
	v7 =	vimm.f32 $0.0e+00  }
.LBB2_38:
0x38d: {  	s1 =	sshrl.u32 s0, $0x3  }
0x38e: {  	s1 =	smul.u32 $0x7000, s1  }
0x38f: {  	s2 =	sshll.u32 s0, $0x7  }
0x390: {  	s2 =	sand.u32 $0x380, s2;
	s1 =	sadd.s32 s9, s1  }
0x391: {  	s1 =	sor.u32 s2, s1  }
0x392: {  	s1 =	sshrl.u32 s1, $0x3  }
0x393: {  	s3 =	simm.s32 $0x80;
	s1 =	sadd.s32 s8, s1  }
0x394: {  	s4 =	simm.s32 $0x200;
	s5 =	simm.s32 $0x0;
	s11 =	sadd.s32 $0x0, s1  }
.LBB2_39:
0x395: {  	[tilespmem:s5], [sflag:$0x1] =	stream.strided.gather [hbm4b:s11+s15], $0x200, s16, s15, $0x38;
	[tilespmem:$0x11900] =	vst v63  }
0x396: {  	s2 =	smov.u32 s3;
	s5 =	smov.u32 s4;
	p0 =	sne.s32 s3, $0xD80  }
.Ltmp18:
0x397: {  	s3 =	sadd.s32 $0x80, s3;
	(pc) =	sbr.rel @p0 .LBB2_39-.Ltmp18, $2  }
0x398: {  	_ =	sdelay $0x2  }
0x399: {  	s4 =	sadd.s32 $0x200, s4;
	s11 =	sadd.s32 s2, s1  }
0x39a: {  	[tilespmem:s5], [sflag:$0x1] =	stream.strided.gather [hbm4b:s11+s15], $0x200, s16, s15, $0x38;
	[tilespmem:$0x11900] =	vst v63  }
0x39b: {  	s1 =	simm.s32 $0x0;
	_ =	swait.ge [sflag:s17], $0x3800  }
0x39c: {  	s2 =	sand.u32 $0x70, s1;
	s3 =	sand.u32 $0x3E00, s1;
	[sflag:s17] =	ssyncset.done $0x0  }
0x39d: {  	s3 =	sor.u32 s2, s3;
	[sflag:s17] =	ssyncadd.s32 $0xFFFFC800  }
0x39e: {  	s4 =	simm.s32 $0x10;
	s5 =	simm.s32 $0x0;
	v0 =	vld [tilespmem:s3+$0x0]  }
.LBB2_41:
0x39f: {  	p0 =	sne.s32 s4, $0xDF0  }
.Ltmp19:
0x3a0: {  	_ = 	snop;
	(pc) =	sbr.rel @p0 .LBB2_41-.Ltmp19, $4  }
0x3a1: {  	s5 =	sadd.s32 $0x40, s5  }
0x3a2: {  	s2 =	sand.u32 $0x70, s4;
	s7 =	sand.u32 $0x3E00, s5  }
0x3a3: {  	s2 =	sor.u32 s2, s7  }
0x3a4: {  	s4 =	sadd.s32 $0x10, s4;
	v7 =	vadd.f32 v0, v7;
	v0 =	vld [tilespmem:s2+$0x0]  }
0x3a5: {  	_ =	sdelay $0x3  }
0x3a6: {  	s4 =	simm.s32 $0x10;
	v7 =	vadd.f32 v0, v7;
	v0 =	vld [tilespmem:s3+$0x80]  }
.LBB2_43:
0x3a7: {  	p0 =	sne.s32 s4, $0xDF0  }
.Ltmp20:
0x3a8: {  	_ = 	snop;
	(pc) =	sbr.rel @p0 .LBB2_43-.Ltmp20, $4  }
0x3a9: {  	s1 =	sadd.s32 $0x40, s1  }
0x3aa: {  	s2 =	sand.u32 $0x70, s4;
	s3 =	sand.u32 $0x3E00, s1  }
0x3ab: {  	s2 =	sor.u32 s2, s3  }
0x3ac: {  	s4 =	sadd.s32 $0x10, s4;
	v6 =	vadd.f32 v0, v6;
	v0 =	vld [tilespmem:s2+$0x80]  }
0x3ad: {  	_ = 	snop  }
0x3ae: {  	s1 =	simm.s32 $0x0  }
0x3af: {  	s2 =	sand.u32 $0x70, s1;
	s3 =	sand.u32 $0x3E00, s1  }
0x3b0: {  	s3 =	sor.u32 s2, s3  }
0x3b1: {  	s4 =	simm.s32 $0x10;
	s5 =	simm.s32 $0x0;
	v6 =	vadd.f32 v0, v6;
	v0 =	vld [tilespmem:s3+$0x100]  }
.LBB2_45:
0x3b2: {  	p0 =	sne.s32 s4, $0xDF0  }
.Ltmp21:
0x3b3: {  	_ = 	snop;
	(pc) =	sbr.rel @p0 .LBB2_45-.Ltmp21, $4  }
0x3b4: {  	s5 =	sadd.s32 $0x40, s5  }
0x3b5: {  	s2 =	sand.u32 $0x70, s4;
	s7 =	sand.u32 $0x3E00, s5  }
0x3b6: {  	s2 =	sor.u32 s2, s7  }
0x3b7: {  	s4 =	sadd.s32 $0x10, s4;
	v4 =	vadd.f32 v0, v4;
	v0 =	vld [tilespmem:s2+$0x100]  }
0x3b8: {  	_ =	sdelay $0x3  }
0x3b9: {  	s4 =	simm.s32 $0x10;
	v4 =	vadd.f32 v0, v4;
	v0 =	vld [tilespmem:s3+$0x180]  }
.LBB2_47:
0x3ba: {  	p0 =	sne.s32 s4, $0xDF0  }
.Ltmp22:
0x3bb: {  	_ = 	snop;
	(pc) =	sbr.rel @p0 .LBB2_47-.Ltmp22, $4  }
0x3bc: {  	s1 =	sadd.s32 $0x40, s1  }
0x3bd: {  	s2 =	sand.u32 $0x70, s4;
	s3 =	sand.u32 $0x3E00, s1  }
0x3be: {  	s2 =	sor.u32 s2, s3  }
0x3bf: {  	s4 =	sadd.s32 $0x10, s4;
	v2 =	vadd.f32 v0, v2;
	v0 =	vld [tilespmem:s2+$0x180]  }
0x3c0: {  	s0 =	sadd.s32 $0x1, s0  }
0x3c1: {  	p0 =	sne.s32 s0, $0xE  }
.Ltmp23:
0x3c2: {  	_ = 	snop;
	(pc) =	sbr.rel @p0 .LBB2_38-.Ltmp23, $2  }
0x3c3: {  	_ =	sdelay $0x2  }
0x3c4: {  	v2 =	vadd.f32 v0, v2  }
0x3c5: {  	v0 =	vimm.f32 $0.0e+00  }
0x3c6: {  	s0 =	simm.s32 $0x0;
	v1 =	vimm.f32 $0.0e+00;
	v3 =	vimm.f32 $0.0e+00;
	v5 =	vimm.f32 $0.0e+00  }
.LBB2_50:
0x3c7: {  	s1 =	sshrl.u32 s0, $0x3  }
0x3c8: {  	s1 =	smul.u32 $0x7000, s1  }
0x3c9: {  	s2 =	sshll.u32 s0, $0x7  }
0x3ca: {  	s2 =	sand.u32 $0x380, s2;
	s1 =	sadd.s32 s9, s1  }
0x3cb: {  	s1 =	sor.u32 s2, s1  }
0x3cc: {  	s1 =	sshrl.u32 s1, $0x3  }
0x3cd: {  	s3 =	simm.s32 $0x3800;
	s1 =	sadd.s32 s21, s1  }
0x3ce: {  	s4 =	simm.s32 $0x80;
	s5 =	simm.s32 $0x3A00;
	s11 =	sadd.s32 $0x0, s1  }
.LBB2_51:
0x3cf: {  	[tilespmem:s3], [sflag:$0x1] =	stream.strided.gather [hbm4b:s11+s15], $0x200, s16, s15, $0x38;
	[tilespmem:$0x11900] =	vst v63  }
0x3d0: {  	s2 =	smov.u32 s4;
	s3 =	smov.u32 s5;
	p0 =	sne.s32 s4, $0xD80  }
.Ltmp24:
0x3d1: {  	s4 =	sadd.s32 $0x80, s4;
	(pc) =	sbr.rel @p0 .LBB2_51-.Ltmp24, $2  }
0x3d2: {  	_ =	sdelay $0x2  }
0x3d3: {  	s5 =	sadd.s32 $0x200, s5;
	s11 =	sadd.s32 s2, s1  }
0x3d4: {  	[tilespmem:s3], [sflag:$0x1] =	stream.strided.gather [hbm4b:s11+s15], $0x200, s16, s15, $0x38;
	[tilespmem:$0x11900] =	vst v63  }
0x3d5: {  	s1 =	simm.s32 $0x0;
	_ =	swait.ge [sflag:s17], $0x3800  }
0x3d6: {  	s2 =	sand.u32 $0x70, s1;
	s31 =	sand.u32 $0x3E00, s1;
	[sflag:s17] =	ssyncset.done $0x0  }
0x3d7: {  	s3 =	sor.u32 s2, s31;
	[sflag:s17] =	ssyncadd.s32 $0xFFFFC800  }
0x3d8: {  	s4 =	simm.s32 $0x10;
	s5 =	simm.s32 $0x0;
	v8 =	vld [tilespmem:s3+$0x3800]  }
.LBB2_53:
0x3d9: {  	p0 =	sne.s32 s4, $0xDF0  }
.Ltmp25:
0x3da: {  	_ = 	snop;
	(pc) =	sbr.rel @p0 .LBB2_53-.Ltmp25, $4  }
0x3db: {  	s5 =	sadd.s32 $0x40, s5  }
0x3dc: {  	s2 =	sand.u32 $0x70, s4;
	s7 =	sand.u32 $0x3E00, s5  }
0x3dd: {  	s2 =	sor.u32 s2, s7  }
0x3de: {  	s4 =	sadd.s32 $0x10, s4;
	v5 =	vadd.f32 v8, v5;
	v8 =	vld [tilespmem:s2+$0x3800]  }
0x3df: {  	_ =	sdelay $0x3  }
0x3e0: {  	s4 =	simm.s32 $0x10;
	v5 =	vadd.f32 v8, v5;
	v8 =	vld [tilespmem:s3+$0x3880]  }
.LBB2_55:
0x3e1: {  	p0 =	sne.s32 s4, $0xDF0  }
.Ltmp26:
0x3e2: {  	_ = 	snop;
	(pc) =	sbr.rel @p0 .LBB2_55-.Ltmp26, $4  }
0x3e3: {  	s1 =	sadd.s32 $0x40, s1  }
0x3e4: {  	s2 =	sand.u32 $0x70, s4;
	s3 =	sand.u32 $0x3E00, s1  }
0x3e5: {  	s2 =	sor.u32 s2, s3  }
0x3e6: {  	s4 =	sadd.s32 $0x10, s4;
	v3 =	vadd.f32 v8, v3;
	v8 =	vld [tilespmem:s2+$0x3880]  }
0x3e7: {  	_ = 	snop  }
0x3e8: {  	s1 =	simm.s32 $0x0  }
0x3e9: {  	s2 =	sand.u32 $0x70, s1;
	s3 =	sand.u32 $0x3E00, s1  }
0x3ea: {  	s3 =	sor.u32 s2, s3  }
0x3eb: {  	s4 =	simm.s32 $0x10;
	s5 =	simm.s32 $0x0;
	v3 =	vadd.f32 v8, v3;
	v8 =	vld [tilespmem:s3+$0x3900]  }
.LBB2_57:
0x3ec: {  	p0 =	sne.s32 s4, $0xDF0  }
.Ltmp27:
0x3ed: {  	_ = 	snop;
	(pc) =	sbr.rel @p0 .LBB2_57-.Ltmp27, $4  }
0x3ee: {  	s5 =	sadd.s32 $0x40, s5  }
0x3ef: {  	s2 =	sand.u32 $0x70, s4;
	s7 =	sand.u32 $0x3E00, s5  }
0x3f0: {  	s2 =	sor.u32 s2, s7  }
0x3f1: {  	s4 =	sadd.s32 $0x10, s4;
	v1 =	vadd.f32 v8, v1;
	v8 =	vld [tilespmem:s2+$0x3900]  }
0x3f2: {  	_ =	sdelay $0x3  }
0x3f3: {  	s4 =	simm.s32 $0x10;
	v1 =	vadd.f32 v8, v1;
	v8 =	vld [tilespmem:s3+$0x3980]  }
.LBB2_59:
0x3f4: {  	p0 =	sne.s32 s4, $0xDF0  }
.Ltmp28:
0x3f5: {  	_ = 	snop;
	(pc) =	sbr.rel @p0 .LBB2_59-.Ltmp28, $4  }
0x3f6: {  	s1 =	sadd.s32 $0x40, s1  }
0x3f7: {  	s2 =	sand.u32 $0x70, s4;
	s3 =	sand.u32 $0x3E00, s1  }
0x3f8: {  	s2 =	sor.u32 s2, s3  }
0x3f9: {  	s4 =	sadd.s32 $0x10, s4;
	v0 =	vadd.f32 v8, v0;
	v8 =	vld [tilespmem:s2+$0x3980]  }
0x3fa: {  	s0 =	sadd.s32 $0x1, s0  }
0x3fb: {  	p0 =	sne.s32 s0, $0xE  }
.Ltmp29:
0x3fc: {  	_ = 	snop;
	(pc) =	sbr.rel @p0 .LBB2_50-.Ltmp29, $2  }
0x3fd: {  	_ =	sdelay $0x2  }
0x3fe: {  	v0 =	vadd.f32 v8, v0  }
0x3ff: {  	(v2sf) =	vpush v7, $0x0  }
0x400: {  	(v2sf) =	vpush v7, $0x1  }
0x401: {  	(v2sf) =	vpush v7, $0x2  }
0x402: {  	(v2sf) =	vpush v7, $0x3  }
0x403: {  	(v2sf) =	vpush v7, $0x4  }
0x404: {  	(v2sf) =	vpush v7, $0x5  }
0x405: {  	(v2sf) =	vpush v7, $0x6  }
0x406: {  	(v2sf) =	vpush v7, $0x7  }
0x407: {  	(v2sf) =	vpush v7, $0x8  }
0x408: {  	(v2sf) =	vpush v7, $0x9  }
0x409: {  	(v2sf) =	vpush v7, $0xA  }
0x40a: {  	(v2sf) =	vpush v7, $0xB  }
0x40b: {  	(v2sf) =	vpush v7, $0xC  }
0x40c: {  	(v2sf) =	vpush v7, $0xD  }
0x40d: {  	(v2sf) =	vpush v7, $0xE  }
0x40e: {  	(v2sf) =	vpush v7, $0xF  }
0x40f: {  	s0 =	spop (v2sf);
	(v2sf) =	vpush v6, $0x0  }
0x410: {  	s1 =	spop (v2sf);
	(v2sf) =	vpush v6, $0x1  }
0x411: {  	s2 =	spop (v2sf);
	(v2sf) =	vpush v6, $0x2  }
0x412: {  	s4 =	spop (v2sf);
	(v2sf) =	vpush v6, $0x3  }
0x413: {  	s5 =	spop (v2sf);
	(v2sf) =	vpush v6, $0x4  }
0x414: {  	s7 =	spop (v2sf);
	(v2sf) =	vpush v6, $0x5  }
0x415: {  	s8 =	spop (v2sf);
	(v2sf) =	vpush v6, $0x6  }
0x416: {  	s11 =	spop (v2sf);
	(v2sf) =	vpush v6, $0x7  }
0x417: {  	s12 =	spop (v2sf);
	(v2sf) =	vpush v6, $0x8  }
0x418: {  	s0 =	sadd.f32 s1, s0;
	s13 =	spop (v2sf);
	(v2sf) =	vpush v6, $0x9  }
0x419: {  	s18 =	spop (v2sf);
	(v2sf) =	vpush v6, $0xA  }
0x41a: {  	s2 =	sadd.f32 s0, s2;
	s19 =	spop (v2sf);
	(v2sf) =	vpush v6, $0xB  }
0x41b: {  	s20 =	spop (v2sf);
	(v2sf) =	vpush v6, $0xC  }
0x41c: {  	s2 =	sadd.f32 s2, s4;
	s1 =	spop (v2sf);
	(v2sf) =	vpush v6, $0xD  }
0x41d: {  	s3 =	spop (v2sf);
	(v2sf) =	vpush v6, $0xE  }
0x41e: {  	s2 =	sadd.f32 s2, s5;
	s0 =	spop (v2sf);
	(v2sf) =	vpush v6, $0xF  }
0x41f: {  	s21 =	spop (v2sf);
	(v2sf) =	vpush v4, $0x0  }
0x420: {  	s2 =	sadd.f32 s2, s7;
	s28 =	spop (v2sf);
	(v2sf) =	vpush v4, $0x1  }
0x421: {  	s22 =	spop (v2sf);
	(v2sf) =	vpush v4, $0x2  }
0x422: {  	s2 =	sadd.f32 s2, s8;
	s29 =	spop (v2sf);
	(v2sf) =	vpush v4, $0x3  }
0x423: {  	s23 =	spop (v2sf);
	(v2sf) =	vpush v4, $0x4  }
0x424: {  	s2 =	sadd.f32 s2, s11;
	s30 =	spop (v2sf);
	(v2sf) =	vpush v4, $0x5  }
0x425: {  	s24 =	spop (v2sf);
	(v2sf) =	vpush v4, $0x6  }
0x426: {  	s2 =	sadd.f32 s2, s12;
	s31 =	spop (v2sf);
	(v2sf) =	vpush v4, $0x7  }
0x427: {  	s4 =	sadd.f32 s28, s21;
	s26 =	spop (v2sf);
	(v2sf) =	vpush v4, $0x8  }
0x428: {  	s2 =	sadd.f32 s2, s13;
	s28 =	spop (v2sf);
	(v2sf) =	vpush v4, $0x9  }
0x429: {  	s4 =	sadd.f32 s4, s22;
	s10 =	spop (v2sf);
	(v2sf) =	vpush v4, $0xA  }
0x42a: {  	s2 =	sadd.f32 s2, s18;
	s12 =	spop (v2sf);
	(v2sf) =	vpush v4, $0xB  }
0x42b: {  	s4 =	sadd.f32 s4, s29;
	s25 =	spop (v2sf);
	(v2sf) =	vpush v4, $0xC  }
0x42c: {  	s2 =	sadd.f32 s2, s19;
	s13 =	spop (v2sf);
	(v2sf) =	vpush v4, $0xD  }
0x42d: {  	s4 =	sadd.f32 s4, s23;
	s23 =	spop (v2sf);
	(v2sf) =	vpush v4, $0xE  }
0x42e: {  	s2 =	sadd.f32 s2, s20;
	s18 =	spop (v2sf);
	(v2sf) =	vpush v4, $0xF  }
0x42f: {  	s4 =	sadd.f32 s4, s30;
	s7 =	spop (v2sf);
	(v2sf) =	vpush v2, $0x0  }
0x430: {  	s1 =	sadd.f32 s2, s1;
	s19 =	spop (v2sf);
	(v2sf) =	vpush v2, $0x1  }
0x431: {  	s4 =	sadd.f32 s4, s24;
	s29 =	spop (v2sf);
	(v2sf) =	vpush v2, $0x2  }
0x432: {  	s1 =	sadd.f32 s1, s3;
	s30 =	spop (v2sf);
	(v2sf) =	vpush v2, $0x3  }
0x433: {  	s4 =	sadd.f32 s4, s31;
	s31 =	spop (v2sf);
	(v2sf) =	vpush v2, $0x4  }
0x434: {  	s5 =	sadd.f32 s1, s0;
	s2 =	spop (v2sf);
	(v2sf) =	vpush v2, $0x5  }
0x435: {  	s4 =	sadd.f32 s4, s26;
	s21 =	spop (v2sf)  }
0x436: {  	s19 =	sadd.f32 s19, s7;
	(v2sf) =	vpush v2, $0x6;
	s26 =	spop (v2sf)  }
0x437: {  	s4 =	sadd.f32 s4, s28;
	(v2sf) =	vpush v2, $0x7;
	s11 =	spop (v2sf)  }
0x438: {  	s24 =	sadd.f32 s19, s29;
	(v2sf) =	vpush v2, $0x8;
	s28 =	spop (v2sf)  }
0x439: {  	s10 =	sadd.f32 s4, s10;
	(v2sf) =	vpush v2, $0x9;
	s22 =	spop (v2sf)  }
0x43a: {  	s29 =	sadd.f32 s24, s30;
	(v2sf) =	vpush v2, $0xA;
	s7 =	spop (v2sf)  }
0x43b: {  	s0 =	sadd.f32 s10, s12;
	(v2sf) =	vpush v2, $0xB;
	s12 =	spop (v2sf)  }
0x43c: {  	s8 =	sadd.f32 s29, s31;
	(v2sf) =	vpush v2, $0xC;
	s1 =	spop (v2sf)  }
0x43d: {  	s0 =	sadd.f32 s0, s25;
	(v2sf) =	vpush v2, $0xD;
	s4 =	spop (v2sf)  }
0x43e: {  	s2 =	sadd.f32 s8, s2;
	(v2sf) =	vpush v2, $0xE;
	s3 =	spop (v2sf)  }
0x43f: {  	s0 =	sadd.f32 s0, s13;
	(v2sf) =	vpush v2, $0xF;
	s30 =	spop (v2sf)  }
0x440: {  	s2 =	sadd.f32 s2, s21;
	(v2sf) =	vpush v5, $0x0;
	s31 =	spop (v2sf)  }
0x441: {  	s0 =	sadd.f32 s0, s23;
	(v2sf) =	vpush v5, $0x1;
	s10 =	spop (v2sf)  }
0x442: {  	s2 =	sadd.f32 s2, s26;
	(v2sf) =	vpush v5, $0x2;
	s24 =	spop (v2sf)  }
0x443: {  	s0 =	sadd.f32 s0, s18;
	(v2sf) =	vpush v5, $0x3;
	s23 =	spop (v2sf)  }
0x444: {  	s2 =	sadd.f32 s2, s11;
	(v2sf) =	vpush v5, $0x4;
	s29 =	spop (v2sf)  }
0x445: {  	s13 =	sadd.f32 s31, s30;
	(v2sf) =	vpush v5, $0x5;
	s30 =	spop (v2sf)  }
0x446: {  	s2 =	sadd.f32 s2, s28;
	(v2sf) =	vpush v5, $0x6;
	s31 =	spop (v2sf)  }
0x447: {  	s13 =	sadd.f32 s13, s10;
	(v2sf) =	vpush v5, $0x7;
	s10 =	spop (v2sf)  }
0x448: {  	s2 =	sadd.f32 s2, s22;
	(v2sf) =	vpush v5, $0x8;
	s25 =	spop (v2sf)  }
0x449: {  	s8 =	sadd.f32 s13, s24;
	(v2sf) =	vpush v5, $0x9;
	s26 =	spop (v2sf)  }
0x44a: {  	s2 =	sadd.f32 s2, s7;
	(v2sf) =	vpush v5, $0xA;
	s24 =	spop (v2sf)  }
0x44b: {  	s8 =	sadd.f32 s8, s23;
	(v2sf) =	vpush v5, $0xB;
	s18 =	spop (v2sf)  }
0x44c: {  	s2 =	sadd.f32 s2, s12;
	(v2sf) =	vpush v5, $0xC;
	s22 =	spop (v2sf)  }
0x44d: {  	s8 =	sadd.f32 s8, s29;
	(v2sf) =	vpush v5, $0xD;
	s21 =	spop (v2sf)  }
0x44e: {  	s1 =	sadd.f32 s2, s1;
	(v2sf) =	vpush v5, $0xE;
	s7 =	spop (v2sf)  }
0x44f: {  	s8 =	sadd.f32 s8, s30;
	(v2sf) =	vpush v5, $0xF;
	s19 =	spop (v2sf)  }
0x450: {  	s1 =	sadd.f32 s1, s4;
	(v2sf) =	vpush v3, $0x0;
	s12 =	spop (v2sf)  }
0x451: {  	s8 =	sadd.f32 s8, s31;
	(v2sf) =	vpush v3, $0x1;
	s28 =	spop (v2sf)  }
0x452: {  	s3 =	sadd.f32 s1, s3;
	(v2sf) =	vpush v3, $0x2;
	s29 =	spop (v2sf)  }
0x453: {  	s8 =	sadd.f32 s8, s10;
	(v2sf) =	vpush v3, $0x3;
	s30 =	spop (v2sf)  }
0x454: {  	s12 =	sadd.f32 s12, s19;
	(v2sf) =	vpush v3, $0x4;
	s31 =	spop (v2sf)  }
0x455: {  	s8 =	sadd.f32 s8, s25;
	(v2sf) =	vpush v3, $0x5;
	s10 =	spop (v2sf)  }
0x456: {  	s12 =	sadd.f32 s12, s28;
	(v2sf) =	vpush v3, $0x6;
	s25 =	spop (v2sf)  }
0x457: {  	s26 =	sadd.f32 s8, s26;
	(v2sf) =	vpush v3, $0x7;
	s8 =	spop (v2sf)  }
0x458: {  	s2 =	sadd.f32 s12, s29;
	(v2sf) =	vpush v3, $0x8;
	s13 =	spop (v2sf)  }
0x459: {  	s1 =	sadd.f32 s26, s24;
	(v2sf) =	vpush v3, $0x9;
	s19 =	spop (v2sf)  }
0x45a: {  	s2 =	sadd.f32 s2, s30;
	(v2sf) =	vpush v3, $0xA;
	s23 =	spop (v2sf)  }
0x45b: {  	s1 =	sadd.f32 s1, s18;
	(v2sf) =	vpush v3, $0xB;
	s18 =	spop (v2sf)  }
0x45c: {  	s2 =	sadd.f32 s2, s31;
	(v2sf) =	vpush v3, $0xC;
	s12 =	spop (v2sf)  }
0x45d: {  	s22 =	sadd.f32 s1, s22;
	(v2sf) =	vpush v3, $0xD;
	s24 =	spop (v2sf)  }
0x45e: {  	s2 =	sadd.f32 s2, s10;
	(v2sf) =	vpush v3, $0xE;
	s1 =	spop (v2sf)  }
0x45f: {  	s28 =	sadd.f32 s22, s21;
	(v2sf) =	vpush v3, $0xF;
	s29 =	spop (v2sf)  }
0x460: {  	s2 =	sadd.f32 s2, s25;
	(v2sf) =	vpush v1, $0x0;
	s30 =	spop (v2sf)  }
0x461: {  	s4 =	sadd.f32 s28, s7;
	(v2sf) =	vpush v1, $0x1;
	s31 =	spop (v2sf)  }
0x462: {  	s2 =	sadd.f32 s2, s8;
	(v2sf) =	vpush v1, $0x2;
	s10 =	spop (v2sf)  }
0x463: {  	s21 =	sadd.f32 s30, s29;
	(v2sf) =	vpush v1, $0x3;
	s22 =	spop (v2sf)  }
0x464: {  	s2 =	sadd.f32 s2, s13;
	(v2sf) =	vpush v1, $0x4;
	s26 =	spop (v2sf)  }
0x465: {  	s7 =	sadd.f32 s21, s31;
	(v2sf) =	vpush v1, $0x5;
	s28 =	spop (v2sf)  }
0x466: {  	s2 =	sadd.f32 s2, s19;
	(v2sf) =	vpush v1, $0x6;
	s29 =	spop (v2sf)  }
0x467: {  	s7 =	sadd.f32 s7, s10;
	(v2sf) =	vpush v1, $0x7;
	s30 =	spop (v2sf)  }
0x468: {  	s2 =	sadd.f32 s2, s23;
	(v2sf) =	vpush v1, $0x8;
	s31 =	spop (v2sf)  }
0x469: {  	s7 =	sadd.f32 s7, s22;
	(v2sf) =	vpush v1, $0x9;
	s10 =	spop (v2sf)  }
0x46a: {  	s2 =	sadd.f32 s2, s18;
	(v2sf) =	vpush v1, $0xA;
	s19 =	spop (v2sf)  }
0x46b: {  	s7 =	sadd.f32 s7, s26;
	(v2sf) =	vpush v1, $0xB;
	s22 =	spop (v2sf)  }
0x46c: {  	s2 =	sadd.f32 s2, s12;
	(v2sf) =	vpush v1, $0xC;
	s23 =	spop (v2sf)  }
0x46d: {  	s7 =	sadd.f32 s7, s28;
	(v2sf) =	vpush v1, $0xD;
	s20 =	spop (v2sf)  }
0x46e: {  	s2 =	sadd.f32 s2, s24;
	(v2sf) =	vpush v1, $0xE;
	s18 =	spop (v2sf)  }
0x46f: {  	s7 =	sadd.f32 s7, s29;
	(v2sf) =	vpush v1, $0xF;
	s25 =	spop (v2sf)  }
0x470: {  	s11 =	sadd.f32 s2, s1;
	(v2sf) =	vpush v0, $0x0;
	s26 =	spop (v2sf)  }
0x471: {  	s7 =	sadd.f32 s7, s30;
	(v2sf) =	vpush v0, $0x1;
	s28 =	spop (v2sf)  }
0x472: {  	s8 =	sadd.f32 s26, s25;
	s29 =	spop (v2sf)  }
0x473: {  	s7 =	sadd.f32 s7, s31;
	s30 =	spop (v2sf)  }
0x474: {  	(v2sf) =	vpush v0, $0x2;
	s8 =	sadd.f32 s8, s28;
	s31 =	spop (v2sf)  }
0x475: {  	s7 =	sadd.f32 s7, s10;
	s10 =	spop (v2sf)  }
0x476: {  	(v2sf) =	vpush v0, $0x3;
	s8 =	sadd.f32 s8, s29;
	s12 =	spop (v2sf)  }
0x477: {  	s2 =	sadd.f32 s7, s19;
	s19 =	spop (v2sf)  }
0x478: {  	(v2sf) =	vpush v0, $0x4;
	s8 =	sadd.f32 s8, s30;
	s21 =	spop (v2sf)  }
0x479: {  	s2 =	sadd.f32 s2, s22;
	s22 =	spop (v2sf)  }
0x47a: {  	s8 =	sadd.f32 s8, s31;
	s25 =	spop (v2sf)  }
0x47b: {  	s2 =	sadd.f32 s2, s23;
	s26 =	spop (v2sf)  }
0x47c: {  	s7 =	sadd.f32 s8, s10;
	s28 =	spop (v2sf)  }
0x47d: {  	(v2sf) =	vpush v0, $0x5;
	s2 =	sadd.f32 s2, s20;
	s29 =	spop (v2sf)  }
0x47e: {  	s7 =	sadd.f32 s7, s12;
	s30 =	spop (v2sf)  }
0x47f: {  	(v2sf) =	vpush v0, $0x6;
	s1 =	sadd.f32 s2, s18;
	s31 =	spop (v2sf)  }
0x480: {  	s7 =	sadd.f32 s7, s19;
	s10 =	spop (v2sf)  }
0x481: {  	(v2sf) =	vpush v0, $0x7;
	s2 =	sadd.f32 s10, s31  }
0x482: {  	s7 =	sadd.f32 s7, s21  }
0x483: {  	s18 =	spop (v2sf);
	s10 =	sld [smem:$0x73A]  }
0x484: {  	s5 =	smul.f32 $1.992984650e-05, s5;
	(v2sf) =	vpush v0, $0x8;
	s2 =	sadd.f32 s2, s18  }
0x485: {  	s19 =	spop (v2sf);
	s7 =	sadd.f32 s7, s22  }
0x486: {  	(v2sf) =	vpush v0, $0x9;
	s31 =	smul.f32 $1.992984650e-05, s11;
	s2 =	sadd.f32 s2, s19  }
0x487: {  	s21 =	spop (v2sf);
	s19 =	rddreg [dreg:$0x17]  }
0x488: {  	s7 =	sadd.f32 s7, s25;
	s20 =	smul.f32 s5, s19  }
0x489: {  	s12 =	smul.f32 s31, s19;
	s19 =	rddreg [dreg:$0xd]  }
0x48a: {  	s2 =	sadd.f32 s2, s21  }
0x48b: {  	(v2sf) =	vpush v0, $0xA;
	s7 =	sadd.f32 s7, s26  }
0x48c: {  	s22 =	spop (v2sf);
	s21 =	rddreg [dreg:$0x10]  }
0x48d: {  	s2 =	sadd.f32 s2, s22  }
0x48e: {  	(v2sf) =	vpush v0, $0xB;
	s24 =	spop (v2sf);
	s7 =	sadd.f32 s7, s28  }
0x48f: {  	s0 =	smul.f32 $1.992984650e-05, s0;
	s2 =	sadd.f32 s2, s24  }
0x490: {  	(v2sf) =	vpush v0, $0xC;
	s26 =	spop (v2sf);
	s7 =	sadd.f32 s7, s29  }
0x491: {  	s1 =	smul.f32 $1.992984650e-05, s1;
	s2 =	sadd.f32 s2, s26  }
0x492: {  	s8 =	smul.f32 s31, s10;
	s7 =	sadd.f32 s7, s30  }
0x493: {  	s28 =	spop (v2sf);
	s26 =	rddreg [dreg:$0xf]  }
0x494: {  	(v2sf) =	vpush v0, $0xD;
	s5 =	smul.f32 s5, s10;
	s2 =	sadd.f32 s2, s28  }
0x495: {  	s29 =	spop (v2sf);
	s28 =	smul.f32 s0, s26  }
0x496: {  	s0 =	smul.f32 s0, s21;
	s2 =	sadd.f32 s2, s29  }
0x497: {  	(v2sf) =	vpush v0, $0xE;
	s26 =	smul.f32 s1, s26;
	s11 =	sadd.f32 s28, s20  }
0x498: {  	s1 =	smul.f32 s1, s21;
	s0 =	sadd.f32 s0, s5  }
0x499: {  	s3 =	smul.f32 $1.992984650e-05, s3;
	s28 =	rddreg [dreg:$0x15]  }
0x49a: {  	s30 =	spop (v2sf);
	s1 =	sadd.f32 s1, s8  }
0x49b: {  	(v2sf) =	vpush v0, $0xF;
	s29 =	smul.f32 s3, s19;
	s8 =	rddreg [dreg:$0xe]  }
0x49c: {  	s2 =	sadd.f32 s2, s30  }
0x49d: {  	s18 =	spop (v2sf);
	s30 =	sadd.f32 s29, s11  }
0x49e: {  	s4 =	smul.f32 $1.992984650e-05, s4;
	s2 =	sadd.f32 s2, s18  }
0x49f: {  	s22 =	spop (v2sf);
	s18 =	rddreg [dreg:$0xc]  }
0x4a0: {  	s31 =	smul.f32 s4, s18;
	s2 =	sadd.f32 s2, s22  }
0x4a1: {  	s22 =	rddreg [dreg:$0x11]  }
0x4a2: {  	s11 =	sadd.f32 s31, s30  }
0x4a3: {  	s23 =	spop (v2sf);
	s30 =	rddreg [dreg:$0x13]  }
0x4a4: {  	s3 =	smul.f32 s3, s22;
	s2 =	sadd.f32 s2, s23  }
0x4a5: {  	s13 =	smul.f32 $1.992984650e-05, s7;
	s23 =	rddreg [dreg:$0x12]  }
0x4a6: {  	s24 =	spop (v2sf);
	s0 =	sadd.f32 s3, s0  }
0x4a7: {  	s3 =	smul.f32 s13, s22;
	s22 =	rddreg [dreg:$0x16]  }
0x4a8: {  	s2 =	sadd.f32 s2, s24  }
0x4a9: {  	s24 =	rddreg [dreg:$0x14]  }
0x4aa: {  	s25 =	spop (v2sf);
	s1 =	sadd.f32 s3, s1  }
0x4ab: {  	s10 =	smul.f32 s4, s24;
	s2 =	sadd.f32 s2, s25  }
0x4ac: {  	s25 =	rddreg [dreg:$0xb]  }
0x4ad: {  	s0 =	sadd.f32 s10, s0  }
0x4ae: {  	s4 =	sadd.f32 s11, s25  }
0x4af: {  	s11 =	sld [smem:$0x73E]  }
0x4b0: {  	s10 =	smul.f32 s13, s19;
	s13 =	sld [smem:$0x740]  }
0x4b1: {  	s5 =	sadd.f32 s0, s23  }
0x4b2: {  	s2 =	smul.f32 $1.992984650e-05, s2;
	s0 =	sadd.f32 s26, s12  }
0x4b3: {  	s26 =	rddreg [dreg:$0x1c]  }
0x4b4: {  	s12 =	smul.f32 s2, s18;
	s18 =	rddreg [dreg:$0x18]  }
0x4b5: {  	s2 =	smul.f32 s2, s24;
	s24 =	rddreg [dreg:$0x1a]  }
0x4b6: {  	s29 =	smul.f32 s4, s28;
	s0 =	sadd.f32 s10, s0  }
0x4b7: {  	s31 =	smul.f32 s5, s30;
	s10 =	sld [smem:$0x73D]  }
0x4b8: {  	s1 =	sadd.f32 s2, s1  }
0x4b9: {  	s7 =	sadd.f32 s31, s29  }
0x4ba: {  	s0 =	sadd.f32 s12, s0  }
0x4bb: {  	s29 =	rddreg [dreg:$0x1e]  }
0x4bc: {  	s3 =	smul.f32 s5, s22;
	s31 =	sld [smem:$0x73C]  }
0x4bd: {  	s2 =	smul.f32 s4, s18;
	s12 =	sld [smem:$0x73F]  }
0x4be: {  	s1 =	sadd.f32 s1, s23  }
0x4bf: {  	s2 =	sadd.f32 s3, s2  }
0x4c0: {  	s0 =	sadd.f32 s0, s25  }
0x4c1: {  	s19 =	sadd.f32 s7, s8  }
0x4c2: {  	s25 =	rddreg [dreg:$0x1b]  }
0x4c3: {  	s23 =	smul.f32 s1, s30;
	s30 =	rddreg [dreg:$0x1f]  }
0x4c4: {  	s20 =	smul.f32 s1, s22;
	s22 =	sld [smem:$0x743]  }
0x4c5: {  	s21 =	smul.f32 s0, s28;
	s28 =	rddreg [dreg:$0x1d]  }
0x4c6: {  	s0 =	smul.f32 s0, s18;
	s18 =	sld [smem:$0x741]  }
0x4c7: {  	p0 =	sgt.f32 s19, $0.0e+00;
	s19 =	sld [smem:$0x742]  }
0x4c8: {  	s21 =	sadd.f32 s23, s21  }
0x4c9: {  	s23 =	sld [smem:$0x744]  }
0x4ca: {  	s7 =	simm.f32 $1.000000000e+00;
	s0 =	sadd.f32 s20, s0  }
0x4cb: {  	s7 =	simm.s32 @!p0 $0x0;
	s20 =	sld [smem:$0x783]  }
0x4cc: {  	s1 =	smul.f32 s7, s24;
	s24 =	sld [smem:$0x745]  }
0x4cd: {  	s4 =	smul.f32 s7, s22;
	s22 =	sld [smem:$0x751]  }
0x4ce: {  	[smem:$0x6F5] =	sst s1  }
0x4cf: {  	s1 =	smul.f32 s7, s25;
	[smem:$0x708] =	sst s4  }
0x4d0: {  	s4 =	smul.f32 s7, s23;
	s25 =	sld [smem:$0x746]  }
0x4d1: {  	[smem:$0x6F6] =	sst s1;
	s1 =	smul.f32 s7, s26  }
0x4d2: {  	[smem:$0x709] =	sst s4  }
0x4d3: {  	[smem:$0x6F7] =	sst s1;
	s1 =	smul.f32 s7, s28  }
0x4d4: {  	s26 =	sld [smem:$0x747]  }
0x4d5: {  	[smem:$0x6F8] =	sst s1;
	s1 =	smul.f32 s7, s29  }
0x4d6: {  	s4 =	smul.f32 s7, s24;
	s24 =	sld [smem:$0x752]  }
0x4d7: {  	[smem:$0x6FA] =	sst s1;
	s1 =	smul.f32 s7, s30  }
0x4d8: {  	[smem:$0x70A] =	sst s4  }
0x4d9: {  	[smem:$0x6FB] =	sst s1;
	s1 =	smul.f32 s7, s31  }
0x4da: {  	s28 =	sld [smem:$0x748]  }
0x4db: {  	[smem:$0x6FC] =	sst s1;
	s1 =	smul.f32 s7, s10  }
0x4dc: {  	s29 =	sld [smem:$0x749]  }
0x4dd: {  	[smem:$0x6FD] =	sst s1;
	s1 =	smul.f32 s7, s11  }
0x4de: {  	s30 =	sld [smem:$0x74A]  }
0x4df: {  	[smem:$0x6FF] =	sst s1;
	s1 =	smul.f32 s7, s12  }
0x4e0: {  	s4 =	smul.f32 s7, s29;
	s31 =	sld [smem:$0x74B]  }
0x4e1: {  	[smem:$0x700] =	sst s1;
	s1 =	smul.f32 s7, s13  }
0x4e2: {  	[smem:$0x707] =	sst s4  }
0x4e3: {  	[smem:$0x701] =	sst s1;
	s1 =	smul.f32 s7, s18  }
0x4e4: {  	s11 =	sld [smem:$0x74E]  }
0x4e5: {  	s10 =	smul.f32 s7, s19;
	[smem:$0x702] =	sst s1  }
0x4e6: {  	s1 =	sadd.f32 s21, s8  }
0x4e7: {  	v26 =	vmov s10;
	s10 =	sld [smem:$0x709]  }
0x4e8: {  	p0 =	sgt.f32 s1, $0.0e+00;
	s1 =	smul.f32 s7, s26  }
0x4e9: {  	s13 =	sld [smem:$0x74F]  }
0x4ea: {  	[smem:$0x6F9] =	sst s1;
	s1 =	smul.f32 s7, s28  }
0x4eb: {  	s8 =	sld [smem:$0x74D]  }
0x4ec: {  	[smem:$0x6FE] =	sst s1;
	s1 =	simm.f32 $1.000000000e+00  }
0x4ed: {  	s18 =	smul.f32 s7, s25;
	s7 =	sld [smem:$0x74C];
	s1 =	simm.s32 @!p0 $0x0  }
0x4ee: {  	s21 =	sld [smem:$0x750];
	s5 =	smul.f32 s1, s30  }
0x4ef: {  	s28 =	sld [smem:$0x753];
	s12 =	smul.f32 s1, s31  }
0x4f0: {  	s19 =	smul.f32 s1, s7;
	s30 =	sld [smem:$0x754]  }
0x4f1: {  	s23 =	smul.f32 s1, s8;
	s7 =	sld [smem:$0x755]  }
0x4f2: {  	s25 =	smul.f32 s1, s11;
	s8 =	sld [smem:$0x756]  }
0x4f3: {  	s26 =	smul.f32 s1, s13;
	s11 =	sld [smem:$0x757]  }
0x4f4: {  	s31 =	smul.f32 s1, s21;
	s13 =	sld [smem:$0x758]  }
0x4f5: {  	s29 =	smul.f32 s1, s22;
	s21 =	sld [smem:$0x759]  }
0x4f6: {  	s4 =	smul.f32 s1, s24;
	s22 =	sld [smem:$0x75A]  }
0x4f7: {  	s24 =	sld [smem:$0x75B]  }
0x4f8: {  	[smem:$0x703] =	sst s4  }
0x4f9: {  	s4 =	smul.f32 s1, s28;
	s28 =	sld [smem:$0x75C]  }
0x4fa: {  	v57 =	vmov s19;
	s19 =	sld [smem:$0x6F9]  }
0x4fb: {  	v7 =	vmov s23;
	s23 =	sld [smem:$0x6FA]  }
0x4fc: {  	v15 =	vmov s29;
	s29 =	sld [smem:$0x701]  }
0x4fd: {  	v59 =	vmov s31;
	s31 =	sld [smem:$0x7AC]  }
0x4fe: {  	s3 =	smul.f32 s1, s11;
	[smem:$0x704] =	sst s4  }
0x4ff: {  	s4 =	smul.f32 s1, s30;
	s30 =	sld [smem:$0x75D]  }
0x500: {  	[smem:$0x70C] =	sst s3  }
0x501: {  	s3 =	smul.f32 s1, s13;
	s13 =	sld [smem:$0x75E]  }
0x502: {  	s11 =	smul.f32 s1, s28;
	s28 =	sld [smem:$0x762]  }
0x503: {  	v6 =	vmov s23;
	s23 =	sld [smem:$0x6FD]  }
0x504: {  	[smem:$0x705] =	sst s4;
	s4 =	smul.f32 s1, s7  }
0x505: {  	s7 =	smul.f32 s1, s22;
	s22 =	sld [smem:$0x760]  }
0x506: {  	[smem:$0x70D] =	sst s3  }
0x507: {  	s3 =	smul.f32 s1, s21;
	s21 =	sld [smem:$0x75F]  }
0x508: {  	[smem:$0x706] =	sst s4  }
0x509: {  	s4 =	smul.f32 s1, s8;
	s8 =	rddreg [dreg:$0xa]  }
0x50a: {  	v8 =	vmov s23;
	s23 =	sld [smem:$0x6FF]  }
0x50b: {  	s2 =	sadd.f32 s2, s8  }
0x50c: {  	[smem:$0x70E] =	sst s3  }
0x50d: {  	s3 =	smul.f32 s1, s24;
	s24 =	sld [smem:$0x761]  }
0x50e: {  	s0 =	sadd.f32 s0, s8  }
0x50f: {  	s8 =	sld [smem:$0x781];
	p0 =	sgt.f32 s2, $0.0e+00  }
0x510: {  	[smem:$0x70B] =	sst s4;
	s2 =	simm.f32 $1.000000000e+00  }
0x511: {  	s30 =	smul.f32 s1, s30;
	s4 =	sld [smem:$0x763];
	s2 =	simm.s32 @!p0 $0x0  }
0x512: {  	v17 =	vmov s23;
	s23 =	sld [smem:$0x703];
	s1 =	smul.f32 s2, s13  }
0x513: {  	p0 =	sgt.f32 s0, $0.0e+00;
	s13 =	sld [smem:$0x764]  }
0x514: {  	s0 =	smul.f32 s2, s20;
	[smem:$0x70F] =	sst s1  }
0x515: {  	s1 =	smul.f32 s2, s21;
	s21 =	sld [smem:$0x765]  }
0x516: {  	[smem:$0x726] =	sst s0  }
0x517: {  	[smem:$0x710] =	sst s1;
	s1 =	smul.f32 s2, s22  }
0x518: {  	s22 =	sld [smem:$0x766]  }
0x519: {  	[smem:$0x711] =	sst s1;
	s1 =	smul.f32 s2, s24  }
0x51a: {  	s24 =	sld [smem:$0x767]  }
0x51b: {  	[smem:$0x712] =	sst s1;
	s1 =	smul.f32 s2, s28  }
0x51c: {  	s28 =	sld [smem:$0x768]  }
0x51d: {  	[smem:$0x713] =	sst s1;
	s1 =	smul.f32 s2, s4  }
0x51e: {  	s4 =	sld [smem:$0x769]  }
0x51f: {  	[smem:$0x714] =	sst s1;
	s1 =	smul.f32 s2, s13  }
0x520: {  	s13 =	sld [smem:$0x76A]  }
0x521: {  	[smem:$0x715] =	sst s1;
	s1 =	smul.f32 s2, s21  }
0x522: {  	s21 =	sld [smem:$0x76B]  }
0x523: {  	[smem:$0x716] =	sst s1;
	s1 =	smul.f32 s2, s22  }
0x524: {  	s22 =	sld [smem:$0x76C]  }
0x525: {  	[smem:$0x718] =	sst s1;
	s1 =	smul.f32 s2, s24  }
0x526: {  	s24 =	sld [smem:$0x76D]  }
0x527: {  	[smem:$0x719] =	sst s1;
	s1 =	smul.f32 s2, s28  }
0x528: {  	s28 =	sld [smem:$0x76E]  }
0x529: {  	[smem:$0x71A] =	sst s1;
	s1 =	smul.f32 s2, s4  }
0x52a: {  	s4 =	sld [smem:$0x76F]  }
0x52b: {  	[smem:$0x71B] =	sst s1;
	s1 =	smul.f32 s2, s13  }
0x52c: {  	s13 =	sld [smem:$0x770]  }
0x52d: {  	[smem:$0x71D] =	sst s1;
	s1 =	smul.f32 s2, s21  }
0x52e: {  	s21 =	sld [smem:$0x771]  }
0x52f: {  	[smem:$0x71E] =	sst s1;
	s1 =	smul.f32 s2, s22  }
0x530: {  	s22 =	sld [smem:$0x772]  }
0x531: {  	[smem:$0x71F] =	sst s1;
	s1 =	smul.f32 s2, s24  }
0x532: {  	s24 =	sld [smem:$0x773]  }
0x533: {  	[smem:$0x720] =	sst s1;
	s1 =	smul.f32 s2, s28  }
0x534: {  	s28 =	sld [smem:$0x774]  }
0x535: {  	[smem:$0x722] =	sst s1;
	s1 =	smul.f32 s2, s4  }
0x536: {  	s4 =	sld [smem:$0x775]  }
0x537: {  	[smem:$0x723] =	sst s1;
	s1 =	smul.f32 s2, s13  }
0x538: {  	s13 =	sld [smem:$0x776]  }
0x539: {  	[smem:$0x724] =	sst s1;
	s1 =	smul.f32 s2, s21  }
0x53a: {  	s21 =	sld [smem:$0x777]  }
0x53b: {  	[smem:$0x725] =	sst s1;
	s1 =	smul.f32 s2, s22  }
0x53c: {  	s22 =	sld [smem:$0x778]  }
0x53d: {  	[smem:$0x727] =	sst s1;
	s1 =	smul.f32 s2, s24  }
0x53e: {  	s24 =	sld [smem:$0x779]  }
0x53f: {  	[smem:$0x728] =	sst s1;
	s1 =	smul.f32 s2, s28  }
0x540: {  	s28 =	sld [smem:$0x77A]  }
0x541: {  	[smem:$0x729] =	sst s1;
	s1 =	smul.f32 s2, s4  }
0x542: {  	s4 =	sld [smem:$0x77B]  }
0x543: {  	[smem:$0x72A] =	sst s1;
	s1 =	smul.f32 s2, s13  }
0x544: {  	s13 =	sld [smem:$0x77C]  }
0x545: {  	[smem:$0x72C] =	sst s1;
	s1 =	smul.f32 s2, s21  }
0x546: {  	s21 =	sld [smem:$0x77D]  }
0x547: {  	[smem:$0x72D] =	sst s1;
	s1 =	smul.f32 s2, s22  }
0x548: {  	s22 =	sld [smem:$0x77E]  }
0x549: {  	[smem:$0x72E] =	sst s1;
	s1 =	smul.f32 s2, s24  }
0x54a: {  	s24 =	sld [smem:$0x77F]  }
0x54b: {  	[smem:$0x72F] =	sst s1;
	s1 =	smul.f32 s2, s28  }
0x54c: {  	s28 =	sld [smem:$0x780]  }
0x54d: {  	[smem:$0x731] =	sst s1;
	s1 =	smul.f32 s2, s4  }
0x54e: {  	s4 =	smul.f32 s2, s22;
	s22 =	sld [smem:$0x784]  }
0x54f: {  	[smem:$0x732] =	sst s1  }
0x550: {  	s1 =	smul.f32 s2, s13;
	s13 =	sld [smem:$0x782]  }
0x551: {  	s0 =	smul.f32 s2, s22;
	s22 =	sld [smem:$0x78C]  }
0x552: {  	[smem:$0x733] =	sst s1;
	s1 =	smul.f32 s2, s21  }
0x553: {  	s21 =	smul.f32 s2, s24;
	s24 =	sld [smem:$0x785]  }
0x554: {  	s20 =	simm.f32 $1.000000000e+00;
	[smem:$0x72B] =	sst s0  }
0x555: {  	s20 =	simm.s32 @!p0 $0x0;
	[smem:$0x734] =	sst s1;
	s1 =	smul.f32 s2, s28  }
0x556: {  	s28 =	sld [smem:$0x786];
	s22 =	smul.f32 s20, s22  }
0x557: {  	s0 =	smul.f32 s2, s24;
	[smem:$0x717] =	sst s1  }
0x558: {  	s1 =	smul.f32 s2, s8;
	s8 =	sld [smem:$0x789]  }
0x559: {  	v22 =	vmov s22;
	s22 =	sld [smem:$0x7CE]  }
0x55a: {  	[smem:$0x730] =	sst s0  }
0x55b: {  	[smem:$0x71C] =	sst s1;
	s1 =	smul.f32 s2, s13  }
0x55c: {  	s2 =	sld [smem:$0x788]  }
0x55d: {  	[smem:$0x721] =	sst s1  }
0x55e: {  	s28 =	smul.f32 s20, s28;
	s1 =	sld [smem:$0x787]  }
0x55f: {  	s13 =	sld [smem:$0x78A]  }
0x560: {  	v39 =	vmov s28;
	s28 =	sld [smem:$0x714];
	s0 =	smul.f32 s20, s2  }
0x561: {  	s2 =	sadd.f32 s7, s18;
	s24 =	smul.f32 s20, s1  }
0x562: {  	s1 =	smul.f32 s20, s8;
	s8 =	sld [smem:$0x6F5]  }
0x563: {  	s18 =	sld [smem:$0x6F6]  }
0x564: {  	s7 =	sld [smem:$0x796]  }
0x565: {  	v43 =	vmov s8;
	s8 =	sld [smem:$0x6F7]  }
0x566: {  	v60 =	vmov s28;
	s28 =	sld [smem:$0x7CF]  }
0x567: {  	v0 =	vmov s2;
	s2 =	sadd.f32 s3, s19  }
0x568: {  	s13 =	smul.f32 s20, s13;
	v2 =	vmov s8;
	s8 =	sld [smem:$0x6F8]  }
0x569: {  	s19 =	sld [smem:$0x79F]  }
0x56a: {  	v19 =	vmov s13;
	s13 =	sld [smem:$0x719]  }
0x56b: {  	v3 =	vmov s8;
	s8 =	sld [smem:$0x799]  }
0x56c: {  	v1 =	vmov s18;
	s18 =	sld [smem:$0x792]  }
0x56d: {  	v5 =	vmov s12;
	s12 =	smul.f32 s20, s7;
	s7 =	sld [smem:$0x6FB]  }
0x56e: {  	v55 =	vmov s5;
	s5 =	smul.f32 s20, s8;
	s8 =	sld [smem:$0x6FC]  }
0x56f: {  	v28 =	vmov s12;
	s12 =	sld [smem:$0x71E]  }
0x570: {  	s18 =	smul.f32 s20, s18;
	v9 =	vmov s7;
	s7 =	sld [smem:$0x7A6]  }
0x571: {  	[tilespmem:$0x1F7A0] =	vst v0;
	v0 =	vmov s8;
	s8 =	sld [smem:$0x6FE]  }
0x572: {  	v25 =	vmov s18;
	s18 =	sld [smem:$0x71A]  }
0x573: {  	[tilespmem:$0x1F7B0] =	vst v0;
	v0 =	vmov s26;
	s26 =	sld [smem:$0x7A3]  }
0x574: {  	[tilespmem:$0x1F7C0] =	vst v0;
	v0 =	vmov s2;
	s2 =	sadd.f32 s11, s8  }
0x575: {  	s8 =	sld [smem:$0x702]  }
0x576: {  	s3 =	smul.f32 s20, s19;
	[tilespmem:$0x1F7D0] =	vst v0;
	v0 =	vmov s29;
	s29 =	sld [smem:$0x7B0]  }
0x577: {  	s11 =	smul.f32 s20, s31;
	s31 =	sld [smem:$0x705]  }
0x578: {  	s19 =	smul.f32 s20, s26;
	s26 =	sld [smem:$0x700]  }
0x579: {  	v58 =	vmov s8;
	s8 =	sld [smem:$0x706]  }
0x57a: {  	v21 =	vmov s23;
	s23 =	smul.f32 s20, s29;
	s29 =	sld [smem:$0x707]  }
0x57b: {  	v61 =	vmov s31;
	s31 =	sld [smem:$0x708]  }
0x57c: {  	v18 =	vmov s26;
	s26 =	sld [smem:$0x704]  }
0x57d: {  	v12 =	vmov s25;
	s25 =	smul.f32 s20, s7;
	s7 =	sadd.f32 s30, s29  }
0x57e: {  	s29 =	sld [smem:$0x70A]  }
0x57f: {  	s30 =	sld [smem:$0x70B]  }
0x580: {  	v27 =	vmov s31;
	s31 =	sld [smem:$0x70C]  }
0x581: {  	[tilespmem:$0x1F7E0] =	vst v0;
	v0 =	vmov s26;
	s26 =	sld [smem:$0x7B3]  }
0x582: {  	[tilespmem:$0x1F7F0] =	vst v0;
	v0 =	vmov s2;
	v30 =	vmov s30;
	s30 =	sld [smem:$0x70D]  }
0x583: {  	[tilespmem:$0x1F800] =	vst v0;
	v0 =	vmov s10;
	s10 =	sld [smem:$0x7C0]  }
0x584: {  	s2 =	smul.f32 s20, s26;
	s26 =	sld [smem:$0x7B9]  }
0x585: {  	[tilespmem:$0x1F810] =	vst v0;
	v0 =	vmov s31;
	s31 =	sld [smem:$0x70E]  }
0x586: {  	v10 =	vmov s30;
	s30 =	sld [smem:$0x710]  }
0x587: {  	[tilespmem:$0x1F820] =	vst v0;
	v0 =	vmov s7;
	s7 =	smul.f32 s20, s10;
	s10 =	sld [smem:$0x7C7]  }
0x588: {  	v24 =	vmov s8;
	s8 =	smul.f32 s20, s26;
	s26 =	sld [smem:$0x7BD]  }
0x589: {  	v33 =	vmov s31;
	s31 =	sld [smem:$0x711]  }
0x58a: {  	v36 =	vmov s30;
	s30 =	sld [smem:$0x7C5]  }
0x58b: {  	v63 =	vmov s0;
	s0 =	smul.f32 s20, s10;
	s10 =	sld [smem:$0x724]  }
0x58c: {  	v62 =	vmov s29;
	[tilespmem:$0x1F830] =	vst v0;
	s29 =	smul.f32 s20, s26;
	v0 =	vmov s31;
	s26 =	sld [smem:$0x7C4]  }
0x58d: {  	[tilespmem:$0x1F840] =	vst v0;
	v0 =	vmov s24;
	s24 =	sld [smem:$0x713]  }
0x58e: {  	s4 =	sadd.f32 s29, s4  }
0x58f: {  	s29 =	sld [smem:$0x70F];
	s31 =	smul.f32 s20, s30  }
0x590: {  	s30 =	sld [smem:$0x7CB]  }
0x591: {  	v42 =	vmov s1;
	s1 =	sadd.f32 s31, s21  }
0x592: {  	[tilespmem:$0x1FA60] =	vst v63;
	s21 =	rddreg [dreg:$0x1]  }
0x593: {  	[tilespmem:$0x1F850] =	vst v0;
	s26 =	smul.f32 s20, s26;
	v54 =	vmov s4;
	v35 =	vmov s29;
	s29 =	sld [smem:$0x712]  }
0x594: {  	v41 =	vmov s24;
	s31 =	sld [smem:$0x716];
	[tilespmem:$0x1FA70] =	vst v54  }
0x595: {  	v11 =	vmov s26;
	s26 =	sld [smem:$0x729];
	[tilespmem:$0x1FA80] =	vst v41  }
0x596: {  	s4 =	smul.f32 s20, s30;
	v52 =	vmov s1;
	[tilespmem:$0x1F980] =	vst v11;
	v38 =	vmov s29;
	s29 =	sld [smem:$0x715]  }
0x597: {  	s24 =	smul.f32 s20, s22;
	s22 =	sld [smem:$0x7D4];
	v11 =	vmov s0;
	[tilespmem:$0x1FA90] =	vst v52  }
0x598: {  	s1 =	smul.f32 s20, s28;
	v16 =	vmov s31;
	s31 =	sld [smem:$0x718];
	v14 =	vmov s4;
	[tilespmem:$0x1FAF0] =	vst v11  }
0x599: {  	[tilespmem:$0x1F990] =	vst v14;
	v23 =	vmov s26;
	v13 =	vmov s29;
	s29 =	sld [smem:$0x717]  }
0x59a: {  	s28 =	sld [smem:$0x7D6];
	v29 =	vmov s1;
	[tilespmem:$0x1F9B0] =	vst v23  }
0x59b: {  	[tilespmem:$0x1F9C0] =	vst v29;
	v0 =	vmov s31;
	s31 =	sld [smem:$0x71D]  }
0x59c: {  	[tilespmem:$0x1F860] =	vst v0;
	v0 =	vmov s13;
	s13 =	smul.f32 s20, s22;
	s30 =	sadd.f32 s24, s29  }
0x59d: {  	[tilespmem:$0x1F870] =	vst v0;
	v0 =	vmov s18;
	s24 =	sld [smem:$0x71B]  }
0x59e: {  	s22 =	sld [smem:$0x720];
	[tilespmem:$0x1F880] =	vst v0;
	v29 =	vmov s13  }
0x59f: {  	s29 =	sld [smem:$0x7D7];
	[tilespmem:$0x1FB30] =	vst v29;
	v56 =	vmov s30  }
0x5a0: {  	s18 =	sld [smem:$0x71F];
	v0 =	vmov s24;
	[tilespmem:$0x1FAA0] =	vst v56  }
0x5a1: {  	s13 =	sld [smem:$0x72E];
	[tilespmem:$0x1F890] =	vst v0;
	v0 =	vmov s5  }
0x5a2: {  	s30 =	sld [smem:$0x71C];
	s5 =	smul.f32 s20, s29;
	[tilespmem:$0x1F8A0] =	vst v0;
	v0 =	vmov s3  }
0x5a3: {  	s24 =	sld [smem:$0x7DE];
	[tilespmem:$0x1F8B0] =	vst v0;
	v0 =	vmov s19  }
0x5a4: {  	s29 =	sld [smem:$0x721];
	s3 =	smul.f32 s20, s28;
	v31 =	vmov s5;
	[tilespmem:$0x1F8C0] =	vst v0  }
0x5a5: {  	s28 =	sld [smem:$0x7DF];
	v0 =	vmov s25;
	[tilespmem:$0x1F9D0] =	vst v31  }
0x5a6: {  	s3 =	sadd.f32 s3, s30;
	[tilespmem:$0x1F8D0] =	vst v0;
	v0 =	vmov s31  }
0x5a7: {  	s25 =	smul.f32 s20, s24;
	s24 =	sld [smem:$0x727];
	[tilespmem:$0x1F8E0] =	vst v0;
	v0 =	vmov s12  }
0x5a8: {  	s30 =	sld [smem:$0x722];
	v51 =	vmov s3;
	[tilespmem:$0x1F8F0] =	vst v0  }
0x5a9: {  	s19 =	sld [smem:$0x7DC];
	v0 =	vmov s18;
	[tilespmem:$0x1FAB0] =	vst v51  }
0x5aa: {  	s5 =	sld [smem:$0x72B];
	v20 =	vmov s24;
	[tilespmem:$0x1F900] =	vst v0  }
0x5ab: {  	s3 =	sadd.f32 s25, s29;
	v53 =	vmov s30;
	[tilespmem:$0x1F9A0] =	vst v20  }
0x5ac: {  	s31 =	sld [smem:$0x723];
	s12 =	smul.f32 s20, s19;
	v0 =	vmov s22;
	[tilespmem:$0x1FAC0] =	vst v53  }
0x5ad: {  	s25 =	sld [smem:$0x728];
	v14 =	vmov s3;
	[tilespmem:$0x1F910] =	vst v0  }
0x5ae: {  	s29 =	sld [smem:$0x72A];
	v31 =	vmov s12;
	[tilespmem:$0x1FB00] =	vst v14  }
0x5af: {  	s19 =	sld [smem:$0x7E6];
	v0 =	vmov s11;
	[tilespmem:$0x1FB40] =	vst v31  }
0x5b0: {  	s18 =	sld [smem:$0x725];
	v20 =	vmov s25;
	[tilespmem:$0x1F920] =	vst v0  }
0x5b1: {  	s30 =	sld [smem:$0x7EC];
	v23 =	vmov s29;
	[tilespmem:$0x1FB10] =	vst v20  }
0x5b2: {  	s12 =	sld [smem:$0x72D];
	v0 =	vmov s23;
	[tilespmem:$0x1FB20] =	vst v23  }
0x5b3: {  	s22 =	sld [smem:$0x7E7];
	v4 =	vmov s18;
	[tilespmem:$0x1F930] =	vst v0  }
0x5b4: {  	s11 =	sld [smem:$0x7E4];
	v0 =	vmov s2;
	[tilespmem:$0x1F970] =	vst v4  }
0x5b5: {  	s25 =	sld [smem:$0x730];
	v44 =	vmov s12;
	[tilespmem:$0x1F940] =	vst v0  }
0x5b6: {  	s29 =	sld [smem:$0x732];
	v4 =	vmov s7;
	[tilespmem:$0x1F9F0] =	vst v44  }
0x5b7: {  	s7 =	smul.f32 s20, s19;
	s19 =	sld [smem:$0x72F];
	v0 =	vmov s8;
	[tilespmem:$0x1FAE0] =	vst v4  }
0x5b8: {  	s23 =	sld [smem:$0x726];
	v44 =	vmov s13;
	[tilespmem:$0x1F950] =	vst v0  }
0x5b9: {  	s18 =	sld [smem:$0x7F6];
	s8 =	smul.f32 s20, s11;
	v0 =	vmov s31;
	[tilespmem:$0x1FB60] =	vst v44  }
0x5ba: {  	s2 =	smul.f32 s20, s28;
	s28 =	sld [smem:$0x7EE];
	[tilespmem:$0x1F960] =	vst v0;
	v45 =	vmov s19  }
0x5bb: {  	s3 =	sadd.f32 s7, s23;
	v46 =	vmov s8;
	[tilespmem:$0x1FA00] =	vst v45  }
0x5bc: {  	s11 =	sld [smem:$0x72C];
	v0 =	vmov s10;
	[tilespmem:$0x1FA10] =	vst v46  }
0x5bd: {  	s0 =	smul.f32 s20, s22;
	s31 =	sld [smem:$0x7F0];
	v32 =	vmov s3;
	[tilespmem:$0x1FAD0] =	vst v0  }
0x5be: {  	s23 =	sld [smem:$0x7FC];
	s4 =	smul.f32 s20, s28;
	v45 =	vmov s2;
	[tilespmem:$0x1F9E0] =	vst v32  }
0x5bf: {  	s7 =	smul.f32 s20, s30;
	s30 =	sld [smem:$0x733];
	v46 =	vmov s0;
	[tilespmem:$0x1FB70] =	vst v45  }
0x5c0: {  	s10 =	sld [smem:$0x7F4];
	s1 =	smul.f32 s20, s31;
	v47 =	vmov s4;
	[tilespmem:$0x1FB80] =	vst v46  }
0x5c1: {  	v32 =	vmov s11;
	s24 =	smul.f32 s20, s23;
	s31 =	sld [smem:$0x734];
	[tilespmem:$0x1FA20] =	vst v47  }
0x5c2: {  	s3 =	sadd.f32 s7, s5;
	s7 =	smul.f32 s20, s18;
	v47 =	vmov s30;
	[tilespmem:$0x1FB50] =	vst v32  }
0x5c3: {  	s22 =	sld [smem:$0x7F7];
	s5 =	smul.f32 s20, s10;
	v50 =	vmov s24;
	[tilespmem:$0x1FB90] =	vst v47  }
0x5c4: {  	s26 =	sadd.f32 s7, s25;
	v48 =	vmov s31;
	[tilespmem:$0x1FA50] =	vst v50  }
0x5c5: {  	s28 =	sld [smem:$0x731];
	v49 =	vmov s5;
	[tilespmem:$0x1FA30] =	vst v48  }
0x5c6: {  	s8 =	rddreg [dreg:$0x6];
	s2 =	smul.f32 s20, s22;
	v50 =	vmov s26;
	[tilespmem:$0x1FA40] =	vst v49  }
0x5c7: {  	s7 =	rddreg [dreg:$0x0];
	v48 =	vmov s1;
	[tilespmem:$0x1FBC0] =	vst v50  }
0x5c8: {  	s20 =	rddreg [dreg:$0x7];
	v49 =	vmov s2;
	[tilespmem:$0x1FBA0] =	vst v48  }
0x5c9: {  	v40 =	vmov s29;
	s0 =	simm.s32 $0x0;
	v34 =	vmov s3;
	v37 =	vmov s28;
	s10 =	rddreg [dreg:$0x19];
	[tilespmem:$0x1FBB0] =	vst v49  }
.LBB2_62:
0x5ca: {  	s1 =	sshrl.u32 s0, $0x3  }
0x5cb: {  	s3 =	smul.u32 $0x7000, s1  }
0x5cc: {  	s30 =	sshll.u32 s0, $0x7  }
0x5cd: {  	s4 =	sand.u32 $0x380, s30;
	s31 =	sadd.s32 s9, s3  }
0x5ce: {  	s1 =	sor.u32 s4, s31  }
0x5cf: {  	s5 =	sshrl.u32 s1, $0x3  }
0x5d0: {  	s11 =	simm.s32 $0x80;
	s1 =	sadd.s32 s7, s5  }
0x5d1: {  	s12 =	simm.s32 $0x200;
	s13 =	simm.s32 $0x0;
	s18 =	sadd.s32 $0x0, s1  }
.LBB2_63:
0x5d2: {  	[tilespmem:s13], [sflag:$0x1] =	stream.strided.gather [hbm4b:s18+s15], $0x200, s16, s15, $0x38;
	[tilespmem:$0x11900] =	vst v63  }
0x5d3: {  	s2 =	smov.u32 s11;
	s13 =	smov.u32 s12;
	p0 =	sne.s32 s11, $0xD80  }
.Ltmp30:
0x5d4: {  	s11 =	sadd.s32 $0x80, s11;
	(pc) =	sbr.rel @p0 .LBB2_63-.Ltmp30, $2  }
0x5d5: {  	_ =	sdelay $0x2  }
0x5d6: {  	s12 =	sadd.s32 $0x200, s12;
	s18 =	sadd.s32 s2, s1  }
0x5d7: {  	[tilespmem:s13], [sflag:$0x1] =	stream.strided.gather [hbm4b:s18+s15], $0x200, s16, s15, $0x38;
	[tilespmem:$0x11900] =	vst v63  }
0x5d8: {  	s1 =	sadd.s32 s21, s5;
	_ =	swait.ge [sflag:s17], $0x3800  }
0x5d9: {  	s11 =	simm.s32 $0x3800;
	s12 =	simm.s32 $0x80;
	[sflag:s17] =	ssyncset.done $0x0  }
0x5da: {  	s13 =	simm.s32 $0x3A00;
	s18 =	sadd.s32 $0x0, s1;
	[sflag:s17] =	ssyncadd.s32 $0xFFFFC800  }
.LBB2_65:
0x5db: {  	[tilespmem:s11], [sflag:$0x1] =	stream.strided.gather [hbm4b:s18+s15], $0x200, s16, s15, $0x38;
	[tilespmem:$0x11900] =	vst v63  }
0x5dc: {  	s2 =	smov.u32 s12;
	s11 =	smov.u32 s13;
	p0 =	sne.s32 s12, $0xD80  }
.Ltmp31:
0x5dd: {  	s12 =	sadd.s32 $0x80, s12;
	(pc) =	sbr.rel @p0 .LBB2_65-.Ltmp31, $2  }
0x5de: {  	_ =	sdelay $0x2  }
0x5df: {  	s13 =	sadd.s32 $0x200, s13;
	s18 =	sadd.s32 s2, s1  }
0x5e0: {  	[tilespmem:s11], [sflag:$0x1] =	stream.strided.gather [hbm4b:s18+s15], $0x200, s16, s15, $0x38;
	[tilespmem:$0x11900] =	vst v63  }
0x5e1: {  	_ =	swait.ge [sflag:s17], $0x3800  }
0x5e2: {  	[sflag:s17] =	ssyncset.done $0x0  }
0x5e3: {  	s12 =	simm.s32 $0x0;
	s13 =	simm.s32 $0x0;
	[sflag:s17] =	ssyncadd.s32 $0xFFFFC800  }
.LBB2_67:
0x5e4: {  	s1 =	sshll.u32 s13, $0x6  }
0x5e5: {  	s18 =	sand.u32 $0x70, s12;
	s1 =	sand.u32 $0xFFFFFE00, s1  }
0x5e6: {  	s19 =	sor.u32 s18, s1  }
0x5e7: {  	v50 =	vld [tilespmem:s19+$0x0]  }
0x5e8: {  	v51 =	vld [tilespmem:s19+$0x80];
	_ =	sdelay $0x1  }
0x5e9: {  	v49 =	vld [tilespmem:s19+$0x100];
	_ =	sdelay $0x1  }
0x5ea: {  	v48 =	vld [tilespmem:s19+$0x180]  }
0x5eb: {  	v44 =	vmul.f32 v50, v43;
	v45 =	vmul.f32 v51, v1  }
0x5ec: {  	v47 =	vld [tilespmem:s19+$0x3800]  }
0x5ed: {  	v4 =	vmov v2;
	v56 =	vmul.f32 v49, v2;
	v2 =	vld [tilespmem:$0x1F7B0];
	v44 =	vadd.f32 v45, v44  }
0x5ee: {  	v46 =	vld [tilespmem:s19+$0x3880]  }
0x5ef: {  	v52 =	vmul.f32 v48, v3;
	v44 =	vadd.f32 v56, v44;
	_ =	sdelay $0x1  }
0x5f0: {  	v44 =	vadd.f32 v52, v44;
	v52 =	vmul.f32 v47, v55  }
0x5f1: {  	v11 =	vmov v6;
	v32 =	vmul.f32 v49, v2;
	v2 =	vld [tilespmem:$0x1F7E0]  }
0x5f2: {  	v53 =	vmul.f32 v50, v6;
	v6 =	vmovc v55;
	v55 =	vmul.f32 v46, v5;
	v52 =	vadd.f32 v52, v44  }
0x5f3: {  	v54 =	vmul.f32 v51, v9  }
0x5f4: {  	v56 =	vmul.f32 v51, v18;
	v52 =	vadd.f32 v55, v52;
	v55 =	vmul.f32 v50, v17  }
0x5f5: {  	v53 =	vadd.f32 v54, v53  }
0x5f6: {  	v55 =	vadd.f32 v56, v55;
	v56 =	vmul.f32 v49, v2;
	v2 =	vld [tilespmem:$0x1F7C0]  }
0x5f7: {  	v53 =	vadd.f32 v32, v53;
	v32 =	vmul.f32 v48, v8;
	_ =	sdelay $0x1  }
0x5f8: {  	v53 =	vadd.f32 v32, v53;
	v32 =	vmul.f32 v47, v12;
	_ =	sdelay $0x1  }
0x5f9: {  	v53 =	vadd.f32 v32, v53;
	v32 =	vmul.f32 v46, v2;
	v2 =	vld [tilespmem:$0x1F810]  }
0x5fa: {  	v45 =	vld [tilespmem:s19+$0x3900]  }
0x5fb: {  	v44 =	vld [tilespmem:s19+$0x3980]  }
0x5fc: {  	v54 =	vmul.f32 v50, v26;
	v53 =	vadd.f32 v32, v53;
	v32 =	vmul.f32 v51, v27;
	_ =	sdelay $0x1  }
0x5fd: {  	v20 =	vmov v17;
	v54 =	vadd.f32 v32, v54;
	v32 =	vmul.f32 v49, v2;
	v2 =	vld [tilespmem:$0x1F7F0]  }
0x5fe: {  	v17 =	vmovc v59;
	v59 =	vmul.f32 v45, v59;
	v55 =	vadd.f32 v56, v55;
	v56 =	vmul.f32 v48, v58  }
0x5ff: {  	v23 =	vmov v58;
	v58 =	vmul.f32 v44, v15  }
0x600: {  	v55 =	vadd.f32 v56, v55;
	v56 =	vmul.f32 v47, v21;
	v53 =	vadd.f32 v59, v53  }
0x601: {  	v14 =	vmov v8;
	v8 =	vmov v57;
	v57 =	vmul.f32 v45, v57  }
0x602: {  	v55 =	vadd.f32 v56, v55;
	v56 =	vmul.f32 v46, v2;
	v2 =	vadd.f32 v58, v53  }
0x603: {  	v52 =	vadd.f32 v57, v52;
	v57 =	vmul.f32 v44, v7  }
0x604: {  	[tilespmem:$0x1F790] =	vst v2;
	v55 =	vadd.f32 v56, v55;
	v2 =	vld [tilespmem:$0x1F840];
	v56 =	vmul.f32 v50, v41;
	v41 =	vmul.f32 v51, v60  }
0x605: {  	v52 =	vadd.f32 v57, v52;
	v57 =	vmul.f32 v48, v62  }
0x606: {  	v54 =	vadd.f32 v32, v54;
	v56 =	vadd.f32 v41, v56;
	v41 =	vmul.f32 v49, v13  }
0x607: {  	v59 =	vmul.f32 v51, v36;
	v58 =	vmul.f32 v50, v35  }
0x608: {  	v54 =	vadd.f32 v57, v54  }
0x609: {  	v57 =	vmul.f32 v47, v30;
	v58 =	vadd.f32 v59, v58;
	v59 =	vmul.f32 v49, v2  }
0x60a: {  	v56 =	vadd.f32 v41, v56;
	v2 =	vmovc v60;
	v60 =	vmul.f32 v45, v10;
	v41 =	vmov v10;
	v10 =	vld [tilespmem:$0x1F850]  }
0x60b: {  	v31 =	vld [tilespmem:$0x1F820];
	v54 =	vadd.f32 v57, v54;
	v57 =	vadd.f32 v59, v58;
	v58 =	vmul.f32 v48, v38;
	_ =	sdelay $0x1  }
0x60c: {  	v57 =	vadd.f32 v58, v57;
	v58 =	vmul.f32 v47, v39;
	_ =	sdelay $0x1  }
0x60d: {  	v57 =	vadd.f32 v58, v57;
	v58 =	vmul.f32 v46, v10;
	v10 =	vld [tilespmem:$0x1F860]  }
0x60e: {  	v53 =	vmul.f32 v46, v31;
	_ =	sdelay $0x1  }
0x60f: {  	v54 =	vadd.f32 v53, v54;
	_ =	sdelay $0x1  }
0x610: {  	v54 =	vadd.f32 v60, v54;
	v60 =	vmul.f32 v50, v10;
	v10 =	vld [tilespmem:$0x1F870]  }
0x611: {  	v32 =	vmov v62;
	v62 =	vmul.f32 v45, v61;
	_ =	sdelay $0x1  }
0x612: {  	v29 =	vmovc v26;
	v26 =	vmov v61;
	v61 =	vmul.f32 v44, v24;
	v55 =	vadd.f32 v62, v55;
	_ =	sdelay $0x1  }
0x613: {  	v55 =	vadd.f32 v61, v55;
	v61 =	vmul.f32 v51, v10;
	v10 =	vld [tilespmem:$0x1F880];
	_ =	sdelay $0x4  }
0x614: {  	v60 =	vadd.f32 v61, v60;
	v61 =	vmul.f32 v49, v10;
	v10 =	vld [tilespmem:$0x1F8E0];
	_ =	sdelay $0x1  }
0x615: {  	v59 =	vmul.f32 v48, v16  }
0x616: {  	v57 =	vadd.f32 v58, v57;
	v58 =	vmul.f32 v45, v63  }
0x617: {  	v56 =	vadd.f32 v59, v56;
	v59 =	vmul.f32 v47, v19  }
0x618: {  	v57 =	vadd.f32 v58, v57;
	v58 =	vmul.f32 v50, v10;
	v10 =	vld [tilespmem:$0x1F8F0]  }
0x619: {  	v53 =	vmul.f32 v44, v33;
	v56 =	vadd.f32 v59, v56;
	v59 =	vmul.f32 v46, v22;
	_ =	sdelay $0x1  }
0x61a: {  	v54 =	vadd.f32 v53, v54;
	v53 =	vmul.f32 v45, v25;
	v56 =	vadd.f32 v59, v56;
	_ =	sdelay $0x1  }
0x61b: {  	v56 =	vadd.f32 v53, v56;
	v53 =	vmul.f32 v51, v10;
	v10 =	vld [tilespmem:$0x1F890];
	_ =	sdelay $0x4  }
0x61c: {  	v60 =	vadd.f32 v61, v60;
	v61 =	vmul.f32 v48, v10;
	v10 =	vld [tilespmem:$0x1F900];
	_ =	sdelay $0x4  }
0x61d: {  	v58 =	vadd.f32 v53, v58;
	v53 =	vmul.f32 v49, v10;
	v10 =	vld [tilespmem:$0x1F8A0];
	_ =	sdelay $0x4  }
0x61e: {  	v60 =	vadd.f32 v61, v60;
	v61 =	vmul.f32 v47, v10;
	v10 =	vld [tilespmem:$0x1F8B0];
	_ =	sdelay $0x4  }
0x61f: {  	v62 =	vmul.f32 v46, v10;
	v10 =	vld [tilespmem:$0x1F910];
	_ =	sdelay $0x4  }
0x620: {  	v58 =	vadd.f32 v53, v58;
	v53 =	vmul.f32 v48, v10;
	v10 =	vld [tilespmem:$0x1F8C0];
	_ =	sdelay $0x4  }
0x621: {  	v60 =	vadd.f32 v61, v60;
	v61 =	vmul.f32 v45, v10;
	v10 =	vld [tilespmem:$0x1F920];
	_ =	sdelay $0x2  }
0x622: {  	v63 =	vmul.f32 v44, v28;
	_ =	sdelay $0x1  }
0x623: {  	v56 =	vadd.f32 v63, v56;
	v63 =	vmul.f32 v47, v10;
	v10 =	vld [tilespmem:$0x1FAC0];
	_ =	sdelay $0x2  }
0x624: {  	v59 =	vmul.f32 v44, v42;
	_ =	sdelay $0x1  }
0x625: {  	v57 =	vadd.f32 v59, v57;
	v59 =	vmul.f32 v50, v10;
	v10 =	vld [tilespmem:$0x1F9A0];
	_ =	sdelay $0x4  }
0x626: {  	v60 =	vadd.f32 v62, v60;
	v62 =	vmul.f32 v50, v10;
	v10 =	vld [tilespmem:$0x1FAD0];
	_ =	sdelay $0x3  }
0x627: {  	v31 =	vmov v43;
	v58 =	vadd.f32 v53, v58  }
0x628: {  	v53 =	vmovc v38;
	v38 =	vmovc v35;
	v35 =	vmov v41;
	v41 =	vmov v42;
	v43 =	vmul.f32 v49, v10;
	v10 =	vld [tilespmem:$0x1F930]  }
0x629: {  	v42 =	vmovc v39;
	v39 =	vmovc v36;
	v36 =	vmov v33;
	v33 =	vmov v30;
	v30 =	vmov v27  }
0x62a: {  	v27 =	vmovc v24;
	v24 =	vmovc v21;
	v21 =	vmov v18;
	v18 =	vmov v15;
	v15 =	vmov v12  }
0x62b: {  	v12 =	vmovc v9;
	v9 =	vmovc v7;
	v7 =	vmov v5;
	v5 =	vmov v3;
	v3 =	vmov v1;
	v1 =	vld [tilespmem:$0x1FB10];
	_ =	sdelay $0x1  }
0x62c: {  	v58 =	vadd.f32 v63, v58;
	v63 =	vmul.f32 v46, v10;
	v10 =	vld [tilespmem:$0x1F9B0]  }
0x62d: {  	v0 =	vld [tilespmem:$0x1F960];
	_ =	sdelay $0x1  }
0x62e: {  	v1 =	vmul.f32 v51, v1;
	_ =	sdelay $0x1  }
0x62f: {  	v1 =	vadd.f32 v1, v62;
	v62 =	vmul.f32 v49, v10;
	v10 =	vld [tilespmem:$0x1F970]  }
0x630: {  	v0 =	vmul.f32 v51, v0;
	_ =	sdelay $0x1  }
0x631: {  	v0 =	vadd.f32 v0, v59;
	_ =	sdelay $0x1  }
0x632: {  	v0 =	vadd.f32 v43, v0;
	v43 =	vmul.f32 v48, v10;
	v10 =	vld [tilespmem:$0x1FB20];
	_ =	sdelay $0x4  }
0x633: {  	v60 =	vadd.f32 v61, v60;
	v61 =	vmul.f32 v48, v10;
	v10 =	vld [tilespmem:$0x1F940];
	_ =	sdelay $0x4  }
0x634: {  	v1 =	vadd.f32 v62, v1;
	v62 =	vmul.f32 v45, v10;
	v10 =	vld [tilespmem:$0x1FAE0];
	_ =	sdelay $0x4  }
0x635: {  	v0 =	vadd.f32 v43, v0;
	v43 =	vmul.f32 v47, v10;
	v10 =	vld [tilespmem:$0x1F8D0];
	_ =	sdelay $0x4  }
0x636: {  	v58 =	vadd.f32 v63, v58;
	v63 =	vmul.f32 v44, v10;
	v10 =	vld [tilespmem:$0x1F9C0];
	_ =	sdelay $0x4  }
0x637: {  	v1 =	vadd.f32 v61, v1;
	v61 =	vmul.f32 v47, v10;
	v10 =	vld [tilespmem:$0x1F980];
	_ =	sdelay $0x4  }
0x638: {  	v0 =	vadd.f32 v43, v0;
	v43 =	vmul.f32 v46, v10;
	v10 =	vld [tilespmem:$0x1F950];
	_ =	sdelay $0x4  }
0x639: {  	v58 =	vadd.f32 v62, v58;
	v62 =	vmul.f32 v44, v10;
	v10 =	vld [tilespmem:$0x1FB30];
	_ =	sdelay $0x4  }
0x63a: {  	v1 =	vadd.f32 v61, v1;
	v61 =	vmul.f32 v46, v10;
	v10 =	vld [tilespmem:$0x1FAF0];
	_ =	sdelay $0x4  }
0x63b: {  	v0 =	vadd.f32 v43, v0;
	v43 =	vmul.f32 v45, v10;
	v10 =	vld [tilespmem:$0x1F9D0];
	_ =	sdelay $0x4  }
0x63c: {  	v1 =	vadd.f32 v61, v1;
	v61 =	vmul.f32 v45, v10;
	v10 =	vld [tilespmem:$0x1FB50];
	_ =	sdelay $0x4  }
0x63d: {  	v59 =	vmul.f32 v50, v10;
	v10 =	vld [tilespmem:$0x1F9F0];
	_ =	sdelay $0x4  }
0x63e: {  	v0 =	vadd.f32 v43, v0;
	v43 =	vmul.f32 v51, v10;
	v10 =	vld [tilespmem:$0x1F990];
	_ =	sdelay $0x4  }
0x63f: {  	v1 =	vadd.f32 v61, v1;
	v61 =	vmul.f32 v44, v10;
	v10 =	vld [tilespmem:$0x1FB60];
	_ =	sdelay $0x4  }
0x640: {  	v59 =	vadd.f32 v43, v59;
	v43 =	vmul.f32 v49, v10;
	v10 =	vld [tilespmem:$0x1FB40];
	_ =	sdelay $0x2  }
0x641: {  	v50 =	vmul.f32 v50, v37;
	v51 =	vmul.f32 v51, v40;
	_ =	sdelay $0x1  }
0x642: {  	v50 =	vadd.f32 v51, v50;
	v51 =	vmul.f32 v44, v10;
	v10 =	vld [tilespmem:$0x1FB90];
	_ =	sdelay $0x4  }
0x643: {  	v0 =	vadd.f32 v61, v0;
	v61 =	vld [tilespmem:$0x1FA00];
	v49 =	vmul.f32 v49, v10  }
0x644: {  	v10 =	vld [tilespmem:$0x1F7A0]  }
0x645: {  	v49 =	vadd.f32 v49, v50;
	v50 =	vld [tilespmem:$0x1FA30];
	_ =	sdelay $0x4  }
0x646: {  	v61 =	vmul.f32 v48, v61;
	v48 =	vmul.f32 v48, v50;
	v50 =	vadd.f32 v52, v10;
	v10 =	vld [tilespmem:$0x1FB70];
	_ =	sdelay $0x2  }
0x647: {  	v59 =	vadd.f32 v43, v59  }
0x648: {  	v58 =	vadd.f32 v62, v58;
	v62 =	vld [tilespmem:$0x1F7D0]  }
0x649: {  	v1 =	vadd.f32 v51, v1;
	v51 =	vadd.f32 v61, v59;
	v59 =	vmul.f32 v47, v10;
	v10 =	vld [tilespmem:$0x1F790];
	_ =	sdelay $0x4  }
0x64a: {  	v61 =	vadd.f32 v10, v62;
	v10 =	vld [tilespmem:$0x1FBA0];
	_ =	sdelay $0x1  }
0x64b: {  	v60 =	vadd.f32 v63, v60;
	v63 =	vld [tilespmem:$0x1F800]  }
0x64c: {  	v52 =	vld [tilespmem:$0x1FAA0];
	_ =	sdelay $0x1  }
0x64d: {  	v47 =	vmul.f32 v47, v10;
	v10 =	vld [tilespmem:$0x1FA10]  }
0x64e: {  	v43 =	vmov v40;
	v40 =	vmov v37;
	v37 =	vld [tilespmem:$0x1F830];
	_ =	sdelay $0x1  }
0x64f: {  	v62 =	vadd.f32 v55, v63;
	v55 =	vadd.f32 v60, v52;
	v60 =	vmov v2;
	v2 =	vld [tilespmem:$0x1FA20];
	_ =	sdelay $0x1  }
0x650: {  	v63 =	vmul.f32 v46, v10;
	v10 =	vld [tilespmem:$0x1FA40]  }
0x651: {  	v51 =	vadd.f32 v59, v51;
	v59 =	vadd.f32 v54, v37;
	_ =	sdelay $0x1  }
0x652: {  	[tilespmem:s19+$0x7180] =	vst v59;
	v59 =	vmul.f32 v44, v2;
	v2 =	vld [tilespmem:$0x1FA50];
	_ =	sdelay $0x1  }
0x653: {  	v46 =	vmul.f32 v46, v10;
	v10 =	vld [tilespmem:$0x1FB80];
	_ =	sdelay $0x1  }
0x654: {  	[tilespmem:s19+$0x7080] =	vst v61;
	v61 =	vld [tilespmem:$0x1FA70]  }
0x655: {  	v44 =	vmul.f32 v44, v2;
	v2 =	vld [tilespmem:$0x1FB00];
	_ =	sdelay $0x1  }
0x656: {  	[tilespmem:s19+$0x7000] =	vst v50;
	v50 =	vadd.f32 v63, v51;
	v51 =	vmul.f32 v45, v10;
	v10 =	vld [tilespmem:$0x1FBB0]  }
0x657: {  	v48 =	vadd.f32 v48, v49;
	v63 =	vld [tilespmem:$0x1FA90]  }
0x658: {  	[tilespmem:s19+$0x7100] =	vst v62;
	v62 =	vadd.f32 v57, v61;
	v57 =	vld [tilespmem:$0x1FAB0]  }
0x659: {  	v47 =	vadd.f32 v47, v48;
	v0 =	vadd.f32 v0, v2;
	v2 =	vld [tilespmem:$0x1F9E0];
	_ =	sdelay $0x1  }
0x65a: {  	v46 =	vadd.f32 v46, v47;
	v45 =	vmul.f32 v45, v10  }
0x65b: {  	s31 =	sshll.u32 s13, $0x7;
	v37 =	vmov v40;
	v40 =	vmov v43;
	v43 =	vadd.f32 v56, v63;
	v63 =	vld [tilespmem:$0x1FBC0]  }
0x65c: {  	s1 =	sand.u32 $0x3FFFFC00, s31;
	v45 =	vadd.f32 v45, v46  }
0x65d: {  	s1 =	sor.u32 s18, s1;
	v61 =	vadd.f32 v58, v57;
	v1 =	vadd.f32 v1, v2  }
0x65e: {  	[tilespmem:s1+$0xA900] =	vst v55;
	v56 =	vadd.f32 v51, v50;
	v44 =	vadd.f32 v44, v45  }
0x65f: {  	[tilespmem:s1+$0xA800] =	vst v62  }
0x660: {  	[tilespmem:s1+$0xAA80] =	vst v1;
	v62 =	vadd.f32 v59, v56;
	v1 =	vadd.f32 v44, v63  }
0x661: {  	v55 =	vmov v6;
	v6 =	vmov v11;
	[tilespmem:s1+$0xA980] =	vst v61  }
0x662: {  	p0 =	sne.s32 s13, $0xDF;
	v57 =	vmovc v8;
	v8 =	vmovc v14;
	v58 =	vmov v23;
	v61 =	vmov v26;
	v26 =	vmov v29;
	[tilespmem:s1+$0xAA00] =	vst v0  }
.Ltmp32:
0x663: {  	[tilespmem:s1+$0xA880] =	vst v43;
	v2 =	vmovc v4;
	v43 =	vmovc v31;
	v59 =	vmov v17;
	v17 =	vmov v20;
	v10 =	vmov v35;
	(pc) =	sbr.rel @p0 .LBB2_67-.Ltmp32, $4  }
0x664: {  	v35 =	vmovc v38;
	v38 =	vmovc v53;
	v0 =	vadd.f32 v62, v34;
	v62 =	vmov v32;
	[tilespmem:s1+$0xAB80] =	vst v1;
	v1 =	vmov v3  }
0x665: {  	v3 =	vmovc v5;
	v5 =	vmovc v7;
	v7 =	vmov v9;
	v9 =	vmov v12;
	v12 =	vmov v15  }
0x666: {  	v63 =	vld [tilespmem:$0x1FA60];
	v15 =	vmovc v18;
	v18 =	vmovc v21;
	v21 =	vmov v24;
	v24 =	vmov v27;
	v27 =	vmov v30  }
0x667: {  	s12 =	sadd.s32 $0x10, s12;
	s13 =	sadd.s32 $0x1, s13;
	[tilespmem:s1+$0xAB00] =	vst v0;
	v30 =	vmovc v33;
	v33 =	vmovc v36;
	v36 =	vmov v39;
	v39 =	vmov v42;
	v42 =	vmov v41;
	v41 =	vld [tilespmem:$0x1FA80]  }
0x668: {  	s1 =	sadd.s32 s8, s5;
	s5 =	simm.s32 $0x7000  }
0x669: {  	s11 =	simm.s32 $0x80;
	s12 =	simm.s32 $0x7200;
	s13 =	sadd.s32 $0x0, s1  }
.LBB2_69:
0x66a: {  	[hbm4b:s13+s15] =	stream.strided.scatter [tilespmem:s5], [sflag:$0x2], $0x200, s16, s15, $0x38;
	[tilespmem:$0x11900] =	vst v63  }
0x66b: {  	s2 =	smov.u32 s11;
	s5 =	smov.u32 s12;
	p0 =	sne.s32 s11, $0xD80  }
.Ltmp33:
0x66c: {  	s11 =	sadd.s32 $0x80, s11;
	(pc) =	sbr.rel @p0 .LBB2_69-.Ltmp33, $2  }
0x66d: {  	_ =	sdelay $0x2  }
0x66e: {  	s12 =	sadd.s32 $0x200, s12;
	s13 =	sadd.s32 s2, s1  }
0x66f: {  	[hbm4b:s13+s15] =	stream.strided.scatter [tilespmem:s5], [sflag:$0x2], $0x200, s16, s15, $0x38;
	[tilespmem:$0x11900] =	vst v63  }
0x670: {  	s1 =	sadd.s32 s20, s3  }
0x671: {  	s1 =	sor.u32 s4, s1  }
0x672: {  	s3 =	simm.s32 $0xA800;
	_ =	swait.ge [sflag:s14], $0x3800;
	s1 =	sshrl.u32 s1, $0x3  }
0x673: {  	s5 =	simm.s32 $0xAC00;
	[sflag:s14] =	ssyncset.done $0x0;
	s1 =	sadd.s32 s10, s1  }
0x674: {  	s4 =	simm.s32 $0x80;
	[sflag:s14] =	ssyncadd.s32 $0xFFFFC800;
	s11 =	sadd.s32 $0x0, s1  }
.LBB2_71:
0x675: {  	[hbm4b:s11+s15] =	stream.strided.scatter [tilespmem:s3], [sflag:$0x2], $0x400, s16, s15, $0x38;
	[tilespmem:$0x11900] =	vst v63  }
0x676: {  	s2 =	smov.u32 s4;
	s3 =	smov.u32 s5;
	p0 =	sne.s32 s4, $0xD80  }
.Ltmp34:
0x677: {  	s4 =	sadd.s32 $0x80, s4;
	(pc) =	sbr.rel @p0 .LBB2_71-.Ltmp34, $2  }
0x678: {  	_ =	sdelay $0x2  }
0x679: {  	s5 =	sadd.s32 $0x400, s5;
	s11 =	sadd.s32 s2, s1  }
0x67a: {  	s0 =	sadd.s32 $0x1, s0  }
0x67b: {  	p0 =	sne.s32 s0, $0xE  }
.Ltmp35:
0x67c: {  	_ = 	snop;
	(pc) =	sbr.rel @p0 .LBB2_62-.Ltmp35, $4  }
0x67d: {  	[hbm4b:s11+s15] =	stream.strided.scatter [tilespmem:s3], [sflag:$0x2], $0x400, s16, s15, $0x38;
	[tilespmem:$0x11900] =	vst v63  }
0x67e: {  	_ =	swait.ge [sflag:s14], $0x7000  }
0x67f: {  	[sflag:s14] =	ssyncset.done $0x0  }
0x680: {  	[sflag:s14] =	ssyncadd.s32 $0xFFFF9000  }
0x681: {  	s1 =	rddreg [dreg:$0x9]  }
0x682: {  	s0 =	rddreg [dreg:$0x8];
	s1 =	sadd.s32 $0x1, s1  }
0x683: {  	p0 =	sne.s32 s1, s0  }
.Ltmp36:
0x684: {  	_ = 	snop;
	(pc) =	sbr.rel @p0 .LBB2_1-.Ltmp36, $1  }
0x685: {  	_ =	sdelay $0x3  }
0x686: {  	_ =	sfence.sel $0x180000  }
0x687: {  	[bflag:$0x0] =	sbarrier.arrive $0xFFFF  }
0x688: {  	_ =	strace $0x90000047  }
0x689: {  	s0 =	stileid.u32;
	[bflag:$0x2] =	sbarrier.arrive $0xFFFF  }
0x68a: {  	p0 =	sne.s32 s0, $0x0;
	s0 =	rddreg [dreg:$0x3]  }
0x68b: {  	s0 =	sadd.s32 @!p0 $0x100000, s0  }
0x68c: {  	[sflag:s0] =	ssyncadd.tile.s32 @!p0 $0x1;
	_ =	shalt  }
.Lfunc_end2:
_tile_overlayer_lowered:
.L_overlay_start_2:
0x68d: {  	(tag) =	ssettag $0x2  }
0x68e: {  	s0 =	rddreg [dreg:$0x0];
	s2 =	stileid.u32  }
0x68f: {  	s1 =	rddreg [dreg:$0x1];
	p0 =	sne.s32 s2, $0x0  }
0x690: {  	s3 =	rddreg [dreg:$0x2];
	[bflag:$0x3] =	sbarrier.arrive $0xFFFF;
	s2 =	simm.s32 @!p0 $0x1C02  }
0x691: {  	[timem:s3], [sflag:s2] =	dma.local @!p0 [hbm:s0], s1  }
0x692: {  	s0 =	simm.s32 @!p0 $0x2  }
0x693: {  	_ =	swait.ge @!p0 [sflag:s0], s1  }
0x694: {  	s1 =	ssub.s32 @!p0 $0x0, s1;
	[sflag:s0] =	ssyncset.done @!p0 $0x0  }
0x695: {  	[sflag:s0] =	ssyncadd.s32 @!p0 s1  }
0x696: {  	[bflag:$0x3] =	sbarrier.arrive $0xFFFF  }
0x697: {  	_ =	shalt  }

</sc_bundles>
